<compile_context>
chip_gen: v7x
topology: tpu7x:2x2x1
jax: 0.10.2.dev20260603
libtpu: 0.0.44.dev20260713+nightly
codegen_flags: <defaults>
</compile_context>

<pallas_src>
import functools

import jax
import jax.numpy as jnp
from jax import lax
from jax.experimental import pallas as pl
from jax.experimental.pallas import tpu as pltpu
from jax.experimental.pallas import tpu_sc as plsc

B, N, C, D = 128, 900, 81, 256
K = 50
KP = 56
KL = 128
CT = 128
NEG = -3.4e38

NC_, NS_ = 2, 16
NW = NC_ * NS_
IPW = B // NW


def _scores_body(cls_ref, s_ref):
    x = cls_ref[...]
    M = jnp.max(x, axis=0)
    e = jnp.exp(x - M[None])
    S = jnp.sum(e, axis=0)
    m80 = jnp.max(x[: C - 1], axis=0)
    s_ref[...] = jnp.exp(m80 - M) / S


_scores = pl.pallas_call(
    _scores_body,
    grid=(pl.cdiv(N, CT),),
    in_specs=[pl.BlockSpec((C, CT, B), lambda i: (0, i, 0))],
    out_specs=pl.BlockSpec((CT, B), lambda i: (i, 0)),
    out_shape=jax.ShapeDtypeStruct((N, B), jnp.float32),
)


def _topk_body(s_ref, idx_ref):
    s = s_ref[...]
    row = lax.broadcasted_iota(jnp.int32, (N, B), 0)
    subi = lax.broadcasted_iota(jnp.int32, (KL, B), 0)
    lanei = lax.broadcasted_iota(jnp.int32, (KL, B), 1)

    def step(k, carry):
        s, acc = carry
        m = jnp.max(s, axis=0)
        cand = jnp.where(s == m[None], row, N)
        idx = jnp.min(cand, axis=0)
        acc = jnp.where(subi == k, idx[None] * B + lanei, acc)
        s = jnp.where(row == idx[None], NEG, s)
        return s, acc

    _, acc = lax.fori_loop(0, K, step, (s, jnp.zeros((KL, B), jnp.int32)))
    idx_ref[...] = acc


_topk = pl.pallas_call(
    _topk_body,
    in_specs=[pl.BlockSpec((N, B), lambda: (0, 0))],
    out_specs=pl.BlockSpec((KL, B), lambda: (0, 0)),
    out_shape=jax.ShapeDtypeStruct((KL, B), jnp.int32),
    grid=(),
)


@functools.cache
def _make_gather():
    @functools.partial(
        pl.kernel,
        mesh=plsc.VectorSubcoreMesh(core_axis_name="c", subcore_axis_name="s"),
        out_type=jax.ShapeDtypeStruct((B, KP, D), jnp.float32),
        scratch_types=[
            pltpu.VMEM((IPW, KL), jnp.int32),
            pltpu.VMEM((IPW, KP, D), jnp.float32),
            pltpu.SemaphoreType.DMA,
            pltpu.SemaphoreType.DMA,
            pltpu.SemaphoreType.DMA,
        ],
    )
    def _gather_rows(table_hbm, idx_hbm, out_hbm, idx_v, rows_v, gsem, dsem,
                     osem):
        wid = lax.axis_index("s") * NC_ + lax.axis_index("c")
        b0 = wid * IPW
        pltpu.sync_copy(idx_hbm.at[pl.ds(b0, IPW)], idx_v)
        streams = [
            pltpu.async_copy(
                table_hbm.at[idx_v.at[i, pl.ds(0, 32)]],
                rows_v.at[i, pl.ds(0, 32)], gsem
            )
            for i in range(IPW)
        ]
        dmas = []
        for i in range(IPW):
            for c, w in ((32, 16), (48, 8)):
                vec = idx_v[i, pl.ds(c, 16)]
                for j in range(w):
                    dmas.append(pltpu.async_copy(
                        table_hbm.at[pl.ds(vec[j], 1)],
                        rows_v.at[i, pl.ds(c + j, 1)], dsem))
        for d in dmas:
            d.wait()
        writes = []
        for i in range(IPW):
            streams[i].wait()
            writes.append(
                pltpu.async_copy(rows_v.at[i], out_hbm.at[b0 + i], osem)
            )
        for w in writes:
            w.wait()

    return _gather_rows


def kernel(reg, cls_score):
    cls_t = jnp.transpose(cls_score, (2, 1, 0))
    table = jnp.transpose(reg, (1, 0, 2)).reshape(N * B, D)
    s = _scores(cls_t)
    idx_kb = _topk(s)
    idx = idx_kb.T
    out = _make_gather()(table, idx)
    return out[:, :K, :]

# --- scband reference (transcript-rebuilt; emitter-appended) ---
"""Pipeline reference for scband-cached-dinoencoder-67542655697570 (READ-ONLY COPY).

The authoritative reference and input builder live on the scoring server;
editing this copy changes nothing except your own understanding.
"""

import jax, jax.numpy as jnp
import numpy as np

MAX_PER_IMG = 50

def setup_inputs(seed: int = 0) -> dict:
    key = jax.random.key(seed)
    k1, k2 = jax.random.split(key)
    reg = jax.random.normal(k1, (128, 900, 256), dtype=jnp.float32)
    cls_score = jax.random.normal(k2, (128, 900, 81), dtype=jnp.float32)
    return {"reg": reg, "cls_score": cls_score}

def reference(reg, cls_score):
    # per-image (vectorized over batch): softmax over classes, drop background,
    # max over classes -> scores; topk(max_per_img) over queries; gather reg features
    probs = jax.nn.softmax(cls_score, axis=-1)[..., :-1]
    scores = jnp.max(probs, axis=-1)                      # [B, N]
    topk_scores, bbox_index = jax.lax.top_k(scores, MAX_PER_IMG)  # [B, K]
    # torch.gather(reg, 1, idx.unsqueeze(-1).expand(-1,-1,256))
    out = jnp.take_along_axis(reg, bbox_index[:, :, None], axis=1)  # [B, K, 256]
    # torch.cat(outputs, 0) over per-image [1, K, 256] tensors -> [B, K, 256]
    return out

if __name__ == "__main__":
    import jax
    _d = setup_inputs()
    print(jax.jit(kernel)(*tuple(_d.values())))

</pallas_src>

<mosaic_0001>
#map = affine_map<(d0, d1) -> (0, 0)>
#map1 = affine_map<(d0, d1) -> (0, 0, 0)>
module attributes {stable_mosaic.version = 14 : i64} {
  func.func @_gather_rows(%arg0: i32, %arg1: i32, %arg2: memref<115200x256xf32, #tpu.memory_space<hbm>>, %arg3: memref<128x128xi32, #tpu.memory_space<hbm>>, %arg4: memref<128x56x256xf32, #tpu.memory_space<hbm>>, %arg5: memref<4x128xi32, #tpu.memory_space<vmem>>, %arg6: memref<4x56x256xf32, #tpu.memory_space<vmem>>, %arg7: memref<!tpu.dma_semaphore, #tpu.memory_space<semaphore_mem>>, %arg8: memref<!tpu.dma_semaphore, #tpu.memory_space<semaphore_mem>>, %arg9: memref<!tpu.dma_semaphore, #tpu.memory_space<semaphore_mem>>) attributes {dimension_semantics = [#tpu.dimension_semantics<core_parallel>, #tpu.dimension_semantics<subcore_parallel>], iteration_bounds = array<i64: 2, 16>, scalar_prefetch = 0 : i64, scratch_operands = 5 : i64, tpu.core_type = #tpu.core_type<sc_vector_subcore>, window_params = [{transform_indices = #map}, {transform_indices = #map}, {transform_indices = #map1}]} {
    %mul3A = arith.constant 2 : i32
    %mul3A_0 = arith.muli %arg1, %mul3A : i32
    %add3A = arith.addi %mul3A_0, %arg0 : i32
    %mul3A_1 = arith.constant 4 : i32
    %mul3A_2 = arith.muli %add3A, %mul3A_1 : i32
    "tpu.region"() ({
      %run_scoped3A = tpu.sem_alloc : memref<!tpu.dma_semaphore, #tpu.memory_space<semaphore_mem>>
      %dma_start3A_2966 = arith.constant 0 : i32
      %dma_start3A_2967 = tpu.memref_slice %arg3[%mul3A_2, %dma_start3A_2966] : memref<128x128xi32, #tpu.memory_space<hbm>> -> memref<4x128xi32, #tpu.memory_space<hbm>>
      %dma_start3A_2968 = arith.constant 0 : i32
      %dma_start3A_2969 = tpu.memref_slice %arg3[%mul3A_2, %dma_start3A_2968] : memref<128x128xi32, #tpu.memory_space<hbm>> -> memref<4x128xi32, #tpu.memory_space<hbm>>
      tpu.enqueue_dma source(%dma_start3A_2969 : memref<4x128xi32, #tpu.memory_space<hbm>>) target(%arg5 : memref<4x128xi32, #tpu.memory_space<vmem>>) target_semaphore(%run_scoped3A : memref<!tpu.dma_semaphore, #tpu.memory_space<semaphore_mem>>)
      %dma_wait3A_2970 = arith.constant 0 : i32
      %dma_wait3A_2971 = tpu.memref_slice %arg3[%mul3A_2, %dma_wait3A_2970] : memref<128x128xi32, #tpu.memory_space<hbm>> -> memref<4x128xi32, #tpu.memory_space<hbm>>
      %dma_wait3A_2972 = arith.constant 0 : i32
      %dma_wait3A_2973 = tpu.memref_slice %arg3[%mul3A_2, %dma_wait3A_2972] : memref<128x128xi32, #tpu.memory_space<hbm>> -> memref<4x128xi32, #tpu.memory_space<hbm>>
      tpu.wait_dma2 semaphore(%run_scoped3A : memref<!tpu.dma_semaphore, #tpu.memory_space<semaphore_mem>>) src(%dma_wait3A_2973 : memref<4x128xi32, #tpu.memory_space<hbm>>) dst(%arg5 : memref<4x128xi32, #tpu.memory_space<vmem>>)
      tpu.yield
    }) : () -> ()
    %dma_start3A = arith.constant 0 : i32
    %dma_start3A_3 = arith.constant 0 : i32
    %dma_start3A_4 = arith.constant 0 : i32
    %dma_start3A_5 = arith.constant 0 : i32
    %dma_start3A_6 = tpu.memref_slice %arg6[%dma_start3A_3, %dma_start3A_4, %dma_start3A_5] : memref<4x56x256xf32, #tpu.memory_space<vmem>> -> memref<1x32x256xf32, #tpu.memory_space<vmem>>
    %dma_start3A_7 = tpu.memref_squeeze %dma_start3A_6 : memref<1x32x256xf32, #tpu.memory_space<vmem>> -> memref<32x256xf32, #tpu.memory_space<vmem>>
    %dma_start3A_8 = arith.constant 0 : i32
    %dma_start3A_9 = tpu.memref_slice %arg5[%dma_start3A, %dma_start3A_8] : memref<4x128xi32, #tpu.memory_space<vmem>> -> memref<1x32xi32, #tpu.memory_space<vmem>>
    %dma_start3A_10 = tpu.memref_squeeze %dma_start3A_9 : memref<1x32xi32, #tpu.memory_space<vmem>> -> memref<32xi32, #tpu.memory_space<vmem>>
    %dma_start3A_11 = arith.constant 0 : i32
    %dma_start3A_12 = arith.constant 0 : i32
    %dma_start3A_13 = tpu.memref_slice %arg2[%dma_start3A_11, %dma_start3A_12] : memref<115200x256xf32, #tpu.memory_space<hbm>> -> memref<115200x256xf32, #tpu.memory_space<hbm>>
    tpu.enqueue_indirect_dma source(%dma_start3A_13 : memref<115200x256xf32, #tpu.memory_space<hbm>>) target(%dma_start3A_7 : memref<32x256xf32, #tpu.memory_space<vmem>>) offsets(%dma_start3A_10 : memref<32xi32, #tpu.memory_space<vmem>>) semaphore(%arg7 : memref<!tpu.dma_semaphore, #tpu.memory_space<semaphore_mem>>)
    %dma_start3A_14 = arith.constant 1 : i32
    %dma_start3A_15 = arith.constant 1 : i32
    %dma_start3A_16 = arith.constant 0 : i32
    %dma_start3A_17 = arith.constant 0 : i32
    %dma_start3A_18 = tpu.memref_slice %arg6[%dma_start3A_15, %dma_start3A_16, %dma_start3A_17] : memref<4x56x256xf32, #tpu.memory_space<vmem>> -> memref<1x32x256xf32, #tpu.memory_space<vmem>>
    %dma_start3A_19 = tpu.memref_squeeze %dma_start3A_18 : memref<1x32x256xf32, #tpu.memory_space<vmem>> -> memref<32x256xf32, #tpu.memory_space<vmem>>
    %dma_start3A_20 = arith.constant 0 : i32
    %dma_start3A_21 = tpu.memref_slice %arg5[%dma_start3A_14, %dma_start3A_20] : memref<4x128xi32, #tpu.memory_space<vmem>> -> memref<1x32xi32, #tpu.memory_space<vmem>>
    %dma_start3A_22 = tpu.memref_squeeze %dma_start3A_21 : memref<1x32xi32, #tpu.memory_space<vmem>> -> memref<32xi32, #tpu.memory_space<vmem>>
    %dma_start3A_23 = arith.constant 0 : i32
    %dma_start3A_24 = arith.constant 0 : i32
    %dma_start3A_25 = tpu.memref_slice %arg2[%dma_start3A_23, %dma_start3A_24] : memref<115200x256xf32, #tpu.memory_space<hbm>> -> memref<115200x256xf32, #tpu.memory_space<hbm>>
    tpu.enqueue_indirect_dma source(%dma_start3A_25 : memref<115200x256xf32, #tpu.memory_space<hbm>>) target(%dma_start3A_19 : memref<32x256xf32, #tpu.memory_space<vmem>>) offsets(%dma_start3A_22 : memref<32xi32, #tpu.memory_space<vmem>>) semaphore(%arg7 : memref<!tpu.dma_semaphore, #tpu.memory_space<semaphore_mem>>)
    %dma_start3A_26 = arith.constant 2 : i32
    %dma_start3A_27 = arith.constant 2 : i32
    %dma_start3A_28 = arith.constant 0 : i32
    %dma_start3A_29 = arith.constant 0 : i32
    %dma_start3A_30 = tpu.memref_slice %arg6[%dma_start3A_27, %dma_start3A_28, %dma_start3A_29] : memref<4x56x256xf32, #tpu.memory_space<vmem>> -> memref<1x32x256xf32, #tpu.memory_space<vmem>>
    %dma_start3A_31 = tpu.memref_squeeze %dma_start3A_30 : memref<1x32x256xf32, #tpu.memory_space<vmem>> -> memref<32x256xf32, #tpu.memory_space<vmem>>
    %dma_start3A_32 = arith.constant 0 : i32
    %dma_start3A_33 = tpu.memref_slice %arg5[%dma_start3A_26, %dma_start3A_32] : memref<4x128xi32, #tpu.memory_space<vmem>> -> memref<1x32xi32, #tpu.memory_space<vmem>>
    %dma_start3A_34 = tpu.memref_squeeze %dma_start3A_33 : memref<1x32xi32, #tpu.memory_space<vmem>> -> memref<32xi32, #tpu.memory_space<vmem>>
    %dma_start3A_35 = arith.constant 0 : i32
    %dma_start3A_36 = arith.constant 0 : i32
    %dma_start3A_37 = tpu.memref_slice %arg2[%dma_start3A_35, %dma_start3A_36] : memref<115200x256xf32, #tpu.memory_space<hbm>> -> memref<115200x256xf32, #tpu.memory_space<hbm>>
    tpu.enqueue_indirect_dma source(%dma_start3A_37 : memref<115200x256xf32, #tpu.memory_space<hbm>>) target(%dma_start3A_31 : memref<32x256xf32, #tpu.memory_space<vmem>>) offsets(%dma_start3A_34 : memref<32xi32, #tpu.memory_space<vmem>>) semaphore(%arg7 : memref<!tpu.dma_semaphore, #tpu.memory_space<semaphore_mem>>)
    %dma_start3A_38 = arith.constant 3 : i32
    %dma_start3A_39 = arith.constant 3 : i32
    %dma_start3A_40 = arith.constant 0 : i32
    %dma_start3A_41 = arith.constant 0 : i32
    %dma_start3A_42 = tpu.memref_slice %arg6[%dma_start3A_39, %dma_start3A_40, %dma_start3A_41] : memref<4x56x256xf32, #tpu.memory_space<vmem>> -> memref<1x32x256xf32, #tpu.memory_space<vmem>>
    %dma_start3A_43 = tpu.memref_squeeze %dma_start3A_42 : memref<1x32x256xf32, #tpu.memory_space<vmem>> -> memref<32x256xf32, #tpu.memory_space<vmem>>
    %dma_start3A_44 = arith.constant 0 : i32
    %dma_start3A_45 = tpu.memref_slice %arg5[%dma_start3A_38, %dma_start3A_44] : memref<4x128xi32, #tpu.memory_space<vmem>> -> memref<1x32xi32, #tpu.memory_space<vmem>>
    %dma_start3A_46 = tpu.memref_squeeze %dma_start3A_45 : memref<1x32xi32, #tpu.memory_space<vmem>> -> memref<32xi32, #tpu.memory_space<vmem>>
    %dma_start3A_47 = arith.constant 0 : i32
    %dma_start3A_48 = arith.constant 0 : i32
    %dma_start3A_49 = tpu.memref_slice %arg2[%dma_start3A_47, %dma_start3A_48] : memref<115200x256xf32, #tpu.memory_space<hbm>> -> memref<115200x256xf32, #tpu.memory_space<hbm>>
    tpu.enqueue_indirect_dma source(%dma_start3A_49 : memref<115200x256xf32, #tpu.memory_space<hbm>>) target(%dma_start3A_43 : memref<32x256xf32, #tpu.memory_space<vmem>>) offsets(%dma_start3A_46 : memref<32xi32, #tpu.memory_space<vmem>>) semaphore(%arg7 : memref<!tpu.dma_semaphore, #tpu.memory_space<semaphore_mem>>)
    %get3A = arith.constant 0 : i32
    %get3A_50 = arith.index_cast %get3A : i32 to index
    %get3A_51 = arith.constant 32 : index
    %get3A_52 = tpu.vector_load %arg5[%get3A_50, %get3A_51] {strides = array<i32>} : memref<4x128xi32, #tpu.memory_space<vmem>>, vector<1x16xi32>,
    %get3A_53 = vector.shape_cast %get3A_52 : vector<1x16xi32> to vector<16xi32>
    %slice3A = vector.extract_strided_slice %get3A_53 {offsets = [0], sizes = [1], strides = [1]} : vector<16xi32> to vector<1xi32>
    %squeeze3A = vector.extract %slice3A[0] : i32 from vector<1xi32>
    %dma_start3A_54 = arith.constant 0 : i32
    %dma_start3A_55 = arith.constant 32 : i32
    %dma_start3A_56 = arith.constant 0 : i32
    %dma_start3A_57 = tpu.memref_slice %arg6[%dma_start3A_54, %dma_start3A_55, %dma_start3A_56] : memref<4x56x256xf32, #tpu.memory_space<vmem>> -> memref<1x1x256xf32, #tpu.memory_space<vmem>>
    %dma_start3A_58 = tpu.memref_squeeze %dma_start3A_57 : memref<1x1x256xf32, #tpu.memory_space<vmem>> -> memref<1x256xf32, #tpu.memory_space<vmem>>
    %dma_start3A_59 = arith.constant 0 : i32
    %dma_start3A_60 = tpu.memref_slice %arg2[%squeeze3A, %dma_start3A_59] : memref<115200x256xf32, #tpu.memory_space<hbm>> -> memref<1x256xf32, #tpu.memory_space<hbm>>
    %dma_start3A_61 = arith.constant 32 : i32
    %dma_start3A_62 = arith.constant 0 : i32
    %dma_start3A_63 = tpu.memref_slice %arg6[%dma_start3A_54, %dma_start3A_61, %dma_start3A_62] : memref<4x56x256xf32, #tpu.memory_space<vmem>> -> memref<1x1x256xf32, #tpu.memory_space<vmem>>
    %dma_start3A_64 = tpu.memref_squeeze %dma_start3A_63 : memref<1x1x256xf32, #tpu.memory_space<vmem>> -> memref<1x256xf32, #tpu.memory_space<vmem>>
    %dma_start3A_65 = arith.constant 0 : i32
    %dma_start3A_66 = tpu.memref_slice %arg2[%squeeze3A, %dma_start3A_65] : memref<115200x256xf32, #tpu.memory_space<hbm>> -> memref<1x256xf32, #tpu.memory_space<hbm>>
    tpu.enqueue_dma source(%dma_start3A_66 : memref<1x256xf32, #tpu.memory_space<hbm>>) target(%dma_start3A_64 : memref<1x256xf32, #tpu.memory_space<vmem>>) target_semaphore(%arg8 : memref<!tpu.dma_semaphore, #tpu.memory_space<semaphore_mem>>)
    %slice3A_67 = vector.extract_strided_slice %get3A_53 {offsets = [1], sizes = [1], strides = [1]} : vector<16xi32> to vector<1xi32>
    %squeeze3A_68 = vector.extract %slice3A_67[0] : i32 from vector<1xi32>
    %dma_start3A_69 = arith.constant 0 : i32
    %dma_start3A_70 = arith.constant 33 : i32
    %dma_start3A_71 = arith.constant 0 : i32
    %dma_start3A_72 = tpu.memref_slice %arg6[%dma_start3A_69, %dma_start3A_70, %dma_start3A_71] : memref<4x56x256xf32, #tpu.memory_space<vmem>> -> memref<1x1x256xf32, #tpu.memory_space<vmem>>
    %dma_start3A_73 = tpu.memref_squeeze %dma_start3A_72 : memref<1x1x256xf32, #tpu.memory_space<vmem>> -> memref<1x256xf32, #tpu.memory_space<vmem>>
    %dma_start3A_74 = arith.constant 0 : i32
    %dma_start3A_75 = tpu.memref_slice %arg2[%squeeze3A_68, %dma_start3A_74] : memref<115200x256xf32, #tpu.memory_space<hbm>> -> memref<1x256xf32, #tpu.memory_space<hbm>>
    %dma_start3A_76 = arith.constant 33 : i32
    %dma_start3A_77 = arith.constant 0 : i32
    %dma_start3A_78 = tpu.memref_slice %arg6[%dma_start3A_69, %dma_start3A_76, %dma_start3A_77] : memref<4x56x256xf32, #tpu.memory_space<vmem>> -> memref<1x1x256xf32, #tpu.memory_space<vmem>>
    %dma_start3A_79 = tpu.memref_squeeze %dma_start3A_78 : memref<1x1x256xf32, #tpu.memory_space<vmem>> -> memref<1x256xf32, #tpu.memory_space<vmem>>
    %dma_start3A_80 = arith.constant 0 : i32
    %dma_start3A_81 = tpu.memref_slice %arg2[%squeeze3A_68, %dma_start3A_80] : memref<115200x256xf32, #tpu.memory_space<hbm>> -> memref<1x256xf32, #tpu.memory_space<hbm>>
    tpu.enqueue_dma source(%dma_start3A_81 : memref<1x256xf32, #tpu.memory_space<hbm>>) target(%dma_start3A_79 : memref<1x256xf32, #tpu.memory_space<vmem>>) target_semaphore(%arg8 : memref<!tpu.dma_semaphore, #tpu.memory_space<semaphore_mem>>)
    %slice3A_82 = vector.extract_strided_slice %get3A_53 {offsets = [2], sizes = [1], strides = [1]} : vector<16xi32> to vector<1xi32>
    %squeeze3A_83 = vector.extract %slice3A_82[0] : i32 from vector<1xi32>
    %dma_start3A_84 = arith.constant 0 : i32
    %dma_start3A_85 = arith.constant 34 : i32
    %dma_start3A_86 = arith.constant 0 : i32
    %dma_start3A_87 = tpu.memref_slice %arg6[%dma_start3A_84, %dma_start3A_85, %dma_start3A_86] : memref<4x56x256xf32, #tpu.memory_space<vmem>> -> memref<1x1x256xf32, #tpu.memory_space<vmem>>
    %dma_start3A_88 = tpu.memref_squeeze %dma_start3A_87 : memref<1x1x256xf32, #tpu.memory_space<vmem>> -> memref<1x256xf32, #tpu.memory_space<vmem>>
    %dma_start3A_89 = arith.constant 0 : i32
    %dma_start3A_90 = tpu.memref_slice %arg2[%squeeze3A_83, %dma_start3A_89] : memref<115200x256xf32, #tpu.memory_space<hbm>> -> memref<1x256xf32, #tpu.memory_space<hbm>>
    %dma_start3A_91 = arith.constant 34 : i32
    %dma_start3A_92 = arith.constant 0 : i32
    %dma_start3A_93 = tpu.memref_slice %arg6[%dma_start3A_84, %dma_start3A_91, %dma_start3A_92] : memref<4x56x256xf32, #tpu.memory_space<vmem>> -> memref<1x1x256xf32, #tpu.memory_space<vmem>>
    %dma_start3A_94 = tpu.memref_squeeze %dma_start3A_93 : memref<1x1x256xf32, #tpu.memory_space<vmem>> -> memref<1x256xf32, #tpu.memory_space<vmem>>
    %dma_start3A_95 = arith.constant 0 : i32
    %dma_start3A_96 = tpu.memref_slice %arg2[%squeeze3A_83, %dma_start3A_95] : memref<115200x256xf32, #tpu.memory_space<hbm>> -> memref<1x256xf32, #tpu.memory_space<hbm>>
    tpu.enqueue_dma source(%dma_start3A_96 : memref<1x256xf32, #tpu.memory_space<hbm>>) target(%dma_start3A_94 : memref<1x256xf32, #tpu.memory_space<vmem>>) target_semaphore(%arg8 : memref<!tpu.dma_semaphore, #tpu.memory_space<semaphore_mem>>)
    %slice3A_97 = vector.extract_strided_slice %get3A_53 {offsets = [3], sizes = [1], strides = [1]} : vector<16xi32> to vector<1xi32>
    %squeeze3A_98 = vector.extract %slice3A_97[0] : i32 from vector<1xi32>
    %dma_start3A_99 = arith.constant 0 : i32
    %dma_start3A_100 = arith.constant 35 : i32
    %dma_start3A_101 = arith.constant 0 : i32
    %dma_start3A_102 = tpu.memref_slice %arg6[%dma_start3A_99, %dma_start3A_100, %dma_start3A_101] : memref<4x56x256xf32, #tpu.memory_space<vmem>> -> memref<1x1x256xf32, #tpu.memory_space<vmem>>
    %dma_start3A_103 = tpu.memref_squeeze %dma_start3A_102 : memref<1x1x256xf32, #tpu.memory_space<vmem>> -> memref<1x256xf32, #tpu.memory_space<vmem>>
    %dma_start3A_104 = arith.constant 0 : i32
    %dma_start3A_105 = tpu.memref_slice %arg2[%squeeze3A_98, %dma_start3A_104] : memref<115200x256xf32, #tpu.memory_space<hbm>> -> memref<1x256xf32, #tpu.memory_space<hbm>>
    %dma_start3A_106 = arith.constant 35 : i32
    %dma_start3A_107 = arith.constant 0 : i32
    %dma_start3A_108 = tpu.memref_slice %arg6[%dma_start3A_99, %dma_start3A_106, %dma_start3A_107] : memref<4x56x256xf32, #tpu.memory_space<vmem>> -> memref<1x1x256xf32, #tpu.memory_space<vmem>>
    %dma_start3A_109 = tpu.memref_squeeze %dma_start3A_108 : memref<1x1x256xf32, #tpu.memory_space<vmem>> -> memref<1x256xf32, #tpu.memory_space<vmem>>
    %dma_start3A_110 = arith.constant 0 : i32
    %dma_start3A_111 = tpu.memref_slice %arg2[%squeeze3A_98, %dma_start3A_110] : memref<115200x256xf32, #tpu.memory_space<hbm>> -> memref<1x256xf32, #tpu.memory_space<hbm>>
    tpu.enqueue_dma source(%dma_start3A_111 : memref<1x256xf32, #tpu.memory_space<hbm>>) target(%dma_start3A_109 : memref<1x256xf32, #tpu.memory_space<vmem>>) target_semaphore(%arg8 : memref<!tpu.dma_semaphore, #tpu.memory_space<semaphore_mem>>)
    %slice3A_112 = vector.extract_strided_slice %get3A_53 {offsets = [4], sizes = [1], strides = [1]} : vector<16xi32> to vector<1xi32>
    %squeeze3A_113 = vector.extract %slice3A_112[0] : i32 from vector<1xi32>
    %dma_start3A_114 = arith.constant 0 : i32
    %dma_start3A_115 = arith.constant 36 : i32
    %dma_start3A_116 = arith.constant 0 : i32
    %dma_start3A_117 = tpu.memref_slice %arg6[%dma_start3A_114, %dma_start3A_115, %dma_start3A_116] : memref<4x56x256xf32, #tpu.memory_space<vmem>> -> memref<1x1x256xf32, #tpu.memory_space<vmem>>
    %dma_start3A_118 = tpu.memref_squeeze %dma_start3A_117 : memref<1x1x256xf32, #tpu.memory_space<vmem>> -> memref<1x256xf32, #tpu.memory_space<vmem>>
    %dma_start3A_119 = arith.constant 0 : i32
    %dma_start3A_120 = tpu.memref_slice %arg2[%squeeze3A_113, %dma_start3A_119] : memref<115200x256xf32, #tpu.memory_space<hbm>> -> memref<1x256xf32, #tpu.memory_space<hbm>>
    %dma_start3A_121 = arith.constant 36 : i32
    %dma_start3A_122 = arith.constant 0 : i32
    %dma_start3A_123 = tpu.memref_slice %arg6[%dma_start3A_114, %dma_start3A_121, %dma_start3A_122] : memref<4x56x256xf32, #tpu.memory_space<vmem>> -> memref<1x1x256xf32, #tpu.memory_space<vmem>>
    %dma_start3A_124 = tpu.memref_squeeze %dma_start3A_123 : memref<1x1x256xf32, #tpu.memory_space<vmem>> -> memref<1x256xf32, #tpu.memory_space<vmem>>
    %dma_start3A_125 = arith.constant 0 : i32
    %dma_start3A_126 = tpu.memref_slice %arg2[%squeeze3A_113, %dma_start3A_125] : memref<115200x256xf32, #tpu.memory_space<hbm>> -> memref<1x256xf32, #tpu.memory_space<hbm>>
    tpu.enqueue_dma source(%dma_start3A_126 : memref<1x256xf32, #tpu.memory_space<hbm>>) target(%dma_start3A_124 : memref<1x256xf32, #tpu.memory_space<vmem>>) target_semaphore(%arg8 : memref<!tpu.dma_semaphore, #tpu.memory_space<semaphore_mem>>)
    %slice3A_127 = vector.extract_strided_slice %get3A_53 {offsets = [5], sizes = [1], strides = [1]} : vector<16xi32> to vector<1xi32>
    %squeeze3A_128 = vector.extract %slice3A_127[0] : i32 from vector<1xi32>
    %dma_start3A_129 = arith.constant 0 : i32
    %dma_start3A_130 = arith.constant 37 : i32
    %dma_start3A_131 = arith.constant 0 : i32
    %dma_start3A_132 = tpu.memref_slice %arg6[%dma_start3A_129, %dma_start3A_130, %dma_start3A_131] : memref<4x56x256xf32, #tpu.memory_space<vmem>> -> memref<1x1x256xf32, #tpu.memory_space<vmem>>
    %dma_start3A_133 = tpu.memref_squeeze %dma_start3A_132 : memref<1x1x256xf32, #tpu.memory_space<vmem>> -> memref<1x256xf32, #tpu.memory_space<vmem>>
    %dma_start3A_134 = arith.constant 0 : i32
    %dma_start3A_135 = tpu.memref_slice %arg2[%squeeze3A_128, %dma_start3A_134] : memref<115200x256xf32, #tpu.memory_space<hbm>> -> memref<1x256xf32, #tpu.memory_space<hbm>>
    %dma_start3A_136 = arith.constant 37 : i32
    %dma_start3A_137 = arith.constant 0 : i32
    %dma_start3A_138 = tpu.memref_slice %arg6[%dma_start3A_129, %dma_start3A_136, %dma_start3A_137] : memref<4x56x256xf32, #tpu.memory_space<vmem>> -> memref<1x1x256xf32, #tpu.memory_space<vmem>>
    %dma_start3A_139 = tpu.memref_squeeze %dma_start3A_138 : memref<1x1x256xf32, #tpu.memory_space<vmem>> -> memref<1x256xf32, #tpu.memory_space<vmem>>
    %dma_start3A_140 = arith.constant 0 : i32
    %dma_start3A_141 = tpu.memref_slice %arg2[%squeeze3A_128, %dma_start3A_140] : memref<115200x256xf32, #tpu.memory_space<hbm>> -> memref<1x256xf32, #tpu.memory_space<hbm>>
    tpu.enqueue_dma source(%dma_start3A_141 : memref<1x256xf32, #tpu.memory_space<hbm>>) target(%dma_start3A_139 : memref<1x256xf32, #tpu.memory_space<vmem>>) target_semaphore(%arg8 : memref<!tpu.dma_semaphore, #tpu.memory_space<semaphore_mem>>)
    %slice3A_142 = vector.extract_strided_slice %get3A_53 {offsets = [6], sizes = [1], strides = [1]} : vector<16xi32> to vector<1xi32>
    %squeeze3A_143 = vector.extract %slice3A_142[0] : i32 from vector<1xi32>
    %dma_start3A_144 = arith.constant 0 : i32
    %dma_start3A_145 = arith.constant 38 : i32
    %dma_start3A_146 = arith.constant 0 : i32
    %dma_start3A_147 = tpu.memref_slice %arg6[%dma_start3A_144, %dma_start3A_145, %dma_start3A_146] : memref<4x56x256xf32, #tpu.memory_space<vmem>> -> memref<1x1x256xf32, #tpu.memory_space<vmem>>
    %dma_start3A_148 = tpu.memref_squeeze %dma_start3A_147 : memref<1x1x256xf32, #tpu.memory_space<vmem>> -> memref<1x256xf32, #tpu.memory_space<vmem>>
    %dma_start3A_149 = arith.constant 0 : i32
    %dma_start3A_150 = tpu.memref_slice %arg2[%squeeze3A_143, %dma_start3A_149] : memref<115200x256xf32, #tpu.memory_space<hbm>> -> memref<1x256xf32, #tpu.memory_space<hbm>>
    %dma_start3A_151 = arith.constant 38 : i32
    %dma_start3A_152 = arith.constant 0 : i32
    %dma_start3A_153 = tpu.memref_slice %arg6[%dma_start3A_144, %dma_start3A_151, %dma_start3A_152] : memref<4x56x256xf32, #tpu.memory_space<vmem>> -> memref<1x1x256xf32, #tpu.memory_space<vmem>>
    %dma_start3A_154 = tpu.memref_squeeze %dma_start3A_153 : memref<1x1x256xf32, #tpu.memory_space<vmem>> -> memref<1x256xf32, #tpu.memory_space<vmem>>
    %dma_start3A_155 = arith.constant 0 : i32
    %dma_start3A_156 = tpu.memref_slice %arg2[%squeeze3A_143, %dma_start3A_155] : memref<115200x256xf32, #tpu.memory_space<hbm>> -> memref<1x256xf32, #tpu.memory_space<hbm>>
    tpu.enqueue_dma source(%dma_start3A_156 : memref<1x256xf32, #tpu.memory_space<hbm>>) target(%dma_start3A_154 : memref<1x256xf32, #tpu.memory_space<vmem>>) target_semaphore(%arg8 : memref<!tpu.dma_semaphore, #tpu.memory_space<semaphore_mem>>)
    %slice3A_157 = vector.extract_strided_slice %get3A_53 {offsets = [7], sizes = [1], strides = [1]} : vector<16xi32> to vector<1xi32>
    %squeeze3A_158 = vector.extract %slice3A_157[0] : i32 from vector<1xi32>
    %dma_start3A_159 = arith.constant 0 : i32
    %dma_start3A_160 = arith.constant 39 : i32
    %dma_start3A_161 = arith.constant 0 : i32
    %dma_start3A_162 = tpu.memref_slice %arg6[%dma_start3A_159, %dma_start3A_160, %dma_start3A_161] : memref<4x56x256xf32, #tpu.memory_space<vmem>> -> memref<1x1x256xf32, #tpu.memory_space<vmem>>
    %dma_start3A_163 = tpu.memref_squeeze %dma_start3A_162 : memref<1x1x256xf32, #tpu.memory_space<vmem>> -> memref<1x256xf32, #tpu.memory_space<vmem>>
    %dma_start3A_164 = arith.constant 0 : i32
    %dma_start3A_165 = tpu.memref_slice %arg2[%squeeze3A_158, %dma_start3A_164] : memref<115200x256xf32, #tpu.memory_space<hbm>> -> memref<1x256xf32, #tpu.memory_space<hbm>>
    %dma_start3A_166 = arith.constant 39 : i32
    %dma_start3A_167 = arith.constant 0 : i32
    %dma_start3A_168 = tpu.memref_slice %arg6[%dma_start3A_159, %dma_start3A_166, %dma_start3A_167] : memref<4x56x256xf32, #tpu.memory_space<vmem>> -> memref<1x1x256xf32, #tpu.memory_space<vmem>>
    %dma_start3A_169 = tpu.memref_squeeze %dma_start3A_168 : memref<1x1x256xf32, #tpu.memory_space<vmem>> -> memref<1x256xf32, #tpu.memory_space<vmem>>
    %dma_start3A_170 = arith.constant 0 : i32
    %dma_start3A_171 = tpu.memref_slice %arg2[%squeeze3A_158, %dma_start3A_170] : memref<115200x256xf32, #tpu.memory_space<hbm>> -> memref<1x256xf32, #tpu.memory_space<hbm>>
    tpu.enqueue_dma source(%dma_start3A_171 : memref<1x256xf32, #tpu.memory_space<hbm>>) target(%dma_start3A_169 : memref<1x256xf32, #tpu.memory_space<vmem>>) target_semaphore(%arg8 : memref<!tpu.dma_semaphore, #tpu.memory_space<semaphore_mem>>)
    %slice3A_172 = vector.extract_strided_slice %get3A_53 {offsets = [8], sizes = [1], strides = [1]} : vector<16xi32> to vector<1xi32>
    %squeeze3A_173 = vector.extract %slice3A_172[0] : i32 from vector<1xi32>
    %dma_start3A_174 = arith.constant 0 : i32
    %dma_start3A_175 = arith.constant 40 : i32
    %dma_start3A_176 = arith.constant 0 : i32
    %dma_start3A_177 = tpu.memref_slice %arg6[%dma_start3A_174, %dma_start3A_175, %dma_start3A_176] : memref<4x56x256xf32, #tpu.memory_space<vmem>> -> memref<1x1x256xf32, #tpu.memory_space<vmem>>
    %dma_start3A_178 = tpu.memref_squeeze %dma_start3A_177 : memref<1x1x256xf32, #tpu.memory_space<vmem>> -> memref<1x256xf32, #tpu.memory_space<vmem>>
    %dma_start3A_179 = arith.constant 0 : i32
    %dma_start3A_180 = tpu.memref_slice %arg2[%squeeze3A_173, %dma_start3A_179] : memref<115200x256xf32, #tpu.memory_space<hbm>> -> memref<1x256xf32, #tpu.memory_space<hbm>>
    %dma_start3A_181 = arith.constant 40 : i32
    %dma_start3A_182 = arith.constant 0 : i32
    %dma_start3A_183 = tpu.memref_slice %arg6[%dma_start3A_174, %dma_start3A_181, %dma_start3A_182] : memref<4x56x256xf32, #tpu.memory_space<vmem>> -> memref<1x1x256xf32, #tpu.memory_space<vmem>>
    %dma_start3A_184 = tpu.memref_squeeze %dma_start3A_183 : memref<1x1x256xf32, #tpu.memory_space<vmem>> -> memref<1x256xf32, #tpu.memory_space<vmem>>
    %dma_start3A_185 = arith.constant 0 : i32
    %dma_start3A_186 = tpu.memref_slice %arg2[%squeeze3A_173, %dma_start3A_185] : memref<115200x256xf32, #tpu.memory_space<hbm>> -> memref<1x256xf32, #tpu.memory_space<hbm>>
    tpu.enqueue_dma source(%dma_start3A_186 : memref<1x256xf32, #tpu.memory_space<hbm>>) target(%dma_start3A_184 : memref<1x256xf32, #tpu.memory_space<vmem>>) target_semaphore(%arg8 : memref<!tpu.dma_semaphore, #tpu.memory_space<semaphore_mem>>)
    %slice3A_187 = vector.extract_strided_slice %get3A_53 {offsets = [9], sizes = [1], strides = [1]} : vector<16xi32> to vector<1xi32>
    %squeeze3A_188 = vector.extract %slice3A_187[0] : i32 from vector<1xi32>
    %dma_start3A_189 = arith.constant 0 : i32
    %dma_start3A_190 = arith.constant 41 : i32
    %dma_start3A_191 = arith.constant 0 : i32
    %dma_start3A_192 = tpu.memref_slice %arg6[%dma_start3A_189, %dma_start3A_190, %dma_start3A_191] : memref<4x56x256xf32, #tpu.memory_space<vmem>> -> memref<1x1x256xf32, #tpu.memory_space<vmem>>
    %dma_start3A_193 = tpu.memref_squeeze %dma_start3A_192 : memref<1x1x256xf32, #tpu.memory_space<vmem>> -> memref<1x256xf32, #tpu.memory_space<vmem>>
    %dma_start3A_194 = arith.constant 0 : i32
    %dma_start3A_195 = tpu.memref_slice %arg2[%squeeze3A_188, %dma_start3A_194] : memref<115200x256xf32, #tpu.memory_space<hbm>> -> memref<1x256xf32, #tpu.memory_space<hbm>>
    %dma_start3A_196 = arith.constant 41 : i32
    %dma_start3A_197 = arith.constant 0 : i32
    %dma_start3A_198 = tpu.memref_slice %arg6[%dma_start3A_189, %dma_start3A_196, %dma_start3A_197] : memref<4x56x256xf32, #tpu.memory_space<vmem>> -> memref<1x1x256xf32, #tpu.memory_space<vmem>>
    %dma_start3A_199 = tpu.memref_squeeze %dma_start3A_198 : memref<1x1x256xf32, #tpu.memory_space<vmem>> -> memref<1x256xf32, #tpu.memory_space<vmem>>
    %dma_start3A_200 = arith.constant 0 : i32
    %dma_start3A_201 = tpu.memref_slice %arg2[%squeeze3A_188, %dma_start3A_200] : memref<115200x256xf32, #tpu.memory_space<hbm>> -> memref<1x256xf32, #tpu.memory_space<hbm>>
    tpu.enqueue_dma source(%dma_start3A_201 : memref<1x256xf32, #tpu.memory_space<hbm>>) target(%dma_start3A_199 : memref<1x256xf32, #tpu.memory_space<vmem>>) target_semaphore(%arg8 : memref<!tpu.dma_semaphore, #tpu.memory_space<semaphore_mem>>)
    %slice3A_202 = vector.extract_strided_slice %get3A_53 {offsets = [10], sizes = [1], strides = [1]} : vector<16xi32> to vector<1xi32>
    %squeeze3A_203 = vector.extract %slice3A_202[0] : i32 from vector<1xi32>
    %dma_start3A_204 = arith.constant 0 : i32
    %dma_start3A_205 = arith.constant 42 : i32
    %dma_start3A_206 = arith.constant 0 : i32
    %dma_start3A_207 = tpu.memref_slice %arg6[%dma_start3A_204, %dma_start3A_205, %dma_start3A_206] : memref<4x56x256xf32, #tpu.memory_space<vmem>> -> memref<1x1x256xf32, #tpu.memory_space<vmem>>
    %dma_start3A_208 = tpu.memref_squeeze %dma_start3A_207 : memref<1x1x256xf32, #tpu.memory_space<vmem>> -> memref<1x256xf32, #tpu.memory_space<vmem>>
    %dma_start3A_209 = arith.constant 0 : i32
    %dma_start3A_210 = tpu.memref_slice %arg2[%squeeze3A_203, %dma_start3A_209] : memref<115200x256xf32, #tpu.memory_space<hbm>> -> memref<1x256xf32, #tpu.memory_space<hbm>>
    %dma_start3A_211 = arith.constant 42 : i32
    %dma_start3A_212 = arith.constant 0 : i32
    %dma_start3A_213 = tpu.memref_slice %arg6[%dma_start3A_204, %dma_start3A_211, %dma_start3A_212] : memref<4x56x256xf32, #tpu.memory_space<vmem>> -> memref<1x1x256xf32, #tpu.memory_space<vmem>>
    %dma_start3A_214 = tpu.memref_squeeze %dma_start3A_213 : memref<1x1x256xf32, #tpu.memory_space<vmem>> -> memref<1x256xf32, #tpu.memory_space<vmem>>
    %dma_start3A_215 = arith.constant 0 : i32
    %dma_start3A_216 = tpu.memref_slice %arg2[%squeeze3A_203, %dma_start3A_215] : memref<115200x256xf32, #tpu.memory_space<hbm>> -> memref<1x256xf32, #tpu.memory_space<hbm>>
    tpu.enqueue_dma source(%dma_start3A_216 : memref<1x256xf32, #tpu.memory_space<hbm>>) target(%dma_start3A_214 : memref<1x256xf32, #tpu.memory_space<vmem>>) target_semaphore(%arg8 : memref<!tpu.dma_semaphore, #tpu.memory_space<semaphore_mem>>)
    %slice3A_217 = vector.extract_strided_slice %get3A_53 {offsets = [11], sizes = [1], strides = [1]} : vector<16xi32> to vector<1xi32>
    %squeeze3A_218 = vector.extract %slice3A_217[0] : i32 from vector<1xi32>
    %dma_start3A_219 = arith.constant 0 : i32
    %dma_start3A_220 = arith.constant 43 : i32
    %dma_start3A_221 = arith.constant 0 : i32
    %dma_start3A_222 = tpu.memref_slice %arg6[%dma_start3A_219, %dma_start3A_220, %dma_start3A_221] : memref<4x56x256xf32, #tpu.memory_space<vmem>> -> memref<1x1x256xf32, #tpu.memory_space<vmem>>
    %dma_start3A_223 = tpu.memref_squeeze %dma_start3A_222 : memref<1x1x256xf32, #tpu.memory_space<vmem>> -> memref<1x256xf32, #tpu.memory_space<vmem>>
    %dma_start3A_224 = arith.constant 0 : i32
    %dma_start3A_225 = tpu.memref_slice %arg2[%squeeze3A_218, %dma_start3A_224] : memref<115200x256xf32, #tpu.memory_space<hbm>> -> memref<1x256xf32, #tpu.memory_space<hbm>>
    %dma_start3A_226 = arith.constant 43 : i32
    %dma_start3A_227 = arith.constant 0 : i32
    %dma_start3A_228 = tpu.memref_slice %arg6[%dma_start3A_219, %dma_start3A_226, %dma_start3A_227] : memref<4x56x256xf32, #tpu.memory_space<vmem>> -> memref<1x1x256xf32, #tpu.memory_space<vmem>>
    %dma_start3A_229 = tpu.memref_squeeze %dma_start3A_228 : memref<1x1x256xf32, #tpu.memory_space<vmem>> -> memref<1x256xf32, #tpu.memory_space<vmem>>
    %dma_start3A_230 = arith.constant 0 : i32
    %dma_start3A_231 = tpu.memref_slice %arg2[%squeeze3A_218, %dma_start3A_230] : memref<115200x256xf32, #tpu.memory_space<hbm>> -> memref<1x256xf32, #tpu.memory_space<hbm>>
    tpu.enqueue_dma source(%dma_start3A_231 : memref<1x256xf32, #tpu.memory_space<hbm>>) target(%dma_start3A_229 : memref<1x256xf32, #tpu.memory_space<vmem>>) target_semaphore(%arg8 : memref<!tpu.dma_semaphore, #tpu.memory_space<semaphore_mem>>)
    %slice3A_232 = vector.extract_strided_slice %get3A_53 {offsets = [12], sizes = [1], strides = [1]} : vector<16xi32> to vector<1xi32>
    %squeeze3A_233 = vector.extract %slice3A_232[0] : i32 from vector<1xi32>
    %dma_start3A_234 = arith.constant 0 : i32
    %dma_start3A_235 = arith.constant 44 : i32
    %dma_start3A_236 = arith.constant 0 : i32
    %dma_start3A_237 = tpu.memref_slice %arg6[%dma_start3A_234, %dma_start3A_235, %dma_start3A_236] : memref<4x56x256xf32, #tpu.memory_space<vmem>> -> memref<1x1x256xf32, #tpu.memory_space<vmem>>
    %dma_start3A_238 = tpu.memref_squeeze %dma_start3A_237 : memref<1x1x256xf32, #tpu.memory_space<vmem>> -> memref<1x256xf32, #tpu.memory_space<vmem>>
    %dma_start3A_239 = arith.constant 0 : i32
    %dma_start3A_240 = tpu.memref_slice %arg2[%squeeze3A_233, %dma_start3A_239] : memref<115200x256xf32, #tpu.memory_space<hbm>> -> memref<1x256xf32, #tpu.memory_space<hbm>>
    %dma_start3A_241 = arith.constant 44 : i32
    %dma_start3A_242 = arith.constant 0 : i32
    %dma_start3A_243 = tpu.memref_slice %arg6[%dma_start3A_234, %dma_start3A_241, %dma_start3A_242] : memref<4x56x256xf32, #tpu.memory_space<vmem>> -> memref<1x1x256xf32, #tpu.memory_space<vmem>>
    %dma_start3A_244 = tpu.memref_squeeze %dma_start3A_243 : memref<1x1x256xf32, #tpu.memory_space<vmem>> -> memref<1x256xf32, #tpu.memory_space<vmem>>
    %dma_start3A_245 = arith.constant 0 : i32
    %dma_start3A_246 = tpu.memref_slice %arg2[%squeeze3A_233, %dma_start3A_245] : memref<115200x256xf32, #tpu.memory_space<hbm>> -> memref<1x256xf32, #tpu.memory_space<hbm>>
    tpu.enqueue_dma source(%dma_start3A_246 : memref<1x256xf32, #tpu.memory_space<hbm>>) target(%dma_start3A_244 : memref<1x256xf32, #tpu.memory_space<vmem>>) target_semaphore(%arg8 : memref<!tpu.dma_semaphore, #tpu.memory_space<semaphore_mem>>)
    %slice3A_247 = vector.extract_strided_slice %get3A_53 {offsets = [13], sizes = [1], strides = [1]} : vector<16xi32> to vector<1xi32>
    %squeeze3A_248 = vector.extract %slice3A_247[0] : i32 from vector<1xi32>
    %dma_start3A_249 = arith.constant 0 : i32
    %dma_start3A_250 = arith.constant 45 : i32
    %dma_start3A_251 = arith.constant 0 : i32
    %dma_start3A_252 = tpu.memref_slice %arg6[%dma_start3A_249, %dma_start3A_250, %dma_start3A_251] : memref<4x56x256xf32, #tpu.memory_space<vmem>> -> memref<1x1x256xf32, #tpu.memory_space<vmem>>
    %dma_start3A_253 = tpu.memref_squeeze %dma_start3A_252 : memref<1x1x256xf32, #tpu.memory_space<vmem>> -> memref<1x256xf32, #tpu.memory_space<vmem>>
    %dma_start3A_254 = arith.constant 0 : i32
    %dma_start3A_255 = tpu.memref_slice %arg2[%squeeze3A_248, %dma_start3A_254] : memref<115200x256xf32, #tpu.memory_space<hbm>> -> memref<1x256xf32, #tpu.memory_space<hbm>>
    %dma_start3A_256 = arith.constant 45 : i32
    %dma_start3A_257 = arith.constant 0 : i32
    %dma_start3A_258 = tpu.memref_slice %arg6[%dma_start3A_249, %dma_start3A_256, %dma_start3A_257] : memref<4x56x256xf32, #tpu.memory_space<vmem>> -> memref<1x1x256xf32, #tpu.memory_space<vmem>>
    %dma_start3A_259 = tpu.memref_squeeze %dma_start3A_258 : memref<1x1x256xf32, #tpu.memory_space<vmem>> -> memref<1x256xf32, #tpu.memory_space<vmem>>
    %dma_start3A_260 = arith.constant 0 : i32
    %dma_start3A_261 = tpu.memref_slice %arg2[%squeeze3A_248, %dma_start3A_260] : memref<115200x256xf32, #tpu.memory_space<hbm>> -> memref<1x256xf32, #tpu.memory_space<hbm>>
    tpu.enqueue_dma source(%dma_start3A_261 : memref<1x256xf32, #tpu.memory_space<hbm>>) target(%dma_start3A_259 : memref<1x256xf32, #tpu.memory_space<vmem>>) target_semaphore(%arg8 : memref<!tpu.dma_semaphore, #tpu.memory_space<semaphore_mem>>)
    %slice3A_262 = vector.extract_strided_slice %get3A_53 {offsets = [14], sizes = [1], strides = [1]} : vector<16xi32> to vector<1xi32>
    %squeeze3A_263 = vector.extract %slice3A_262[0] : i32 from vector<1xi32>
    %dma_start3A_264 = arith.constant 0 : i32
    %dma_start3A_265 = arith.constant 46 : i32
    %dma_start3A_266 = arith.constant 0 : i32
    %dma_start3A_267 = tpu.memref_slice %arg6[%dma_start3A_264, %dma_start3A_265, %dma_start3A_266] : memref<4x56x256xf32, #tpu.memory_space<vmem>> -> memref<1x1x256xf32, #tpu.memory_space<vmem>>
    %dma_start3A_268 = tpu.memref_squeeze %dma_start3A_267 : memref<1x1x256xf32, #tpu.memory_space<vmem>> -> memref<1x256xf32, #tpu.memory_space<vmem>>
    %dma_start3A_269 = arith.constant 0 : i32
    %dma_start3A_270 = tpu.memref_slice %arg2[%squeeze3A_263, %dma_start3A_269] : memref<115200x256xf32, #tpu.memory_space<hbm>> -> memref<1x256xf32, #tpu.memory_space<hbm>>
    %dma_start3A_271 = arith.constant 46 : i32
    %dma_start3A_272 = arith.constant 0 : i32
    %dma_start3A_273 = tpu.memref_slice %arg6[%dma_start3A_264, %dma_start3A_271, %dma_start3A_272] : memref<4x56x256xf32, #tpu.memory_space<vmem>> -> memref<1x1x256xf32, #tpu.memory_space<vmem>>
    %dma_start3A_274 = tpu.memref_squeeze %dma_start3A_273 : memref<1x1x256xf32, #tpu.memory_space<vmem>> -> memref<1x256xf32, #tpu.memory_space<vmem>>
    %dma_start3A_275 = arith.constant 0 : i32
    %dma_start3A_276 = tpu.memref_slice %arg2[%squeeze3A_263, %dma_start3A_275] : memref<115200x256xf32, #tpu.memory_space<hbm>> -> memref<1x256xf32, #tpu.memory_space<hbm>>
    tpu.enqueue_dma source(%dma_start3A_276 : memref<1x256xf32, #tpu.memory_space<hbm>>) target(%dma_start3A_274 : memref<1x256xf32, #tpu.memory_space<vmem>>) target_semaphore(%arg8 : memref<!tpu.dma_semaphore, #tpu.memory_space<semaphore_mem>>)
    %slice3A_277 = vector.extract_strided_slice %get3A_53 {offsets = [15], sizes = [1], strides = [1]} : vector<16xi32> to vector<1xi32>
    %squeeze3A_278 = vector.extract %slice3A_277[0] : i32 from vector<1xi32>
    %dma_start3A_279 = arith.constant 0 : i32
    %dma_start3A_280 = arith.constant 47 : i32
    %dma_start3A_281 = arith.constant 0 : i32
    %dma_start3A_282 = tpu.memref_slice %arg6[%dma_start3A_279, %dma_start3A_280, %dma_start3A_281] : memref<4x56x256xf32, #tpu.memory_space<vmem>> -> memref<1x1x256xf32, #tpu.memory_space<vmem>>
    %dma_start3A_283 = tpu.memref_squeeze %dma_start3A_282 : memref<1x1x256xf32, #tpu.memory_space<vmem>> -> memref<1x256xf32, #tpu.memory_space<vmem>>
    %dma_start3A_284 = arith.constant 0 : i32
    %dma_start3A_285 = tpu.memref_slice %arg2[%squeeze3A_278, %dma_start3A_284] : memref<115200x256xf32, #tpu.memory_space<hbm>> -> memref<1x256xf32, #tpu.memory_space<hbm>>
    %dma_start3A_286 = arith.constant 47 : i32
    %dma_start3A_287 = arith.constant 0 : i32
    %dma_start3A_288 = tpu.memref_slice %arg6[%dma_start3A_279, %dma_start3A_286, %dma_start3A_287] : memref<4x56x256xf32, #tpu.memory_space<vmem>> -> memref<1x1x256xf32, #tpu.memory_space<vmem>>
    %dma_start3A_289 = tpu.memref_squeeze %dma_start3A_288 : memref<1x1x256xf32, #tpu.memory_space<vmem>> -> memref<1x256xf32, #tpu.memory_space<vmem>>
    %dma_start3A_290 = arith.constant 0 : i32
    %dma_start3A_291 = tpu.memref_slice %arg2[%squeeze3A_278, %dma_start3A_290] : memref<115200x256xf32, #tpu.memory_space<hbm>> -> memref<1x256xf32, #tpu.memory_space<hbm>>
    tpu.enqueue_dma source(%dma_start3A_291 : memref<1x256xf32, #tpu.memory_space<hbm>>) target(%dma_start3A_289 : memref<1x256xf32, #tpu.memory_space<vmem>>) target_semaphore(%arg8 : memref<!tpu.dma_semaphore, #tpu.memory_space<semaphore_mem>>)
    %get3A_292 = arith.constant 0 : i32
    %get3A_293 = arith.index_cast %get3A_292 : i32 to index
    %get3A_294 = arith.constant 48 : index
    %get3A_295 = tpu.vector_load %arg5[%get3A_293, %get3A_294] {strides = array<i32>} : memref<4x128xi32, #tpu.memory_space<vmem>>, vector<1x16xi32>,
    %get3A_296 = vector.shape_cast %get3A_295 : vector<1x16xi32> to vector<16xi32>
    %slice3A_297 = vector.extract_strided_slice %get3A_296 {offsets = [0], sizes = [1], strides = [1]} : vector<16xi32> to vector<1xi32>
    %squeeze3A_298 = vector.extract %slice3A_297[0] : i32 from vector<1xi32>
    %dma_start3A_299 = arith.constant 0 : i32
    %dma_start3A_300 = arith.constant 48 : i32
    %dma_start3A_301 = arith.constant 0 : i32
    %dma_start3A_302 = tpu.memref_slice %arg6[%dma_start3A_299, %dma_start3A_300, %dma_start3A_301] : memref<4x56x256xf32, #tpu.memory_space<vmem>> -> memref<1x1x256xf32, #tpu.memory_space<vmem>>
    %dma_start3A_303 = tpu.memref_squeeze %dma_start3A_302 : memref<1x1x256xf32, #tpu.memory_space<vmem>> -> memref<1x256xf32, #tpu.memory_space<vmem>>
    %dma_start3A_304 = arith.constant 0 : i32
    %dma_start3A_305 = tpu.memref_slice %arg2[%squeeze3A_298, %dma_start3A_304] : memref<115200x256xf32, #tpu.memory_space<hbm>> -> memref<1x256xf32, #tpu.memory_space<hbm>>
    %dma_start3A_306 = arith.constant 48 : i32
    %dma_start3A_307 = arith.constant 0 : i32
    %dma_start3A_308 = tpu.memref_slice %arg6[%dma_start3A_299, %dma_start3A_306, %dma_start3A_307] : memref<4x56x256xf32, #tpu.memory_space<vmem>> -> memref<1x1x256xf32, #tpu.memory_space<vmem>>
    %dma_start3A_309 = tpu.memref_squeeze %dma_start3A_308 : memref<1x1x256xf32, #tpu.memory_space<vmem>> -> memref<1x256xf32, #tpu.memory_space<vmem>>
    %dma_start3A_310 = arith.constant 0 : i32
    %dma_start3A_311 = tpu.memref_slice %arg2[%squeeze3A_298, %dma_start3A_310] : memref<115200x256xf32, #tpu.memory_space<hbm>> -> memref<1x256xf32, #tpu.memory_space<hbm>>
    tpu.enqueue_dma source(%dma_start3A_311 : memref<1x256xf32, #tpu.memory_space<hbm>>) target(%dma_start3A_309 : memref<1x256xf32, #tpu.memory_space<vmem>>) target_semaphore(%arg8 : memref<!tpu.dma_semaphore, #tpu.memory_space<semaphore_mem>>)
    %slice3A_312 = vector.extract_strided_slice %get3A_296 {offsets = [1], sizes = [1], strides = [1]} : vector<16xi32> to vector<1xi32>
    %squeeze3A_313 = vector.extract %slice3A_312[0] : i32 from vector<1xi32>
    %dma_start3A_314 = arith.constant 0 : i32
    %dma_start3A_315 = arith.constant 49 : i32
    %dma_start3A_316 = arith.constant 0 : i32
    %dma_start3A_317 = tpu.memref_slice %arg6[%dma_start3A_314, %dma_start3A_315, %dma_start3A_316] : memref<4x56x256xf32, #tpu.memory_space<vmem>> -> memref<1x1x256xf32, #tpu.memory_space<vmem>>
    %dma_start3A_318 = tpu.memref_squeeze %dma_start3A_317 : memref<1x1x256xf32, #tpu.memory_space<vmem>> -> memref<1x256xf32, #tpu.memory_space<vmem>>
    %dma_start3A_319 = arith.constant 0 : i32
    %dma_start3A_320 = tpu.memref_slice %arg2[%squeeze3A_313, %dma_start3A_319] : memref<115200x256xf32, #tpu.memory_space<hbm>> -> memref<1x256xf32, #tpu.memory_space<hbm>>
    %dma_start3A_321 = arith.constant 49 : i32
    %dma_start3A_322 = arith.constant 0 : i32
    %dma_start3A_323 = tpu.memref_slice %arg6[%dma_start3A_314, %dma_start3A_321, %dma_start3A_322] : memref<4x56x256xf32, #tpu.memory_space<vmem>> -> memref<1x1x256xf32, #tpu.memory_space<vmem>>
    %dma_start3A_324 = tpu.memref_squeeze %dma_start3A_323 : memref<1x1x256xf32, #tpu.memory_space<vmem>> -> memref<1x256xf32, #tpu.memory_space<vmem>>
    %dma_start3A_325 = arith.constant 0 : i32
    %dma_start3A_326 = tpu.memref_slice %arg2[%squeeze3A_313, %dma_start3A_325] : memref<115200x256xf32, #tpu.memory_space<hbm>> -> memref<1x256xf32, #tpu.memory_space<hbm>>
    tpu.enqueue_dma source(%dma_start3A_326 : memref<1x256xf32, #tpu.memory_space<hbm>>) target(%dma_start3A_324 : memref<1x256xf32, #tpu.memory_space<vmem>>) target_semaphore(%arg8 : memref<!tpu.dma_semaphore, #tpu.memory_space<semaphore_mem>>)
    %slice3A_327 = vector.extract_strided_slice %get3A_296 {offsets = [2], sizes = [1], strides = [1]} : vector<16xi32> to vector<1xi32>
    %squeeze3A_328 = vector.extract %slice3A_327[0] : i32 from vector<1xi32>
    %dma_start3A_329 = arith.constant 0 : i32
    %dma_start3A_330 = arith.constant 50 : i32
    %dma_start3A_331 = arith.constant 0 : i32
    %dma_start3A_332 = tpu.memref_slice %arg6[%dma_start3A_329, %dma_start3A_330, %dma_start3A_331] : memref<4x56x256xf32, #tpu.memory_space<vmem>> -> memref<1x1x256xf32, #tpu.memory_space<vmem>>
    %dma_start3A_333 = tpu.memref_squeeze %dma_start3A_332 : memref<1x1x256xf32, #tpu.memory_space<vmem>> -> memref<1x256xf32, #tpu.memory_space<vmem>>
    %dma_start3A_334 = arith.constant 0 : i32
    %dma_start3A_335 = tpu.memref_slice %arg2[%squeeze3A_328, %dma_start3A_334] : memref<115200x256xf32, #tpu.memory_space<hbm>> -> memref<1x256xf32, #tpu.memory_space<hbm>>
    %dma_start3A_336 = arith.constant 50 : i32
    %dma_start3A_337 = arith.constant 0 : i32
    %dma_start3A_338 = tpu.memref_slice %arg6[%dma_start3A_329, %dma_start3A_336, %dma_start3A_337] : memref<4x56x256xf32, #tpu.memory_space<vmem>> -> memref<1x1x256xf32, #tpu.memory_space<vmem>>
    %dma_start3A_339 = tpu.memref_squeeze %dma_start3A_338 : memref<1x1x256xf32, #tpu.memory_space<vmem>> -> memref<1x256xf32, #tpu.memory_space<vmem>>
    %dma_start3A_340 = arith.constant 0 : i32
    %dma_start3A_341 = tpu.memref_slice %arg2[%squeeze3A_328, %dma_start3A_340] : memref<115200x256xf32, #tpu.memory_space<hbm>> -> memref<1x256xf32, #tpu.memory_space<hbm>>
    tpu.enqueue_dma source(%dma_start3A_341 : memref<1x256xf32, #tpu.memory_space<hbm>>) target(%dma_start3A_339 : memref<1x256xf32, #tpu.memory_space<vmem>>) target_semaphore(%arg8 : memref<!tpu.dma_semaphore, #tpu.memory_space<semaphore_mem>>)
    %slice3A_342 = vector.extract_strided_slice %get3A_296 {offsets = [3], sizes = [1], strides = [1]} : vector<16xi32> to vector<1xi32>
    %squeeze3A_343 = vector.extract %slice3A_342[0] : i32 from vector<1xi32>
    %dma_start3A_344 = arith.constant 0 : i32
    %dma_start3A_345 = arith.constant 51 : i32
    %dma_start3A_346 = arith.constant 0 : i32
    %dma_start3A_347 = tpu.memref_slice %arg6[%dma_start3A_344, %dma_start3A_345, %dma_start3A_346] : memref<4x56x256xf32, #tpu.memory_space<vmem>> -> memref<1x1x256xf32, #tpu.memory_space<vmem>>
    %dma_start3A_348 = tpu.memref_squeeze %dma_start3A_347 : memref<1x1x256xf32, #tpu.memory_space<vmem>> -> memref<1x256xf32, #tpu.memory_space<vmem>>
    %dma_start3A_349 = arith.constant 0 : i32
    %dma_start3A_350 = tpu.memref_slice %arg2[%squeeze3A_343, %dma_start3A_349] : memref<115200x256xf32, #tpu.memory_space<hbm>> -> memref<1x256xf32, #tpu.memory_space<hbm>>
    %dma_start3A_351 = arith.constant 51 : i32
    %dma_start3A_352 = arith.constant 0 : i32
    %dma_start3A_353 = tpu.memref_slice %arg6[%dma_start3A_344, %dma_start3A_351, %dma_start3A_352] : memref<4x56x256xf32, #tpu.memory_space<vmem>> -> memref<1x1x256xf32, #tpu.memory_space<vmem>>
    %dma_start3A_354 = tpu.memref_squeeze %dma_start3A_353 : memref<1x1x256xf32, #tpu.memory_space<vmem>> -> memref<1x256xf32, #tpu.memory_space<vmem>>
    %dma_start3A_355 = arith.constant 0 : i32
    %dma_start3A_356 = tpu.memref_slice %arg2[%squeeze3A_343, %dma_start3A_355] : memref<115200x256xf32, #tpu.memory_space<hbm>> -> memref<1x256xf32, #tpu.memory_space<hbm>>
    tpu.enqueue_dma source(%dma_start3A_356 : memref<1x256xf32, #tpu.memory_space<hbm>>) target(%dma_start3A_354 : memref<1x256xf32, #tpu.memory_space<vmem>>) target_semaphore(%arg8 : memref<!tpu.dma_semaphore, #tpu.memory_space<semaphore_mem>>)
    %slice3A_357 = vector.extract_strided_slice %get3A_296 {offsets = [4], sizes = [1], strides = [1]} : vector<16xi32> to vector<1xi32>
    %squeeze3A_358 = vector.extract %slice3A_357[0] : i32 from vector<1xi32>
    %dma_start3A_359 = arith.constant 0 : i32
    %dma_start3A_360 = arith.constant 52 : i32
    %dma_start3A_361 = arith.constant 0 : i32
    %dma_start3A_362 = tpu.memref_slice %arg6[%dma_start3A_359, %dma_start3A_360, %dma_start3A_361] : memref<4x56x256xf32, #tpu.memory_space<vmem>> -> memref<1x1x256xf32, #tpu.memory_space<vmem>>
    %dma_start3A_363 = tpu.memref_squeeze %dma_start3A_362 : memref<1x1x256xf32, #tpu.memory_space<vmem>> -> memref<1x256xf32, #tpu.memory_space<vmem>>
    %dma_start3A_364 = arith.constant 0 : i32
    %dma_start3A_365 = tpu.memref_slice %arg2[%squeeze3A_358, %dma_start3A_364] : memref<115200x256xf32, #tpu.memory_space<hbm>> -> memref<1x256xf32, #tpu.memory_space<hbm>>
    %dma_start3A_366 = arith.constant 52 : i32
    %dma_start3A_367 = arith.constant 0 : i32
    %dma_start3A_368 = tpu.memref_slice %arg6[%dma_start3A_359, %dma_start3A_366, %dma_start3A_367] : memref<4x56x256xf32, #tpu.memory_space<vmem>> -> memref<1x1x256xf32, #tpu.memory_space<vmem>>
    %dma_start3A_369 = tpu.memref_squeeze %dma_start3A_368 : memref<1x1x256xf32, #tpu.memory_space<vmem>> -> memref<1x256xf32, #tpu.memory_space<vmem>>
    %dma_start3A_370 = arith.constant 0 : i32
    %dma_start3A_371 = tpu.memref_slice %arg2[%squeeze3A_358, %dma_start3A_370] : memref<115200x256xf32, #tpu.memory_space<hbm>> -> memref<1x256xf32, #tpu.memory_space<hbm>>
    tpu.enqueue_dma source(%dma_start3A_371 : memref<1x256xf32, #tpu.memory_space<hbm>>) target(%dma_start3A_369 : memref<1x256xf32, #tpu.memory_space<vmem>>) target_semaphore(%arg8 : memref<!tpu.dma_semaphore, #tpu.memory_space<semaphore_mem>>)
    %slice3A_372 = vector.extract_strided_slice %get3A_296 {offsets = [5], sizes = [1], strides = [1]} : vector<16xi32> to vector<1xi32>
    %squeeze3A_373 = vector.extract %slice3A_372[0] : i32 from vector<1xi32>
    %dma_start3A_374 = arith.constant 0 : i32
    %dma_start3A_375 = arith.constant 53 : i32
    %dma_start3A_376 = arith.constant 0 : i32
    %dma_start3A_377 = tpu.memref_slice %arg6[%dma_start3A_374, %dma_start3A_375, %dma_start3A_376] : memref<4x56x256xf32, #tpu.memory_space<vmem>> -> memref<1x1x256xf32, #tpu.memory_space<vmem>>
    %dma_start3A_378 = tpu.memref_squeeze %dma_start3A_377 : memref<1x1x256xf32, #tpu.memory_space<vmem>> -> memref<1x256xf32, #tpu.memory_space<vmem>>
    %dma_start3A_379 = arith.constant 0 : i32
    %dma_start3A_380 = tpu.memref_slice %arg2[%squeeze3A_373, %dma_start3A_379] : memref<115200x256xf32, #tpu.memory_space<hbm>> -> memref<1x256xf32, #tpu.memory_space<hbm>>
    %dma_start3A_381 = arith.constant 53 : i32
    %dma_start3A_382 = arith.constant 0 : i32
    %dma_start3A_383 = tpu.memref_slice %arg6[%dma_start3A_374, %dma_start3A_381, %dma_start3A_382] : memref<4x56x256xf32, #tpu.memory_space<vmem>> -> memref<1x1x256xf32, #tpu.memory_space<vmem>>
    %dma_start3A_384 = tpu.memref_squeeze %dma_start3A_383 : memref<1x1x256xf32, #tpu.memory_space<vmem>> -> memref<1x256xf32, #tpu.memory_space<vmem>>
    %dma_start3A_385 = arith.constant 0 : i32
    %dma_start3A_386 = tpu.memref_slice %arg2[%squeeze3A_373, %dma_start3A_385] : memref<115200x256xf32, #tpu.memory_space<hbm>> -> memref<1x256xf32, #tpu.memory_space<hbm>>
    tpu.enqueue_dma source(%dma_start3A_386 : memref<1x256xf32, #tpu.memory_space<hbm>>) target(%dma_start3A_384 : memref<1x256xf32, #tpu.memory_space<vmem>>) target_semaphore(%arg8 : memref<!tpu.dma_semaphore, #tpu.memory_space<semaphore_mem>>)
    %slice3A_387 = vector.extract_strided_slice %get3A_296 {offsets = [6], sizes = [1], strides = [1]} : vector<16xi32> to vector<1xi32>
    %squeeze3A_388 = vector.extract %slice3A_387[0] : i32 from vector<1xi32>
    %dma_start3A_389 = arith.constant 0 : i32
    %dma_start3A_390 = arith.constant 54 : i32
    %dma_start3A_391 = arith.constant 0 : i32
    %dma_start3A_392 = tpu.memref_slice %arg6[%dma_start3A_389, %dma_start3A_390, %dma_start3A_391] : memref<4x56x256xf32, #tpu.memory_space<vmem>> -> memref<1x1x256xf32, #tpu.memory_space<vmem>>
    %dma_start3A_393 = tpu.memref_squeeze %dma_start3A_392 : memref<1x1x256xf32, #tpu.memory_space<vmem>> -> memref<1x256xf32, #tpu.memory_space<vmem>>
    %dma_start3A_394 = arith.constant 0 : i32
    %dma_start3A_395 = tpu.memref_slice %arg2[%squeeze3A_388, %dma_start3A_394] : memref<115200x256xf32, #tpu.memory_space<hbm>> -> memref<1x256xf32, #tpu.memory_space<hbm>>
    %dma_start3A_396 = arith.constant 54 : i32
    %dma_start3A_397 = arith.constant 0 : i32
    %dma_start3A_398 = tpu.memref_slice %arg6[%dma_start3A_389, %dma_start3A_396, %dma_start3A_397] : memref<4x56x256xf32, #tpu.memory_space<vmem>> -> memref<1x1x256xf32, #tpu.memory_space<vmem>>
    %dma_start3A_399 = tpu.memref_squeeze %dma_start3A_398 : memref<1x1x256xf32, #tpu.memory_space<vmem>> -> memref<1x256xf32, #tpu.memory_space<vmem>>
    %dma_start3A_400 = arith.constant 0 : i32
    %dma_start3A_401 = tpu.memref_slice %arg2[%squeeze3A_388, %dma_start3A_400] : memref<115200x256xf32, #tpu.memory_space<hbm>> -> memref<1x256xf32, #tpu.memory_space<hbm>>
    tpu.enqueue_dma source(%dma_start3A_401 : memref<1x256xf32, #tpu.memory_space<hbm>>) target(%dma_start3A_399 : memref<1x256xf32, #tpu.memory_space<vmem>>) target_semaphore(%arg8 : memref<!tpu.dma_semaphore, #tpu.memory_space<semaphore_mem>>)
    %slice3A_402 = vector.extract_strided_slice %get3A_296 {offsets = [7], sizes = [1], strides = [1]} : vector<16xi32> to vector<1xi32>
    %squeeze3A_403 = vector.extract %slice3A_402[0] : i32 from vector<1xi32>
    %dma_start3A_404 = arith.constant 0 : i32
    %dma_start3A_405 = arith.constant 55 : i32
    %dma_start3A_406 = arith.constant 0 : i32
    %dma_start3A_407 = tpu.memref_slice %arg6[%dma_start3A_404, %dma_start3A_405, %dma_start3A_406] : memref<4x56x256xf32, #tpu.memory_space<vmem>> -> memref<1x1x256xf32, #tpu.memory_space<vmem>>
    %dma_start3A_408 = tpu.memref_squeeze %dma_start3A_407 : memref<1x1x256xf32, #tpu.memory_space<vmem>> -> memref<1x256xf32, #tpu.memory_space<vmem>>
    %dma_start3A_409 = arith.constant 0 : i32
    %dma_start3A_410 = tpu.memref_slice %arg2[%squeeze3A_403, %dma_start3A_409] : memref<115200x256xf32, #tpu.memory_space<hbm>> -> memref<1x256xf32, #tpu.memory_space<hbm>>
    %dma_start3A_411 = arith.constant 55 : i32
    %dma_start3A_412 = arith.constant 0 : i32
    %dma_start3A_413 = tpu.memref_slice %arg6[%dma_start3A_404, %dma_start3A_411, %dma_start3A_412] : memref<4x56x256xf32, #tpu.memory_space<vmem>> -> memref<1x1x256xf32, #tpu.memory_space<vmem>>
    %dma_start3A_414 = tpu.memref_squeeze %dma_start3A_413 : memref<1x1x256xf32, #tpu.memory_space<vmem>> -> memref<1x256xf32, #tpu.memory_space<vmem>>
    %dma_start3A_415 = arith.constant 0 : i32
    %dma_start3A_416 = tpu.memref_slice %arg2[%squeeze3A_403, %dma_start3A_415] : memref<115200x256xf32, #tpu.memory_space<hbm>> -> memref<1x256xf32, #tpu.memory_space<hbm>>
    tpu.enqueue_dma source(%dma_start3A_416 : memref<1x256xf32, #tpu.memory_space<hbm>>) target(%dma_start3A_414 : memref<1x256xf32, #tpu.memory_space<vmem>>) target_semaphore(%arg8 : memref<!tpu.dma_semaphore, #tpu.memory_space<semaphore_mem>>)
    %get3A_417 = arith.constant 1 : i32
    %get3A_418 = arith.index_cast %get3A_417 : i32 to index
    %get3A_419 = arith.constant 32 : index
    %get3A_420 = tpu.vector_load %arg5[%get3A_418, %get3A_419] {strides = array<i32>} : memref<4x128xi32, #tpu.memory_space<vmem>>, vector<1x16xi32>,
    %get3A_421 = vector.shape_cast %get3A_420 : vector<1x16xi32> to vector<16xi32>
    %slice3A_422 = vector.extract_strided_slice %get3A_421 {offsets = [0], sizes = [1], strides = [1]} : vector<16xi32> to vector<1xi32>
    %squeeze3A_423 = vector.extract %slice3A_422[0] : i32 from vector<1xi32>
    %dma_start3A_424 = arith.constant 1 : i32
    %dma_start3A_425 = arith.constant 32 : i32
    %dma_start3A_426 = arith.constant 0 : i32
    %dma_start3A_427 = tpu.memref_slice %arg6[%dma_start3A_424, %dma_start3A_425, %dma_start3A_426] : memref<4x56x256xf32, #tpu.memory_space<vmem>> -> memref<1x1x256xf32, #tpu.memory_space<vmem>>
    %dma_start3A_428 = tpu.memref_squeeze %dma_start3A_427 : memref<1x1x256xf32, #tpu.memory_space<vmem>> -> memref<1x256xf32, #tpu.memory_space<vmem>>
    %dma_start3A_429 = arith.constant 0 : i32
    %dma_start3A_430 = tpu.memref_slice %arg2[%squeeze3A_423, %dma_start3A_429] : memref<115200x256xf32, #tpu.memory_space<hbm>> -> memref<1x256xf32, #tpu.memory_space<hbm>>
    %dma_start3A_431 = arith.constant 32 : i32
    %dma_start3A_432 = arith.constant 0 : i32
    %dma_start3A_433 = tpu.memref_slice %arg6[%dma_start3A_424, %dma_start3A_431, %dma_start3A_432] : memref<4x56x256xf32, #tpu.memory_space<vmem>> -> memref<1x1x256xf32, #tpu.memory_space<vmem>>
    %dma_start3A_434 = tpu.memref_squeeze %dma_start3A_433 : memref<1x1x256xf32, #tpu.memory_space<vmem>> -> memref<1x256xf32, #tpu.memory_space<vmem>>
    %dma_start3A_435 = arith.constant 0 : i32
    %dma_start3A_436 = tpu.memref_slice %arg2[%squeeze3A_423, %dma_start3A_435] : memref<115200x256xf32, #tpu.memory_space<hbm>> -> memref<1x256xf32, #tpu.memory_space<hbm>>
    tpu.enqueue_dma source(%dma_start3A_436 : memref<1x256xf32, #tpu.memory_space<hbm>>) target(%dma_start3A_434 : memref<1x256xf32, #tpu.memory_space<vmem>>) target_semaphore(%arg8 : memref<!tpu.dma_semaphore, #tpu.memory_space<semaphore_mem>>)
    %slice3A_437 = vector.extract_strided_slice %get3A_421 {offsets = [1], sizes = [1], strides = [1]} : vector<16xi32> to vector<1xi32>
    %squeeze3A_438 = vector.extract %slice3A_437[0] : i32 from vector<1xi32>
    %dma_start3A_439 = arith.constant 1 : i32
    %dma_start3A_440 = arith.constant 33 : i32
    %dma_start3A_441 = arith.constant 0 : i32
    %dma_start3A_442 = tpu.memref_slice %arg6[%dma_start3A_439, %dma_start3A_440, %dma_start3A_441] : memref<4x56x256xf32, #tpu.memory_space<vmem>> -> memref<1x1x256xf32, #tpu.memory_space<vmem>>
    %dma_start3A_443 = tpu.memref_squeeze %dma_start3A_442 : memref<1x1x256xf32, #tpu.memory_space<vmem>> -> memref<1x256xf32, #tpu.memory_space<vmem>>
    %dma_start3A_444 = arith.constant 0 : i32
    %dma_start3A_445 = tpu.memref_slice %arg2[%squeeze3A_438, %dma_start3A_444] : memref<115200x256xf32, #tpu.memory_space<hbm>> -> memref<1x256xf32, #tpu.memory_space<hbm>>
    %dma_start3A_446 = arith.constant 33 : i32
    %dma_start3A_447 = arith.constant 0 : i32
    %dma_start3A_448 = tpu.memref_slice %arg6[%dma_start3A_439, %dma_start3A_446, %dma_start3A_447] : memref<4x56x256xf32, #tpu.memory_space<vmem>> -> memref<1x1x256xf32, #tpu.memory_space<vmem>>
    %dma_start3A_449 = tpu.memref_squeeze %dma_start3A_448 : memref<1x1x256xf32, #tpu.memory_space<vmem>> -> memref<1x256xf32, #tpu.memory_space<vmem>>
    %dma_start3A_450 = arith.constant 0 : i32
    %dma_start3A_451 = tpu.memref_slice %arg2[%squeeze3A_438, %dma_start3A_450] : memref<115200x256xf32, #tpu.memory_space<hbm>> -> memref<1x256xf32, #tpu.memory_space<hbm>>
    tpu.enqueue_dma source(%dma_start3A_451 : memref<1x256xf32, #tpu.memory_space<hbm>>) target(%dma_start3A_449 : memref<1x256xf32, #tpu.memory_space<vmem>>) target_semaphore(%arg8 : memref<!tpu.dma_semaphore, #tpu.memory_space<semaphore_mem>>)
    %slice3A_452 = vector.extract_strided_slice %get3A_421 {offsets = [2], sizes = [1], strides = [1]} : vector<16xi32> to vector<1xi32>
    %squeeze3A_453 = vector.extract %slice3A_452[0] : i32 from vector<1xi32>
    %dma_start3A_454 = arith.constant 1 : i32
    %dma_start3A_455 = arith.constant 34 : i32
    %dma_start3A_456 = arith.constant 0 : i32
    %dma_start3A_457 = tpu.memref_slice %arg6[%dma_start3A_454, %dma_start3A_455, %dma_start3A_456] : memref<4x56x256xf32, #tpu.memory_space<vmem>> -> memref<1x1x256xf32, #tpu.memory_space<vmem>>
    %dma_start3A_458 = tpu.memref_squeeze %dma_start3A_457 : memref<1x1x256xf32, #tpu.memory_space<vmem>> -> memref<1x256xf32, #tpu.memory_space<vmem>>
    %dma_start3A_459 = arith.constant 0 : i32
    %dma_start3A_460 = tpu.memref_slice %arg2[%squeeze3A_453, %dma_start3A_459] : memref<115200x256xf32, #tpu.memory_space<hbm>> -> memref<1x256xf32, #tpu.memory_space<hbm>>
    %dma_start3A_461 = arith.constant 34 : i32
    %dma_start3A_462 = arith.constant 0 : i32
    %dma_start3A_463 = tpu.memref_slice %arg6[%dma_start3A_454, %dma_start3A_461, %dma_start3A_462] : memref<4x56x256xf32, #tpu.memory_space<vmem>> -> memref<1x1x256xf32, #tpu.memory_space<vmem>>
    %dma_start3A_464 = tpu.memref_squeeze %dma_start3A_463 : memref<1x1x256xf32, #tpu.memory_space<vmem>> -> memref<1x256xf32, #tpu.memory_space<vmem>>
    %dma_start3A_465 = arith.constant 0 : i32
    %dma_start3A_466 = tpu.memref_slice %arg2[%squeeze3A_453, %dma_start3A_465] : memref<115200x256xf32, #tpu.memory_space<hbm>> -> memref<1x256xf32, #tpu.memory_space<hbm>>
    tpu.enqueue_dma source(%dma_start3A_466 : memref<1x256xf32, #tpu.memory_space<hbm>>) target(%dma_start3A_464 : memref<1x256xf32, #tpu.memory_space<vmem>>) target_semaphore(%arg8 : memref<!tpu.dma_semaphore, #tpu.memory_space<semaphore_mem>>)
    %slice3A_467 = vector.extract_strided_slice %get3A_421 {offsets = [3], sizes = [1], strides = [1]} : vector<16xi32> to vector<1xi32>
    %squeeze3A_468 = vector.extract %slice3A_467[0] : i32 from vector<1xi32>
    %dma_start3A_469 = arith.constant 1 : i32
    %dma_start3A_470 = arith.constant 35 : i32
    %dma_start3A_471 = arith.constant 0 : i32
    %dma_start3A_472 = tpu.memref_slice %arg6[%dma_start3A_469, %dma_start3A_470, %dma_start3A_471] : memref<4x56x256xf32, #tpu.memory_space<vmem>> -> memref<1x1x256xf32, #tpu.memory_space<vmem>>
    %dma_start3A_473 = tpu.memref_squeeze %dma_start3A_472 : memref<1x1x256xf32, #tpu.memory_space<vmem>> -> memref<1x256xf32, #tpu.memory_space<vmem>>
    %dma_start3A_474 = arith.constant 0 : i32
    %dma_start3A_475 = tpu.memref_slice %arg2[%squeeze3A_468, %dma_start3A_474] : memref<115200x256xf32, #tpu.memory_space<hbm>> -> memref<1x256xf32, #tpu.memory_space<hbm>>
    %dma_start3A_476 = arith.constant 35 : i32
    %dma_start3A_477 = arith.constant 0 : i32
    %dma_start3A_478 = tpu.memref_slice %arg6[%dma_start3A_469, %dma_start3A_476, %dma_start3A_477] : memref<4x56x256xf32, #tpu.memory_space<vmem>> -> memref<1x1x256xf32, #tpu.memory_space<vmem>>
    %dma_start3A_479 = tpu.memref_squeeze %dma_start3A_478 : memref<1x1x256xf32, #tpu.memory_space<vmem>> -> memref<1x256xf32, #tpu.memory_space<vmem>>
    %dma_start3A_480 = arith.constant 0 : i32
    %dma_start3A_481 = tpu.memref_slice %arg2[%squeeze3A_468, %dma_start3A_480] : memref<115200x256xf32, #tpu.memory_space<hbm>> -> memref<1x256xf32, #tpu.memory_space<hbm>>
    tpu.enqueue_dma source(%dma_start3A_481 : memref<1x256xf32, #tpu.memory_space<hbm>>) target(%dma_start3A_479 : memref<1x256xf32, #tpu.memory_space<vmem>>) target_semaphore(%arg8 : memref<!tpu.dma_semaphore, #tpu.memory_space<semaphore_mem>>)
    %slice3A_482 = vector.extract_strided_slice %get3A_421 {offsets = [4], sizes = [1], strides = [1]} : vector<16xi32> to vector<1xi32>
    %squeeze3A_483 = vector.extract %slice3A_482[0] : i32 from vector<1xi32>
    %dma_start3A_484 = arith.constant 1 : i32
    %dma_start3A_485 = arith.constant 36 : i32
    %dma_start3A_486 = arith.constant 0 : i32
    %dma_start3A_487 = tpu.memref_slice %arg6[%dma_start3A_484, %dma_start3A_485, %dma_start3A_486] : memref<4x56x256xf32, #tpu.memory_space<vmem>> -> memref<1x1x256xf32, #tpu.memory_space<vmem>>
    %dma_start3A_488 = tpu.memref_squeeze %dma_start3A_487 : memref<1x1x256xf32, #tpu.memory_space<vmem>> -> memref<1x256xf32, #tpu.memory_space<vmem>>
    %dma_start3A_489 = arith.constant 0 : i32
    %dma_start3A_490 = tpu.memref_slice %arg2[%squeeze3A_483, %dma_start3A_489] : memref<115200x256xf32, #tpu.memory_space<hbm>> -> memref<1x256xf32, #tpu.memory_space<hbm>>
    %dma_start3A_491 = arith.constant 36 : i32
    %dma_start3A_492 = arith.constant 0 : i32
    %dma_start3A_493 = tpu.memref_slice %arg6[%dma_start3A_484, %dma_start3A_491, %dma_start3A_492] : memref<4x56x256xf32, #tpu.memory_space<vmem>> -> memref<1x1x256xf32, #tpu.memory_space<vmem>>
    %dma_start3A_494 = tpu.memref_squeeze %dma_start3A_493 : memref<1x1x256xf32, #tpu.memory_space<vmem>> -> memref<1x256xf32, #tpu.memory_space<vmem>>
    %dma_start3A_495 = arith.constant 0 : i32
    %dma_start3A_496 = tpu.memref_slice %arg2[%squeeze3A_483, %dma_start3A_495] : memref<115200x256xf32, #tpu.memory_space<hbm>> -> memref<1x256xf32, #tpu.memory_space<hbm>>
    tpu.enqueue_dma source(%dma_start3A_496 : memref<1x256xf32, #tpu.memory_space<hbm>>) target(%dma_start3A_494 : memref<1x256xf32, #tpu.memory_space<vmem>>) target_semaphore(%arg8 : memref<!tpu.dma_semaphore, #tpu.memory_space<semaphore_mem>>)
    %slice3A_497 = vector.extract_strided_slice %get3A_421 {offsets = [5], sizes = [1], strides = [1]} : vector<16xi32> to vector<1xi32>
    %squeeze3A_498 = vector.extract %slice3A_497[0] : i32 from vector<1xi32>
    %dma_start3A_499 = arith.constant 1 : i32
    %dma_start3A_500 = arith.constant 37 : i32
    %dma_start3A_501 = arith.constant 0 : i32
    %dma_start3A_502 = tpu.memref_slice %arg6[%dma_start3A_499, %dma_start3A_500, %dma_start3A_501] : memref<4x56x256xf32, #tpu.memory_space<vmem>> -> memref<1x1x256xf32, #tpu.memory_space<vmem>>
    %dma_start3A_503 = tpu.memref_squeeze %dma_start3A_502 : memref<1x1x256xf32, #tpu.memory_space<vmem>> -> memref<1x256xf32, #tpu.memory_space<vmem>>
    %dma_start3A_504 = arith.constant 0 : i32
    %dma_start3A_505 = tpu.memref_slice %arg2[%squeeze3A_498, %dma_start3A_504] : memref<115200x256xf32, #tpu.memory_space<hbm>> -> memref<1x256xf32, #tpu.memory_space<hbm>>
    %dma_start3A_506 = arith.constant 37 : i32
    %dma_start3A_507 = arith.constant 0 : i32
    %dma_start3A_508 = tpu.memref_slice %arg6[%dma_start3A_499, %dma_start3A_506, %dma_start3A_507] : memref<4x56x256xf32, #tpu.memory_space<vmem>> -> memref<1x1x256xf32, #tpu.memory_space<vmem>>
    %dma_start3A_509 = tpu.memref_squeeze %dma_start3A_508 : memref<1x1x256xf32, #tpu.memory_space<vmem>> -> memref<1x256xf32, #tpu.memory_space<vmem>>
    %dma_start3A_510 = arith.constant 0 : i32
    %dma_start3A_511 = tpu.memref_slice %arg2[%squeeze3A_498, %dma_start3A_510] : memref<115200x256xf32, #tpu.memory_space<hbm>> -> memref<1x256xf32, #tpu.memory_space<hbm>>
    tpu.enqueue_dma source(%dma_start3A_511 : memref<1x256xf32, #tpu.memory_space<hbm>>) target(%dma_start3A_509 : memref<1x256xf32, #tpu.memory_space<vmem>>) target_semaphore(%arg8 : memref<!tpu.dma_semaphore, #tpu.memory_space<semaphore_mem>>)
    %slice3A_512 = vector.extract_strided_slice %get3A_421 {offsets = [6], sizes = [1], strides = [1]} : vector<16xi32> to vector<1xi32>
    %squeeze3A_513 = vector.extract %slice3A_512[0] : i32 from vector<1xi32>
    %dma_start3A_514 = arith.constant 1 : i32
    %dma_start3A_515 = arith.constant 38 : i32
    %dma_start3A_516 = arith.constant 0 : i32
    %dma_start3A_517 = tpu.memref_slice %arg6[%dma_start3A_514, %dma_start3A_515, %dma_start3A_516] : memref<4x56x256xf32, #tpu.memory_space<vmem>> -> memref<1x1x256xf32, #tpu.memory_space<vmem>>
    %dma_start3A_518 = tpu.memref_squeeze %dma_start3A_517 : memref<1x1x256xf32, #tpu.memory_space<vmem>> -> memref<1x256xf32, #tpu.memory_space<vmem>>
    %dma_start3A_519 = arith.constant 0 : i32
    %dma_start3A_520 = tpu.memref_slice %arg2[%squeeze3A_513, %dma_start3A_519] : memref<115200x256xf32, #tpu.memory_space<hbm>> -> memref<1x256xf32, #tpu.memory_space<hbm>>
    %dma_start3A_521 = arith.constant 38 : i32
    %dma_start3A_522 = arith.constant 0 : i32
    %dma_start3A_523 = tpu.memref_slice %arg6[%dma_start3A_514, %dma_start3A_521, %dma_start3A_522] : memref<4x56x256xf32, #tpu.memory_space<vmem>> -> memref<1x1x256xf32, #tpu.memory_space<vmem>>
    %dma_start3A_524 = tpu.memref_squeeze %dma_start3A_523 : memref<1x1x256xf32, #tpu.memory_space<vmem>> -> memref<1x256xf32, #tpu.memory_space<vmem>>
    %dma_start3A_525 = arith.constant 0 : i32
    %dma_start3A_526 = tpu.memref_slice %arg2[%squeeze3A_513, %dma_start3A_525] : memref<115200x256xf32, #tpu.memory_space<hbm>> -> memref<1x256xf32, #tpu.memory_space<hbm>>
    tpu.enqueue_dma source(%dma_start3A_526 : memref<1x256xf32, #tpu.memory_space<hbm>>) target(%dma_start3A_524 : memref<1x256xf32, #tpu.memory_space<vmem>>) target_semaphore(%arg8 : memref<!tpu.dma_semaphore, #tpu.memory_space<semaphore_mem>>)
    %slice3A_527 = vector.extract_strided_slice %get3A_421 {offsets = [7], sizes = [1], strides = [1]} : vector<16xi32> to vector<1xi32>
    %squeeze3A_528 = vector.extract %slice3A_527[0] : i32 from vector<1xi32>
    %dma_start3A_529 = arith.constant 1 : i32
    %dma_start3A_530 = arith.constant 39 : i32
    %dma_start3A_531 = arith.constant 0 : i32
    %dma_start3A_532 = tpu.memref_slice %arg6[%dma_start3A_529, %dma_start3A_530, %dma_start3A_531] : memref<4x56x256xf32, #tpu.memory_space<vmem>> -> memref<1x1x256xf32, #tpu.memory_space<vmem>>
    %dma_start3A_533 = tpu.memref_squeeze %dma_start3A_532 : memref<1x1x256xf32, #tpu.memory_space<vmem>> -> memref<1x256xf32, #tpu.memory_space<vmem>>
    %dma_start3A_534 = arith.constant 0 : i32
    %dma_start3A_535 = tpu.memref_slice %arg2[%squeeze3A_528, %dma_start3A_534] : memref<115200x256xf32, #tpu.memory_space<hbm>> -> memref<1x256xf32, #tpu.memory_space<hbm>>
    %dma_start3A_536 = arith.constant 39 : i32
    %dma_start3A_537 = arith.constant 0 : i32
    %dma_start3A_538 = tpu.memref_slice %arg6[%dma_start3A_529, %dma_start3A_536, %dma_start3A_537] : memref<4x56x256xf32, #tpu.memory_space<vmem>> -> memref<1x1x256xf32, #tpu.memory_space<vmem>>
    %dma_start3A_539 = tpu.memref_squeeze %dma_start3A_538 : memref<1x1x256xf32, #tpu.memory_space<vmem>> -> memref<1x256xf32, #tpu.memory_space<vmem>>
    %dma_start3A_540 = arith.constant 0 : i32
    %dma_start3A_541 = tpu.memref_slice %arg2[%squeeze3A_528, %dma_start3A_540] : memref<115200x256xf32, #tpu.memory_space<hbm>> -> memref<1x256xf32, #tpu.memory_space<hbm>>
    tpu.enqueue_dma source(%dma_start3A_541 : memref<1x256xf32, #tpu.memory_space<hbm>>) target(%dma_start3A_539 : memref<1x256xf32, #tpu.memory_space<vmem>>) target_semaphore(%arg8 : memref<!tpu.dma_semaphore, #tpu.memory_space<semaphore_mem>>)
    %slice3A_542 = vector.extract_strided_slice %get3A_421 {offsets = [8], sizes = [1], strides = [1]} : vector<16xi32> to vector<1xi32>
    %squeeze3A_543 = vector.extract %slice3A_542[0] : i32 from vector<1xi32>
    %dma_start3A_544 = arith.constant 1 : i32
    %dma_start3A_545 = arith.constant 40 : i32
    %dma_start3A_546 = arith.constant 0 : i32
    %dma_start3A_547 = tpu.memref_slice %arg6[%dma_start3A_544, %dma_start3A_545, %dma_start3A_546] : memref<4x56x256xf32, #tpu.memory_space<vmem>> -> memref<1x1x256xf32, #tpu.memory_space<vmem>>
    %dma_start3A_548 = tpu.memref_squeeze %dma_start3A_547 : memref<1x1x256xf32, #tpu.memory_space<vmem>> -> memref<1x256xf32, #tpu.memory_space<vmem>>
    %dma_start3A_549 = arith.constant 0 : i32
    %dma_start3A_550 = tpu.memref_slice %arg2[%squeeze3A_543, %dma_start3A_549] : memref<115200x256xf32, #tpu.memory_space<hbm>> -> memref<1x256xf32, #tpu.memory_space<hbm>>
    %dma_start3A_551 = arith.constant 40 : i32
    %dma_start3A_552 = arith.constant 0 : i32
    %dma_start3A_553 = tpu.memref_slice %arg6[%dma_start3A_544, %dma_start3A_551, %dma_start3A_552] : memref<4x56x256xf32, #tpu.memory_space<vmem>> -> memref<1x1x256xf32, #tpu.memory_space<vmem>>
    %dma_start3A_554 = tpu.memref_squeeze %dma_start3A_553 : memref<1x1x256xf32, #tpu.memory_space<vmem>> -> memref<1x256xf32, #tpu.memory_space<vmem>>
    %dma_start3A_555 = arith.constant 0 : i32
    %dma_start3A_556 = tpu.memref_slice %arg2[%squeeze3A_543, %dma_start3A_555] : memref<115200x256xf32, #tpu.memory_space<hbm>> -> memref<1x256xf32, #tpu.memory_space<hbm>>
    tpu.enqueue_dma source(%dma_start3A_556 : memref<1x256xf32, #tpu.memory_space<hbm>>) target(%dma_start3A_554 : memref<1x256xf32, #tpu.memory_space<vmem>>) target_semaphore(%arg8 : memref<!tpu.dma_semaphore, #tpu.memory_space<semaphore_mem>>)
    %slice3A_557 = vector.extract_strided_slice %get3A_421 {offsets = [9], sizes = [1], strides = [1]} : vector<16xi32> to vector<1xi32>
    %squeeze3A_558 = vector.extract %slice3A_557[0] : i32 from vector<1xi32>
    %dma_start3A_559 = arith.constant 1 : i32
    %dma_start3A_560 = arith.constant 41 : i32
    %dma_start3A_561 = arith.constant 0 : i32
    %dma_start3A_562 = tpu.memref_slice %arg6[%dma_start3A_559, %dma_start3A_560, %dma_start3A_561] : memref<4x56x256xf32, #tpu.memory_space<vmem>> -> memref<1x1x256xf32, #tpu.memory_space<vmem>>
    %dma_start3A_563 = tpu.memref_squeeze %dma_start3A_562 : memref<1x1x256xf32, #tpu.memory_space<vmem>> -> memref<1x256xf32, #tpu.memory_space<vmem>>
    %dma_start3A_564 = arith.constant 0 : i32
    %dma_start3A_565 = tpu.memref_slice %arg2[%squeeze3A_558, %dma_start3A_564] : memref<115200x256xf32, #tpu.memory_space<hbm>> -> memref<1x256xf32, #tpu.memory_space<hbm>>
    %dma_start3A_566 = arith.constant 41 : i32
    %dma_start3A_567 = arith.constant 0 : i32
    %dma_start3A_568 = tpu.memref_slice %arg6[%dma_start3A_559, %dma_start3A_566, %dma_start3A_567] : memref<4x56x256xf32, #tpu.memory_space<vmem>> -> memref<1x1x256xf32, #tpu.memory_space<vmem>>
    %dma_start3A_569 = tpu.memref_squeeze %dma_start3A_568 : memref<1x1x256xf32, #tpu.memory_space<vmem>> -> memref<1x256xf32, #tpu.memory_space<vmem>>
    %dma_start3A_570 = arith.constant 0 : i32
    %dma_start3A_571 = tpu.memref_slice %arg2[%squeeze3A_558, %dma_start3A_570] : memref<115200x256xf32, #tpu.memory_space<hbm>> -> memref<1x256xf32, #tpu.memory_space<hbm>>
    tpu.enqueue_dma source(%dma_start3A_571 : memref<1x256xf32, #tpu.memory_space<hbm>>) target(%dma_start3A_569 : memref<1x256xf32, #tpu.memory_space<vmem>>) target_semaphore(%arg8 : memref<!tpu.dma_semaphore, #tpu.memory_space<semaphore_mem>>)
    %slice3A_572 = vector.extract_strided_slice %get3A_421 {offsets = [10], sizes = [1], strides = [1]} : vector<16xi32> to vector<1xi32>
    %squeeze3A_573 = vector.extract %slice3A_572[0] : i32 from vector<1xi32>
    %dma_start3A_574 = arith.constant 1 : i32
    %dma_start3A_575 = arith.constant 42 : i32
    %dma_start3A_576 = arith.constant 0 : i32
    %dma_start3A_577 = tpu.memref_slice %arg6[%dma_start3A_574, %dma_start3A_575, %dma_start3A_576] : memref<4x56x256xf32, #tpu.memory_space<vmem>> -> memref<1x1x256xf32, #tpu.memory_space<vmem>>
    %dma_start3A_578 = tpu.memref_squeeze %dma_start3A_577 : memref<1x1x256xf32, #tpu.memory_space<vmem>> -> memref<1x256xf32, #tpu.memory_space<vmem>>
    %dma_start3A_579 = arith.constant 0 : i32
    %dma_start3A_580 = tpu.memref_slice %arg2[%squeeze3A_573, %dma_start3A_579] : memref<115200x256xf32, #tpu.memory_space<hbm>> -> memref<1x256xf32, #tpu.memory_space<hbm>>
    %dma_start3A_581 = arith.constant 42 : i32
    %dma_start3A_582 = arith.constant 0 : i32
    %dma_start3A_583 = tpu.memref_slice %arg6[%dma_start3A_574, %dma_start3A_581, %dma_start3A_582] : memref<4x56x256xf32, #tpu.memory_space<vmem>> -> memref<1x1x256xf32, #tpu.memory_space<vmem>>
    %dma_start3A_584 = tpu.memref_squeeze %dma_start3A_583 : memref<1x1x256xf32, #tpu.memory_space<vmem>> -> memref<1x256xf32, #tpu.memory_space<vmem>>
    %dma_start3A_585 = arith.constant 0 : i32
    %dma_start3A_586 = tpu.memref_slice %arg2[%squeeze3A_573, %dma_start3A_585] : memref<115200x256xf32, #tpu.memory_space<hbm>> -> memref<1x256xf32, #tpu.memory_space<hbm>>
    tpu.enqueue_dma source(%dma_start3A_586 : memref<1x256xf32, #tpu.memory_space<hbm>>) target(%dma_start3A_584 : memref<1x256xf32, #tpu.memory_space<vmem>>) target_semaphore(%arg8 : memref<!tpu.dma_semaphore, #tpu.memory_space<semaphore_mem>>)
    %slice3A_587 = vector.extract_strided_slice %get3A_421 {offsets = [11], sizes = [1], strides = [1]} : vector<16xi32> to vector<1xi32>
    %squeeze3A_588 = vector.extract %slice3A_587[0] : i32 from vector<1xi32>
    %dma_start3A_589 = arith.constant 1 : i32
    %dma_start3A_590 = arith.constant 43 : i32
    %dma_start3A_591 = arith.constant 0 : i32
    %dma_start3A_592 = tpu.memref_slice %arg6[%dma_start3A_589, %dma_start3A_590, %dma_start3A_591] : memref<4x56x256xf32, #tpu.memory_space<vmem>> -> memref<1x1x256xf32, #tpu.memory_space<vmem>>
    %dma_start3A_593 = tpu.memref_squeeze %dma_start3A_592 : memref<1x1x256xf32, #tpu.memory_space<vmem>> -> memref<1x256xf32, #tpu.memory_space<vmem>>
    %dma_start3A_594 = arith.constant 0 : i32
    %dma_start3A_595 = tpu.memref_slice %arg2[%squeeze3A_588, %dma_start3A_594] : memref<115200x256xf32, #tpu.memory_space<hbm>> -> memref<1x256xf32, #tpu.memory_space<hbm>>
    %dma_start3A_596 = arith.constant 43 : i32
    %dma_start3A_597 = arith.constant 0 : i32
    %dma_start3A_598 = tpu.memref_slice %arg6[%dma_start3A_589, %dma_start3A_596, %dma_start3A_597] : memref<4x56x256xf32, #tpu.memory_space<vmem>> -> memref<1x1x256xf32, #tpu.memory_space<vmem>>
    %dma_start3A_599 = tpu.memref_squeeze %dma_start3A_598 : memref<1x1x256xf32, #tpu.memory_space<vmem>> -> memref<1x256xf32, #tpu.memory_space<vmem>>
    %dma_start3A_600 = arith.constant 0 : i32
    %dma_start3A_601 = tpu.memref_slice %arg2[%squeeze3A_588, %dma_start3A_600] : memref<115200x256xf32, #tpu.memory_space<hbm>> -> memref<1x256xf32, #tpu.memory_space<hbm>>
    tpu.enqueue_dma source(%dma_start3A_601 : memref<1x256xf32, #tpu.memory_space<hbm>>) target(%dma_start3A_599 : memref<1x256xf32, #tpu.memory_space<vmem>>) target_semaphore(%arg8 : memref<!tpu.dma_semaphore, #tpu.memory_space<semaphore_mem>>)
    %slice3A_602 = vector.extract_strided_slice %get3A_421 {offsets = [12], sizes = [1], strides = [1]} : vector<16xi32> to vector<1xi32>
    %squeeze3A_603 = vector.extract %slice3A_602[0] : i32 from vector<1xi32>
    %dma_start3A_604 = arith.constant 1 : i32
    %dma_start3A_605 = arith.constant 44 : i32
    %dma_start3A_606 = arith.constant 0 : i32
    %dma_start3A_607 = tpu.memref_slice %arg6[%dma_start3A_604, %dma_start3A_605, %dma_start3A_606] : memref<4x56x256xf32, #tpu.memory_space<vmem>> -> memref<1x1x256xf32, #tpu.memory_space<vmem>>
    %dma_start3A_608 = tpu.memref_squeeze %dma_start3A_607 : memref<1x1x256xf32, #tpu.memory_space<vmem>> -> memref<1x256xf32, #tpu.memory_space<vmem>>
    %dma_start3A_609 = arith.constant 0 : i32
    %dma_start3A_610 = tpu.memref_slice %arg2[%squeeze3A_603, %dma_start3A_609] : memref<115200x256xf32, #tpu.memory_space<hbm>> -> memref<1x256xf32, #tpu.memory_space<hbm>>
    %dma_start3A_611 = arith.constant 44 : i32
    %dma_start3A_612 = arith.constant 0 : i32
    %dma_start3A_613 = tpu.memref_slice %arg6[%dma_start3A_604, %dma_start3A_611, %dma_start3A_612] : memref<4x56x256xf32, #tpu.memory_space<vmem>> -> memref<1x1x256xf32, #tpu.memory_space<vmem>>
    %dma_start3A_614 = tpu.memref_squeeze %dma_start3A_613 : memref<1x1x256xf32, #tpu.memory_space<vmem>> -> memref<1x256xf32, #tpu.memory_space<vmem>>
    %dma_start3A_615 = arith.constant 0 : i32
    %dma_start3A_616 = tpu.memref_slice %arg2[%squeeze3A_603, %dma_start3A_615] : memref<115200x256xf32, #tpu.memory_space<hbm>> -> memref<1x256xf32, #tpu.memory_space<hbm>>
    tpu.enqueue_dma source(%dma_start3A_616 : memref<1x256xf32, #tpu.memory_space<hbm>>) target(%dma_start3A_614 : memref<1x256xf32, #tpu.memory_space<vmem>>) target_semaphore(%arg8 : memref<!tpu.dma_semaphore, #tpu.memory_space<semaphore_mem>>)
    %slice3A_617 = vector.extract_strided_slice %get3A_421 {offsets = [13], sizes = [1], strides = [1]} : vector<16xi32> to vector<1xi32>
    %squeeze3A_618 = vector.extract %slice3A_617[0] : i32 from vector<1xi32>
    %dma_start3A_619 = arith.constant 1 : i32
    %dma_start3A_620 = arith.constant 45 : i32
    %dma_start3A_621 = arith.constant 0 : i32
    %dma_start3A_622 = tpu.memref_slice %arg6[%dma_start3A_619, %dma_start3A_620, %dma_start3A_621] : memref<4x56x256xf32, #tpu.memory_space<vmem>> -> memref<1x1x256xf32, #tpu.memory_space<vmem>>
    %dma_start3A_623 = tpu.memref_squeeze %dma_start3A_622 : memref<1x1x256xf32, #tpu.memory_space<vmem>> -> memref<1x256xf32, #tpu.memory_space<vmem>>
    %dma_start3A_624 = arith.constant 0 : i32
    %dma_start3A_625 = tpu.memref_slice %arg2[%squeeze3A_618, %dma_start3A_624] : memref<115200x256xf32, #tpu.memory_space<hbm>> -> memref<1x256xf32, #tpu.memory_space<hbm>>
    %dma_start3A_626 = arith.constant 45 : i32
    %dma_start3A_627 = arith.constant 0 : i32
    %dma_start3A_628 = tpu.memref_slice %arg6[%dma_start3A_619, %dma_start3A_626, %dma_start3A_627] : memref<4x56x256xf32, #tpu.memory_space<vmem>> -> memref<1x1x256xf32, #tpu.memory_space<vmem>>
    %dma_start3A_629 = tpu.memref_squeeze %dma_start3A_628 : memref<1x1x256xf32, #tpu.memory_space<vmem>> -> memref<1x256xf32, #tpu.memory_space<vmem>>
    %dma_start3A_630 = arith.constant 0 : i32
    %dma_start3A_631 = tpu.memref_slice %arg2[%squeeze3A_618, %dma_start3A_630] : memref<115200x256xf32, #tpu.memory_space<hbm>> -> memref<1x256xf32, #tpu.memory_space<hbm>>
    tpu.enqueue_dma source(%dma_start3A_631 : memref<1x256xf32, #tpu.memory_space<hbm>>) target(%dma_start3A_629 : memref<1x256xf32, #tpu.memory_space<vmem>>) target_semaphore(%arg8 : memref<!tpu.dma_semaphore, #tpu.memory_space<semaphore_mem>>)
    %slice3A_632 = vector.extract_strided_slice %get3A_421 {offsets = [14], sizes = [1], strides = [1]} : vector<16xi32> to vector<1xi32>
    %squeeze3A_633 = vector.extract %slice3A_632[0] : i32 from vector<1xi32>
    %dma_start3A_634 = arith.constant 1 : i32
    %dma_start3A_635 = arith.constant 46 : i32
    %dma_start3A_636 = arith.constant 0 : i32
    %dma_start3A_637 = tpu.memref_slice %arg6[%dma_start3A_634, %dma_start3A_635, %dma_start3A_636] : memref<4x56x256xf32, #tpu.memory_space<vmem>> -> memref<1x1x256xf32, #tpu.memory_space<vmem>>
    %dma_start3A_638 = tpu.memref_squeeze %dma_start3A_637 : memref<1x1x256xf32, #tpu.memory_space<vmem>> -> memref<1x256xf32, #tpu.memory_space<vmem>>
    %dma_start3A_639 = arith.constant 0 : i32
    %dma_start3A_640 = tpu.memref_slice %arg2[%squeeze3A_633, %dma_start3A_639] : memref<115200x256xf32, #tpu.memory_space<hbm>> -> memref<1x256xf32, #tpu.memory_space<hbm>>
    %dma_start3A_641 = arith.constant 46 : i32
    %dma_start3A_642 = arith.constant 0 : i32
    %dma_start3A_643 = tpu.memref_slice %arg6[%dma_start3A_634, %dma_start3A_641, %dma_start3A_642] : memref<4x56x256xf32, #tpu.memory_space<vmem>> -> memref<1x1x256xf32, #tpu.memory_space<vmem>>
    %dma_start3A_644 = tpu.memref_squeeze %dma_start3A_643 : memref<1x1x256xf32, #tpu.memory_space<vmem>> -> memref<1x256xf32, #tpu.memory_space<vmem>>
    %dma_start3A_645 = arith.constant 0 : i32
    %dma_start3A_646 = tpu.memref_slice %arg2[%squeeze3A_633, %dma_start3A_645] : memref<115200x256xf32, #tpu.memory_space<hbm>> -> memref<1x256xf32, #tpu.memory_space<hbm>>
    tpu.enqueue_dma source(%dma_start3A_646 : memref<1x256xf32, #tpu.memory_space<hbm>>) target(%dma_start3A_644 : memref<1x256xf32, #tpu.memory_space<vmem>>) target_semaphore(%arg8 : memref<!tpu.dma_semaphore, #tpu.memory_space<semaphore_mem>>)
    %slice3A_647 = vector.extract_strided_slice %get3A_421 {offsets = [15], sizes = [1], strides = [1]} : vector<16xi32> to vector<1xi32>
    %squeeze3A_648 = vector.extract %slice3A_647[0] : i32 from vector<1xi32>
    %dma_start3A_649 = arith.constant 1 : i32
    %dma_start3A_650 = arith.constant 47 : i32
    %dma_start3A_651 = arith.constant 0 : i32
    %dma_start3A_652 = tpu.memref_slice %arg6[%dma_start3A_649, %dma_start3A_650, %dma_start3A_651] : memref<4x56x256xf32, #tpu.memory_space<vmem>> -> memref<1x1x256xf32, #tpu.memory_space<vmem>>
    %dma_start3A_653 = tpu.memref_squeeze %dma_start3A_652 : memref<1x1x256xf32, #tpu.memory_space<vmem>> -> memref<1x256xf32, #tpu.memory_space<vmem>>
    %dma_start3A_654 = arith.constant 0 : i32
    %dma_start3A_655 = tpu.memref_slice %arg2[%squeeze3A_648, %dma_start3A_654] : memref<115200x256xf32, #tpu.memory_space<hbm>> -> memref<1x256xf32, #tpu.memory_space<hbm>>
    %dma_start3A_656 = arith.constant 47 : i32
    %dma_start3A_657 = arith.constant 0 : i32
    %dma_start3A_658 = tpu.memref_slice %arg6[%dma_start3A_649, %dma_start3A_656, %dma_start3A_657] : memref<4x56x256xf32, #tpu.memory_space<vmem>> -> memref<1x1x256xf32, #tpu.memory_space<vmem>>
    %dma_start3A_659 = tpu.memref_squeeze %dma_start3A_658 : memref<1x1x256xf32, #tpu.memory_space<vmem>> -> memref<1x256xf32, #tpu.memory_space<vmem>>
    %dma_start3A_660 = arith.constant 0 : i32
    %dma_start3A_661 = tpu.memref_slice %arg2[%squeeze3A_648, %dma_start3A_660] : memref<115200x256xf32, #tpu.memory_space<hbm>> -> memref<1x256xf32, #tpu.memory_space<hbm>>
    tpu.enqueue_dma source(%dma_start3A_661 : memref<1x256xf32, #tpu.memory_space<hbm>>) target(%dma_start3A_659 : memref<1x256xf32, #tpu.memory_space<vmem>>) target_semaphore(%arg8 : memref<!tpu.dma_semaphore, #tpu.memory_space<semaphore_mem>>)
    %get3A_662 = arith.constant 1 : i32
    %get3A_663 = arith.index_cast %get3A_662 : i32 to index
    %get3A_664 = arith.constant 48 : index
    %get3A_665 = tpu.vector_load %arg5[%get3A_663, %get3A_664] {strides = array<i32>} : memref<4x128xi32, #tpu.memory_space<vmem>>, vector<1x16xi32>,
    %get3A_666 = vector.shape_cast %get3A_665 : vector<1x16xi32> to vector<16xi32>
    %slice3A_667 = vector.extract_strided_slice %get3A_666 {offsets = [0], sizes = [1], strides = [1]} : vector<16xi32> to vector<1xi32>
    %squeeze3A_668 = vector.extract %slice3A_667[0] : i32 from vector<1xi32>
    %dma_start3A_669 = arith.constant 1 : i32
    %dma_start3A_670 = arith.constant 48 : i32
    %dma_start3A_671 = arith.constant 0 : i32
    %dma_start3A_672 = tpu.memref_slice %arg6[%dma_start3A_669, %dma_start3A_670, %dma_start3A_671] : memref<4x56x256xf32, #tpu.memory_space<vmem>> -> memref<1x1x256xf32, #tpu.memory_space<vmem>>
    %dma_start3A_673 = tpu.memref_squeeze %dma_start3A_672 : memref<1x1x256xf32, #tpu.memory_space<vmem>> -> memref<1x256xf32, #tpu.memory_space<vmem>>
    %dma_start3A_674 = arith.constant 0 : i32
    %dma_start3A_675 = tpu.memref_slice %arg2[%squeeze3A_668, %dma_start3A_674] : memref<115200x256xf32, #tpu.memory_space<hbm>> -> memref<1x256xf32, #tpu.memory_space<hbm>>
    %dma_start3A_676 = arith.constant 48 : i32
    %dma_start3A_677 = arith.constant 0 : i32
    %dma_start3A_678 = tpu.memref_slice %arg6[%dma_start3A_669, %dma_start3A_676, %dma_start3A_677] : memref<4x56x256xf32, #tpu.memory_space<vmem>> -> memref<1x1x256xf32, #tpu.memory_space<vmem>>
    %dma_start3A_679 = tpu.memref_squeeze %dma_start3A_678 : memref<1x1x256xf32, #tpu.memory_space<vmem>> -> memref<1x256xf32, #tpu.memory_space<vmem>>
    %dma_start3A_680 = arith.constant 0 : i32
    %dma_start3A_681 = tpu.memref_slice %arg2[%squeeze3A_668, %dma_start3A_680] : memref<115200x256xf32, #tpu.memory_space<hbm>> -> memref<1x256xf32, #tpu.memory_space<hbm>>
    tpu.enqueue_dma source(%dma_start3A_681 : memref<1x256xf32, #tpu.memory_space<hbm>>) target(%dma_start3A_679 : memref<1x256xf32, #tpu.memory_space<vmem>>) target_semaphore(%arg8 : memref<!tpu.dma_semaphore, #tpu.memory_space<semaphore_mem>>)
    %slice3A_682 = vector.extract_strided_slice %get3A_666 {offsets = [1], sizes = [1], strides = [1]} : vector<16xi32> to vector<1xi32>
    %squeeze3A_683 = vector.extract %slice3A_682[0] : i32 from vector<1xi32>
    %dma_start3A_684 = arith.constant 1 : i32
    %dma_start3A_685 = arith.constant 49 : i32
    %dma_start3A_686 = arith.constant 0 : i32
    %dma_start3A_687 = tpu.memref_slice %arg6[%dma_start3A_684, %dma_start3A_685, %dma_start3A_686] : memref<4x56x256xf32, #tpu.memory_space<vmem>> -> memref<1x1x256xf32, #tpu.memory_space<vmem>>
    %dma_start3A_688 = tpu.memref_squeeze %dma_start3A_687 : memref<1x1x256xf32, #tpu.memory_space<vmem>> -> memref<1x256xf32, #tpu.memory_space<vmem>>
    %dma_start3A_689 = arith.constant 0 : i32
    %dma_start3A_690 = tpu.memref_slice %arg2[%squeeze3A_683, %dma_start3A_689] : memref<115200x256xf32, #tpu.memory_space<hbm>> -> memref<1x256xf32, #tpu.memory_space<hbm>>
    %dma_start3A_691 = arith.constant 49 : i32
    %dma_start3A_692 = arith.constant 0 : i32
    %dma_start3A_693 = tpu.memref_slice %arg6[%dma_start3A_684, %dma_start3A_691, %dma_start3A_692] : memref<4x56x256xf32, #tpu.memory_space<vmem>> -> memref<1x1x256xf32, #tpu.memory_space<vmem>>
    %dma_start3A_694 = tpu.memref_squeeze %dma_start3A_693 : memref<1x1x256xf32, #tpu.memory_space<vmem>> -> memref<1x256xf32, #tpu.memory_space<vmem>>
    %dma_start3A_695 = arith.constant 0 : i32
    %dma_start3A_696 = tpu.memref_slice %arg2[%squeeze3A_683, %dma_start3A_695] : memref<115200x256xf32, #tpu.memory_space<hbm>> -> memref<1x256xf32, #tpu.memory_space<hbm>>
    tpu.enqueue_dma source(%dma_start3A_696 : memref<1x256xf32, #tpu.memory_space<hbm>>) target(%dma_start3A_694 : memref<1x256xf32, #tpu.memory_space<vmem>>) target_semaphore(%arg8 : memref<!tpu.dma_semaphore, #tpu.memory_space<semaphore_mem>>)
    %slice3A_697 = vector.extract_strided_slice %get3A_666 {offsets = [2], sizes = [1], strides = [1]} : vector<16xi32> to vector<1xi32>
    %squeeze3A_698 = vector.extract %slice3A_697[0] : i32 from vector<1xi32>
    %dma_start3A_699 = arith.constant 1 : i32
    %dma_start3A_700 = arith.constant 50 : i32
    %dma_start3A_701 = arith.constant 0 : i32
    %dma_start3A_702 = tpu.memref_slice %arg6[%dma_start3A_699, %dma_start3A_700, %dma_start3A_701] : memref<4x56x256xf32, #tpu.memory_space<vmem>> -> memref<1x1x256xf32, #tpu.memory_space<vmem>>
    %dma_start3A_703 = tpu.memref_squeeze %dma_start3A_702 : memref<1x1x256xf32, #tpu.memory_space<vmem>> -> memref<1x256xf32, #tpu.memory_space<vmem>>
    %dma_start3A_704 = arith.constant 0 : i32
    %dma_start3A_705 = tpu.memref_slice %arg2[%squeeze3A_698, %dma_start3A_704] : memref<115200x256xf32, #tpu.memory_space<hbm>> -> memref<1x256xf32, #tpu.memory_space<hbm>>
    %dma_start3A_706 = arith.constant 50 : i32
    %dma_start3A_707 = arith.constant 0 : i32
    %dma_start3A_708 = tpu.memref_slice %arg6[%dma_start3A_699, %dma_start3A_706, %dma_start3A_707] : memref<4x56x256xf32, #tpu.memory_space<vmem>> -> memref<1x1x256xf32, #tpu.memory_space<vmem>>
    %dma_start3A_709 = tpu.memref_squeeze %dma_start3A_708 : memref<1x1x256xf32, #tpu.memory_space<vmem>> -> memref<1x256xf32, #tpu.memory_space<vmem>>
    %dma_start3A_710 = arith.constant 0 : i32
    %dma_start3A_711 = tpu.memref_slice %arg2[%squeeze3A_698, %dma_start3A_710] : memref<115200x256xf32, #tpu.memory_space<hbm>> -> memref<1x256xf32, #tpu.memory_space<hbm>>
    tpu.enqueue_dma source(%dma_start3A_711 : memref<1x256xf32, #tpu.memory_space<hbm>>) target(%dma_start3A_709 : memref<1x256xf32, #tpu.memory_space<vmem>>) target_semaphore(%arg8 : memref<!tpu.dma_semaphore, #tpu.memory_space<semaphore_mem>>)
    %slice3A_712 = vector.extract_strided_slice %get3A_666 {offsets = [3], sizes = [1], strides = [1]} : vector<16xi32> to vector<1xi32>
    %squeeze3A_713 = vector.extract %slice3A_712[0] : i32 from vector<1xi32>
    %dma_start3A_714 = arith.constant 1 : i32
    %dma_start3A_715 = arith.constant 51 : i32
    %dma_start3A_716 = arith.constant 0 : i32
    %dma_start3A_717 = tpu.memref_slice %arg6[%dma_start3A_714, %dma_start3A_715, %dma_start3A_716] : memref<4x56x256xf32, #tpu.memory_space<vmem>> -> memref<1x1x256xf32, #tpu.memory_space<vmem>>
    %dma_start3A_718 = tpu.memref_squeeze %dma_start3A_717 : memref<1x1x256xf32, #tpu.memory_space<vmem>> -> memref<1x256xf32, #tpu.memory_space<vmem>>
    %dma_start3A_719 = arith.constant 0 : i32
    %dma_start3A_720 = tpu.memref_slice %arg2[%squeeze3A_713, %dma_start3A_719] : memref<115200x256xf32, #tpu.memory_space<hbm>> -> memref<1x256xf32, #tpu.memory_space<hbm>>
    %dma_start3A_721 = arith.constant 51 : i32
    %dma_start3A_722 = arith.constant 0 : i32
    %dma_start3A_723 = tpu.memref_slice %arg6[%dma_start3A_714, %dma_start3A_721, %dma_start3A_722] : memref<4x56x256xf32, #tpu.memory_space<vmem>> -> memref<1x1x256xf32, #tpu.memory_space<vmem>>
    %dma_start3A_724 = tpu.memref_squeeze %dma_start3A_723 : memref<1x1x256xf32, #tpu.memory_space<vmem>> -> memref<1x256xf32, #tpu.memory_space<vmem>>
    %dma_start3A_725 = arith.constant 0 : i32
    %dma_start3A_726 = tpu.memref_slice %arg2[%squeeze3A_713, %dma_start3A_725] : memref<115200x256xf32, #tpu.memory_space<hbm>> -> memref<1x256xf32, #tpu.memory_space<hbm>>
    tpu.enqueue_dma source(%dma_start3A_726 : memref<1x256xf32, #tpu.memory_space<hbm>>) target(%dma_start3A_724 : memref<1x256xf32, #tpu.memory_space<vmem>>) target_semaphore(%arg8 : memref<!tpu.dma_semaphore, #tpu.memory_space<semaphore_mem>>)
    %slice3A_727 = vector.extract_strided_slice %get3A_666 {offsets = [4], sizes = [1], strides = [1]} : vector<16xi32> to vector<1xi32>
    %squeeze3A_728 = vector.extract %slice3A_727[0] : i32 from vector<1xi32>
    %dma_start3A_729 = arith.constant 1 : i32
    %dma_start3A_730 = arith.constant 52 : i32
    %dma_start3A_731 = arith.constant 0 : i32
    %dma_start3A_732 = tpu.memref_slice %arg6[%dma_start3A_729, %dma_start3A_730, %dma_start3A_731] : memref<4x56x256xf32, #tpu.memory_space<vmem>> -> memref<1x1x256xf32, #tpu.memory_space<vmem>>
    %dma_start3A_733 = tpu.memref_squeeze %dma_start3A_732 : memref<1x1x256xf32, #tpu.memory_space<vmem>> -> memref<1x256xf32, #tpu.memory_space<vmem>>
    %dma_start3A_734 = arith.constant 0 : i32
    %dma_start3A_735 = tpu.memref_slice %arg2[%squeeze3A_728, %dma_start3A_734] : memref<115200x256xf32, #tpu.memory_space<hbm>> -> memref<1x256xf32, #tpu.memory_space<hbm>>
    %dma_start3A_736 = arith.constant 52 : i32
    %dma_start3A_737 = arith.constant 0 : i32
    %dma_start3A_738 = tpu.memref_slice %arg6[%dma_start3A_729, %dma_start3A_736, %dma_start3A_737] : memref<4x56x256xf32, #tpu.memory_space<vmem>> -> memref<1x1x256xf32, #tpu.memory_space<vmem>>
    %dma_start3A_739 = tpu.memref_squeeze %dma_start3A_738 : memref<1x1x256xf32, #tpu.memory_space<vmem>> -> memref<1x256xf32, #tpu.memory_space<vmem>>
    %dma_start3A_740 = arith.constant 0 : i32
    %dma_start3A_741 = tpu.memref_slice %arg2[%squeeze3A_728, %dma_start3A_740] : memref<115200x256xf32, #tpu.memory_space<hbm>> -> memref<1x256xf32, #tpu.memory_space<hbm>>
    tpu.enqueue_dma source(%dma_start3A_741 : memref<1x256xf32, #tpu.memory_space<hbm>>) target(%dma_start3A_739 : memref<1x256xf32, #tpu.memory_space<vmem>>) target_semaphore(%arg8 : memref<!tpu.dma_semaphore, #tpu.memory_space<semaphore_mem>>)
    %slice3A_742 = vector.extract_strided_slice %get3A_666 {offsets = [5], sizes = [1], strides = [1]} : vector<16xi32> to vector<1xi32>
    %squeeze3A_743 = vector.extract %slice3A_742[0] : i32 from vector<1xi32>
    %dma_start3A_744 = arith.constant 1 : i32
    %dma_start3A_745 = arith.constant 53 : i32
    %dma_start3A_746 = arith.constant 0 : i32
    %dma_start3A_747 = tpu.memref_slice %arg6[%dma_start3A_744, %dma_start3A_745, %dma_start3A_746] : memref<4x56x256xf32, #tpu.memory_space<vmem>> -> memref<1x1x256xf32, #tpu.memory_space<vmem>>
    %dma_start3A_748 = tpu.memref_squeeze %dma_start3A_747 : memref<1x1x256xf32, #tpu.memory_space<vmem>> -> memref<1x256xf32, #tpu.memory_space<vmem>>
    %dma_start3A_749 = arith.constant 0 : i32
    %dma_start3A_750 = tpu.memref_slice %arg2[%squeeze3A_743, %dma_start3A_749] : memref<115200x256xf32, #tpu.memory_space<hbm>> -> memref<1x256xf32, #tpu.memory_space<hbm>>
    %dma_start3A_751 = arith.constant 53 : i32
    %dma_start3A_752 = arith.constant 0 : i32
    %dma_start3A_753 = tpu.memref_slice %arg6[%dma_start3A_744, %dma_start3A_751, %dma_start3A_752] : memref<4x56x256xf32, #tpu.memory_space<vmem>> -> memref<1x1x256xf32, #tpu.memory_space<vmem>>
    %dma_start3A_754 = tpu.memref_squeeze %dma_start3A_753 : memref<1x1x256xf32, #tpu.memory_space<vmem>> -> memref<1x256xf32, #tpu.memory_space<vmem>>
    %dma_start3A_755 = arith.constant 0 : i32
    %dma_start3A_756 = tpu.memref_slice %arg2[%squeeze3A_743, %dma_start3A_755] : memref<115200x256xf32, #tpu.memory_space<hbm>> -> memref<1x256xf32, #tpu.memory_space<hbm>>
    tpu.enqueue_dma source(%dma_start3A_756 : memref<1x256xf32, #tpu.memory_space<hbm>>) target(%dma_start3A_754 : memref<1x256xf32, #tpu.memory_space<vmem>>) target_semaphore(%arg8 : memref<!tpu.dma_semaphore, #tpu.memory_space<semaphore_mem>>)
    %slice3A_757 = vector.extract_strided_slice %get3A_666 {offsets = [6], sizes = [1], strides = [1]} : vector<16xi32> to vector<1xi32>
    %squeeze3A_758 = vector.extract %slice3A_757[0] : i32 from vector<1xi32>
    %dma_start3A_759 = arith.constant 1 : i32
    %dma_start3A_760 = arith.constant 54 : i32
    %dma_start3A_761 = arith.constant 0 : i32
    %dma_start3A_762 = tpu.memref_slice %arg6[%dma_start3A_759, %dma_start3A_760, %dma_start3A_761] : memref<4x56x256xf32, #tpu.memory_space<vmem>> -> memref<1x1x256xf32, #tpu.memory_space<vmem>>
    %dma_start3A_763 = tpu.memref_squeeze %dma_start3A_762 : memref<1x1x256xf32, #tpu.memory_space<vmem>> -> memref<1x256xf32, #tpu.memory_space<vmem>>
    %dma_start3A_764 = arith.constant 0 : i32
    %dma_start3A_765 = tpu.memref_slice %arg2[%squeeze3A_758, %dma_start3A_764] : memref<115200x256xf32, #tpu.memory_space<hbm>> -> memref<1x256xf32, #tpu.memory_space<hbm>>
    %dma_start3A_766 = arith.constant 54 : i32
    %dma_start3A_767 = arith.constant 0 : i32
    %dma_start3A_768 = tpu.memref_slice %arg6[%dma_start3A_759, %dma_start3A_766, %dma_start3A_767] : memref<4x56x256xf32, #tpu.memory_space<vmem>> -> memref<1x1x256xf32, #tpu.memory_space<vmem>>
    %dma_start3A_769 = tpu.memref_squeeze %dma_start3A_768 : memref<1x1x256xf32, #tpu.memory_space<vmem>> -> memref<1x256xf32, #tpu.memory_space<vmem>>
    %dma_start3A_770 = arith.constant 0 : i32
    %dma_start3A_771 = tpu.memref_slice %arg2[%squeeze3A_758, %dma_start3A_770] : memref<115200x256xf32, #tpu.memory_space<hbm>> -> memref<1x256xf32, #tpu.memory_space<hbm>>
    tpu.enqueue_dma source(%dma_start3A_771 : memref<1x256xf32, #tpu.memory_space<hbm>>) target(%dma_start3A_769 : memref<1x256xf32, #tpu.memory_space<vmem>>) target_semaphore(%arg8 : memref<!tpu.dma_semaphore, #tpu.memory_space<semaphore_mem>>)
    %slice3A_772 = vector.extract_strided_slice %get3A_666 {offsets = [7], sizes = [1], strides = [1]} : vector<16xi32> to vector<1xi32>
    %squeeze3A_773 = vector.extract %slice3A_772[0] : i32 from vector<1xi32>
    %dma_start3A_774 = arith.constant 1 : i32
    %dma_start3A_775 = arith.constant 55 : i32
    %dma_start3A_776 = arith.constant 0 : i32
    %dma_start3A_777 = tpu.memref_slice %arg6[%dma_start3A_774, %dma_start3A_775, %dma_start3A_776] : memref<4x56x256xf32, #tpu.memory_space<vmem>> -> memref<1x1x256xf32, #tpu.memory_space<vmem>>
    %dma_start3A_778 = tpu.memref_squeeze %dma_start3A_777 : memref<1x1x256xf32, #tpu.memory_space<vmem>> -> memref<1x256xf32, #tpu.memory_space<vmem>>
    %dma_start3A_779 = arith.constant 0 : i32
    %dma_start3A_780 = tpu.memref_slice %arg2[%squeeze3A_773, %dma_start3A_779] : memref<115200x256xf32, #tpu.memory_space<hbm>> -> memref<1x256xf32, #tpu.memory_space<hbm>>
    %dma_start3A_781 = arith.constant 55 : i32
    %dma_start3A_782 = arith.constant 0 : i32
    %dma_start3A_783 = tpu.memref_slice %arg6[%dma_start3A_774, %dma_start3A_781, %dma_start3A_782] : memref<4x56x256xf32, #tpu.memory_space<vmem>> -> memref<1x1x256xf32, #tpu.memory_space<vmem>>
    %dma_start3A_784 = tpu.memref_squeeze %dma_start3A_783 : memref<1x1x256xf32, #tpu.memory_space<vmem>> -> memref<1x256xf32, #tpu.memory_space<vmem>>
    %dma_start3A_785 = arith.constant 0 : i32
    %dma_start3A_786 = tpu.memref_slice %arg2[%squeeze3A_773, %dma_start3A_785] : memref<115200x256xf32, #tpu.memory_space<hbm>> -> memref<1x256xf32, #tpu.memory_space<hbm>>
    tpu.enqueue_dma source(%dma_start3A_786 : memref<1x256xf32, #tpu.memory_space<hbm>>) target(%dma_start3A_784 : memref<1x256xf32, #tpu.memory_space<vmem>>) target_semaphore(%arg8 : memref<!tpu.dma_semaphore, #tpu.memory_space<semaphore_mem>>)
    %get3A_787 = arith.constant 2 : i32
    %get3A_788 = arith.index_cast %get3A_787 : i32 to index
    %get3A_789 = arith.constant 32 : index
    %get3A_790 = tpu.vector_load %arg5[%get3A_788, %get3A_789] {strides = array<i32>} : memref<4x128xi32, #tpu.memory_space<vmem>>, vector<1x16xi32>,
    %get3A_791 = vector.shape_cast %get3A_790 : vector<1x16xi32> to vector<16xi32>
    %slice3A_792 = vector.extract_strided_slice %get3A_791 {offsets = [0], sizes = [1], strides = [1]} : vector<16xi32> to vector<1xi32>
    %squeeze3A_793 = vector.extract %slice3A_792[0] : i32 from vector<1xi32>
    %dma_start3A_794 = arith.constant 2 : i32
    %dma_start3A_795 = arith.constant 32 : i32
    %dma_start3A_796 = arith.constant 0 : i32
    %dma_start3A_797 = tpu.memref_slice %arg6[%dma_start3A_794, %dma_start3A_795, %dma_start3A_796] : memref<4x56x256xf32, #tpu.memory_space<vmem>> -> memref<1x1x256xf32, #tpu.memory_space<vmem>>
    %dma_start3A_798 = tpu.memref_squeeze %dma_start3A_797 : memref<1x1x256xf32, #tpu.memory_space<vmem>> -> memref<1x256xf32, #tpu.memory_space<vmem>>
    %dma_start3A_799 = arith.constant 0 : i32
    %dma_start3A_800 = tpu.memref_slice %arg2[%squeeze3A_793, %dma_start3A_799] : memref<115200x256xf32, #tpu.memory_space<hbm>> -> memref<1x256xf32, #tpu.memory_space<hbm>>
    %dma_start3A_801 = arith.constant 32 : i32
    %dma_start3A_802 = arith.constant 0 : i32
    %dma_start3A_803 = tpu.memref_slice %arg6[%dma_start3A_794, %dma_start3A_801, %dma_start3A_802] : memref<4x56x256xf32, #tpu.memory_space<vmem>> -> memref<1x1x256xf32, #tpu.memory_space<vmem>>
    %dma_start3A_804 = tpu.memref_squeeze %dma_start3A_803 : memref<1x1x256xf32, #tpu.memory_space<vmem>> -> memref<1x256xf32, #tpu.memory_space<vmem>>
    %dma_start3A_805 = arith.constant 0 : i32
    %dma_start3A_806 = tpu.memref_slice %arg2[%squeeze3A_793, %dma_start3A_805] : memref<115200x256xf32, #tpu.memory_space<hbm>> -> memref<1x256xf32, #tpu.memory_space<hbm>>
    tpu.enqueue_dma source(%dma_start3A_806 : memref<1x256xf32, #tpu.memory_space<hbm>>) target(%dma_start3A_804 : memref<1x256xf32, #tpu.memory_space<vmem>>) target_semaphore(%arg8 : memref<!tpu.dma_semaphore, #tpu.memory_space<semaphore_mem>>)
    %slice3A_807 = vector.extract_strided_slice %get3A_791 {offsets = [1], sizes = [1], strides = [1]} : vector<16xi32> to vector<1xi32>
    %squeeze3A_808 = vector.extract %slice3A_807[0] : i32 from vector<1xi32>
    %dma_start3A_809 = arith.constant 2 : i32
    %dma_start3A_810 = arith.constant 33 : i32
    %dma_start3A_811 = arith.constant 0 : i32
    %dma_start3A_812 = tpu.memref_slice %arg6[%dma_start3A_809, %dma_start3A_810, %dma_start3A_811] : memref<4x56x256xf32, #tpu.memory_space<vmem>> -> memref<1x1x256xf32, #tpu.memory_space<vmem>>
    %dma_start3A_813 = tpu.memref_squeeze %dma_start3A_812 : memref<1x1x256xf32, #tpu.memory_space<vmem>> -> memref<1x256xf32, #tpu.memory_space<vmem>>
    %dma_start3A_814 = arith.constant 0 : i32
    %dma_start3A_815 = tpu.memref_slice %arg2[%squeeze3A_808, %dma_start3A_814] : memref<115200x256xf32, #tpu.memory_space<hbm>> -> memref<1x256xf32, #tpu.memory_space<hbm>>
    %dma_start3A_816 = arith.constant 33 : i32
    %dma_start3A_817 = arith.constant 0 : i32
    %dma_start3A_818 = tpu.memref_slice %arg6[%dma_start3A_809, %dma_start3A_816, %dma_start3A_817] : memref<4x56x256xf32, #tpu.memory_space<vmem>> -> memref<1x1x256xf32, #tpu.memory_space<vmem>>
    %dma_start3A_819 = tpu.memref_squeeze %dma_start3A_818 : memref<1x1x256xf32, #tpu.memory_space<vmem>> -> memref<1x256xf32, #tpu.memory_space<vmem>>
    %dma_start3A_820 = arith.constant 0 : i32
    %dma_start3A_821 = tpu.memref_slice %arg2[%squeeze3A_808, %dma_start3A_820] : memref<115200x256xf32, #tpu.memory_space<hbm>> -> memref<1x256xf32, #tpu.memory_space<hbm>>
    tpu.enqueue_dma source(%dma_start3A_821 : memref<1x256xf32, #tpu.memory_space<hbm>>) target(%dma_start3A_819 : memref<1x256xf32, #tpu.memory_space<vmem>>) target_semaphore(%arg8 : memref<!tpu.dma_semaphore, #tpu.memory_space<semaphore_mem>>)
    %slice3A_822 = vector.extract_strided_slice %get3A_791 {offsets = [2], sizes = [1], strides = [1]} : vector<16xi32> to vector<1xi32>
    %squeeze3A_823 = vector.extract %slice3A_822[0] : i32 from vector<1xi32>
    %dma_start3A_824 = arith.constant 2 : i32
    %dma_start3A_825 = arith.constant 34 : i32
    %dma_start3A_826 = arith.constant 0 : i32
    %dma_start3A_827 = tpu.memref_slice %arg6[%dma_start3A_824, %dma_start3A_825, %dma_start3A_826] : memref<4x56x256xf32, #tpu.memory_space<vmem>> -> memref<1x1x256xf32, #tpu.memory_space<vmem>>
    %dma_start3A_828 = tpu.memref_squeeze %dma_start3A_827 : memref<1x1x256xf32, #tpu.memory_space<vmem>> -> memref<1x256xf32, #tpu.memory_space<vmem>>
    %dma_start3A_829 = arith.constant 0 : i32
    %dma_start3A_830 = tpu.memref_slice %arg2[%squeeze3A_823, %dma_start3A_829] : memref<115200x256xf32, #tpu.memory_space<hbm>> -> memref<1x256xf32, #tpu.memory_space<hbm>>
    %dma_start3A_831 = arith.constant 34 : i32
    %dma_start3A_832 = arith.constant 0 : i32
    %dma_start3A_833 = tpu.memref_slice %arg6[%dma_start3A_824, %dma_start3A_831, %dma_start3A_832] : memref<4x56x256xf32, #tpu.memory_space<vmem>> -> memref<1x1x256xf32, #tpu.memory_space<vmem>>
    %dma_start3A_834 = tpu.memref_squeeze %dma_start3A_833 : memref<1x1x256xf32, #tpu.memory_space<vmem>> -> memref<1x256xf32, #tpu.memory_space<vmem>>
    %dma_start3A_835 = arith.constant 0 : i32
    %dma_start3A_836 = tpu.memref_slice %arg2[%squeeze3A_823, %dma_start3A_835] : memref<115200x256xf32, #tpu.memory_space<hbm>> -> memref<1x256xf32, #tpu.memory_space<hbm>>
    tpu.enqueue_dma source(%dma_start3A_836 : memref<1x256xf32, #tpu.memory_space<hbm>>) target(%dma_start3A_834 : memref<1x256xf32, #tpu.memory_space<vmem>>) target_semaphore(%arg8 : memref<!tpu.dma_semaphore, #tpu.memory_space<semaphore_mem>>)
    %slice3A_837 = vector.extract_strided_slice %get3A_791 {offsets = [3], sizes = [1], strides = [1]} : vector<16xi32> to vector<1xi32>
    %squeeze3A_838 = vector.extract %slice3A_837[0] : i32 from vector<1xi32>
    %dma_start3A_839 = arith.constant 2 : i32
    %dma_start3A_840 = arith.constant 35 : i32
    %dma_start3A_841 = arith.constant 0 : i32
    %dma_start3A_842 = tpu.memref_slice %arg6[%dma_start3A_839, %dma_start3A_840, %dma_start3A_841] : memref<4x56x256xf32, #tpu.memory_space<vmem>> -> memref<1x1x256xf32, #tpu.memory_space<vmem>>
    %dma_start3A_843 = tpu.memref_squeeze %dma_start3A_842 : memref<1x1x256xf32, #tpu.memory_space<vmem>> -> memref<1x256xf32, #tpu.memory_space<vmem>>
    %dma_start3A_844 = arith.constant 0 : i32
    %dma_start3A_845 = tpu.memref_slice %arg2[%squeeze3A_838, %dma_start3A_844] : memref<115200x256xf32, #tpu.memory_space<hbm>> -> memref<1x256xf32, #tpu.memory_space<hbm>>
    %dma_start3A_846 = arith.constant 35 : i32
    %dma_start3A_847 = arith.constant 0 : i32
    %dma_start3A_848 = tpu.memref_slice %arg6[%dma_start3A_839, %dma_start3A_846, %dma_start3A_847] : memref<4x56x256xf32, #tpu.memory_space<vmem>> -> memref<1x1x256xf32, #tpu.memory_space<vmem>>
    %dma_start3A_849 = tpu.memref_squeeze %dma_start3A_848 : memref<1x1x256xf32, #tpu.memory_space<vmem>> -> memref<1x256xf32, #tpu.memory_space<vmem>>
    %dma_start3A_850 = arith.constant 0 : i32
    %dma_start3A_851 = tpu.memref_slice %arg2[%squeeze3A_838, %dma_start3A_850] : memref<115200x256xf32, #tpu.memory_space<hbm>> -> memref<1x256xf32, #tpu.memory_space<hbm>>
    tpu.enqueue_dma source(%dma_start3A_851 : memref<1x256xf32, #tpu.memory_space<hbm>>) target(%dma_start3A_849 : memref<1x256xf32, #tpu.memory_space<vmem>>) target_semaphore(%arg8 : memref<!tpu.dma_semaphore, #tpu.memory_space<semaphore_mem>>)
    %slice3A_852 = vector.extract_strided_slice %get3A_791 {offsets = [4], sizes = [1], strides = [1]} : vector<16xi32> to vector<1xi32>
    %squeeze3A_853 = vector.extract %slice3A_852[0] : i32 from vector<1xi32>
    %dma_start3A_854 = arith.constant 2 : i32
    %dma_start3A_855 = arith.constant 36 : i32
    %dma_start3A_856 = arith.constant 0 : i32
    %dma_start3A_857 = tpu.memref_slice %arg6[%dma_start3A_854, %dma_start3A_855, %dma_start3A_856] : memref<4x56x256xf32, #tpu.memory_space<vmem>> -> memref<1x1x256xf32, #tpu.memory_space<vmem>>
    %dma_start3A_858 = tpu.memref_squeeze %dma_start3A_857 : memref<1x1x256xf32, #tpu.memory_space<vmem>> -> memref<1x256xf32, #tpu.memory_space<vmem>>
    %dma_start3A_859 = arith.constant 0 : i32
    %dma_start3A_860 = tpu.memref_slice %arg2[%squeeze3A_853, %dma_start3A_859] : memref<115200x256xf32, #tpu.memory_space<hbm>> -> memref<1x256xf32, #tpu.memory_space<hbm>>
    %dma_start3A_861 = arith.constant 36 : i32
    %dma_start3A_862 = arith.constant 0 : i32
    %dma_start3A_863 = tpu.memref_slice %arg6[%dma_start3A_854, %dma_start3A_861, %dma_start3A_862] : memref<4x56x256xf32, #tpu.memory_space<vmem>> -> memref<1x1x256xf32, #tpu.memory_space<vmem>>
    %dma_start3A_864 = tpu.memref_squeeze %dma_start3A_863 : memref<1x1x256xf32, #tpu.memory_space<vmem>> -> memref<1x256xf32, #tpu.memory_space<vmem>>
    %dma_start3A_865 = arith.constant 0 : i32
    %dma_start3A_866 = tpu.memref_slice %arg2[%squeeze3A_853, %dma_start3A_865] : memref<115200x256xf32, #tpu.memory_space<hbm>> -> memref<1x256xf32, #tpu.memory_space<hbm>>
    tpu.enqueue_dma source(%dma_start3A_866 : memref<1x256xf32, #tpu.memory_space<hbm>>) target(%dma_start3A_864 : memref<1x256xf32, #tpu.memory_space<vmem>>) target_semaphore(%arg8 : memref<!tpu.dma_semaphore, #tpu.memory_space<semaphore_mem>>)
    %slice3A_867 = vector.extract_strided_slice %get3A_791 {offsets = [5], sizes = [1], strides = [1]} : vector<16xi32> to vector<1xi32>
    %squeeze3A_868 = vector.extract %slice3A_867[0] : i32 from vector<1xi32>
    %dma_start3A_869 = arith.constant 2 : i32
    %dma_start3A_870 = arith.constant 37 : i32
    %dma_start3A_871 = arith.constant 0 : i32
    %dma_start3A_872 = tpu.memref_slice %arg6[%dma_start3A_869, %dma_start3A_870, %dma_start3A_871] : memref<4x56x256xf32, #tpu.memory_space<vmem>> -> memref<1x1x256xf32, #tpu.memory_space<vmem>>
    %dma_start3A_873 = tpu.memref_squeeze %dma_start3A_872 : memref<1x1x256xf32, #tpu.memory_space<vmem>> -> memref<1x256xf32, #tpu.memory_space<vmem>>
    %dma_start3A_874 = arith.constant 0 : i32
    %dma_start3A_875 = tpu.memref_slice %arg2[%squeeze3A_868, %dma_start3A_874] : memref<115200x256xf32, #tpu.memory_space<hbm>> -> memref<1x256xf32, #tpu.memory_space<hbm>>
    %dma_start3A_876 = arith.constant 37 : i32
    %dma_start3A_877 = arith.constant 0 : i32
    %dma_start3A_878 = tpu.memref_slice %arg6[%dma_start3A_869, %dma_start3A_876, %dma_start3A_877] : memref<4x56x256xf32, #tpu.memory_space<vmem>> -> memref<1x1x256xf32, #tpu.memory_space<vmem>>
    %dma_start3A_879 = tpu.memref_squeeze %dma_start3A_878 : memref<1x1x256xf32, #tpu.memory_space<vmem>> -> memref<1x256xf32, #tpu.memory_space<vmem>>
    %dma_start3A_880 = arith.constant 0 : i32
    %dma_start3A_881 = tpu.memref_slice %arg2[%squeeze3A_868, %dma_start3A_880] : memref<115200x256xf32, #tpu.memory_space<hbm>> -> memref<1x256xf32, #tpu.memory_space<hbm>>
    tpu.enqueue_dma source(%dma_start3A_881 : memref<1x256xf32, #tpu.memory_space<hbm>>) target(%dma_start3A_879 : memref<1x256xf32, #tpu.memory_space<vmem>>) target_semaphore(%arg8 : memref<!tpu.dma_semaphore, #tpu.memory_space<semaphore_mem>>)
    %slice3A_882 = vector.extract_strided_slice %get3A_791 {offsets = [6], sizes = [1], strides = [1]} : vector<16xi32> to vector<1xi32>
    %squeeze3A_883 = vector.extract %slice3A_882[0] : i32 from vector<1xi32>
    %dma_start3A_884 = arith.constant 2 : i32
    %dma_start3A_885 = arith.constant 38 : i32
    %dma_start3A_886 = arith.constant 0 : i32
    %dma_start3A_887 = tpu.memref_slice %arg6[%dma_start3A_884, %dma_start3A_885, %dma_start3A_886] : memref<4x56x256xf32, #tpu.memory_space<vmem>> -> memref<1x1x256xf32, #tpu.memory_space<vmem>>
    %dma_start3A_888 = tpu.memref_squeeze %dma_start3A_887 : memref<1x1x256xf32, #tpu.memory_space<vmem>> -> memref<1x256xf32, #tpu.memory_space<vmem>>
    %dma_start3A_889 = arith.constant 0 : i32
    %dma_start3A_890 = tpu.memref_slice %arg2[%squeeze3A_883, %dma_start3A_889] : memref<115200x256xf32, #tpu.memory_space<hbm>> -> memref<1x256xf32, #tpu.memory_space<hbm>>
    %dma_start3A_891 = arith.constant 38 : i32
    %dma_start3A_892 = arith.constant 0 : i32
    %dma_start3A_893 = tpu.memref_slice %arg6[%dma_start3A_884, %dma_start3A_891, %dma_start3A_892] : memref<4x56x256xf32, #tpu.memory_space<vmem>> -> memref<1x1x256xf32, #tpu.memory_space<vmem>>
    %dma_start3A_894 = tpu.memref_squeeze %dma_start3A_893 : memref<1x1x256xf32, #tpu.memory_space<vmem>> -> memref<1x256xf32, #tpu.memory_space<vmem>>
    %dma_start3A_895 = arith.constant 0 : i32
    %dma_start3A_896 = tpu.memref_slice %arg2[%squeeze3A_883, %dma_start3A_895] : memref<115200x256xf32, #tpu.memory_space<hbm>> -> memref<1x256xf32, #tpu.memory_space<hbm>>
    tpu.enqueue_dma source(%dma_start3A_896 : memref<1x256xf32, #tpu.memory_space<hbm>>) target(%dma_start3A_894 : memref<1x256xf32, #tpu.memory_space<vmem>>) target_semaphore(%arg8 : memref<!tpu.dma_semaphore, #tpu.memory_space<semaphore_mem>>)
    %slice3A_897 = vector.extract_strided_slice %get3A_791 {offsets = [7], sizes = [1], strides = [1]} : vector<16xi32> to vector<1xi32>
    %squeeze3A_898 = vector.extract %slice3A_897[0] : i32 from vector<1xi32>
    %dma_start3A_899 = arith.constant 2 : i32
    %dma_start3A_900 = arith.constant 39 : i32
    %dma_start3A_901 = arith.constant 0 : i32
    %dma_start3A_902 = tpu.memref_slice %arg6[%dma_start3A_899, %dma_start3A_900, %dma_start3A_901] : memref<4x56x256xf32, #tpu.memory_space<vmem>> -> memref<1x1x256xf32, #tpu.memory_space<vmem>>
    %dma_start3A_903 = tpu.memref_squeeze %dma_start3A_902 : memref<1x1x256xf32, #tpu.memory_space<vmem>> -> memref<1x256xf32, #tpu.memory_space<vmem>>
    %dma_start3A_904 = arith.constant 0 : i32
    %dma_start3A_905 = tpu.memref_slice %arg2[%squeeze3A_898, %dma_start3A_904] : memref<115200x256xf32, #tpu.memory_space<hbm>> -> memref<1x256xf32, #tpu.memory_space<hbm>>
    %dma_start3A_906 = arith.constant 39 : i32
    %dma_start3A_907 = arith.constant 0 : i32
    %dma_start3A_908 = tpu.memref_slice %arg6[%dma_start3A_899, %dma_start3A_906, %dma_start3A_907] : memref<4x56x256xf32, #tpu.memory_space<vmem>> -> memref<1x1x256xf32, #tpu.memory_space<vmem>>
    %dma_start3A_909 = tpu.memref_squeeze %dma_start3A_908 : memref<1x1x256xf32, #tpu.memory_space<vmem>> -> memref<1x256xf32, #tpu.memory_space<vmem>>
    %dma_start3A_910 = arith.constant 0 : i32
    %dma_start3A_911 = tpu.memref_slice %arg2[%squeeze3A_898, %dma_start3A_910] : memref<115200x256xf32, #tpu.memory_space<hbm>> -> memref<1x256xf32, #tpu.memory_space<hbm>>
    tpu.enqueue_dma source(%dma_start3A_911 : memref<1x256xf32, #tpu.memory_space<hbm>>) target(%dma_start3A_909 : memref<1x256xf32, #tpu.memory_space<vmem>>) target_semaphore(%arg8 : memref<!tpu.dma_semaphore, #tpu.memory_space<semaphore_mem>>)
    %slice3A_912 = vector.extract_strided_slice %get3A_791 {offsets = [8], sizes = [1], strides = [1]} : vector<16xi32> to vector<1xi32>
    %squeeze3A_913 = vector.extract %slice3A_912[0] : i32 from vector<1xi32>
    %dma_start3A_914 = arith.constant 2 : i32
    %dma_start3A_915 = arith.constant 40 : i32
    %dma_start3A_916 = arith.constant 0 : i32
    %dma_start3A_917 = tpu.memref_slice %arg6[%dma_start3A_914, %dma_start3A_915, %dma_start3A_916] : memref<4x56x256xf32, #tpu.memory_space<vmem>> -> memref<1x1x256xf32, #tpu.memory_space<vmem>>
    %dma_start3A_918 = tpu.memref_squeeze %dma_start3A_917 : memref<1x1x256xf32, #tpu.memory_space<vmem>> -> memref<1x256xf32, #tpu.memory_space<vmem>>
    %dma_start3A_919 = arith.constant 0 : i32
    %dma_start3A_920 = tpu.memref_slice %arg2[%squeeze3A_913, %dma_start3A_919] : memref<115200x256xf32, #tpu.memory_space<hbm>> -> memref<1x256xf32, #tpu.memory_space<hbm>>
    %dma_start3A_921 = arith.constant 40 : i32
    %dma_start3A_922 = arith.constant 0 : i32
    %dma_start3A_923 = tpu.memref_slice %arg6[%dma_start3A_914, %dma_start3A_921, %dma_start3A_922] : memref<4x56x256xf32, #tpu.memory_space<vmem>> -> memref<1x1x256xf32, #tpu.memory_space<vmem>>
    %dma_start3A_924 = tpu.memref_squeeze %dma_start3A_923 : memref<1x1x256xf32, #tpu.memory_space<vmem>> -> memref<1x256xf32, #tpu.memory_space<vmem>>
    %dma_start3A_925 = arith.constant 0 : i32
    %dma_start3A_926 = tpu.memref_slice %arg2[%squeeze3A_913, %dma_start3A_925] : memref<115200x256xf32, #tpu.memory_space<hbm>> -> memref<1x256xf32, #tpu.memory_space<hbm>>
    tpu.enqueue_dma source(%dma_start3A_926 : memref<1x256xf32, #tpu.memory_space<hbm>>) target(%dma_start3A_924 : memref<1x256xf32, #tpu.memory_space<vmem>>) target_semaphore(%arg8 : memref<!tpu.dma_semaphore, #tpu.memory_space<semaphore_mem>>)
    %slice3A_927 = vector.extract_strided_slice %get3A_791 {offsets = [9], sizes = [1], strides = [1]} : vector<16xi32> to vector<1xi32>
    %squeeze3A_928 = vector.extract %slice3A_927[0] : i32 from vector<1xi32>
    %dma_start3A_929 = arith.constant 2 : i32
    %dma_start3A_930 = arith.constant 41 : i32
    %dma_start3A_931 = arith.constant 0 : i32
    %dma_start3A_932 = tpu.memref_slice %arg6[%dma_start3A_929, %dma_start3A_930, %dma_start3A_931] : memref<4x56x256xf32, #tpu.memory_space<vmem>> -> memref<1x1x256xf32, #tpu.memory_space<vmem>>
    %dma_start3A_933 = tpu.memref_squeeze %dma_start3A_932 : memref<1x1x256xf32, #tpu.memory_space<vmem>> -> memref<1x256xf32, #tpu.memory_space<vmem>>
    %dma_start3A_934 = arith.constant 0 : i32
    %dma_start3A_935 = tpu.memref_slice %arg2[%squeeze3A_928, %dma_start3A_934] : memref<115200x256xf32, #tpu.memory_space<hbm>> -> memref<1x256xf32, #tpu.memory_space<hbm>>
    %dma_start3A_936 = arith.constant 41 : i32
    %dma_start3A_937 = arith.constant 0 : i32
    %dma_start3A_938 = tpu.memref_slice %arg6[%dma_start3A_929, %dma_start3A_936, %dma_start3A_937] : memref<4x56x256xf32, #tpu.memory_space<vmem>> -> memref<1x1x256xf32, #tpu.memory_space<vmem>>
    %dma_start3A_939 = tpu.memref_squeeze %dma_start3A_938 : memref<1x1x256xf32, #tpu.memory_space<vmem>> -> memref<1x256xf32, #tpu.memory_space<vmem>>
    %dma_start3A_940 = arith.constant 0 : i32
    %dma_start3A_941 = tpu.memref_slice %arg2[%squeeze3A_928, %dma_start3A_940] : memref<115200x256xf32, #tpu.memory_space<hbm>> -> memref<1x256xf32, #tpu.memory_space<hbm>>
    tpu.enqueue_dma source(%dma_start3A_941 : memref<1x256xf32, #tpu.memory_space<hbm>>) target(%dma_start3A_939 : memref<1x256xf32, #tpu.memory_space<vmem>>) target_semaphore(%arg8 : memref<!tpu.dma_semaphore, #tpu.memory_space<semaphore_mem>>)
    %slice3A_942 = vector.extract_strided_slice %get3A_791 {offsets = [10], sizes = [1], strides = [1]} : vector<16xi32> to vector<1xi32>
    %squeeze3A_943 = vector.extract %slice3A_942[0] : i32 from vector<1xi32>
    %dma_start3A_944 = arith.constant 2 : i32
    %dma_start3A_945 = arith.constant 42 : i32
    %dma_start3A_946 = arith.constant 0 : i32
    %dma_start3A_947 = tpu.memref_slice %arg6[%dma_start3A_944, %dma_start3A_945, %dma_start3A_946] : memref<4x56x256xf32, #tpu.memory_space<vmem>> -> memref<1x1x256xf32, #tpu.memory_space<vmem>>
    %dma_start3A_948 = tpu.memref_squeeze %dma_start3A_947 : memref<1x1x256xf32, #tpu.memory_space<vmem>> -> memref<1x256xf32, #tpu.memory_space<vmem>>
    %dma_start3A_949 = arith.constant 0 : i32
    %dma_start3A_950 = tpu.memref_slice %arg2[%squeeze3A_943, %dma_start3A_949] : memref<115200x256xf32, #tpu.memory_space<hbm>> -> memref<1x256xf32, #tpu.memory_space<hbm>>
    %dma_start3A_951 = arith.constant 42 : i32
    %dma_start3A_952 = arith.constant 0 : i32
    %dma_start3A_953 = tpu.memref_slice %arg6[%dma_start3A_944, %dma_start3A_951, %dma_start3A_952] : memref<4x56x256xf32, #tpu.memory_space<vmem>> -> memref<1x1x256xf32, #tpu.memory_space<vmem>>
    %dma_start3A_954 = tpu.memref_squeeze %dma_start3A_953 : memref<1x1x256xf32, #tpu.memory_space<vmem>> -> memref<1x256xf32, #tpu.memory_space<vmem>>
    %dma_start3A_955 = arith.constant 0 : i32
    %dma_start3A_956 = tpu.memref_slice %arg2[%squeeze3A_943, %dma_start3A_955] : memref<115200x256xf32, #tpu.memory_space<hbm>> -> memref<1x256xf32, #tpu.memory_space<hbm>>
    tpu.enqueue_dma source(%dma_start3A_956 : memref<1x256xf32, #tpu.memory_space<hbm>>) target(%dma_start3A_954 : memref<1x256xf32, #tpu.memory_space<vmem>>) target_semaphore(%arg8 : memref<!tpu.dma_semaphore, #tpu.memory_space<semaphore_mem>>)
    %slice3A_957 = vector.extract_strided_slice %get3A_791 {offsets = [11], sizes = [1], strides = [1]} : vector<16xi32> to vector<1xi32>
    %squeeze3A_958 = vector.extract %slice3A_957[0] : i32 from vector<1xi32>
    %dma_start3A_959 = arith.constant 2 : i32
    %dma_start3A_960 = arith.constant 43 : i32
    %dma_start3A_961 = arith.constant 0 : i32
    %dma_start3A_962 = tpu.memref_slice %arg6[%dma_start3A_959, %dma_start3A_960, %dma_start3A_961] : memref<4x56x256xf32, #tpu.memory_space<vmem>> -> memref<1x1x256xf32, #tpu.memory_space<vmem>>
    %dma_start3A_963 = tpu.memref_squeeze %dma_start3A_962 : memref<1x1x256xf32, #tpu.memory_space<vmem>> -> memref<1x256xf32, #tpu.memory_space<vmem>>
    %dma_start3A_964 = arith.constant 0 : i32
    %dma_start3A_965 = tpu.memref_slice %arg2[%squeeze3A_958, %dma_start3A_964] : memref<115200x256xf32, #tpu.memory_space<hbm>> -> memref<1x256xf32, #tpu.memory_space<hbm>>
    %dma_start3A_966 = arith.constant 43 : i32
    %dma_start3A_967 = arith.constant 0 : i32
    %dma_start3A_968 = tpu.memref_slice %arg6[%dma_start3A_959, %dma_start3A_966, %dma_start3A_967] : memref<4x56x256xf32, #tpu.memory_space<vmem>> -> memref<1x1x256xf32, #tpu.memory_space<vmem>>
    %dma_start3A_969 = tpu.memref_squeeze %dma_start3A_968 : memref<1x1x256xf32, #tpu.memory_space<vmem>> -> memref<1x256xf32, #tpu.memory_space<vmem>>
    %dma_start3A_970 = arith.constant 0 : i32
    %dma_start3A_971 = tpu.memref_slice %arg2[%squeeze3A_958, %dma_start3A_970] : memref<115200x256xf32, #tpu.memory_space<hbm>> -> memref<1x256xf32, #tpu.memory_space<hbm>>
    tpu.enqueue_dma source(%dma_start3A_971 : memref<1x256xf32, #tpu.memory_space<hbm>>) target(%dma_start3A_969 : memref<1x256xf32, #tpu.memory_space<vmem>>) target_semaphore(%arg8 : memref<!tpu.dma_semaphore, #tpu.memory_space<semaphore_mem>>)
    %slice3A_972 = vector.extract_strided_slice %get3A_791 {offsets = [12], sizes = [1], strides = [1]} : vector<16xi32> to vector<1xi32>
    %squeeze3A_973 = vector.extract %slice3A_972[0] : i32 from vector<1xi32>
    %dma_start3A_974 = arith.constant 2 : i32
    %dma_start3A_975 = arith.constant 44 : i32
    %dma_start3A_976 = arith.constant 0 : i32
    %dma_start3A_977 = tpu.memref_slice %arg6[%dma_start3A_974, %dma_start3A_975, %dma_start3A_976] : memref<4x56x256xf32, #tpu.memory_space<vmem>> -> memref<1x1x256xf32, #tpu.memory_space<vmem>>
    %dma_start3A_978 = tpu.memref_squeeze %dma_start3A_977 : memref<1x1x256xf32, #tpu.memory_space<vmem>> -> memref<1x256xf32, #tpu.memory_space<vmem>>
    %dma_start3A_979 = arith.constant 0 : i32
    %dma_start3A_980 = tpu.memref_slice %arg2[%squeeze3A_973, %dma_start3A_979] : memref<115200x256xf32, #tpu.memory_space<hbm>> -> memref<1x256xf32, #tpu.memory_space<hbm>>
    %dma_start3A_981 = arith.constant 44 : i32
    %dma_start3A_982 = arith.constant 0 : i32
    %dma_start3A_983 = tpu.memref_slice %arg6[%dma_start3A_974, %dma_start3A_981, %dma_start3A_982] : memref<4x56x256xf32, #tpu.memory_space<vmem>> -> memref<1x1x256xf32, #tpu.memory_space<vmem>>
    %dma_start3A_984 = tpu.memref_squeeze %dma_start3A_983 : memref<1x1x256xf32, #tpu.memory_space<vmem>> -> memref<1x256xf32, #tpu.memory_space<vmem>>
    %dma_start3A_985 = arith.constant 0 : i32
    %dma_start3A_986 = tpu.memref_slice %arg2[%squeeze3A_973, %dma_start3A_985] : memref<115200x256xf32, #tpu.memory_space<hbm>> -> memref<1x256xf32, #tpu.memory_space<hbm>>
    tpu.enqueue_dma source(%dma_start3A_986 : memref<1x256xf32, #tpu.memory_space<hbm>>) target(%dma_start3A_984 : memref<1x256xf32, #tpu.memory_space<vmem>>) target_semaphore(%arg8 : memref<!tpu.dma_semaphore, #tpu.memory_space<semaphore_mem>>)
    %slice3A_987 = vector.extract_strided_slice %get3A_791 {offsets = [13], sizes = [1], strides = [1]} : vector<16xi32> to vector<1xi32>
    %squeeze3A_988 = vector.extract %slice3A_987[0] : i32 from vector<1xi32>
    %dma_start3A_989 = arith.constant 2 : i32
    %dma_start3A_990 = arith.constant 45 : i32
    %dma_start3A_991 = arith.constant 0 : i32
    %dma_start3A_992 = tpu.memref_slice %arg6[%dma_start3A_989, %dma_start3A_990, %dma_start3A_991] : memref<4x56x256xf32, #tpu.memory_space<vmem>> -> memref<1x1x256xf32, #tpu.memory_space<vmem>>
    %dma_start3A_993 = tpu.memref_squeeze %dma_start3A_992 : memref<1x1x256xf32, #tpu.memory_space<vmem>> -> memref<1x256xf32, #tpu.memory_space<vmem>>
    %dma_start3A_994 = arith.constant 0 : i32
    %dma_start3A_995 = tpu.memref_slice %arg2[%squeeze3A_988, %dma_start3A_994] : memref<115200x256xf32, #tpu.memory_space<hbm>> -> memref<1x256xf32, #tpu.memory_space<hbm>>
    %dma_start3A_996 = arith.constant 45 : i32
    %dma_start3A_997 = arith.constant 0 : i32
    %dma_start3A_998 = tpu.memref_slice %arg6[%dma_start3A_989, %dma_start3A_996, %dma_start3A_997] : memref<4x56x256xf32, #tpu.memory_space<vmem>> -> memref<1x1x256xf32, #tpu.memory_space<vmem>>
    %dma_start3A_999 = tpu.memref_squeeze %dma_start3A_998 : memref<1x1x256xf32, #tpu.memory_space<vmem>> -> memref<1x256xf32, #tpu.memory_space<vmem>>
    %dma_start3A_1000 = arith.constant 0 : i32
    %dma_start3A_1001 = tpu.memref_slice %arg2[%squeeze3A_988, %dma_start3A_1000] : memref<115200x256xf32, #tpu.memory_space<hbm>> -> memref<1x256xf32, #tpu.memory_space<hbm>>
    tpu.enqueue_dma source(%dma_start3A_1001 : memref<1x256xf32, #tpu.memory_space<hbm>>) target(%dma_start3A_999 : memref<1x256xf32, #tpu.memory_space<vmem>>) target_semaphore(%arg8 : memref<!tpu.dma_semaphore, #tpu.memory_space<semaphore_mem>>)
    %slice3A_1002 = vector.extract_strided_slice %get3A_791 {offsets = [14], sizes = [1], strides = [1]} : vector<16xi32> to vector<1xi32>
    %squeeze3A_1003 = vector.extract %slice3A_1002[0] : i32 from vector<1xi32>
    %dma_start3A_1004 = arith.constant 2 : i32
    %dma_start3A_1005 = arith.constant 46 : i32
    %dma_start3A_1006 = arith.constant 0 : i32
    %dma_start3A_1007 = tpu.memref_slice %arg6[%dma_start3A_1004, %dma_start3A_1005, %dma_start3A_1006] : memref<4x56x256xf32, #tpu.memory_space<vmem>> -> memref<1x1x256xf32, #tpu.memory_space<vmem>>
    %dma_start3A_1008 = tpu.memref_squeeze %dma_start3A_1007 : memref<1x1x256xf32, #tpu.memory_space<vmem>> -> memref<1x256xf32, #tpu.memory_space<vmem>>
    %dma_start3A_1009 = arith.constant 0 : i32
    %dma_start3A_1010 = tpu.memref_slice %arg2[%squeeze3A_1003, %dma_start3A_1009] : memref<115200x256xf32, #tpu.memory_space<hbm>> -> memref<1x256xf32, #tpu.memory_space<hbm>>
    %dma_start3A_1011 = arith.constant 46 : i32
    %dma_start3A_1012 = arith.constant 0 : i32
    %dma_start3A_1013 = tpu.memref_slice %arg6[%dma_start3A_1004, %dma_start3A_1011, %dma_start3A_1012] : memref<4x56x256xf32, #tpu.memory_space<vmem>> -> memref<1x1x256xf32, #tpu.memory_space<vmem>>
    %dma_start3A_1014 = tpu.memref_squeeze %dma_start3A_1013 : memref<1x1x256xf32, #tpu.memory_space<vmem>> -> memref<1x256xf32, #tpu.memory_space<vmem>>
    %dma_start3A_1015 = arith.constant 0 : i32
    %dma_start3A_1016 = tpu.memref_slice %arg2[%squeeze3A_1003, %dma_start3A_1015] : memref<115200x256xf32, #tpu.memory_space<hbm>> -> memref<1x256xf32, #tpu.memory_space<hbm>>
    tpu.enqueue_dma source(%dma_start3A_1016 : memref<1x256xf32, #tpu.memory_space<hbm>>) target(%dma_start3A_1014 : memref<1x256xf32, #tpu.memory_space<vmem>>) target_semaphore(%arg8 : memref<!tpu.dma_semaphore, #tpu.memory_space<semaphore_mem>>)
    %slice3A_1017 = vector.extract_strided_slice %get3A_791 {offsets = [15], sizes = [1], strides = [1]} : vector<16xi32> to vector<1xi32>
    %squeeze3A_1018 = vector.extract %slice3A_1017[0] : i32 from vector<1xi32>
    %dma_start3A_1019 = arith.constant 2 : i32
    %dma_start3A_1020 = arith.constant 47 : i32
    %dma_start3A_1021 = arith.constant 0 : i32
    %dma_start3A_1022 = tpu.memref_slice %arg6[%dma_start3A_1019, %dma_start3A_1020, %dma_start3A_1021] : memref<4x56x256xf32, #tpu.memory_space<vmem>> -> memref<1x1x256xf32, #tpu.memory_space<vmem>>
    %dma_start3A_1023 = tpu.memref_squeeze %dma_start3A_1022 : memref<1x1x256xf32, #tpu.memory_space<vmem>> -> memref<1x256xf32, #tpu.memory_space<vmem>>
    %dma_start3A_1024 = arith.constant 0 : i32
    %dma_start3A_1025 = tpu.memref_slice %arg2[%squeeze3A_1018, %dma_start3A_1024] : memref<115200x256xf32, #tpu.memory_space<hbm>> -> memref<1x256xf32, #tpu.memory_space<hbm>>
    %dma_start3A_1026 = arith.constant 47 : i32
    %dma_start3A_1027 = arith.constant 0 : i32
    %dma_start3A_1028 = tpu.memref_slice %arg6[%dma_start3A_1019, %dma_start3A_1026, %dma_start3A_1027] : memref<4x56x256xf32, #tpu.memory_space<vmem>> -> memref<1x1x256xf32, #tpu.memory_space<vmem>>
    %dma_start3A_1029 = tpu.memref_squeeze %dma_start3A_1028 : memref<1x1x256xf32, #tpu.memory_space<vmem>> -> memref<1x256xf32, #tpu.memory_space<vmem>>
    %dma_start3A_1030 = arith.constant 0 : i32
    %dma_start3A_1031 = tpu.memref_slice %arg2[%squeeze3A_1018, %dma_start3A_1030] : memref<115200x256xf32, #tpu.memory_space<hbm>> -> memref<1x256xf32, #tpu.memory_space<hbm>>
    tpu.enqueue_dma source(%dma_start3A_1031 : memref<1x256xf32, #tpu.memory_space<hbm>>) target(%dma_start3A_1029 : memref<1x256xf32, #tpu.memory_space<vmem>>) target_semaphore(%arg8 : memref<!tpu.dma_semaphore, #tpu.memory_space<semaphore_mem>>)
    %get3A_1032 = arith.constant 2 : i32
    %get3A_1033 = arith.index_cast %get3A_1032 : i32 to index
    %get3A_1034 = arith.constant 48 : index
    %get3A_1035 = tpu.vector_load %arg5[%get3A_1033, %get3A_1034] {strides = array<i32>} : memref<4x128xi32, #tpu.memory_space<vmem>>, vector<1x16xi32>,
    %get3A_1036 = vector.shape_cast %get3A_1035 : vector<1x16xi32> to vector<16xi32>
    %slice3A_1037 = vector.extract_strided_slice %get3A_1036 {offsets = [0], sizes = [1], strides = [1]} : vector<16xi32> to vector<1xi32>
    %squeeze3A_1038 = vector.extract %slice3A_1037[0] : i32 from vector<1xi32>
    %dma_start3A_1039 = arith.constant 2 : i32
    %dma_start3A_1040 = arith.constant 48 : i32
    %dma_start3A_1041 = arith.constant 0 : i32
    %dma_start3A_1042 = tpu.memref_slice %arg6[%dma_start3A_1039, %dma_start3A_1040, %dma_start3A_1041] : memref<4x56x256xf32, #tpu.memory_space<vmem>> -> memref<1x1x256xf32, #tpu.memory_space<vmem>>
    %dma_start3A_1043 = tpu.memref_squeeze %dma_start3A_1042 : memref<1x1x256xf32, #tpu.memory_space<vmem>> -> memref<1x256xf32, #tpu.memory_space<vmem>>
    %dma_start3A_1044 = arith.constant 0 : i32
    %dma_start3A_1045 = tpu.memref_slice %arg2[%squeeze3A_1038, %dma_start3A_1044] : memref<115200x256xf32, #tpu.memory_space<hbm>> -> memref<1x256xf32, #tpu.memory_space<hbm>>
    %dma_start3A_1046 = arith.constant 48 : i32
    %dma_start3A_1047 = arith.constant 0 : i32
    %dma_start3A_1048 = tpu.memref_slice %arg6[%dma_start3A_1039, %dma_start3A_1046, %dma_start3A_1047] : memref<4x56x256xf32, #tpu.memory_space<vmem>> -> memref<1x1x256xf32, #tpu.memory_space<vmem>>
    %dma_start3A_1049 = tpu.memref_squeeze %dma_start3A_1048 : memref<1x1x256xf32, #tpu.memory_space<vmem>> -> memref<1x256xf32, #tpu.memory_space<vmem>>
    %dma_start3A_1050 = arith.constant 0 : i32
    %dma_start3A_1051 = tpu.memref_slice %arg2[%squeeze3A_1038, %dma_start3A_1050] : memref<115200x256xf32, #tpu.memory_space<hbm>> -> memref<1x256xf32, #tpu.memory_space<hbm>>
    tpu.enqueue_dma source(%dma_start3A_1051 : memref<1x256xf32, #tpu.memory_space<hbm>>) target(%dma_start3A_1049 : memref<1x256xf32, #tpu.memory_space<vmem>>) target_semaphore(%arg8 : memref<!tpu.dma_semaphore, #tpu.memory_space<semaphore_mem>>)
    %slice3A_1052 = vector.extract_strided_slice %get3A_1036 {offsets = [1], sizes = [1], strides = [1]} : vector<16xi32> to vector<1xi32>
    %squeeze3A_1053 = vector.extract %slice3A_1052[0] : i32 from vector<1xi32>
    %dma_start3A_1054 = arith.constant 2 : i32
    %dma_start3A_1055 = arith.constant 49 : i32
    %dma_start3A_1056 = arith.constant 0 : i32
    %dma_start3A_1057 = tpu.memref_slice %arg6[%dma_start3A_1054, %dma_start3A_1055, %dma_start3A_1056] : memref<4x56x256xf32, #tpu.memory_space<vmem>> -> memref<1x1x256xf32, #tpu.memory_space<vmem>>
    %dma_start3A_1058 = tpu.memref_squeeze %dma_start3A_1057 : memref<1x1x256xf32, #tpu.memory_space<vmem>> -> memref<1x256xf32, #tpu.memory_space<vmem>>
    %dma_start3A_1059 = arith.constant 0 : i32
    %dma_start3A_1060 = tpu.memref_slice %arg2[%squeeze3A_1053, %dma_start3A_1059] : memref<115200x256xf32, #tpu.memory_space<hbm>> -> memref<1x256xf32, #tpu.memory_space<hbm>>
    %dma_start3A_1061 = arith.constant 49 : i32
    %dma_start3A_1062 = arith.constant 0 : i32
    %dma_start3A_1063 = tpu.memref_slice %arg6[%dma_start3A_1054, %dma_start3A_1061, %dma_start3A_1062] : memref<4x56x256xf32, #tpu.memory_space<vmem>> -> memref<1x1x256xf32, #tpu.memory_space<vmem>>
    %dma_start3A_1064 = tpu.memref_squeeze %dma_start3A_1063 : memref<1x1x256xf32, #tpu.memory_space<vmem>> -> memref<1x256xf32, #tpu.memory_space<vmem>>
    %dma_start3A_1065 = arith.constant 0 : i32
    %dma_start3A_1066 = tpu.memref_slice %arg2[%squeeze3A_1053, %dma_start3A_1065] : memref<115200x256xf32, #tpu.memory_space<hbm>> -> memref<1x256xf32, #tpu.memory_space<hbm>>
    tpu.enqueue_dma source(%dma_start3A_1066 : memref<1x256xf32, #tpu.memory_space<hbm>>) target(%dma_start3A_1064 : memref<1x256xf32, #tpu.memory_space<vmem>>) target_semaphore(%arg8 : memref<!tpu.dma_semaphore, #tpu.memory_space<semaphore_mem>>)
    %slice3A_1067 = vector.extract_strided_slice %get3A_1036 {offsets = [2], sizes = [1], strides = [1]} : vector<16xi32> to vector<1xi32>
    %squeeze3A_1068 = vector.extract %slice3A_1067[0] : i32 from vector<1xi32>
    %dma_start3A_1069 = arith.constant 2 : i32
    %dma_start3A_1070 = arith.constant 50 : i32
    %dma_start3A_1071 = arith.constant 0 : i32
    %dma_start3A_1072 = tpu.memref_slice %arg6[%dma_start3A_1069, %dma_start3A_1070, %dma_start3A_1071] : memref<4x56x256xf32, #tpu.memory_space<vmem>> -> memref<1x1x256xf32, #tpu.memory_space<vmem>>
    %dma_start3A_1073 = tpu.memref_squeeze %dma_start3A_1072 : memref<1x1x256xf32, #tpu.memory_space<vmem>> -> memref<1x256xf32, #tpu.memory_space<vmem>>
    %dma_start3A_1074 = arith.constant 0 : i32
    %dma_start3A_1075 = tpu.memref_slice %arg2[%squeeze3A_1068, %dma_start3A_1074] : memref<115200x256xf32, #tpu.memory_space<hbm>> -> memref<1x256xf32, #tpu.memory_space<hbm>>
    %dma_start3A_1076 = arith.constant 50 : i32
    %dma_start3A_1077 = arith.constant 0 : i32
    %dma_start3A_1078 = tpu.memref_slice %arg6[%dma_start3A_1069, %dma_start3A_1076, %dma_start3A_1077] : memref<4x56x256xf32, #tpu.memory_space<vmem>> -> memref<1x1x256xf32, #tpu.memory_space<vmem>>
    %dma_start3A_1079 = tpu.memref_squeeze %dma_start3A_1078 : memref<1x1x256xf32, #tpu.memory_space<vmem>> -> memref<1x256xf32, #tpu.memory_space<vmem>>
    %dma_start3A_1080 = arith.constant 0 : i32
    %dma_start3A_1081 = tpu.memref_slice %arg2[%squeeze3A_1068, %dma_start3A_1080] : memref<115200x256xf32, #tpu.memory_space<hbm>> -> memref<1x256xf32, #tpu.memory_space<hbm>>
    tpu.enqueue_dma source(%dma_start3A_1081 : memref<1x256xf32, #tpu.memory_space<hbm>>) target(%dma_start3A_1079 : memref<1x256xf32, #tpu.memory_space<vmem>>) target_semaphore(%arg8 : memref<!tpu.dma_semaphore, #tpu.memory_space<semaphore_mem>>)
    %slice3A_1082 = vector.extract_strided_slice %get3A_1036 {offsets = [3], sizes = [1], strides = [1]} : vector<16xi32> to vector<1xi32>
    %squeeze3A_1083 = vector.extract %slice3A_1082[0] : i32 from vector<1xi32>
    %dma_start3A_1084 = arith.constant 2 : i32
    %dma_start3A_1085 = arith.constant 51 : i32
    %dma_start3A_1086 = arith.constant 0 : i32
    %dma_start3A_1087 = tpu.memref_slice %arg6[%dma_start3A_1084, %dma_start3A_1085, %dma_start3A_1086] : memref<4x56x256xf32, #tpu.memory_space<vmem>> -> memref<1x1x256xf32, #tpu.memory_space<vmem>>
    %dma_start3A_1088 = tpu.memref_squeeze %dma_start3A_1087 : memref<1x1x256xf32, #tpu.memory_space<vmem>> -> memref<1x256xf32, #tpu.memory_space<vmem>>
    %dma_start3A_1089 = arith.constant 0 : i32
    %dma_start3A_1090 = tpu.memref_slice %arg2[%squeeze3A_1083, %dma_start3A_1089] : memref<115200x256xf32, #tpu.memory_space<hbm>> -> memref<1x256xf32, #tpu.memory_space<hbm>>
    %dma_start3A_1091 = arith.constant 51 : i32
    %dma_start3A_1092 = arith.constant 0 : i32
    %dma_start3A_1093 = tpu.memref_slice %arg6[%dma_start3A_1084, %dma_start3A_1091, %dma_start3A_1092] : memref<4x56x256xf32, #tpu.memory_space<vmem>> -> memref<1x1x256xf32, #tpu.memory_space<vmem>>
    %dma_start3A_1094 = tpu.memref_squeeze %dma_start3A_1093 : memref<1x1x256xf32, #tpu.memory_space<vmem>> -> memref<1x256xf32, #tpu.memory_space<vmem>>
    %dma_start3A_1095 = arith.constant 0 : i32
    %dma_start3A_1096 = tpu.memref_slice %arg2[%squeeze3A_1083, %dma_start3A_1095] : memref<115200x256xf32, #tpu.memory_space<hbm>> -> memref<1x256xf32, #tpu.memory_space<hbm>>
    tpu.enqueue_dma source(%dma_start3A_1096 : memref<1x256xf32, #tpu.memory_space<hbm>>) target(%dma_start3A_1094 : memref<1x256xf32, #tpu.memory_space<vmem>>) target_semaphore(%arg8 : memref<!tpu.dma_semaphore, #tpu.memory_space<semaphore_mem>>)
    %slice3A_1097 = vector.extract_strided_slice %get3A_1036 {offsets = [4], sizes = [1], strides = [1]} : vector<16xi32> to vector<1xi32>
    %squeeze3A_1098 = vector.extract %slice3A_1097[0] : i32 from vector<1xi32>
    %dma_start3A_1099 = arith.constant 2 : i32
    %dma_start3A_1100 = arith.constant 52 : i32
    %dma_start3A_1101 = arith.constant 0 : i32
    %dma_start3A_1102 = tpu.memref_slice %arg6[%dma_start3A_1099, %dma_start3A_1100, %dma_start3A_1101] : memref<4x56x256xf32, #tpu.memory_space<vmem>> -> memref<1x1x256xf32, #tpu.memory_space<vmem>>
    %dma_start3A_1103 = tpu.memref_squeeze %dma_start3A_1102 : memref<1x1x256xf32, #tpu.memory_space<vmem>> -> memref<1x256xf32, #tpu.memory_space<vmem>>
    %dma_start3A_1104 = arith.constant 0 : i32
    %dma_start3A_1105 = tpu.memref_slice %arg2[%squeeze3A_1098, %dma_start3A_1104] : memref<115200x256xf32, #tpu.memory_space<hbm>> -> memref<1x256xf32, #tpu.memory_space<hbm>>
    %dma_start3A_1106 = arith.constant 52 : i32
    %dma_start3A_1107 = arith.constant 0 : i32
    %dma_start3A_1108 = tpu.memref_slice %arg6[%dma_start3A_1099, %dma_start3A_1106, %dma_start3A_1107] : memref<4x56x256xf32, #tpu.memory_space<vmem>> -> memref<1x1x256xf32, #tpu.memory_space<vmem>>
    %dma_start3A_1109 = tpu.memref_squeeze %dma_start3A_1108 : memref<1x1x256xf32, #tpu.memory_space<vmem>> -> memref<1x256xf32, #tpu.memory_space<vmem>>
    %dma_start3A_1110 = arith.constant 0 : i32
    %dma_start3A_1111 = tpu.memref_slice %arg2[%squeeze3A_1098, %dma_start3A_1110] : memref<115200x256xf32, #tpu.memory_space<hbm>> -> memref<1x256xf32, #tpu.memory_space<hbm>>
    tpu.enqueue_dma source(%dma_start3A_1111 : memref<1x256xf32, #tpu.memory_space<hbm>>) target(%dma_start3A_1109 : memref<1x256xf32, #tpu.memory_space<vmem>>) target_semaphore(%arg8 : memref<!tpu.dma_semaphore, #tpu.memory_space<semaphore_mem>>)
    %slice3A_1112 = vector.extract_strided_slice %get3A_1036 {offsets = [5], sizes = [1], strides = [1]} : vector<16xi32> to vector<1xi32>
    %squeeze3A_1113 = vector.extract %slice3A_1112[0] : i32 from vector<1xi32>
    %dma_start3A_1114 = arith.constant 2 : i32
    %dma_start3A_1115 = arith.constant 53 : i32
    %dma_start3A_1116 = arith.constant 0 : i32
    %dma_start3A_1117 = tpu.memref_slice %arg6[%dma_start3A_1114, %dma_start3A_1115, %dma_start3A_1116] : memref<4x56x256xf32, #tpu.memory_space<vmem>> -> memref<1x1x256xf32, #tpu.memory_space<vmem>>
    %dma_start3A_1118 = tpu.memref_squeeze %dma_start3A_1117 : memref<1x1x256xf32, #tpu.memory_space<vmem>> -> memref<1x256xf32, #tpu.memory_space<vmem>>
    %dma_start3A_1119 = arith.constant 0 : i32
    %dma_start3A_1120 = tpu.memref_slice %arg2[%squeeze3A_1113, %dma_start3A_1119] : memref<115200x256xf32, #tpu.memory_space<hbm>> -> memref<1x256xf32, #tpu.memory_space<hbm>>
    %dma_start3A_1121 = arith.constant 53 : i32
    %dma_start3A_1122 = arith.constant 0 : i32
    %dma_start3A_1123 = tpu.memref_slice %arg6[%dma_start3A_1114, %dma_start3A_1121, %dma_start3A_1122] : memref<4x56x256xf32, #tpu.memory_space<vmem>> -> memref<1x1x256xf32, #tpu.memory_space<vmem>>
    %dma_start3A_1124 = tpu.memref_squeeze %dma_start3A_1123 : memref<1x1x256xf32, #tpu.memory_space<vmem>> -> memref<1x256xf32, #tpu.memory_space<vmem>>
    %dma_start3A_1125 = arith.constant 0 : i32
    %dma_start3A_1126 = tpu.memref_slice %arg2[%squeeze3A_1113, %dma_start3A_1125] : memref<115200x256xf32, #tpu.memory_space<hbm>> -> memref<1x256xf32, #tpu.memory_space<hbm>>
    tpu.enqueue_dma source(%dma_start3A_1126 : memref<1x256xf32, #tpu.memory_space<hbm>>) target(%dma_start3A_1124 : memref<1x256xf32, #tpu.memory_space<vmem>>) target_semaphore(%arg8 : memref<!tpu.dma_semaphore, #tpu.memory_space<semaphore_mem>>)
    %slice3A_1127 = vector.extract_strided_slice %get3A_1036 {offsets = [6], sizes = [1], strides = [1]} : vector<16xi32> to vector<1xi32>
    %squeeze3A_1128 = vector.extract %slice3A_1127[0] : i32 from vector<1xi32>
    %dma_start3A_1129 = arith.constant 2 : i32
    %dma_start3A_1130 = arith.constant 54 : i32
    %dma_start3A_1131 = arith.constant 0 : i32
    %dma_start3A_1132 = tpu.memref_slice %arg6[%dma_start3A_1129, %dma_start3A_1130, %dma_start3A_1131] : memref<4x56x256xf32, #tpu.memory_space<vmem>> -> memref<1x1x256xf32, #tpu.memory_space<vmem>>
    %dma_start3A_1133 = tpu.memref_squeeze %dma_start3A_1132 : memref<1x1x256xf32, #tpu.memory_space<vmem>> -> memref<1x256xf32, #tpu.memory_space<vmem>>
    %dma_start3A_1134 = arith.constant 0 : i32
    %dma_start3A_1135 = tpu.memref_slice %arg2[%squeeze3A_1128, %dma_start3A_1134] : memref<115200x256xf32, #tpu.memory_space<hbm>> -> memref<1x256xf32, #tpu.memory_space<hbm>>
    %dma_start3A_1136 = arith.constant 54 : i32
    %dma_start3A_1137 = arith.constant 0 : i32
    %dma_start3A_1138 = tpu.memref_slice %arg6[%dma_start3A_1129, %dma_start3A_1136, %dma_start3A_1137] : memref<4x56x256xf32, #tpu.memory_space<vmem>> -> memref<1x1x256xf32, #tpu.memory_space<vmem>>
    %dma_start3A_1139 = tpu.memref_squeeze %dma_start3A_1138 : memref<1x1x256xf32, #tpu.memory_space<vmem>> -> memref<1x256xf32, #tpu.memory_space<vmem>>
    %dma_start3A_1140 = arith.constant 0 : i32
    %dma_start3A_1141 = tpu.memref_slice %arg2[%squeeze3A_1128, %dma_start3A_1140] : memref<115200x256xf32, #tpu.memory_space<hbm>> -> memref<1x256xf32, #tpu.memory_space<hbm>>
    tpu.enqueue_dma source(%dma_start3A_1141 : memref<1x256xf32, #tpu.memory_space<hbm>>) target(%dma_start3A_1139 : memref<1x256xf32, #tpu.memory_space<vmem>>) target_semaphore(%arg8 : memref<!tpu.dma_semaphore, #tpu.memory_space<semaphore_mem>>)
    %slice3A_1142 = vector.extract_strided_slice %get3A_1036 {offsets = [7], sizes = [1], strides = [1]} : vector<16xi32> to vector<1xi32>
    %squeeze3A_1143 = vector.extract %slice3A_1142[0] : i32 from vector<1xi32>
    %dma_start3A_1144 = arith.constant 2 : i32
    %dma_start3A_1145 = arith.constant 55 : i32
    %dma_start3A_1146 = arith.constant 0 : i32
    %dma_start3A_1147 = tpu.memref_slice %arg6[%dma_start3A_1144, %dma_start3A_1145, %dma_start3A_1146] : memref<4x56x256xf32, #tpu.memory_space<vmem>> -> memref<1x1x256xf32, #tpu.memory_space<vmem>>
    %dma_start3A_1148 = tpu.memref_squeeze %dma_start3A_1147 : memref<1x1x256xf32, #tpu.memory_space<vmem>> -> memref<1x256xf32, #tpu.memory_space<vmem>>
    %dma_start3A_1149 = arith.constant 0 : i32
    %dma_start3A_1150 = tpu.memref_slice %arg2[%squeeze3A_1143, %dma_start3A_1149] : memref<115200x256xf32, #tpu.memory_space<hbm>> -> memref<1x256xf32, #tpu.memory_space<hbm>>
    %dma_start3A_1151 = arith.constant 55 : i32
    %dma_start3A_1152 = arith.constant 0 : i32
    %dma_start3A_1153 = tpu.memref_slice %arg6[%dma_start3A_1144, %dma_start3A_1151, %dma_start3A_1152] : memref<4x56x256xf32, #tpu.memory_space<vmem>> -> memref<1x1x256xf32, #tpu.memory_space<vmem>>
    %dma_start3A_1154 = tpu.memref_squeeze %dma_start3A_1153 : memref<1x1x256xf32, #tpu.memory_space<vmem>> -> memref<1x256xf32, #tpu.memory_space<vmem>>
    %dma_start3A_1155 = arith.constant 0 : i32
    %dma_start3A_1156 = tpu.memref_slice %arg2[%squeeze3A_1143, %dma_start3A_1155] : memref<115200x256xf32, #tpu.memory_space<hbm>> -> memref<1x256xf32, #tpu.memory_space<hbm>>
    tpu.enqueue_dma source(%dma_start3A_1156 : memref<1x256xf32, #tpu.memory_space<hbm>>) target(%dma_start3A_1154 : memref<1x256xf32, #tpu.memory_space<vmem>>) target_semaphore(%arg8 : memref<!tpu.dma_semaphore, #tpu.memory_space<semaphore_mem>>)
    %get3A_1157 = arith.constant 3 : i32
    %get3A_1158 = arith.index_cast %get3A_1157 : i32 to index
    %get3A_1159 = arith.constant 32 : index
    %get3A_1160 = tpu.vector_load %arg5[%get3A_1158, %get3A_1159] {strides = array<i32>} : memref<4x128xi32, #tpu.memory_space<vmem>>, vector<1x16xi32>,
    %get3A_1161 = vector.shape_cast %get3A_1160 : vector<1x16xi32> to vector<16xi32>
    %slice3A_1162 = vector.extract_strided_slice %get3A_1161 {offsets = [0], sizes = [1], strides = [1]} : vector<16xi32> to vector<1xi32>
    %squeeze3A_1163 = vector.extract %slice3A_1162[0] : i32 from vector<1xi32>
    %dma_start3A_1164 = arith.constant 3 : i32
    %dma_start3A_1165 = arith.constant 32 : i32
    %dma_start3A_1166 = arith.constant 0 : i32
    %dma_start3A_1167 = tpu.memref_slice %arg6[%dma_start3A_1164, %dma_start3A_1165, %dma_start3A_1166] : memref<4x56x256xf32, #tpu.memory_space<vmem>> -> memref<1x1x256xf32, #tpu.memory_space<vmem>>
    %dma_start3A_1168 = tpu.memref_squeeze %dma_start3A_1167 : memref<1x1x256xf32, #tpu.memory_space<vmem>> -> memref<1x256xf32, #tpu.memory_space<vmem>>
    %dma_start3A_1169 = arith.constant 0 : i32
    %dma_start3A_1170 = tpu.memref_slice %arg2[%squeeze3A_1163, %dma_start3A_1169] : memref<115200x256xf32, #tpu.memory_space<hbm>> -> memref<1x256xf32, #tpu.memory_space<hbm>>
    %dma_start3A_1171 = arith.constant 32 : i32
    %dma_start3A_1172 = arith.constant 0 : i32
    %dma_start3A_1173 = tpu.memref_slice %arg6[%dma_start3A_1164, %dma_start3A_1171, %dma_start3A_1172] : memref<4x56x256xf32, #tpu.memory_space<vmem>> -> memref<1x1x256xf32, #tpu.memory_space<vmem>>
    %dma_start3A_1174 = tpu.memref_squeeze %dma_start3A_1173 : memref<1x1x256xf32, #tpu.memory_space<vmem>> -> memref<1x256xf32, #tpu.memory_space<vmem>>
    %dma_start3A_1175 = arith.constant 0 : i32
    %dma_start3A_1176 = tpu.memref_slice %arg2[%squeeze3A_1163, %dma_start3A_1175] : memref<115200x256xf32, #tpu.memory_space<hbm>> -> memref<1x256xf32, #tpu.memory_space<hbm>>
    tpu.enqueue_dma source(%dma_start3A_1176 : memref<1x256xf32, #tpu.memory_space<hbm>>) target(%dma_start3A_1174 : memref<1x256xf32, #tpu.memory_space<vmem>>) target_semaphore(%arg8 : memref<!tpu.dma_semaphore, #tpu.memory_space<semaphore_mem>>)
    %slice3A_1177 = vector.extract_strided_slice %get3A_1161 {offsets = [1], sizes = [1], strides = [1]} : vector<16xi32> to vector<1xi32>
    %squeeze3A_1178 = vector.extract %slice3A_1177[0] : i32 from vector<1xi32>
    %dma_start3A_1179 = arith.constant 3 : i32
    %dma_start3A_1180 = arith.constant 33 : i32
    %dma_start3A_1181 = arith.constant 0 : i32
    %dma_start3A_1182 = tpu.memref_slice %arg6[%dma_start3A_1179, %dma_start3A_1180, %dma_start3A_1181] : memref<4x56x256xf32, #tpu.memory_space<vmem>> -> memref<1x1x256xf32, #tpu.memory_space<vmem>>
    %dma_start3A_1183 = tpu.memref_squeeze %dma_start3A_1182 : memref<1x1x256xf32, #tpu.memory_space<vmem>> -> memref<1x256xf32, #tpu.memory_space<vmem>>
    %dma_start3A_1184 = arith.constant 0 : i32
    %dma_start3A_1185 = tpu.memref_slice %arg2[%squeeze3A_1178, %dma_start3A_1184] : memref<115200x256xf32, #tpu.memory_space<hbm>> -> memref<1x256xf32, #tpu.memory_space<hbm>>
    %dma_start3A_1186 = arith.constant 33 : i32
    %dma_start3A_1187 = arith.constant 0 : i32
    %dma_start3A_1188 = tpu.memref_slice %arg6[%dma_start3A_1179, %dma_start3A_1186, %dma_start3A_1187] : memref<4x56x256xf32, #tpu.memory_space<vmem>> -> memref<1x1x256xf32, #tpu.memory_space<vmem>>
    %dma_start3A_1189 = tpu.memref_squeeze %dma_start3A_1188 : memref<1x1x256xf32, #tpu.memory_space<vmem>> -> memref<1x256xf32, #tpu.memory_space<vmem>>
    %dma_start3A_1190 = arith.constant 0 : i32
    %dma_start3A_1191 = tpu.memref_slice %arg2[%squeeze3A_1178, %dma_start3A_1190] : memref<115200x256xf32, #tpu.memory_space<hbm>> -> memref<1x256xf32, #tpu.memory_space<hbm>>
    tpu.enqueue_dma source(%dma_start3A_1191 : memref<1x256xf32, #tpu.memory_space<hbm>>) target(%dma_start3A_1189 : memref<1x256xf32, #tpu.memory_space<vmem>>) target_semaphore(%arg8 : memref<!tpu.dma_semaphore, #tpu.memory_space<semaphore_mem>>)
    %slice3A_1192 = vector.extract_strided_slice %get3A_1161 {offsets = [2], sizes = [1], strides = [1]} : vector<16xi32> to vector<1xi32>
    %squeeze3A_1193 = vector.extract %slice3A_1192[0] : i32 from vector<1xi32>
    %dma_start3A_1194 = arith.constant 3 : i32
    %dma_start3A_1195 = arith.constant 34 : i32
    %dma_start3A_1196 = arith.constant 0 : i32
    %dma_start3A_1197 = tpu.memref_slice %arg6[%dma_start3A_1194, %dma_start3A_1195, %dma_start3A_1196] : memref<4x56x256xf32, #tpu.memory_space<vmem>> -> memref<1x1x256xf32, #tpu.memory_space<vmem>>
    %dma_start3A_1198 = tpu.memref_squeeze %dma_start3A_1197 : memref<1x1x256xf32, #tpu.memory_space<vmem>> -> memref<1x256xf32, #tpu.memory_space<vmem>>
    %dma_start3A_1199 = arith.constant 0 : i32
    %dma_start3A_1200 = tpu.memref_slice %arg2[%squeeze3A_1193, %dma_start3A_1199] : memref<115200x256xf32, #tpu.memory_space<hbm>> -> memref<1x256xf32, #tpu.memory_space<hbm>>
    %dma_start3A_1201 = arith.constant 34 : i32
    %dma_start3A_1202 = arith.constant 0 : i32
    %dma_start3A_1203 = tpu.memref_slice %arg6[%dma_start3A_1194, %dma_start3A_1201, %dma_start3A_1202] : memref<4x56x256xf32, #tpu.memory_space<vmem>> -> memref<1x1x256xf32, #tpu.memory_space<vmem>>
    %dma_start3A_1204 = tpu.memref_squeeze %dma_start3A_1203 : memref<1x1x256xf32, #tpu.memory_space<vmem>> -> memref<1x256xf32, #tpu.memory_space<vmem>>
    %dma_start3A_1205 = arith.constant 0 : i32
    %dma_start3A_1206 = tpu.memref_slice %arg2[%squeeze3A_1193, %dma_start3A_1205] : memref<115200x256xf32, #tpu.memory_space<hbm>> -> memref<1x256xf32, #tpu.memory_space<hbm>>
    tpu.enqueue_dma source(%dma_start3A_1206 : memref<1x256xf32, #tpu.memory_space<hbm>>) target(%dma_start3A_1204 : memref<1x256xf32, #tpu.memory_space<vmem>>) target_semaphore(%arg8 : memref<!tpu.dma_semaphore, #tpu.memory_space<semaphore_mem>>)
    %slice3A_1207 = vector.extract_strided_slice %get3A_1161 {offsets = [3], sizes = [1], strides = [1]} : vector<16xi32> to vector<1xi32>
    %squeeze3A_1208 = vector.extract %slice3A_1207[0] : i32 from vector<1xi32>
    %dma_start3A_1209 = arith.constant 3 : i32
    %dma_start3A_1210 = arith.constant 35 : i32
    %dma_start3A_1211 = arith.constant 0 : i32
    %dma_start3A_1212 = tpu.memref_slice %arg6[%dma_start3A_1209, %dma_start3A_1210, %dma_start3A_1211] : memref<4x56x256xf32, #tpu.memory_space<vmem>> -> memref<1x1x256xf32, #tpu.memory_space<vmem>>
    %dma_start3A_1213 = tpu.memref_squeeze %dma_start3A_1212 : memref<1x1x256xf32, #tpu.memory_space<vmem>> -> memref<1x256xf32, #tpu.memory_space<vmem>>
    %dma_start3A_1214 = arith.constant 0 : i32
    %dma_start3A_1215 = tpu.memref_slice %arg2[%squeeze3A_1208, %dma_start3A_1214] : memref<115200x256xf32, #tpu.memory_space<hbm>> -> memref<1x256xf32, #tpu.memory_space<hbm>>
    %dma_start3A_1216 = arith.constant 35 : i32
    %dma_start3A_1217 = arith.constant 0 : i32
    %dma_start3A_1218 = tpu.memref_slice %arg6[%dma_start3A_1209, %dma_start3A_1216, %dma_start3A_1217] : memref<4x56x256xf32, #tpu.memory_space<vmem>> -> memref<1x1x256xf32, #tpu.memory_space<vmem>>
    %dma_start3A_1219 = tpu.memref_squeeze %dma_start3A_1218 : memref<1x1x256xf32, #tpu.memory_space<vmem>> -> memref<1x256xf32, #tpu.memory_space<vmem>>
    %dma_start3A_1220 = arith.constant 0 : i32
    %dma_start3A_1221 = tpu.memref_slice %arg2[%squeeze3A_1208, %dma_start3A_1220] : memref<115200x256xf32, #tpu.memory_space<hbm>> -> memref<1x256xf32, #tpu.memory_space<hbm>>
    tpu.enqueue_dma source(%dma_start3A_1221 : memref<1x256xf32, #tpu.memory_space<hbm>>) target(%dma_start3A_1219 : memref<1x256xf32, #tpu.memory_space<vmem>>) target_semaphore(%arg8 : memref<!tpu.dma_semaphore, #tpu.memory_space<semaphore_mem>>)
    %slice3A_1222 = vector.extract_strided_slice %get3A_1161 {offsets = [4], sizes = [1], strides = [1]} : vector<16xi32> to vector<1xi32>
    %squeeze3A_1223 = vector.extract %slice3A_1222[0] : i32 from vector<1xi32>
    %dma_start3A_1224 = arith.constant 3 : i32
    %dma_start3A_1225 = arith.constant 36 : i32
    %dma_start3A_1226 = arith.constant 0 : i32
    %dma_start3A_1227 = tpu.memref_slice %arg6[%dma_start3A_1224, %dma_start3A_1225, %dma_start3A_1226] : memref<4x56x256xf32, #tpu.memory_space<vmem>> -> memref<1x1x256xf32, #tpu.memory_space<vmem>>
    %dma_start3A_1228 = tpu.memref_squeeze %dma_start3A_1227 : memref<1x1x256xf32, #tpu.memory_space<vmem>> -> memref<1x256xf32, #tpu.memory_space<vmem>>
    %dma_start3A_1229 = arith.constant 0 : i32
    %dma_start3A_1230 = tpu.memref_slice %arg2[%squeeze3A_1223, %dma_start3A_1229] : memref<115200x256xf32, #tpu.memory_space<hbm>> -> memref<1x256xf32, #tpu.memory_space<hbm>>
    %dma_start3A_1231 = arith.constant 36 : i32
    %dma_start3A_1232 = arith.constant 0 : i32
    %dma_start3A_1233 = tpu.memref_slice %arg6[%dma_start3A_1224, %dma_start3A_1231, %dma_start3A_1232] : memref<4x56x256xf32, #tpu.memory_space<vmem>> -> memref<1x1x256xf32, #tpu.memory_space<vmem>>
    %dma_start3A_1234 = tpu.memref_squeeze %dma_start3A_1233 : memref<1x1x256xf32, #tpu.memory_space<vmem>> -> memref<1x256xf32, #tpu.memory_space<vmem>>
    %dma_start3A_1235 = arith.constant 0 : i32
    %dma_start3A_1236 = tpu.memref_slice %arg2[%squeeze3A_1223, %dma_start3A_1235] : memref<115200x256xf32, #tpu.memory_space<hbm>> -> memref<1x256xf32, #tpu.memory_space<hbm>>
    tpu.enqueue_dma source(%dma_start3A_1236 : memref<1x256xf32, #tpu.memory_space<hbm>>) target(%dma_start3A_1234 : memref<1x256xf32, #tpu.memory_space<vmem>>) target_semaphore(%arg8 : memref<!tpu.dma_semaphore, #tpu.memory_space<semaphore_mem>>)
    %slice3A_1237 = vector.extract_strided_slice %get3A_1161 {offsets = [5], sizes = [1], strides = [1]} : vector<16xi32> to vector<1xi32>
    %squeeze3A_1238 = vector.extract %slice3A_1237[0] : i32 from vector<1xi32>
    %dma_start3A_1239 = arith.constant 3 : i32
    %dma_start3A_1240 = arith.constant 37 : i32
    %dma_start3A_1241 = arith.constant 0 : i32
    %dma_start3A_1242 = tpu.memref_slice %arg6[%dma_start3A_1239, %dma_start3A_1240, %dma_start3A_1241] : memref<4x56x256xf32, #tpu.memory_space<vmem>> -> memref<1x1x256xf32, #tpu.memory_space<vmem>>
    %dma_start3A_1243 = tpu.memref_squeeze %dma_start3A_1242 : memref<1x1x256xf32, #tpu.memory_space<vmem>> -> memref<1x256xf32, #tpu.memory_space<vmem>>
    %dma_start3A_1244 = arith.constant 0 : i32
    %dma_start3A_1245 = tpu.memref_slice %arg2[%squeeze3A_1238, %dma_start3A_1244] : memref<115200x256xf32, #tpu.memory_space<hbm>> -> memref<1x256xf32, #tpu.memory_space<hbm>>
    %dma_start3A_1246 = arith.constant 37 : i32
    %dma_start3A_1247 = arith.constant 0 : i32
    %dma_start3A_1248 = tpu.memref_slice %arg6[%dma_start3A_1239, %dma_start3A_1246, %dma_start3A_1247] : memref<4x56x256xf32, #tpu.memory_space<vmem>> -> memref<1x1x256xf32, #tpu.memory_space<vmem>>
    %dma_start3A_1249 = tpu.memref_squeeze %dma_start3A_1248 : memref<1x1x256xf32, #tpu.memory_space<vmem>> -> memref<1x256xf32, #tpu.memory_space<vmem>>
    %dma_start3A_1250 = arith.constant 0 : i32
    %dma_start3A_1251 = tpu.memref_slice %arg2[%squeeze3A_1238, %dma_start3A_1250] : memref<115200x256xf32, #tpu.memory_space<hbm>> -> memref<1x256xf32, #tpu.memory_space<hbm>>
    tpu.enqueue_dma source(%dma_start3A_1251 : memref<1x256xf32, #tpu.memory_space<hbm>>) target(%dma_start3A_1249 : memref<1x256xf32, #tpu.memory_space<vmem>>) target_semaphore(%arg8 : memref<!tpu.dma_semaphore, #tpu.memory_space<semaphore_mem>>)
    %slice3A_1252 = vector.extract_strided_slice %get3A_1161 {offsets = [6], sizes = [1], strides = [1]} : vector<16xi32> to vector<1xi32>
    %squeeze3A_1253 = vector.extract %slice3A_1252[0] : i32 from vector<1xi32>
    %dma_start3A_1254 = arith.constant 3 : i32
    %dma_start3A_1255 = arith.constant 38 : i32
    %dma_start3A_1256 = arith.constant 0 : i32
    %dma_start3A_1257 = tpu.memref_slice %arg6[%dma_start3A_1254, %dma_start3A_1255, %dma_start3A_1256] : memref<4x56x256xf32, #tpu.memory_space<vmem>> -> memref<1x1x256xf32, #tpu.memory_space<vmem>>
    %dma_start3A_1258 = tpu.memref_squeeze %dma_start3A_1257 : memref<1x1x256xf32, #tpu.memory_space<vmem>> -> memref<1x256xf32, #tpu.memory_space<vmem>>
    %dma_start3A_1259 = arith.constant 0 : i32
    %dma_start3A_1260 = tpu.memref_slice %arg2[%squeeze3A_1253, %dma_start3A_1259] : memref<115200x256xf32, #tpu.memory_space<hbm>> -> memref<1x256xf32, #tpu.memory_space<hbm>>
    %dma_start3A_1261 = arith.constant 38 : i32
    %dma_start3A_1262 = arith.constant 0 : i32
    %dma_start3A_1263 = tpu.memref_slice %arg6[%dma_start3A_1254, %dma_start3A_1261, %dma_start3A_1262] : memref<4x56x256xf32, #tpu.memory_space<vmem>> -> memref<1x1x256xf32, #tpu.memory_space<vmem>>
    %dma_start3A_1264 = tpu.memref_squeeze %dma_start3A_1263 : memref<1x1x256xf32, #tpu.memory_space<vmem>> -> memref<1x256xf32, #tpu.memory_space<vmem>>
    %dma_start3A_1265 = arith.constant 0 : i32
    %dma_start3A_1266 = tpu.memref_slice %arg2[%squeeze3A_1253, %dma_start3A_1265] : memref<115200x256xf32, #tpu.memory_space<hbm>> -> memref<1x256xf32, #tpu.memory_space<hbm>>
    tpu.enqueue_dma source(%dma_start3A_1266 : memref<1x256xf32, #tpu.memory_space<hbm>>) target(%dma_start3A_1264 : memref<1x256xf32, #tpu.memory_space<vmem>>) target_semaphore(%arg8 : memref<!tpu.dma_semaphore, #tpu.memory_space<semaphore_mem>>)
    %slice3A_1267 = vector.extract_strided_slice %get3A_1161 {offsets = [7], sizes = [1], strides = [1]} : vector<16xi32> to vector<1xi32>
    %squeeze3A_1268 = vector.extract %slice3A_1267[0] : i32 from vector<1xi32>
    %dma_start3A_1269 = arith.constant 3 : i32
    %dma_start3A_1270 = arith.constant 39 : i32
    %dma_start3A_1271 = arith.constant 0 : i32
    %dma_start3A_1272 = tpu.memref_slice %arg6[%dma_start3A_1269, %dma_start3A_1270, %dma_start3A_1271] : memref<4x56x256xf32, #tpu.memory_space<vmem>> -> memref<1x1x256xf32, #tpu.memory_space<vmem>>
    %dma_start3A_1273 = tpu.memref_squeeze %dma_start3A_1272 : memref<1x1x256xf32, #tpu.memory_space<vmem>> -> memref<1x256xf32, #tpu.memory_space<vmem>>
    %dma_start3A_1274 = arith.constant 0 : i32
    %dma_start3A_1275 = tpu.memref_slice %arg2[%squeeze3A_1268, %dma_start3A_1274] : memref<115200x256xf32, #tpu.memory_space<hbm>> -> memref<1x256xf32, #tpu.memory_space<hbm>>
    %dma_start3A_1276 = arith.constant 39 : i32
    %dma_start3A_1277 = arith.constant 0 : i32
    %dma_start3A_1278 = tpu.memref_slice %arg6[%dma_start3A_1269, %dma_start3A_1276, %dma_start3A_1277] : memref<4x56x256xf32, #tpu.memory_space<vmem>> -> memref<1x1x256xf32, #tpu.memory_space<vmem>>
    %dma_start3A_1279 = tpu.memref_squeeze %dma_start3A_1278 : memref<1x1x256xf32, #tpu.memory_space<vmem>> -> memref<1x256xf32, #tpu.memory_space<vmem>>
    %dma_start3A_1280 = arith.constant 0 : i32
    %dma_start3A_1281 = tpu.memref_slice %arg2[%squeeze3A_1268, %dma_start3A_1280] : memref<115200x256xf32, #tpu.memory_space<hbm>> -> memref<1x256xf32, #tpu.memory_space<hbm>>
    tpu.enqueue_dma source(%dma_start3A_1281 : memref<1x256xf32, #tpu.memory_space<hbm>>) target(%dma_start3A_1279 : memref<1x256xf32, #tpu.memory_space<vmem>>) target_semaphore(%arg8 : memref<!tpu.dma_semaphore, #tpu.memory_space<semaphore_mem>>)
    %slice3A_1282 = vector.extract_strided_slice %get3A_1161 {offsets = [8], sizes = [1], strides = [1]} : vector<16xi32> to vector<1xi32>
    %squeeze3A_1283 = vector.extract %slice3A_1282[0] : i32 from vector<1xi32>
    %dma_start3A_1284 = arith.constant 3 : i32
    %dma_start3A_1285 = arith.constant 40 : i32
    %dma_start3A_1286 = arith.constant 0 : i32
    %dma_start3A_1287 = tpu.memref_slice %arg6[%dma_start3A_1284, %dma_start3A_1285, %dma_start3A_1286] : memref<4x56x256xf32, #tpu.memory_space<vmem>> -> memref<1x1x256xf32, #tpu.memory_space<vmem>>
    %dma_start3A_1288 = tpu.memref_squeeze %dma_start3A_1287 : memref<1x1x256xf32, #tpu.memory_space<vmem>> -> memref<1x256xf32, #tpu.memory_space<vmem>>
    %dma_start3A_1289 = arith.constant 0 : i32
    %dma_start3A_1290 = tpu.memref_slice %arg2[%squeeze3A_1283, %dma_start3A_1289] : memref<115200x256xf32, #tpu.memory_space<hbm>> -> memref<1x256xf32, #tpu.memory_space<hbm>>
    %dma_start3A_1291 = arith.constant 40 : i32
    %dma_start3A_1292 = arith.constant 0 : i32
    %dma_start3A_1293 = tpu.memref_slice %arg6[%dma_start3A_1284, %dma_start3A_1291, %dma_start3A_1292] : memref<4x56x256xf32, #tpu.memory_space<vmem>> -> memref<1x1x256xf32, #tpu.memory_space<vmem>>
    %dma_start3A_1294 = tpu.memref_squeeze %dma_start3A_1293 : memref<1x1x256xf32, #tpu.memory_space<vmem>> -> memref<1x256xf32, #tpu.memory_space<vmem>>
    %dma_start3A_1295 = arith.constant 0 : i32
    %dma_start3A_1296 = tpu.memref_slice %arg2[%squeeze3A_1283, %dma_start3A_1295] : memref<115200x256xf32, #tpu.memory_space<hbm>> -> memref<1x256xf32, #tpu.memory_space<hbm>>
    tpu.enqueue_dma source(%dma_start3A_1296 : memref<1x256xf32, #tpu.memory_space<hbm>>) target(%dma_start3A_1294 : memref<1x256xf32, #tpu.memory_space<vmem>>) target_semaphore(%arg8 : memref<!tpu.dma_semaphore, #tpu.memory_space<semaphore_mem>>)
    %slice3A_1297 = vector.extract_strided_slice %get3A_1161 {offsets = [9], sizes = [1], strides = [1]} : vector<16xi32> to vector<1xi32>
    %squeeze3A_1298 = vector.extract %slice3A_1297[0] : i32 from vector<1xi32>
    %dma_start3A_1299 = arith.constant 3 : i32
    %dma_start3A_1300 = arith.constant 41 : i32
    %dma_start3A_1301 = arith.constant 0 : i32
    %dma_start3A_1302 = tpu.memref_slice %arg6[%dma_start3A_1299, %dma_start3A_1300, %dma_start3A_1301] : memref<4x56x256xf32, #tpu.memory_space<vmem>> -> memref<1x1x256xf32, #tpu.memory_space<vmem>>
    %dma_start3A_1303 = tpu.memref_squeeze %dma_start3A_1302 : memref<1x1x256xf32, #tpu.memory_space<vmem>> -> memref<1x256xf32, #tpu.memory_space<vmem>>
    %dma_start3A_1304 = arith.constant 0 : i32
    %dma_start3A_1305 = tpu.memref_slice %arg2[%squeeze3A_1298, %dma_start3A_1304] : memref<115200x256xf32, #tpu.memory_space<hbm>> -> memref<1x256xf32, #tpu.memory_space<hbm>>
    %dma_start3A_1306 = arith.constant 41 : i32
    %dma_start3A_1307 = arith.constant 0 : i32
    %dma_start3A_1308 = tpu.memref_slice %arg6[%dma_start3A_1299, %dma_start3A_1306, %dma_start3A_1307] : memref<4x56x256xf32, #tpu.memory_space<vmem>> -> memref<1x1x256xf32, #tpu.memory_space<vmem>>
    %dma_start3A_1309 = tpu.memref_squeeze %dma_start3A_1308 : memref<1x1x256xf32, #tpu.memory_space<vmem>> -> memref<1x256xf32, #tpu.memory_space<vmem>>
    %dma_start3A_1310 = arith.constant 0 : i32
    %dma_start3A_1311 = tpu.memref_slice %arg2[%squeeze3A_1298, %dma_start3A_1310] : memref<115200x256xf32, #tpu.memory_space<hbm>> -> memref<1x256xf32, #tpu.memory_space<hbm>>
    tpu.enqueue_dma source(%dma_start3A_1311 : memref<1x256xf32, #tpu.memory_space<hbm>>) target(%dma_start3A_1309 : memref<1x256xf32, #tpu.memory_space<vmem>>) target_semaphore(%arg8 : memref<!tpu.dma_semaphore, #tpu.memory_space<semaphore_mem>>)
    %slice3A_1312 = vector.extract_strided_slice %get3A_1161 {offsets = [10], sizes = [1], strides = [1]} : vector<16xi32> to vector<1xi32>
    %squeeze3A_1313 = vector.extract %slice3A_1312[0] : i32 from vector<1xi32>
    %dma_start3A_1314 = arith.constant 3 : i32
    %dma_start3A_1315 = arith.constant 42 : i32
    %dma_start3A_1316 = arith.constant 0 : i32
    %dma_start3A_1317 = tpu.memref_slice %arg6[%dma_start3A_1314, %dma_start3A_1315, %dma_start3A_1316] : memref<4x56x256xf32, #tpu.memory_space<vmem>> -> memref<1x1x256xf32, #tpu.memory_space<vmem>>
    %dma_start3A_1318 = tpu.memref_squeeze %dma_start3A_1317 : memref<1x1x256xf32, #tpu.memory_space<vmem>> -> memref<1x256xf32, #tpu.memory_space<vmem>>
    %dma_start3A_1319 = arith.constant 0 : i32
    %dma_start3A_1320 = tpu.memref_slice %arg2[%squeeze3A_1313, %dma_start3A_1319] : memref<115200x256xf32, #tpu.memory_space<hbm>> -> memref<1x256xf32, #tpu.memory_space<hbm>>
    %dma_start3A_1321 = arith.constant 42 : i32
    %dma_start3A_1322 = arith.constant 0 : i32
    %dma_start3A_1323 = tpu.memref_slice %arg6[%dma_start3A_1314, %dma_start3A_1321, %dma_start3A_1322] : memref<4x56x256xf32, #tpu.memory_space<vmem>> -> memref<1x1x256xf32, #tpu.memory_space<vmem>>
    %dma_start3A_1324 = tpu.memref_squeeze %dma_start3A_1323 : memref<1x1x256xf32, #tpu.memory_space<vmem>> -> memref<1x256xf32, #tpu.memory_space<vmem>>
    %dma_start3A_1325 = arith.constant 0 : i32
    %dma_start3A_1326 = tpu.memref_slice %arg2[%squeeze3A_1313, %dma_start3A_1325] : memref<115200x256xf32, #tpu.memory_space<hbm>> -> memref<1x256xf32, #tpu.memory_space<hbm>>
    tpu.enqueue_dma source(%dma_start3A_1326 : memref<1x256xf32, #tpu.memory_space<hbm>>) target(%dma_start3A_1324 : memref<1x256xf32, #tpu.memory_space<vmem>>) target_semaphore(%arg8 : memref<!tpu.dma_semaphore, #tpu.memory_space<semaphore_mem>>)
    %slice3A_1327 = vector.extract_strided_slice %get3A_1161 {offsets = [11], sizes = [1], strides = [1]} : vector<16xi32> to vector<1xi32>
    %squeeze3A_1328 = vector.extract %slice3A_1327[0] : i32 from vector<1xi32>
    %dma_start3A_1329 = arith.constant 3 : i32
    %dma_start3A_1330 = arith.constant 43 : i32
    %dma_start3A_1331 = arith.constant 0 : i32
    %dma_start3A_1332 = tpu.memref_slice %arg6[%dma_start3A_1329, %dma_start3A_1330, %dma_start3A_1331] : memref<4x56x256xf32, #tpu.memory_space<vmem>> -> memref<1x1x256xf32, #tpu.memory_space<vmem>>
    %dma_start3A_1333 = tpu.memref_squeeze %dma_start3A_1332 : memref<1x1x256xf32, #tpu.memory_space<vmem>> -> memref<1x256xf32, #tpu.memory_space<vmem>>
    %dma_start3A_1334 = arith.constant 0 : i32
    %dma_start3A_1335 = tpu.memref_slice %arg2[%squeeze3A_1328, %dma_start3A_1334] : memref<115200x256xf32, #tpu.memory_space<hbm>> -> memref<1x256xf32, #tpu.memory_space<hbm>>
    %dma_start3A_1336 = arith.constant 43 : i32
    %dma_start3A_1337 = arith.constant 0 : i32
    %dma_start3A_1338 = tpu.memref_slice %arg6[%dma_start3A_1329, %dma_start3A_1336, %dma_start3A_1337] : memref<4x56x256xf32, #tpu.memory_space<vmem>> -> memref<1x1x256xf32, #tpu.memory_space<vmem>>
    %dma_start3A_1339 = tpu.memref_squeeze %dma_start3A_1338 : memref<1x1x256xf32, #tpu.memory_space<vmem>> -> memref<1x256xf32, #tpu.memory_space<vmem>>
    %dma_start3A_1340 = arith.constant 0 : i32
    %dma_start3A_1341 = tpu.memref_slice %arg2[%squeeze3A_1328, %dma_start3A_1340] : memref<115200x256xf32, #tpu.memory_space<hbm>> -> memref<1x256xf32, #tpu.memory_space<hbm>>
    tpu.enqueue_dma source(%dma_start3A_1341 : memref<1x256xf32, #tpu.memory_space<hbm>>) target(%dma_start3A_1339 : memref<1x256xf32, #tpu.memory_space<vmem>>) target_semaphore(%arg8 : memref<!tpu.dma_semaphore, #tpu.memory_space<semaphore_mem>>)
    %slice3A_1342 = vector.extract_strided_slice %get3A_1161 {offsets = [12], sizes = [1], strides = [1]} : vector<16xi32> to vector<1xi32>
    %squeeze3A_1343 = vector.extract %slice3A_1342[0] : i32 from vector<1xi32>
    %dma_start3A_1344 = arith.constant 3 : i32
    %dma_start3A_1345 = arith.constant 44 : i32
    %dma_start3A_1346 = arith.constant 0 : i32
    %dma_start3A_1347 = tpu.memref_slice %arg6[%dma_start3A_1344, %dma_start3A_1345, %dma_start3A_1346] : memref<4x56x256xf32, #tpu.memory_space<vmem>> -> memref<1x1x256xf32, #tpu.memory_space<vmem>>
    %dma_start3A_1348 = tpu.memref_squeeze %dma_start3A_1347 : memref<1x1x256xf32, #tpu.memory_space<vmem>> -> memref<1x256xf32, #tpu.memory_space<vmem>>
    %dma_start3A_1349 = arith.constant 0 : i32
    %dma_start3A_1350 = tpu.memref_slice %arg2[%squeeze3A_1343, %dma_start3A_1349] : memref<115200x256xf32, #tpu.memory_space<hbm>> -> memref<1x256xf32, #tpu.memory_space<hbm>>
    %dma_start3A_1351 = arith.constant 44 : i32
    %dma_start3A_1352 = arith.constant 0 : i32
    %dma_start3A_1353 = tpu.memref_slice %arg6[%dma_start3A_1344, %dma_start3A_1351, %dma_start3A_1352] : memref<4x56x256xf32, #tpu.memory_space<vmem>> -> memref<1x1x256xf32, #tpu.memory_space<vmem>>
    %dma_start3A_1354 = tpu.memref_squeeze %dma_start3A_1353 : memref<1x1x256xf32, #tpu.memory_space<vmem>> -> memref<1x256xf32, #tpu.memory_space<vmem>>
    %dma_start3A_1355 = arith.constant 0 : i32
    %dma_start3A_1356 = tpu.memref_slice %arg2[%squeeze3A_1343, %dma_start3A_1355] : memref<115200x256xf32, #tpu.memory_space<hbm>> -> memref<1x256xf32, #tpu.memory_space<hbm>>
    tpu.enqueue_dma source(%dma_start3A_1356 : memref<1x256xf32, #tpu.memory_space<hbm>>) target(%dma_start3A_1354 : memref<1x256xf32, #tpu.memory_space<vmem>>) target_semaphore(%arg8 : memref<!tpu.dma_semaphore, #tpu.memory_space<semaphore_mem>>)
    %slice3A_1357 = vector.extract_strided_slice %get3A_1161 {offsets = [13], sizes = [1], strides = [1]} : vector<16xi32> to vector<1xi32>
    %squeeze3A_1358 = vector.extract %slice3A_1357[0] : i32 from vector<1xi32>
    %dma_start3A_1359 = arith.constant 3 : i32
    %dma_start3A_1360 = arith.constant 45 : i32
    %dma_start3A_1361 = arith.constant 0 : i32
    %dma_start3A_1362 = tpu.memref_slice %arg6[%dma_start3A_1359, %dma_start3A_1360, %dma_start3A_1361] : memref<4x56x256xf32, #tpu.memory_space<vmem>> -> memref<1x1x256xf32, #tpu.memory_space<vmem>>
    %dma_start3A_1363 = tpu.memref_squeeze %dma_start3A_1362 : memref<1x1x256xf32, #tpu.memory_space<vmem>> -> memref<1x256xf32, #tpu.memory_space<vmem>>
    %dma_start3A_1364 = arith.constant 0 : i32
    %dma_start3A_1365 = tpu.memref_slice %arg2[%squeeze3A_1358, %dma_start3A_1364] : memref<115200x256xf32, #tpu.memory_space<hbm>> -> memref<1x256xf32, #tpu.memory_space<hbm>>
    %dma_start3A_1366 = arith.constant 45 : i32
    %dma_start3A_1367 = arith.constant 0 : i32
    %dma_start3A_1368 = tpu.memref_slice %arg6[%dma_start3A_1359, %dma_start3A_1366, %dma_start3A_1367] : memref<4x56x256xf32, #tpu.memory_space<vmem>> -> memref<1x1x256xf32, #tpu.memory_space<vmem>>
    %dma_start3A_1369 = tpu.memref_squeeze %dma_start3A_1368 : memref<1x1x256xf32, #tpu.memory_space<vmem>> -> memref<1x256xf32, #tpu.memory_space<vmem>>
    %dma_start3A_1370 = arith.constant 0 : i32
    %dma_start3A_1371 = tpu.memref_slice %arg2[%squeeze3A_1358, %dma_start3A_1370] : memref<115200x256xf32, #tpu.memory_space<hbm>> -> memref<1x256xf32, #tpu.memory_space<hbm>>
    tpu.enqueue_dma source(%dma_start3A_1371 : memref<1x256xf32, #tpu.memory_space<hbm>>) target(%dma_start3A_1369 : memref<1x256xf32, #tpu.memory_space<vmem>>) target_semaphore(%arg8 : memref<!tpu.dma_semaphore, #tpu.memory_space<semaphore_mem>>)
    %slice3A_1372 = vector.extract_strided_slice %get3A_1161 {offsets = [14], sizes = [1], strides = [1]} : vector<16xi32> to vector<1xi32>
    %squeeze3A_1373 = vector.extract %slice3A_1372[0] : i32 from vector<1xi32>
    %dma_start3A_1374 = arith.constant 3 : i32
    %dma_start3A_1375 = arith.constant 46 : i32
    %dma_start3A_1376 = arith.constant 0 : i32
    %dma_start3A_1377 = tpu.memref_slice %arg6[%dma_start3A_1374, %dma_start3A_1375, %dma_start3A_1376] : memref<4x56x256xf32, #tpu.memory_space<vmem>> -> memref<1x1x256xf32, #tpu.memory_space<vmem>>
    %dma_start3A_1378 = tpu.memref_squeeze %dma_start3A_1377 : memref<1x1x256xf32, #tpu.memory_space<vmem>> -> memref<1x256xf32, #tpu.memory_space<vmem>>
    %dma_start3A_1379 = arith.constant 0 : i32
    %dma_start3A_1380 = tpu.memref_slice %arg2[%squeeze3A_1373, %dma_start3A_1379] : memref<115200x256xf32, #tpu.memory_space<hbm>> -> memref<1x256xf32, #tpu.memory_space<hbm>>
    %dma_start3A_1381 = arith.constant 46 : i32
    %dma_start3A_1382 = arith.constant 0 : i32
    %dma_start3A_1383 = tpu.memref_slice %arg6[%dma_start3A_1374, %dma_start3A_1381, %dma_start3A_1382] : memref<4x56x256xf32, #tpu.memory_space<vmem>> -> memref<1x1x256xf32, #tpu.memory_space<vmem>>
    %dma_start3A_1384 = tpu.memref_squeeze %dma_start3A_1383 : memref<1x1x256xf32, #tpu.memory_space<vmem>> -> memref<1x256xf32, #tpu.memory_space<vmem>>
    %dma_start3A_1385 = arith.constant 0 : i32
    %dma_start3A_1386 = tpu.memref_slice %arg2[%squeeze3A_1373, %dma_start3A_1385] : memref<115200x256xf32, #tpu.memory_space<hbm>> -> memref<1x256xf32, #tpu.memory_space<hbm>>
    tpu.enqueue_dma source(%dma_start3A_1386 : memref<1x256xf32, #tpu.memory_space<hbm>>) target(%dma_start3A_1384 : memref<1x256xf32, #tpu.memory_space<vmem>>) target_semaphore(%arg8 : memref<!tpu.dma_semaphore, #tpu.memory_space<semaphore_mem>>)
    %slice3A_1387 = vector.extract_strided_slice %get3A_1161 {offsets = [15], sizes = [1], strides = [1]} : vector<16xi32> to vector<1xi32>
    %squeeze3A_1388 = vector.extract %slice3A_1387[0] : i32 from vector<1xi32>
    %dma_start3A_1389 = arith.constant 3 : i32
    %dma_start3A_1390 = arith.constant 47 : i32
    %dma_start3A_1391 = arith.constant 0 : i32
    %dma_start3A_1392 = tpu.memref_slice %arg6[%dma_start3A_1389, %dma_start3A_1390, %dma_start3A_1391] : memref<4x56x256xf32, #tpu.memory_space<vmem>> -> memref<1x1x256xf32, #tpu.memory_space<vmem>>
    %dma_start3A_1393 = tpu.memref_squeeze %dma_start3A_1392 : memref<1x1x256xf32, #tpu.memory_space<vmem>> -> memref<1x256xf32, #tpu.memory_space<vmem>>
    %dma_start3A_1394 = arith.constant 0 : i32
    %dma_start3A_1395 = tpu.memref_slice %arg2[%squeeze3A_1388, %dma_start3A_1394] : memref<115200x256xf32, #tpu.memory_space<hbm>> -> memref<1x256xf32, #tpu.memory_space<hbm>>
    %dma_start3A_1396 = arith.constant 47 : i32
    %dma_start3A_1397 = arith.constant 0 : i32
    %dma_start3A_1398 = tpu.memref_slice %arg6[%dma_start3A_1389, %dma_start3A_1396, %dma_start3A_1397] : memref<4x56x256xf32, #tpu.memory_space<vmem>> -> memref<1x1x256xf32, #tpu.memory_space<vmem>>
    %dma_start3A_1399 = tpu.memref_squeeze %dma_start3A_1398 : memref<1x1x256xf32, #tpu.memory_space<vmem>> -> memref<1x256xf32, #tpu.memory_space<vmem>>
    %dma_start3A_1400 = arith.constant 0 : i32
    %dma_start3A_1401 = tpu.memref_slice %arg2[%squeeze3A_1388, %dma_start3A_1400] : memref<115200x256xf32, #tpu.memory_space<hbm>> -> memref<1x256xf32, #tpu.memory_space<hbm>>
    tpu.enqueue_dma source(%dma_start3A_1401 : memref<1x256xf32, #tpu.memory_space<hbm>>) target(%dma_start3A_1399 : memref<1x256xf32, #tpu.memory_space<vmem>>) target_semaphore(%arg8 : memref<!tpu.dma_semaphore, #tpu.memory_space<semaphore_mem>>)
    %get3A_1402 = arith.constant 3 : i32
    %get3A_1403 = arith.index_cast %get3A_1402 : i32 to index
    %get3A_1404 = arith.constant 48 : index
    %get3A_1405 = tpu.vector_load %arg5[%get3A_1403, %get3A_1404] {strides = array<i32>} : memref<4x128xi32, #tpu.memory_space<vmem>>, vector<1x16xi32>,
    %get3A_1406 = vector.shape_cast %get3A_1405 : vector<1x16xi32> to vector<16xi32>
    %slice3A_1407 = vector.extract_strided_slice %get3A_1406 {offsets = [0], sizes = [1], strides = [1]} : vector<16xi32> to vector<1xi32>
    %squeeze3A_1408 = vector.extract %slice3A_1407[0] : i32 from vector<1xi32>
    %dma_start3A_1409 = arith.constant 3 : i32
    %dma_start3A_1410 = arith.constant 48 : i32
    %dma_start3A_1411 = arith.constant 0 : i32
    %dma_start3A_1412 = tpu.memref_slice %arg6[%dma_start3A_1409, %dma_start3A_1410, %dma_start3A_1411] : memref<4x56x256xf32, #tpu.memory_space<vmem>> -> memref<1x1x256xf32, #tpu.memory_space<vmem>>
    %dma_start3A_1413 = tpu.memref_squeeze %dma_start3A_1412 : memref<1x1x256xf32, #tpu.memory_space<vmem>> -> memref<1x256xf32, #tpu.memory_space<vmem>>
    %dma_start3A_1414 = arith.constant 0 : i32
    %dma_start3A_1415 = tpu.memref_slice %arg2[%squeeze3A_1408, %dma_start3A_1414] : memref<115200x256xf32, #tpu.memory_space<hbm>> -> memref<1x256xf32, #tpu.memory_space<hbm>>
    %dma_start3A_1416 = arith.constant 48 : i32
    %dma_start3A_1417 = arith.constant 0 : i32
    %dma_start3A_1418 = tpu.memref_slice %arg6[%dma_start3A_1409, %dma_start3A_1416, %dma_start3A_1417] : memref<4x56x256xf32, #tpu.memory_space<vmem>> -> memref<1x1x256xf32, #tpu.memory_space<vmem>>
    %dma_start3A_1419 = tpu.memref_squeeze %dma_start3A_1418 : memref<1x1x256xf32, #tpu.memory_space<vmem>> -> memref<1x256xf32, #tpu.memory_space<vmem>>
    %dma_start3A_1420 = arith.constant 0 : i32
    %dma_start3A_1421 = tpu.memref_slice %arg2[%squeeze3A_1408, %dma_start3A_1420] : memref<115200x256xf32, #tpu.memory_space<hbm>> -> memref<1x256xf32, #tpu.memory_space<hbm>>
    tpu.enqueue_dma source(%dma_start3A_1421 : memref<1x256xf32, #tpu.memory_space<hbm>>) target(%dma_start3A_1419 : memref<1x256xf32, #tpu.memory_space<vmem>>) target_semaphore(%arg8 : memref<!tpu.dma_semaphore, #tpu.memory_space<semaphore_mem>>)
    %slice3A_1422 = vector.extract_strided_slice %get3A_1406 {offsets = [1], sizes = [1], strides = [1]} : vector<16xi32> to vector<1xi32>
    %squeeze3A_1423 = vector.extract %slice3A_1422[0] : i32 from vector<1xi32>
    %dma_start3A_1424 = arith.constant 3 : i32
    %dma_start3A_1425 = arith.constant 49 : i32
    %dma_start3A_1426 = arith.constant 0 : i32
    %dma_start3A_1427 = tpu.memref_slice %arg6[%dma_start3A_1424, %dma_start3A_1425, %dma_start3A_1426] : memref<4x56x256xf32, #tpu.memory_space<vmem>> -> memref<1x1x256xf32, #tpu.memory_space<vmem>>
    %dma_start3A_1428 = tpu.memref_squeeze %dma_start3A_1427 : memref<1x1x256xf32, #tpu.memory_space<vmem>> -> memref<1x256xf32, #tpu.memory_space<vmem>>
    %dma_start3A_1429 = arith.constant 0 : i32
    %dma_start3A_1430 = tpu.memref_slice %arg2[%squeeze3A_1423, %dma_start3A_1429] : memref<115200x256xf32, #tpu.memory_space<hbm>> -> memref<1x256xf32, #tpu.memory_space<hbm>>
    %dma_start3A_1431 = arith.constant 49 : i32
    %dma_start3A_1432 = arith.constant 0 : i32
    %dma_start3A_1433 = tpu.memref_slice %arg6[%dma_start3A_1424, %dma_start3A_1431, %dma_start3A_1432] : memref<4x56x256xf32, #tpu.memory_space<vmem>> -> memref<1x1x256xf32, #tpu.memory_space<vmem>>
    %dma_start3A_1434 = tpu.memref_squeeze %dma_start3A_1433 : memref<1x1x256xf32, #tpu.memory_space<vmem>> -> memref<1x256xf32, #tpu.memory_space<vmem>>
    %dma_start3A_1435 = arith.constant 0 : i32
    %dma_start3A_1436 = tpu.memref_slice %arg2[%squeeze3A_1423, %dma_start3A_1435] : memref<115200x256xf32, #tpu.memory_space<hbm>> -> memref<1x256xf32, #tpu.memory_space<hbm>>
    tpu.enqueue_dma source(%dma_start3A_1436 : memref<1x256xf32, #tpu.memory_space<hbm>>) target(%dma_start3A_1434 : memref<1x256xf32, #tpu.memory_space<vmem>>) target_semaphore(%arg8 : memref<!tpu.dma_semaphore, #tpu.memory_space<semaphore_mem>>)
    %slice3A_1437 = vector.extract_strided_slice %get3A_1406 {offsets = [2], sizes = [1], strides = [1]} : vector<16xi32> to vector<1xi32>
    %squeeze3A_1438 = vector.extract %slice3A_1437[0] : i32 from vector<1xi32>
    %dma_start3A_1439 = arith.constant 3 : i32
    %dma_start3A_1440 = arith.constant 50 : i32
    %dma_start3A_1441 = arith.constant 0 : i32
    %dma_start3A_1442 = tpu.memref_slice %arg6[%dma_start3A_1439, %dma_start3A_1440, %dma_start3A_1441] : memref<4x56x256xf32, #tpu.memory_space<vmem>> -> memref<1x1x256xf32, #tpu.memory_space<vmem>>
    %dma_start3A_1443 = tpu.memref_squeeze %dma_start3A_1442 : memref<1x1x256xf32, #tpu.memory_space<vmem>> -> memref<1x256xf32, #tpu.memory_space<vmem>>
    %dma_start3A_1444 = arith.constant 0 : i32
    %dma_start3A_1445 = tpu.memref_slice %arg2[%squeeze3A_1438, %dma_start3A_1444] : memref<115200x256xf32, #tpu.memory_space<hbm>> -> memref<1x256xf32, #tpu.memory_space<hbm>>
    %dma_start3A_1446 = arith.constant 50 : i32
    %dma_start3A_1447 = arith.constant 0 : i32
    %dma_start3A_1448 = tpu.memref_slice %arg6[%dma_start3A_1439, %dma_start3A_1446, %dma_start3A_1447] : memref<4x56x256xf32, #tpu.memory_space<vmem>> -> memref<1x1x256xf32, #tpu.memory_space<vmem>>
    %dma_start3A_1449 = tpu.memref_squeeze %dma_start3A_1448 : memref<1x1x256xf32, #tpu.memory_space<vmem>> -> memref<1x256xf32, #tpu.memory_space<vmem>>
    %dma_start3A_1450 = arith.constant 0 : i32
    %dma_start3A_1451 = tpu.memref_slice %arg2[%squeeze3A_1438, %dma_start3A_1450] : memref<115200x256xf32, #tpu.memory_space<hbm>> -> memref<1x256xf32, #tpu.memory_space<hbm>>
    tpu.enqueue_dma source(%dma_start3A_1451 : memref<1x256xf32, #tpu.memory_space<hbm>>) target(%dma_start3A_1449 : memref<1x256xf32, #tpu.memory_space<vmem>>) target_semaphore(%arg8 : memref<!tpu.dma_semaphore, #tpu.memory_space<semaphore_mem>>)
    %slice3A_1452 = vector.extract_strided_slice %get3A_1406 {offsets = [3], sizes = [1], strides = [1]} : vector<16xi32> to vector<1xi32>
    %squeeze3A_1453 = vector.extract %slice3A_1452[0] : i32 from vector<1xi32>
    %dma_start3A_1454 = arith.constant 3 : i32
    %dma_start3A_1455 = arith.constant 51 : i32
    %dma_start3A_1456 = arith.constant 0 : i32
    %dma_start3A_1457 = tpu.memref_slice %arg6[%dma_start3A_1454, %dma_start3A_1455, %dma_start3A_1456] : memref<4x56x256xf32, #tpu.memory_space<vmem>> -> memref<1x1x256xf32, #tpu.memory_space<vmem>>
    %dma_start3A_1458 = tpu.memref_squeeze %dma_start3A_1457 : memref<1x1x256xf32, #tpu.memory_space<vmem>> -> memref<1x256xf32, #tpu.memory_space<vmem>>
    %dma_start3A_1459 = arith.constant 0 : i32
    %dma_start3A_1460 = tpu.memref_slice %arg2[%squeeze3A_1453, %dma_start3A_1459] : memref<115200x256xf32, #tpu.memory_space<hbm>> -> memref<1x256xf32, #tpu.memory_space<hbm>>
    %dma_start3A_1461 = arith.constant 51 : i32
    %dma_start3A_1462 = arith.constant 0 : i32
    %dma_start3A_1463 = tpu.memref_slice %arg6[%dma_start3A_1454, %dma_start3A_1461, %dma_start3A_1462] : memref<4x56x256xf32, #tpu.memory_space<vmem>> -> memref<1x1x256xf32, #tpu.memory_space<vmem>>
    %dma_start3A_1464 = tpu.memref_squeeze %dma_start3A_1463 : memref<1x1x256xf32, #tpu.memory_space<vmem>> -> memref<1x256xf32, #tpu.memory_space<vmem>>
    %dma_start3A_1465 = arith.constant 0 : i32
    %dma_start3A_1466 = tpu.memref_slice %arg2[%squeeze3A_1453, %dma_start3A_1465] : memref<115200x256xf32, #tpu.memory_space<hbm>> -> memref<1x256xf32, #tpu.memory_space<hbm>>
    tpu.enqueue_dma source(%dma_start3A_1466 : memref<1x256xf32, #tpu.memory_space<hbm>>) target(%dma_start3A_1464 : memref<1x256xf32, #tpu.memory_space<vmem>>) target_semaphore(%arg8 : memref<!tpu.dma_semaphore, #tpu.memory_space<semaphore_mem>>)
    %slice3A_1467 = vector.extract_strided_slice %get3A_1406 {offsets = [4], sizes = [1], strides = [1]} : vector<16xi32> to vector<1xi32>
    %squeeze3A_1468 = vector.extract %slice3A_1467[0] : i32 from vector<1xi32>
    %dma_start3A_1469 = arith.constant 3 : i32
    %dma_start3A_1470 = arith.constant 52 : i32
    %dma_start3A_1471 = arith.constant 0 : i32
    %dma_start3A_1472 = tpu.memref_slice %arg6[%dma_start3A_1469, %dma_start3A_1470, %dma_start3A_1471] : memref<4x56x256xf32, #tpu.memory_space<vmem>> -> memref<1x1x256xf32, #tpu.memory_space<vmem>>
    %dma_start3A_1473 = tpu.memref_squeeze %dma_start3A_1472 : memref<1x1x256xf32, #tpu.memory_space<vmem>> -> memref<1x256xf32, #tpu.memory_space<vmem>>
    %dma_start3A_1474 = arith.constant 0 : i32
    %dma_start3A_1475 = tpu.memref_slice %arg2[%squeeze3A_1468, %dma_start3A_1474] : memref<115200x256xf32, #tpu.memory_space<hbm>> -> memref<1x256xf32, #tpu.memory_space<hbm>>
    %dma_start3A_1476 = arith.constant 52 : i32
    %dma_start3A_1477 = arith.constant 0 : i32
    %dma_start3A_1478 = tpu.memref_slice %arg6[%dma_start3A_1469, %dma_start3A_1476, %dma_start3A_1477] : memref<4x56x256xf32, #tpu.memory_space<vmem>> -> memref<1x1x256xf32, #tpu.memory_space<vmem>>
    %dma_start3A_1479 = tpu.memref_squeeze %dma_start3A_1478 : memref<1x1x256xf32, #tpu.memory_space<vmem>> -> memref<1x256xf32, #tpu.memory_space<vmem>>
    %dma_start3A_1480 = arith.constant 0 : i32
    %dma_start3A_1481 = tpu.memref_slice %arg2[%squeeze3A_1468, %dma_start3A_1480] : memref<115200x256xf32, #tpu.memory_space<hbm>> -> memref<1x256xf32, #tpu.memory_space<hbm>>
    tpu.enqueue_dma source(%dma_start3A_1481 : memref<1x256xf32, #tpu.memory_space<hbm>>) target(%dma_start3A_1479 : memref<1x256xf32, #tpu.memory_space<vmem>>) target_semaphore(%arg8 : memref<!tpu.dma_semaphore, #tpu.memory_space<semaphore_mem>>)
    %slice3A_1482 = vector.extract_strided_slice %get3A_1406 {offsets = [5], sizes = [1], strides = [1]} : vector<16xi32> to vector<1xi32>
    %squeeze3A_1483 = vector.extract %slice3A_1482[0] : i32 from vector<1xi32>
    %dma_start3A_1484 = arith.constant 3 : i32
    %dma_start3A_1485 = arith.constant 53 : i32
    %dma_start3A_1486 = arith.constant 0 : i32
    %dma_start3A_1487 = tpu.memref_slice %arg6[%dma_start3A_1484, %dma_start3A_1485, %dma_start3A_1486] : memref<4x56x256xf32, #tpu.memory_space<vmem>> -> memref<1x1x256xf32, #tpu.memory_space<vmem>>
    %dma_start3A_1488 = tpu.memref_squeeze %dma_start3A_1487 : memref<1x1x256xf32, #tpu.memory_space<vmem>> -> memref<1x256xf32, #tpu.memory_space<vmem>>
    %dma_start3A_1489 = arith.constant 0 : i32
    %dma_start3A_1490 = tpu.memref_slice %arg2[%squeeze3A_1483, %dma_start3A_1489] : memref<115200x256xf32, #tpu.memory_space<hbm>> -> memref<1x256xf32, #tpu.memory_space<hbm>>
    %dma_start3A_1491 = arith.constant 53 : i32
    %dma_start3A_1492 = arith.constant 0 : i32
    %dma_start3A_1493 = tpu.memref_slice %arg6[%dma_start3A_1484, %dma_start3A_1491, %dma_start3A_1492] : memref<4x56x256xf32, #tpu.memory_space<vmem>> -> memref<1x1x256xf32, #tpu.memory_space<vmem>>
    %dma_start3A_1494 = tpu.memref_squeeze %dma_start3A_1493 : memref<1x1x256xf32, #tpu.memory_space<vmem>> -> memref<1x256xf32, #tpu.memory_space<vmem>>
    %dma_start3A_1495 = arith.constant 0 : i32
    %dma_start3A_1496 = tpu.memref_slice %arg2[%squeeze3A_1483, %dma_start3A_1495] : memref<115200x256xf32, #tpu.memory_space<hbm>> -> memref<1x256xf32, #tpu.memory_space<hbm>>
    tpu.enqueue_dma source(%dma_start3A_1496 : memref<1x256xf32, #tpu.memory_space<hbm>>) target(%dma_start3A_1494 : memref<1x256xf32, #tpu.memory_space<vmem>>) target_semaphore(%arg8 : memref<!tpu.dma_semaphore, #tpu.memory_space<semaphore_mem>>)
    %slice3A_1497 = vector.extract_strided_slice %get3A_1406 {offsets = [6], sizes = [1], strides = [1]} : vector<16xi32> to vector<1xi32>
    %squeeze3A_1498 = vector.extract %slice3A_1497[0] : i32 from vector<1xi32>
    %dma_start3A_1499 = arith.constant 3 : i32
    %dma_start3A_1500 = arith.constant 54 : i32
    %dma_start3A_1501 = arith.constant 0 : i32
    %dma_start3A_1502 = tpu.memref_slice %arg6[%dma_start3A_1499, %dma_start3A_1500, %dma_start3A_1501] : memref<4x56x256xf32, #tpu.memory_space<vmem>> -> memref<1x1x256xf32, #tpu.memory_space<vmem>>
    %dma_start3A_1503 = tpu.memref_squeeze %dma_start3A_1502 : memref<1x1x256xf32, #tpu.memory_space<vmem>> -> memref<1x256xf32, #tpu.memory_space<vmem>>
    %dma_start3A_1504 = arith.constant 0 : i32
    %dma_start3A_1505 = tpu.memref_slice %arg2[%squeeze3A_1498, %dma_start3A_1504] : memref<115200x256xf32, #tpu.memory_space<hbm>> -> memref<1x256xf32, #tpu.memory_space<hbm>>
    %dma_start3A_1506 = arith.constant 54 : i32
    %dma_start3A_1507 = arith.constant 0 : i32
    %dma_start3A_1508 = tpu.memref_slice %arg6[%dma_start3A_1499, %dma_start3A_1506, %dma_start3A_1507] : memref<4x56x256xf32, #tpu.memory_space<vmem>> -> memref<1x1x256xf32, #tpu.memory_space<vmem>>
    %dma_start3A_1509 = tpu.memref_squeeze %dma_start3A_1508 : memref<1x1x256xf32, #tpu.memory_space<vmem>> -> memref<1x256xf32, #tpu.memory_space<vmem>>
    %dma_start3A_1510 = arith.constant 0 : i32
    %dma_start3A_1511 = tpu.memref_slice %arg2[%squeeze3A_1498, %dma_start3A_1510] : memref<115200x256xf32, #tpu.memory_space<hbm>> -> memref<1x256xf32, #tpu.memory_space<hbm>>
    tpu.enqueue_dma source(%dma_start3A_1511 : memref<1x256xf32, #tpu.memory_space<hbm>>) target(%dma_start3A_1509 : memref<1x256xf32, #tpu.memory_space<vmem>>) target_semaphore(%arg8 : memref<!tpu.dma_semaphore, #tpu.memory_space<semaphore_mem>>)
    %slice3A_1512 = vector.extract_strided_slice %get3A_1406 {offsets = [7], sizes = [1], strides = [1]} : vector<16xi32> to vector<1xi32>
    %squeeze3A_1513 = vector.extract %slice3A_1512[0] : i32 from vector<1xi32>
    %dma_start3A_1514 = arith.constant 3 : i32
    %dma_start3A_1515 = arith.constant 55 : i32
    %dma_start3A_1516 = arith.constant 0 : i32
    %dma_start3A_1517 = tpu.memref_slice %arg6[%dma_start3A_1514, %dma_start3A_1515, %dma_start3A_1516] : memref<4x56x256xf32, #tpu.memory_space<vmem>> -> memref<1x1x256xf32, #tpu.memory_space<vmem>>
    %dma_start3A_1518 = tpu.memref_squeeze %dma_start3A_1517 : memref<1x1x256xf32, #tpu.memory_space<vmem>> -> memref<1x256xf32, #tpu.memory_space<vmem>>
    %dma_start3A_1519 = arith.constant 0 : i32
    %dma_start3A_1520 = tpu.memref_slice %arg2[%squeeze3A_1513, %dma_start3A_1519] : memref<115200x256xf32, #tpu.memory_space<hbm>> -> memref<1x256xf32, #tpu.memory_space<hbm>>
    %dma_start3A_1521 = arith.constant 55 : i32
    %dma_start3A_1522 = arith.constant 0 : i32
    %dma_start3A_1523 = tpu.memref_slice %arg6[%dma_start3A_1514, %dma_start3A_1521, %dma_start3A_1522] : memref<4x56x256xf32, #tpu.memory_space<vmem>> -> memref<1x1x256xf32, #tpu.memory_space<vmem>>
    %dma_start3A_1524 = tpu.memref_squeeze %dma_start3A_1523 : memref<1x1x256xf32, #tpu.memory_space<vmem>> -> memref<1x256xf32, #tpu.memory_space<vmem>>
    %dma_start3A_1525 = arith.constant 0 : i32
    %dma_start3A_1526 = tpu.memref_slice %arg2[%squeeze3A_1513, %dma_start3A_1525] : memref<115200x256xf32, #tpu.memory_space<hbm>> -> memref<1x256xf32, #tpu.memory_space<hbm>>
    tpu.enqueue_dma source(%dma_start3A_1526 : memref<1x256xf32, #tpu.memory_space<hbm>>) target(%dma_start3A_1524 : memref<1x256xf32, #tpu.memory_space<vmem>>) target_semaphore(%arg8 : memref<!tpu.dma_semaphore, #tpu.memory_space<semaphore_mem>>)
    %dma_wait3A = arith.constant 0 : i32
    %dma_wait3A_1527 = arith.constant 32 : i32
    %dma_wait3A_1528 = arith.constant 0 : i32
    %dma_wait3A_1529 = tpu.memref_slice %arg6[%dma_wait3A, %dma_wait3A_1527, %dma_wait3A_1528] : memref<4x56x256xf32, #tpu.memory_space<vmem>> -> memref<1x1x256xf32, #tpu.memory_space<vmem>>
    %dma_wait3A_1530 = tpu.memref_squeeze %dma_wait3A_1529 : memref<1x1x256xf32, #tpu.memory_space<vmem>> -> memref<1x256xf32, #tpu.memory_space<vmem>>
    %dma_wait3A_1531 = arith.constant 0 : i32
    %dma_wait3A_1532 = tpu.memref_slice %arg2[%squeeze3A, %dma_wait3A_1531] : memref<115200x256xf32, #tpu.memory_space<hbm>> -> memref<1x256xf32, #tpu.memory_space<hbm>>
    %dma_wait3A_1533 = arith.constant 32 : i32
    %dma_wait3A_1534 = arith.constant 0 : i32
    %dma_wait3A_1535 = tpu.memref_slice %arg6[%dma_wait3A, %dma_wait3A_1533, %dma_wait3A_1534] : memref<4x56x256xf32, #tpu.memory_space<vmem>> -> memref<1x1x256xf32, #tpu.memory_space<vmem>>
    %dma_wait3A_1536 = tpu.memref_squeeze %dma_wait3A_1535 : memref<1x1x256xf32, #tpu.memory_space<vmem>> -> memref<1x256xf32, #tpu.memory_space<vmem>>
    %dma_wait3A_1537 = arith.constant 0 : i32
    %dma_wait3A_1538 = tpu.memref_slice %arg2[%squeeze3A, %dma_wait3A_1537] : memref<115200x256xf32, #tpu.memory_space<hbm>> -> memref<1x256xf32, #tpu.memory_space<hbm>>
    tpu.wait_dma2 semaphore(%arg8 : memref<!tpu.dma_semaphore, #tpu.memory_space<semaphore_mem>>) src(%dma_wait3A_1538 : memref<1x256xf32, #tpu.memory_space<hbm>>) dst(%dma_wait3A_1536 : memref<1x256xf32, #tpu.memory_space<vmem>>)
    %dma_wait3A_1539 = arith.constant 0 : i32
    %dma_wait3A_1540 = arith.constant 33 : i32
    %dma_wait3A_1541 = arith.constant 0 : i32
    %dma_wait3A_1542 = tpu.memref_slice %arg6[%dma_wait3A_1539, %dma_wait3A_1540, %dma_wait3A_1541] : memref<4x56x256xf32, #tpu.memory_space<vmem>> -> memref<1x1x256xf32, #tpu.memory_space<vmem>>
    %dma_wait3A_1543 = tpu.memref_squeeze %dma_wait3A_1542 : memref<1x1x256xf32, #tpu.memory_space<vmem>> -> memref<1x256xf32, #tpu.memory_space<vmem>>
    %dma_wait3A_1544 = arith.constant 0 : i32
    %dma_wait3A_1545 = tpu.memref_slice %arg2[%squeeze3A_68, %dma_wait3A_1544] : memref<115200x256xf32, #tpu.memory_space<hbm>> -> memref<1x256xf32, #tpu.memory_space<hbm>>
    %dma_wait3A_1546 = arith.constant 33 : i32
    %dma_wait3A_1547 = arith.constant 0 : i32
    %dma_wait3A_1548 = tpu.memref_slice %arg6[%dma_wait3A_1539, %dma_wait3A_1546, %dma_wait3A_1547] : memref<4x56x256xf32, #tpu.memory_space<vmem>> -> memref<1x1x256xf32, #tpu.memory_space<vmem>>
    %dma_wait3A_1549 = tpu.memref_squeeze %dma_wait3A_1548 : memref<1x1x256xf32, #tpu.memory_space<vmem>> -> memref<1x256xf32, #tpu.memory_space<vmem>>
    %dma_wait3A_1550 = arith.constant 0 : i32
    %dma_wait3A_1551 = tpu.memref_slice %arg2[%squeeze3A_68, %dma_wait3A_1550] : memref<115200x256xf32, #tpu.memory_space<hbm>> -> memref<1x256xf32, #tpu.memory_space<hbm>>
    tpu.wait_dma2 semaphore(%arg8 : memref<!tpu.dma_semaphore, #tpu.memory_space<semaphore_mem>>) src(%dma_wait3A_1551 : memref<1x256xf32, #tpu.memory_space<hbm>>) dst(%dma_wait3A_1549 : memref<1x256xf32, #tpu.memory_space<vmem>>)
    %dma_wait3A_1552 = arith.constant 0 : i32
    %dma_wait3A_1553 = arith.constant 34 : i32
    %dma_wait3A_1554 = arith.constant 0 : i32
    %dma_wait3A_1555 = tpu.memref_slice %arg6[%dma_wait3A_1552, %dma_wait3A_1553, %dma_wait3A_1554] : memref<4x56x256xf32, #tpu.memory_space<vmem>> -> memref<1x1x256xf32, #tpu.memory_space<vmem>>
    %dma_wait3A_1556 = tpu.memref_squeeze %dma_wait3A_1555 : memref<1x1x256xf32, #tpu.memory_space<vmem>> -> memref<1x256xf32, #tpu.memory_space<vmem>>
    %dma_wait3A_1557 = arith.constant 0 : i32
    %dma_wait3A_1558 = tpu.memref_slice %arg2[%squeeze3A_83, %dma_wait3A_1557] : memref<115200x256xf32, #tpu.memory_space<hbm>> -> memref<1x256xf32, #tpu.memory_space<hbm>>
    %dma_wait3A_1559 = arith.constant 34 : i32
    %dma_wait3A_1560 = arith.constant 0 : i32
    %dma_wait3A_1561 = tpu.memref_slice %arg6[%dma_wait3A_1552, %dma_wait3A_1559, %dma_wait3A_1560] : memref<4x56x256xf32, #tpu.memory_space<vmem>> -> memref<1x1x256xf32, #tpu.memory_space<vmem>>
    %dma_wait3A_1562 = tpu.memref_squeeze %dma_wait3A_1561 : memref<1x1x256xf32, #tpu.memory_space<vmem>> -> memref<1x256xf32, #tpu.memory_space<vmem>>
    %dma_wait3A_1563 = arith.constant 0 : i32
    %dma_wait3A_1564 = tpu.memref_slice %arg2[%squeeze3A_83, %dma_wait3A_1563] : memref<115200x256xf32, #tpu.memory_space<hbm>> -> memref<1x256xf32, #tpu.memory_space<hbm>>
    tpu.wait_dma2 semaphore(%arg8 : memref<!tpu.dma_semaphore, #tpu.memory_space<semaphore_mem>>) src(%dma_wait3A_1564 : memref<1x256xf32, #tpu.memory_space<hbm>>) dst(%dma_wait3A_1562 : memref<1x256xf32, #tpu.memory_space<vmem>>)
    %dma_wait3A_1565 = arith.constant 0 : i32
    %dma_wait3A_1566 = arith.constant 35 : i32
    %dma_wait3A_1567 = arith.constant 0 : i32
    %dma_wait3A_1568 = tpu.memref_slice %arg6[%dma_wait3A_1565, %dma_wait3A_1566, %dma_wait3A_1567] : memref<4x56x256xf32, #tpu.memory_space<vmem>> -> memref<1x1x256xf32, #tpu.memory_space<vmem>>
    %dma_wait3A_1569 = tpu.memref_squeeze %dma_wait3A_1568 : memref<1x1x256xf32, #tpu.memory_space<vmem>> -> memref<1x256xf32, #tpu.memory_space<vmem>>
    %dma_wait3A_1570 = arith.constant 0 : i32
    %dma_wait3A_1571 = tpu.memref_slice %arg2[%squeeze3A_98, %dma_wait3A_1570] : memref<115200x256xf32, #tpu.memory_space<hbm>> -> memref<1x256xf32, #tpu.memory_space<hbm>>
    %dma_wait3A_1572 = arith.constant 35 : i32
    %dma_wait3A_1573 = arith.constant 0 : i32
    %dma_wait3A_1574 = tpu.memref_slice %arg6[%dma_wait3A_1565, %dma_wait3A_1572, %dma_wait3A_1573] : memref<4x56x256xf32, #tpu.memory_space<vmem>> -> memref<1x1x256xf32, #tpu.memory_space<vmem>>
    %dma_wait3A_1575 = tpu.memref_squeeze %dma_wait3A_1574 : memref<1x1x256xf32, #tpu.memory_space<vmem>> -> memref<1x256xf32, #tpu.memory_space<vmem>>
    %dma_wait3A_1576 = arith.constant 0 : i32
    %dma_wait3A_1577 = tpu.memref_slice %arg2[%squeeze3A_98, %dma_wait3A_1576] : memref<115200x256xf32, #tpu.memory_space<hbm>> -> memref<1x256xf32, #tpu.memory_space<hbm>>
    tpu.wait_dma2 semaphore(%arg8 : memref<!tpu.dma_semaphore, #tpu.memory_space<semaphore_mem>>) src(%dma_wait3A_1577 : memref<1x256xf32, #tpu.memory_space<hbm>>) dst(%dma_wait3A_1575 : memref<1x256xf32, #tpu.memory_space<vmem>>)
    %dma_wait3A_1578 = arith.constant 0 : i32
    %dma_wait3A_1579 = arith.constant 36 : i32
    %dma_wait3A_1580 = arith.constant 0 : i32
    %dma_wait3A_1581 = tpu.memref_slice %arg6[%dma_wait3A_1578, %dma_wait3A_1579, %dma_wait3A_1580] : memref<4x56x256xf32, #tpu.memory_space<vmem>> -> memref<1x1x256xf32, #tpu.memory_space<vmem>>
    %dma_wait3A_1582 = tpu.memref_squeeze %dma_wait3A_1581 : memref<1x1x256xf32, #tpu.memory_space<vmem>> -> memref<1x256xf32, #tpu.memory_space<vmem>>
    %dma_wait3A_1583 = arith.constant 0 : i32
    %dma_wait3A_1584 = tpu.memref_slice %arg2[%squeeze3A_113, %dma_wait3A_1583] : memref<115200x256xf32, #tpu.memory_space<hbm>> -> memref<1x256xf32, #tpu.memory_space<hbm>>
    %dma_wait3A_1585 = arith.constant 36 : i32
    %dma_wait3A_1586 = arith.constant 0 : i32
    %dma_wait3A_1587 = tpu.memref_slice %arg6[%dma_wait3A_1578, %dma_wait3A_1585, %dma_wait3A_1586] : memref<4x56x256xf32, #tpu.memory_space<vmem>> -> memref<1x1x256xf32, #tpu.memory_space<vmem>>
    %dma_wait3A_1588 = tpu.memref_squeeze %dma_wait3A_1587 : memref<1x1x256xf32, #tpu.memory_space<vmem>> -> memref<1x256xf32, #tpu.memory_space<vmem>>
    %dma_wait3A_1589 = arith.constant 0 : i32
    %dma_wait3A_1590 = tpu.memref_slice %arg2[%squeeze3A_113, %dma_wait3A_1589] : memref<115200x256xf32, #tpu.memory_space<hbm>> -> memref<1x256xf32, #tpu.memory_space<hbm>>
    tpu.wait_dma2 semaphore(%arg8 : memref<!tpu.dma_semaphore, #tpu.memory_space<semaphore_mem>>) src(%dma_wait3A_1590 : memref<1x256xf32, #tpu.memory_space<hbm>>) dst(%dma_wait3A_1588 : memref<1x256xf32, #tpu.memory_space<vmem>>)
    %dma_wait3A_1591 = arith.constant 0 : i32
    %dma_wait3A_1592 = arith.constant 37 : i32
    %dma_wait3A_1593 = arith.constant 0 : i32
    %dma_wait3A_1594 = tpu.memref_slice %arg6[%dma_wait3A_1591, %dma_wait3A_1592, %dma_wait3A_1593] : memref<4x56x256xf32, #tpu.memory_space<vmem>> -> memref<1x1x256xf32, #tpu.memory_space<vmem>>
    %dma_wait3A_1595 = tpu.memref_squeeze %dma_wait3A_1594 : memref<1x1x256xf32, #tpu.memory_space<vmem>> -> memref<1x256xf32, #tpu.memory_space<vmem>>
    %dma_wait3A_1596 = arith.constant 0 : i32
    %dma_wait3A_1597 = tpu.memref_slice %arg2[%squeeze3A_128, %dma_wait3A_1596] : memref<115200x256xf32, #tpu.memory_space<hbm>> -> memref<1x256xf32, #tpu.memory_space<hbm>>
    %dma_wait3A_1598 = arith.constant 37 : i32
    %dma_wait3A_1599 = arith.constant 0 : i32
    %dma_wait3A_1600 = tpu.memref_slice %arg6[%dma_wait3A_1591, %dma_wait3A_1598, %dma_wait3A_1599] : memref<4x56x256xf32, #tpu.memory_space<vmem>> -> memref<1x1x256xf32, #tpu.memory_space<vmem>>
    %dma_wait3A_1601 = tpu.memref_squeeze %dma_wait3A_1600 : memref<1x1x256xf32, #tpu.memory_space<vmem>> -> memref<1x256xf32, #tpu.memory_space<vmem>>
    %dma_wait3A_1602 = arith.constant 0 : i32
    %dma_wait3A_1603 = tpu.memref_slice %arg2[%squeeze3A_128, %dma_wait3A_1602] : memref<115200x256xf32, #tpu.memory_space<hbm>> -> memref<1x256xf32, #tpu.memory_space<hbm>>
    tpu.wait_dma2 semaphore(%arg8 : memref<!tpu.dma_semaphore, #tpu.memory_space<semaphore_mem>>) src(%dma_wait3A_1603 : memref<1x256xf32, #tpu.memory_space<hbm>>) dst(%dma_wait3A_1601 : memref<1x256xf32, #tpu.memory_space<vmem>>)
    %dma_wait3A_1604 = arith.constant 0 : i32
    %dma_wait3A_1605 = arith.constant 38 : i32
    %dma_wait3A_1606 = arith.constant 0 : i32
    %dma_wait3A_1607 = tpu.memref_slice %arg6[%dma_wait3A_1604, %dma_wait3A_1605, %dma_wait3A_1606] : memref<4x56x256xf32, #tpu.memory_space<vmem>> -> memref<1x1x256xf32, #tpu.memory_space<vmem>>
    %dma_wait3A_1608 = tpu.memref_squeeze %dma_wait3A_1607 : memref<1x1x256xf32, #tpu.memory_space<vmem>> -> memref<1x256xf32, #tpu.memory_space<vmem>>
    %dma_wait3A_1609 = arith.constant 0 : i32
    %dma_wait3A_1610 = tpu.memref_slice %arg2[%squeeze3A_143, %dma_wait3A_1609] : memref<115200x256xf32, #tpu.memory_space<hbm>> -> memref<1x256xf32, #tpu.memory_space<hbm>>
    %dma_wait3A_1611 = arith.constant 38 : i32
    %dma_wait3A_1612 = arith.constant 0 : i32
    %dma_wait3A_1613 = tpu.memref_slice %arg6[%dma_wait3A_1604, %dma_wait3A_1611, %dma_wait3A_1612] : memref<4x56x256xf32, #tpu.memory_space<vmem>> -> memref<1x1x256xf32, #tpu.memory_space<vmem>>
    %dma_wait3A_1614 = tpu.memref_squeeze %dma_wait3A_1613 : memref<1x1x256xf32, #tpu.memory_space<vmem>> -> memref<1x256xf32, #tpu.memory_space<vmem>>
    %dma_wait3A_1615 = arith.constant 0 : i32
    %dma_wait3A_1616 = tpu.memref_slice %arg2[%squeeze3A_143, %dma_wait3A_1615] : memref<115200x256xf32, #tpu.memory_space<hbm>> -> memref<1x256xf32, #tpu.memory_space<hbm>>
    tpu.wait_dma2 semaphore(%arg8 : memref<!tpu.dma_semaphore, #tpu.memory_space<semaphore_mem>>) src(%dma_wait3A_1616 : memref<1x256xf32, #tpu.memory_space<hbm>>) dst(%dma_wait3A_1614 : memref<1x256xf32, #tpu.memory_space<vmem>>)
    %dma_wait3A_1617 = arith.constant 0 : i32
    %dma_wait3A_1618 = arith.constant 39 : i32
    %dma_wait3A_1619 = arith.constant 0 : i32
    %dma_wait3A_1620 = tpu.memref_slice %arg6[%dma_wait3A_1617, %dma_wait3A_1618, %dma_wait3A_1619] : memref<4x56x256xf32, #tpu.memory_space<vmem>> -> memref<1x1x256xf32, #tpu.memory_space<vmem>>
    %dma_wait3A_1621 = tpu.memref_squeeze %dma_wait3A_1620 : memref<1x1x256xf32, #tpu.memory_space<vmem>> -> memref<1x256xf32, #tpu.memory_space<vmem>>
    %dma_wait3A_1622 = arith.constant 0 : i32
    %dma_wait3A_1623 = tpu.memref_slice %arg2[%squeeze3A_158, %dma_wait3A_1622] : memref<115200x256xf32, #tpu.memory_space<hbm>> -> memref<1x256xf32, #tpu.memory_space<hbm>>
    %dma_wait3A_1624 = arith.constant 39 : i32
    %dma_wait3A_1625 = arith.constant 0 : i32
    %dma_wait3A_1626 = tpu.memref_slice %arg6[%dma_wait3A_1617, %dma_wait3A_1624, %dma_wait3A_1625] : memref<4x56x256xf32, #tpu.memory_space<vmem>> -> memref<1x1x256xf32, #tpu.memory_space<vmem>>
    %dma_wait3A_1627 = tpu.memref_squeeze %dma_wait3A_1626 : memref<1x1x256xf32, #tpu.memory_space<vmem>> -> memref<1x256xf32, #tpu.memory_space<vmem>>
    %dma_wait3A_1628 = arith.constant 0 : i32
    %dma_wait3A_1629 = tpu.memref_slice %arg2[%squeeze3A_158, %dma_wait3A_1628] : memref<115200x256xf32, #tpu.memory_space<hbm>> -> memref<1x256xf32, #tpu.memory_space<hbm>>
    tpu.wait_dma2 semaphore(%arg8 : memref<!tpu.dma_semaphore, #tpu.memory_space<semaphore_mem>>) src(%dma_wait3A_1629 : memref<1x256xf32, #tpu.memory_space<hbm>>) dst(%dma_wait3A_1627 : memref<1x256xf32, #tpu.memory_space<vmem>>)
    %dma_wait3A_1630 = arith.constant 0 : i32
    %dma_wait3A_1631 = arith.constant 40 : i32
    %dma_wait3A_1632 = arith.constant 0 : i32
    %dma_wait3A_1633 = tpu.memref_slice %arg6[%dma_wait3A_1630, %dma_wait3A_1631, %dma_wait3A_1632] : memref<4x56x256xf32, #tpu.memory_space<vmem>> -> memref<1x1x256xf32, #tpu.memory_space<vmem>>
    %dma_wait3A_1634 = tpu.memref_squeeze %dma_wait3A_1633 : memref<1x1x256xf32, #tpu.memory_space<vmem>> -> memref<1x256xf32, #tpu.memory_space<vmem>>
    %dma_wait3A_1635 = arith.constant 0 : i32
    %dma_wait3A_1636 = tpu.memref_slice %arg2[%squeeze3A_173, %dma_wait3A_1635] : memref<115200x256xf32, #tpu.memory_space<hbm>> -> memref<1x256xf32, #tpu.memory_space<hbm>>
    %dma_wait3A_1637 = arith.constant 40 : i32
    %dma_wait3A_1638 = arith.constant 0 : i32
    %dma_wait3A_1639 = tpu.memref_slice %arg6[%dma_wait3A_1630, %dma_wait3A_1637, %dma_wait3A_1638] : memref<4x56x256xf32, #tpu.memory_space<vmem>> -> memref<1x1x256xf32, #tpu.memory_space<vmem>>
    %dma_wait3A_1640 = tpu.memref_squeeze %dma_wait3A_1639 : memref<1x1x256xf32, #tpu.memory_space<vmem>> -> memref<1x256xf32, #tpu.memory_space<vmem>>
    %dma_wait3A_1641 = arith.constant 0 : i32
    %dma_wait3A_1642 = tpu.memref_slice %arg2[%squeeze3A_173, %dma_wait3A_1641] : memref<115200x256xf32, #tpu.memory_space<hbm>> -> memref<1x256xf32, #tpu.memory_space<hbm>>
    tpu.wait_dma2 semaphore(%arg8 : memref<!tpu.dma_semaphore, #tpu.memory_space<semaphore_mem>>) src(%dma_wait3A_1642 : memref<1x256xf32, #tpu.memory_space<hbm>>) dst(%dma_wait3A_1640 : memref<1x256xf32, #tpu.memory_space<vmem>>)
    %dma_wait3A_1643 = arith.constant 0 : i32
    %dma_wait3A_1644 = arith.constant 41 : i32
    %dma_wait3A_1645 = arith.constant 0 : i32
    %dma_wait3A_1646 = tpu.memref_slice %arg6[%dma_wait3A_1643, %dma_wait3A_1644, %dma_wait3A_1645] : memref<4x56x256xf32, #tpu.memory_space<vmem>> -> memref<1x1x256xf32, #tpu.memory_space<vmem>>
    %dma_wait3A_1647 = tpu.memref_squeeze %dma_wait3A_1646 : memref<1x1x256xf32, #tpu.memory_space<vmem>> -> memref<1x256xf32, #tpu.memory_space<vmem>>
    %dma_wait3A_1648 = arith.constant 0 : i32
    %dma_wait3A_1649 = tpu.memref_slice %arg2[%squeeze3A_188, %dma_wait3A_1648] : memref<115200x256xf32, #tpu.memory_space<hbm>> -> memref<1x256xf32, #tpu.memory_space<hbm>>
    %dma_wait3A_1650 = arith.constant 41 : i32
    %dma_wait3A_1651 = arith.constant 0 : i32
    %dma_wait3A_1652 = tpu.memref_slice %arg6[%dma_wait3A_1643, %dma_wait3A_1650, %dma_wait3A_1651] : memref<4x56x256xf32, #tpu.memory_space<vmem>> -> memref<1x1x256xf32, #tpu.memory_space<vmem>>
    %dma_wait3A_1653 = tpu.memref_squeeze %dma_wait3A_1652 : memref<1x1x256xf32, #tpu.memory_space<vmem>> -> memref<1x256xf32, #tpu.memory_space<vmem>>
    %dma_wait3A_1654 = arith.constant 0 : i32
    %dma_wait3A_1655 = tpu.memref_slice %arg2[%squeeze3A_188, %dma_wait3A_1654] : memref<115200x256xf32, #tpu.memory_space<hbm>> -> memref<1x256xf32, #tpu.memory_space<hbm>>
    tpu.wait_dma2 semaphore(%arg8 : memref<!tpu.dma_semaphore, #tpu.memory_space<semaphore_mem>>) src(%dma_wait3A_1655 : memref<1x256xf32, #tpu.memory_space<hbm>>) dst(%dma_wait3A_1653 : memref<1x256xf32, #tpu.memory_space<vmem>>)
    %dma_wait3A_1656 = arith.constant 0 : i32
    %dma_wait3A_1657 = arith.constant 42 : i32
    %dma_wait3A_1658 = arith.constant 0 : i32
    %dma_wait3A_1659 = tpu.memref_slice %arg6[%dma_wait3A_1656, %dma_wait3A_1657, %dma_wait3A_1658] : memref<4x56x256xf32, #tpu.memory_space<vmem>> -> memref<1x1x256xf32, #tpu.memory_space<vmem>>
    %dma_wait3A_1660 = tpu.memref_squeeze %dma_wait3A_1659 : memref<1x1x256xf32, #tpu.memory_space<vmem>> -> memref<1x256xf32, #tpu.memory_space<vmem>>
    %dma_wait3A_1661 = arith.constant 0 : i32
    %dma_wait3A_1662 = tpu.memref_slice %arg2[%squeeze3A_203, %dma_wait3A_1661] : memref<115200x256xf32, #tpu.memory_space<hbm>> -> memref<1x256xf32, #tpu.memory_space<hbm>>
    %dma_wait3A_1663 = arith.constant 42 : i32
    %dma_wait3A_1664 = arith.constant 0 : i32
    %dma_wait3A_1665 = tpu.memref_slice %arg6[%dma_wait3A_1656, %dma_wait3A_1663, %dma_wait3A_1664] : memref<4x56x256xf32, #tpu.memory_space<vmem>> -> memref<1x1x256xf32, #tpu.memory_space<vmem>>
    %dma_wait3A_1666 = tpu.memref_squeeze %dma_wait3A_1665 : memref<1x1x256xf32, #tpu.memory_space<vmem>> -> memref<1x256xf32, #tpu.memory_space<vmem>>
    %dma_wait3A_1667 = arith.constant 0 : i32
    %dma_wait3A_1668 = tpu.memref_slice %arg2[%squeeze3A_203, %dma_wait3A_1667] : memref<115200x256xf32, #tpu.memory_space<hbm>> -> memref<1x256xf32, #tpu.memory_space<hbm>>
    tpu.wait_dma2 semaphore(%arg8 : memref<!tpu.dma_semaphore, #tpu.memory_space<semaphore_mem>>) src(%dma_wait3A_1668 : memref<1x256xf32, #tpu.memory_space<hbm>>) dst(%dma_wait3A_1666 : memref<1x256xf32, #tpu.memory_space<vmem>>)
    %dma_wait3A_1669 = arith.constant 0 : i32
    %dma_wait3A_1670 = arith.constant 43 : i32
    %dma_wait3A_1671 = arith.constant 0 : i32
    %dma_wait3A_1672 = tpu.memref_slice %arg6[%dma_wait3A_1669, %dma_wait3A_1670, %dma_wait3A_1671] : memref<4x56x256xf32, #tpu.memory_space<vmem>> -> memref<1x1x256xf32, #tpu.memory_space<vmem>>
    %dma_wait3A_1673 = tpu.memref_squeeze %dma_wait3A_1672 : memref<1x1x256xf32, #tpu.memory_space<vmem>> -> memref<1x256xf32, #tpu.memory_space<vmem>>
    %dma_wait3A_1674 = arith.constant 0 : i32
    %dma_wait3A_1675 = tpu.memref_slice %arg2[%squeeze3A_218, %dma_wait3A_1674] : memref<115200x256xf32, #tpu.memory_space<hbm>> -> memref<1x256xf32, #tpu.memory_space<hbm>>
    %dma_wait3A_1676 = arith.constant 43 : i32
    %dma_wait3A_1677 = arith.constant 0 : i32
    %dma_wait3A_1678 = tpu.memref_slice %arg6[%dma_wait3A_1669, %dma_wait3A_1676, %dma_wait3A_1677] : memref<4x56x256xf32, #tpu.memory_space<vmem>> -> memref<1x1x256xf32, #tpu.memory_space<vmem>>
    %dma_wait3A_1679 = tpu.memref_squeeze %dma_wait3A_1678 : memref<1x1x256xf32, #tpu.memory_space<vmem>> -> memref<1x256xf32, #tpu.memory_space<vmem>>
    %dma_wait3A_1680 = arith.constant 0 : i32
    %dma_wait3A_1681 = tpu.memref_slice %arg2[%squeeze3A_218, %dma_wait3A_1680] : memref<115200x256xf32, #tpu.memory_space<hbm>> -> memref<1x256xf32, #tpu.memory_space<hbm>>
    tpu.wait_dma2 semaphore(%arg8 : memref<!tpu.dma_semaphore, #tpu.memory_space<semaphore_mem>>) src(%dma_wait3A_1681 : memref<1x256xf32, #tpu.memory_space<hbm>>) dst(%dma_wait3A_1679 : memref<1x256xf32, #tpu.memory_space<vmem>>)
    %dma_wait3A_1682 = arith.constant 0 : i32
    %dma_wait3A_1683 = arith.constant 44 : i32
    %dma_wait3A_1684 = arith.constant 0 : i32
    %dma_wait3A_1685 = tpu.memref_slice %arg6[%dma_wait3A_1682, %dma_wait3A_1683, %dma_wait3A_1684] : memref<4x56x256xf32, #tpu.memory_space<vmem>> -> memref<1x1x256xf32, #tpu.memory_space<vmem>>
    %dma_wait3A_1686 = tpu.memref_squeeze %dma_wait3A_1685 : memref<1x1x256xf32, #tpu.memory_space<vmem>> -> memref<1x256xf32, #tpu.memory_space<vmem>>
    %dma_wait3A_1687 = arith.constant 0 : i32
    %dma_wait3A_1688 = tpu.memref_slice %arg2[%squeeze3A_233, %dma_wait3A_1687] : memref<115200x256xf32, #tpu.memory_space<hbm>> -> memref<1x256xf32, #tpu.memory_space<hbm>>
    %dma_wait3A_1689 = arith.constant 44 : i32
    %dma_wait3A_1690 = arith.constant 0 : i32
    %dma_wait3A_1691 = tpu.memref_slice %arg6[%dma_wait3A_1682, %dma_wait3A_1689, %dma_wait3A_1690] : memref<4x56x256xf32, #tpu.memory_space<vmem>> -> memref<1x1x256xf32, #tpu.memory_space<vmem>>
    %dma_wait3A_1692 = tpu.memref_squeeze %dma_wait3A_1691 : memref<1x1x256xf32, #tpu.memory_space<vmem>> -> memref<1x256xf32, #tpu.memory_space<vmem>>
    %dma_wait3A_1693 = arith.constant 0 : i32
    %dma_wait3A_1694 = tpu.memref_slice %arg2[%squeeze3A_233, %dma_wait3A_1693] : memref<115200x256xf32, #tpu.memory_space<hbm>> -> memref<1x256xf32, #tpu.memory_space<hbm>>
    tpu.wait_dma2 semaphore(%arg8 : memref<!tpu.dma_semaphore, #tpu.memory_space<semaphore_mem>>) src(%dma_wait3A_1694 : memref<1x256xf32, #tpu.memory_space<hbm>>) dst(%dma_wait3A_1692 : memref<1x256xf32, #tpu.memory_space<vmem>>)
    %dma_wait3A_1695 = arith.constant 0 : i32
    %dma_wait3A_1696 = arith.constant 45 : i32
    %dma_wait3A_1697 = arith.constant 0 : i32
    %dma_wait3A_1698 = tpu.memref_slice %arg6[%dma_wait3A_1695, %dma_wait3A_1696, %dma_wait3A_1697] : memref<4x56x256xf32, #tpu.memory_space<vmem>> -> memref<1x1x256xf32, #tpu.memory_space<vmem>>
    %dma_wait3A_1699 = tpu.memref_squeeze %dma_wait3A_1698 : memref<1x1x256xf32, #tpu.memory_space<vmem>> -> memref<1x256xf32, #tpu.memory_space<vmem>>
    %dma_wait3A_1700 = arith.constant 0 : i32
    %dma_wait3A_1701 = tpu.memref_slice %arg2[%squeeze3A_248, %dma_wait3A_1700] : memref<115200x256xf32, #tpu.memory_space<hbm>> -> memref<1x256xf32, #tpu.memory_space<hbm>>
    %dma_wait3A_1702 = arith.constant 45 : i32
    %dma_wait3A_1703 = arith.constant 0 : i32
    %dma_wait3A_1704 = tpu.memref_slice %arg6[%dma_wait3A_1695, %dma_wait3A_1702, %dma_wait3A_1703] : memref<4x56x256xf32, #tpu.memory_space<vmem>> -> memref<1x1x256xf32, #tpu.memory_space<vmem>>
    %dma_wait3A_1705 = tpu.memref_squeeze %dma_wait3A_1704 : memref<1x1x256xf32, #tpu.memory_space<vmem>> -> memref<1x256xf32, #tpu.memory_space<vmem>>
    %dma_wait3A_1706 = arith.constant 0 : i32
    %dma_wait3A_1707 = tpu.memref_slice %arg2[%squeeze3A_248, %dma_wait3A_1706] : memref<115200x256xf32, #tpu.memory_space<hbm>> -> memref<1x256xf32, #tpu.memory_space<hbm>>
    tpu.wait_dma2 semaphore(%arg8 : memref<!tpu.dma_semaphore, #tpu.memory_space<semaphore_mem>>) src(%dma_wait3A_1707 : memref<1x256xf32, #tpu.memory_space<hbm>>) dst(%dma_wait3A_1705 : memref<1x256xf32, #tpu.memory_space<vmem>>)
    %dma_wait3A_1708 = arith.constant 0 : i32
    %dma_wait3A_1709 = arith.constant 46 : i32
    %dma_wait3A_1710 = arith.constant 0 : i32
    %dma_wait3A_1711 = tpu.memref_slice %arg6[%dma_wait3A_1708, %dma_wait3A_1709, %dma_wait3A_1710] : memref<4x56x256xf32, #tpu.memory_space<vmem>> -> memref<1x1x256xf32, #tpu.memory_space<vmem>>
    %dma_wait3A_1712 = tpu.memref_squeeze %dma_wait3A_1711 : memref<1x1x256xf32, #tpu.memory_space<vmem>> -> memref<1x256xf32, #tpu.memory_space<vmem>>
    %dma_wait3A_1713 = arith.constant 0 : i32
    %dma_wait3A_1714 = tpu.memref_slice %arg2[%squeeze3A_263, %dma_wait3A_1713] : memref<115200x256xf32, #tpu.memory_space<hbm>> -> memref<1x256xf32, #tpu.memory_space<hbm>>
    %dma_wait3A_1715 = arith.constant 46 : i32
    %dma_wait3A_1716 = arith.constant 0 : i32
    %dma_wait3A_1717 = tpu.memref_slice %arg6[%dma_wait3A_1708, %dma_wait3A_1715, %dma_wait3A_1716] : memref<4x56x256xf32, #tpu.memory_space<vmem>> -> memref<1x1x256xf32, #tpu.memory_space<vmem>>
    %dma_wait3A_1718 = tpu.memref_squeeze %dma_wait3A_1717 : memref<1x1x256xf32, #tpu.memory_space<vmem>> -> memref<1x256xf32, #tpu.memory_space<vmem>>
    %dma_wait3A_1719 = arith.constant 0 : i32
    %dma_wait3A_1720 = tpu.memref_slice %arg2[%squeeze3A_263, %dma_wait3A_1719] : memref<115200x256xf32, #tpu.memory_space<hbm>> -> memref<1x256xf32, #tpu.memory_space<hbm>>
    tpu.wait_dma2 semaphore(%arg8 : memref<!tpu.dma_semaphore, #tpu.memory_space<semaphore_mem>>) src(%dma_wait3A_1720 : memref<1x256xf32, #tpu.memory_space<hbm>>) dst(%dma_wait3A_1718 : memref<1x256xf32, #tpu.memory_space<vmem>>)
    %dma_wait3A_1721 = arith.constant 0 : i32
    %dma_wait3A_1722 = arith.constant 47 : i32
    %dma_wait3A_1723 = arith.constant 0 : i32
    %dma_wait3A_1724 = tpu.memref_slice %arg6[%dma_wait3A_1721, %dma_wait3A_1722, %dma_wait3A_1723] : memref<4x56x256xf32, #tpu.memory_space<vmem>> -> memref<1x1x256xf32, #tpu.memory_space<vmem>>
    %dma_wait3A_1725 = tpu.memref_squeeze %dma_wait3A_1724 : memref<1x1x256xf32, #tpu.memory_space<vmem>> -> memref<1x256xf32, #tpu.memory_space<vmem>>
    %dma_wait3A_1726 = arith.constant 0 : i32
    %dma_wait3A_1727 = tpu.memref_slice %arg2[%squeeze3A_278, %dma_wait3A_1726] : memref<115200x256xf32, #tpu.memory_space<hbm>> -> memref<1x256xf32, #tpu.memory_space<hbm>>
    %dma_wait3A_1728 = arith.constant 47 : i32
    %dma_wait3A_1729 = arith.constant 0 : i32
    %dma_wait3A_1730 = tpu.memref_slice %arg6[%dma_wait3A_1721, %dma_wait3A_1728, %dma_wait3A_1729] : memref<4x56x256xf32, #tpu.memory_space<vmem>> -> memref<1x1x256xf32, #tpu.memory_space<vmem>>
    %dma_wait3A_1731 = tpu.memref_squeeze %dma_wait3A_1730 : memref<1x1x256xf32, #tpu.memory_space<vmem>> -> memref<1x256xf32, #tpu.memory_space<vmem>>
    %dma_wait3A_1732 = arith.constant 0 : i32
    %dma_wait3A_1733 = tpu.memref_slice %arg2[%squeeze3A_278, %dma_wait3A_1732] : memref<115200x256xf32, #tpu.memory_space<hbm>> -> memref<1x256xf32, #tpu.memory_space<hbm>>
    tpu.wait_dma2 semaphore(%arg8 : memref<!tpu.dma_semaphore, #tpu.memory_space<semaphore_mem>>) src(%dma_wait3A_1733 : memref<1x256xf32, #tpu.memory_space<hbm>>) dst(%dma_wait3A_1731 : memref<1x256xf32, #tpu.memory_space<vmem>>)
    %dma_wait3A_1734 = arith.constant 0 : i32
    %dma_wait3A_1735 = arith.constant 48 : i32
    %dma_wait3A_1736 = arith.constant 0 : i32
    %dma_wait3A_1737 = tpu.memref_slice %arg6[%dma_wait3A_1734, %dma_wait3A_1735, %dma_wait3A_1736] : memref<4x56x256xf32, #tpu.memory_space<vmem>> -> memref<1x1x256xf32, #tpu.memory_space<vmem>>
    %dma_wait3A_1738 = tpu.memref_squeeze %dma_wait3A_1737 : memref<1x1x256xf32, #tpu.memory_space<vmem>> -> memref<1x256xf32, #tpu.memory_space<vmem>>
    %dma_wait3A_1739 = arith.constant 0 : i32
    %dma_wait3A_1740 = tpu.memref_slice %arg2[%squeeze3A_298, %dma_wait3A_1739] : memref<115200x256xf32, #tpu.memory_space<hbm>> -> memref<1x256xf32, #tpu.memory_space<hbm>>
    %dma_wait3A_1741 = arith.constant 48 : i32
    %dma_wait3A_1742 = arith.constant 0 : i32
    %dma_wait3A_1743 = tpu.memref_slice %arg6[%dma_wait3A_1734, %dma_wait3A_1741, %dma_wait3A_1742] : memref<4x56x256xf32, #tpu.memory_space<vmem>> -> memref<1x1x256xf32, #tpu.memory_space<vmem>>
    %dma_wait3A_1744 = tpu.memref_squeeze %dma_wait3A_1743 : memref<1x1x256xf32, #tpu.memory_space<vmem>> -> memref<1x256xf32, #tpu.memory_space<vmem>>
    %dma_wait3A_1745 = arith.constant 0 : i32
    %dma_wait3A_1746 = tpu.memref_slice %arg2[%squeeze3A_298, %dma_wait3A_1745] : memref<115200x256xf32, #tpu.memory_space<hbm>> -> memref<1x256xf32, #tpu.memory_space<hbm>>
    tpu.wait_dma2 semaphore(%arg8 : memref<!tpu.dma_semaphore, #tpu.memory_space<semaphore_mem>>) src(%dma_wait3A_1746 : memref<1x256xf32, #tpu.memory_space<hbm>>) dst(%dma_wait3A_1744 : memref<1x256xf32, #tpu.memory_space<vmem>>)
    %dma_wait3A_1747 = arith.constant 0 : i32
    %dma_wait3A_1748 = arith.constant 49 : i32
    %dma_wait3A_1749 = arith.constant 0 : i32
    %dma_wait3A_1750 = tpu.memref_slice %arg6[%dma_wait3A_1747, %dma_wait3A_1748, %dma_wait3A_1749] : memref<4x56x256xf32, #tpu.memory_space<vmem>> -> memref<1x1x256xf32, #tpu.memory_space<vmem>>
    %dma_wait3A_1751 = tpu.memref_squeeze %dma_wait3A_1750 : memref<1x1x256xf32, #tpu.memory_space<vmem>> -> memref<1x256xf32, #tpu.memory_space<vmem>>
    %dma_wait3A_1752 = arith.constant 0 : i32
    %dma_wait3A_1753 = tpu.memref_slice %arg2[%squeeze3A_313, %dma_wait3A_1752] : memref<115200x256xf32, #tpu.memory_space<hbm>> -> memref<1x256xf32, #tpu.memory_space<hbm>>
    %dma_wait3A_1754 = arith.constant 49 : i32
    %dma_wait3A_1755 = arith.constant 0 : i32
    %dma_wait3A_1756 = tpu.memref_slice %arg6[%dma_wait3A_1747, %dma_wait3A_1754, %dma_wait3A_1755] : memref<4x56x256xf32, #tpu.memory_space<vmem>> -> memref<1x1x256xf32, #tpu.memory_space<vmem>>
    %dma_wait3A_1757 = tpu.memref_squeeze %dma_wait3A_1756 : memref<1x1x256xf32, #tpu.memory_space<vmem>> -> memref<1x256xf32, #tpu.memory_space<vmem>>
    %dma_wait3A_1758 = arith.constant 0 : i32
    %dma_wait3A_1759 = tpu.memref_slice %arg2[%squeeze3A_313, %dma_wait3A_1758] : memref<115200x256xf32, #tpu.memory_space<hbm>> -> memref<1x256xf32, #tpu.memory_space<hbm>>
    tpu.wait_dma2 semaphore(%arg8 : memref<!tpu.dma_semaphore, #tpu.memory_space<semaphore_mem>>) src(%dma_wait3A_1759 : memref<1x256xf32, #tpu.memory_space<hbm>>) dst(%dma_wait3A_1757 : memref<1x256xf32, #tpu.memory_space<vmem>>)
    %dma_wait3A_1760 = arith.constant 0 : i32
    %dma_wait3A_1761 = arith.constant 50 : i32
    %dma_wait3A_1762 = arith.constant 0 : i32
    %dma_wait3A_1763 = tpu.memref_slice %arg6[%dma_wait3A_1760, %dma_wait3A_1761, %dma_wait3A_1762] : memref<4x56x256xf32, #tpu.memory_space<vmem>> -> memref<1x1x256xf32, #tpu.memory_space<vmem>>
    %dma_wait3A_1764 = tpu.memref_squeeze %dma_wait3A_1763 : memref<1x1x256xf32, #tpu.memory_space<vmem>> -> memref<1x256xf32, #tpu.memory_space<vmem>>
    %dma_wait3A_1765 = arith.constant 0 : i32
    %dma_wait3A_1766 = tpu.memref_slice %arg2[%squeeze3A_328, %dma_wait3A_1765] : memref<115200x256xf32, #tpu.memory_space<hbm>> -> memref<1x256xf32, #tpu.memory_space<hbm>>
    %dma_wait3A_1767 = arith.constant 50 : i32
    %dma_wait3A_1768 = arith.constant 0 : i32
    %dma_wait3A_1769 = tpu.memref_slice %arg6[%dma_wait3A_1760, %dma_wait3A_1767, %dma_wait3A_1768] : memref<4x56x256xf32, #tpu.memory_space<vmem>> -> memref<1x1x256xf32, #tpu.memory_space<vmem>>
    %dma_wait3A_1770 = tpu.memref_squeeze %dma_wait3A_1769 : memref<1x1x256xf32, #tpu.memory_space<vmem>> -> memref<1x256xf32, #tpu.memory_space<vmem>>
    %dma_wait3A_1771 = arith.constant 0 : i32
    %dma_wait3A_1772 = tpu.memref_slice %arg2[%squeeze3A_328, %dma_wait3A_1771] : memref<115200x256xf32, #tpu.memory_space<hbm>> -> memref<1x256xf32, #tpu.memory_space<hbm>>
    tpu.wait_dma2 semaphore(%arg8 : memref<!tpu.dma_semaphore, #tpu.memory_space<semaphore_mem>>) src(%dma_wait3A_1772 : memref<1x256xf32, #tpu.memory_space<hbm>>) dst(%dma_wait3A_1770 : memref<1x256xf32, #tpu.memory_space<vmem>>)
    %dma_wait3A_1773 = arith.constant 0 : i32
    %dma_wait3A_1774 = arith.constant 51 : i32
    %dma_wait3A_1775 = arith.constant 0 : i32
    %dma_wait3A_1776 = tpu.memref_slice %arg6[%dma_wait3A_1773, %dma_wait3A_1774, %dma_wait3A_1775] : memref<4x56x256xf32, #tpu.memory_space<vmem>> -> memref<1x1x256xf32, #tpu.memory_space<vmem>>
    %dma_wait3A_1777 = tpu.memref_squeeze %dma_wait3A_1776 : memref<1x1x256xf32, #tpu.memory_space<vmem>> -> memref<1x256xf32, #tpu.memory_space<vmem>>
    %dma_wait3A_1778 = arith.constant 0 : i32
    %dma_wait3A_1779 = tpu.memref_slice %arg2[%squeeze3A_343, %dma_wait3A_1778] : memref<115200x256xf32, #tpu.memory_space<hbm>> -> memref<1x256xf32, #tpu.memory_space<hbm>>
    %dma_wait3A_1780 = arith.constant 51 : i32
    %dma_wait3A_1781 = arith.constant 0 : i32
    %dma_wait3A_1782 = tpu.memref_slice %arg6[%dma_wait3A_1773, %dma_wait3A_1780, %dma_wait3A_1781] : memref<4x56x256xf32, #tpu.memory_space<vmem>> -> memref<1x1x256xf32, #tpu.memory_space<vmem>>
    %dma_wait3A_1783 = tpu.memref_squeeze %dma_wait3A_1782 : memref<1x1x256xf32, #tpu.memory_space<vmem>> -> memref<1x256xf32, #tpu.memory_space<vmem>>
    %dma_wait3A_1784 = arith.constant 0 : i32
    %dma_wait3A_1785 = tpu.memref_slice %arg2[%squeeze3A_343, %dma_wait3A_1784] : memref<115200x256xf32, #tpu.memory_space<hbm>> -> memref<1x256xf32, #tpu.memory_space<hbm>>
    tpu.wait_dma2 semaphore(%arg8 : memref<!tpu.dma_semaphore, #tpu.memory_space<semaphore_mem>>) src(%dma_wait3A_1785 : memref<1x256xf32, #tpu.memory_space<hbm>>) dst(%dma_wait3A_1783 : memref<1x256xf32, #tpu.memory_space<vmem>>)
    %dma_wait3A_1786 = arith.constant 0 : i32
    %dma_wait3A_1787 = arith.constant 52 : i32
    %dma_wait3A_1788 = arith.constant 0 : i32
    %dma_wait3A_1789 = tpu.memref_slice %arg6[%dma_wait3A_1786, %dma_wait3A_1787, %dma_wait3A_1788] : memref<4x56x256xf32, #tpu.memory_space<vmem>> -> memref<1x1x256xf32, #tpu.memory_space<vmem>>
    %dma_wait3A_1790 = tpu.memref_squeeze %dma_wait3A_1789 : memref<1x1x256xf32, #tpu.memory_space<vmem>> -> memref<1x256xf32, #tpu.memory_space<vmem>>
    %dma_wait3A_1791 = arith.constant 0 : i32
    %dma_wait3A_1792 = tpu.memref_slice %arg2[%squeeze3A_358, %dma_wait3A_1791] : memref<115200x256xf32, #tpu.memory_space<hbm>> -> memref<1x256xf32, #tpu.memory_space<hbm>>
    %dma_wait3A_1793 = arith.constant 52 : i32
    %dma_wait3A_1794 = arith.constant 0 : i32
    %dma_wait3A_1795 = tpu.memref_slice %arg6[%dma_wait3A_1786, %dma_wait3A_1793, %dma_wait3A_1794] : memref<4x56x256xf32, #tpu.memory_space<vmem>> -> memref<1x1x256xf32, #tpu.memory_space<vmem>>
    %dma_wait3A_1796 = tpu.memref_squeeze %dma_wait3A_1795 : memref<1x1x256xf32, #tpu.memory_space<vmem>> -> memref<1x256xf32, #tpu.memory_space<vmem>>
    %dma_wait3A_1797 = arith.constant 0 : i32
    %dma_wait3A_1798 = tpu.memref_slice %arg2[%squeeze3A_358, %dma_wait3A_1797] : memref<115200x256xf32, #tpu.memory_space<hbm>> -> memref<1x256xf32, #tpu.memory_space<hbm>>
    tpu.wait_dma2 semaphore(%arg8 : memref<!tpu.dma_semaphore, #tpu.memory_space<semaphore_mem>>) src(%dma_wait3A_1798 : memref<1x256xf32, #tpu.memory_space<hbm>>) dst(%dma_wait3A_1796 : memref<1x256xf32, #tpu.memory_space<vmem>>)
    %dma_wait3A_1799 = arith.constant 0 : i32
    %dma_wait3A_1800 = arith.constant 53 : i32
    %dma_wait3A_1801 = arith.constant 0 : i32
    %dma_wait3A_1802 = tpu.memref_slice %arg6[%dma_wait3A_1799, %dma_wait3A_1800, %dma_wait3A_1801] : memref<4x56x256xf32, #tpu.memory_space<vmem>> -> memref<1x1x256xf32, #tpu.memory_space<vmem>>
    %dma_wait3A_1803 = tpu.memref_squeeze %dma_wait3A_1802 : memref<1x1x256xf32, #tpu.memory_space<vmem>> -> memref<1x256xf32, #tpu.memory_space<vmem>>
    %dma_wait3A_1804 = arith.constant 0 : i32
    %dma_wait3A_1805 = tpu.memref_slice %arg2[%squeeze3A_373, %dma_wait3A_1804] : memref<115200x256xf32, #tpu.memory_space<hbm>> -> memref<1x256xf32, #tpu.memory_space<hbm>>
    %dma_wait3A_1806 = arith.constant 53 : i32
    %dma_wait3A_1807 = arith.constant 0 : i32
    %dma_wait3A_1808 = tpu.memref_slice %arg6[%dma_wait3A_1799, %dma_wait3A_1806, %dma_wait3A_1807] : memref<4x56x256xf32, #tpu.memory_space<vmem>> -> memref<1x1x256xf32, #tpu.memory_space<vmem>>
    %dma_wait3A_1809 = tpu.memref_squeeze %dma_wait3A_1808 : memref<1x1x256xf32, #tpu.memory_space<vmem>> -> memref<1x256xf32, #tpu.memory_space<vmem>>
    %dma_wait3A_1810 = arith.constant 0 : i32
    %dma_wait3A_1811 = tpu.memref_slice %arg2[%squeeze3A_373, %dma_wait3A_1810] : memref<115200x256xf32, #tpu.memory_space<hbm>> -> memref<1x256xf32, #tpu.memory_space<hbm>>
    tpu.wait_dma2 semaphore(%arg8 : memref<!tpu.dma_semaphore, #tpu.memory_space<semaphore_mem>>) src(%dma_wait3A_1811 : memref<1x256xf32, #tpu.memory_space<hbm>>) dst(%dma_wait3A_1809 : memref<1x256xf32, #tpu.memory_space<vmem>>)
    %dma_wait3A_1812 = arith.constant 0 : i32
    %dma_wait3A_1813 = arith.constant 54 : i32
    %dma_wait3A_1814 = arith.constant 0 : i32
    %dma_wait3A_1815 = tpu.memref_slice %arg6[%dma_wait3A_1812, %dma_wait3A_1813, %dma_wait3A_1814] : memref<4x56x256xf32, #tpu.memory_space<vmem>> -> memref<1x1x256xf32, #tpu.memory_space<vmem>>
    %dma_wait3A_1816 = tpu.memref_squeeze %dma_wait3A_1815 : memref<1x1x256xf32, #tpu.memory_space<vmem>> -> memref<1x256xf32, #tpu.memory_space<vmem>>
    %dma_wait3A_1817 = arith.constant 0 : i32
    %dma_wait3A_1818 = tpu.memref_slice %arg2[%squeeze3A_388, %dma_wait3A_1817] : memref<115200x256xf32, #tpu.memory_space<hbm>> -> memref<1x256xf32, #tpu.memory_space<hbm>>
    %dma_wait3A_1819 = arith.constant 54 : i32
    %dma_wait3A_1820 = arith.constant 0 : i32
    %dma_wait3A_1821 = tpu.memref_slice %arg6[%dma_wait3A_1812, %dma_wait3A_1819, %dma_wait3A_1820] : memref<4x56x256xf32, #tpu.memory_space<vmem>> -> memref<1x1x256xf32, #tpu.memory_space<vmem>>
    %dma_wait3A_1822 = tpu.memref_squeeze %dma_wait3A_1821 : memref<1x1x256xf32, #tpu.memory_space<vmem>> -> memref<1x256xf32, #tpu.memory_space<vmem>>
    %dma_wait3A_1823 = arith.constant 0 : i32
    %dma_wait3A_1824 = tpu.memref_slice %arg2[%squeeze3A_388, %dma_wait3A_1823] : memref<115200x256xf32, #tpu.memory_space<hbm>> -> memref<1x256xf32, #tpu.memory_space<hbm>>
    tpu.wait_dma2 semaphore(%arg8 : memref<!tpu.dma_semaphore, #tpu.memory_space<semaphore_mem>>) src(%dma_wait3A_1824 : memref<1x256xf32, #tpu.memory_space<hbm>>) dst(%dma_wait3A_1822 : memref<1x256xf32, #tpu.memory_space<vmem>>)
    %dma_wait3A_1825 = arith.constant 0 : i32
    %dma_wait3A_1826 = arith.constant 55 : i32
    %dma_wait3A_1827 = arith.constant 0 : i32
    %dma_wait3A_1828 = tpu.memref_slice %arg6[%dma_wait3A_1825, %dma_wait3A_1826, %dma_wait3A_1827] : memref<4x56x256xf32, #tpu.memory_space<vmem>> -> memref<1x1x256xf32, #tpu.memory_space<vmem>>
    %dma_wait3A_1829 = tpu.memref_squeeze %dma_wait3A_1828 : memref<1x1x256xf32, #tpu.memory_space<vmem>> -> memref<1x256xf32, #tpu.memory_space<vmem>>
    %dma_wait3A_1830 = arith.constant 0 : i32
    %dma_wait3A_1831 = tpu.memref_slice %arg2[%squeeze3A_403, %dma_wait3A_1830] : memref<115200x256xf32, #tpu.memory_space<hbm>> -> memref<1x256xf32, #tpu.memory_space<hbm>>
    %dma_wait3A_1832 = arith.constant 55 : i32
    %dma_wait3A_1833 = arith.constant 0 : i32
    %dma_wait3A_1834 = tpu.memref_slice %arg6[%dma_wait3A_1825, %dma_wait3A_1832, %dma_wait3A_1833] : memref<4x56x256xf32, #tpu.memory_space<vmem>> -> memref<1x1x256xf32, #tpu.memory_space<vmem>>
    %dma_wait3A_1835 = tpu.memref_squeeze %dma_wait3A_1834 : memref<1x1x256xf32, #tpu.memory_space<vmem>> -> memref<1x256xf32, #tpu.memory_space<vmem>>
    %dma_wait3A_1836 = arith.constant 0 : i32
    %dma_wait3A_1837 = tpu.memref_slice %arg2[%squeeze3A_403, %dma_wait3A_1836] : memref<115200x256xf32, #tpu.memory_space<hbm>> -> memref<1x256xf32, #tpu.memory_space<hbm>>
    tpu.wait_dma2 semaphore(%arg8 : memref<!tpu.dma_semaphore, #tpu.memory_space<semaphore_mem>>) src(%dma_wait3A_1837 : memref<1x256xf32, #tpu.memory_space<hbm>>) dst(%dma_wait3A_1835 : memref<1x256xf32, #tpu.memory_space<vmem>>)
    %dma_wait3A_1838 = arith.constant 1 : i32
    %dma_wait3A_1839 = arith.constant 32 : i32
    %dma_wait3A_1840 = arith.constant 0 : i32
    %dma_wait3A_1841 = tpu.memref_slice %arg6[%dma_wait3A_1838, %dma_wait3A_1839, %dma_wait3A_1840] : memref<4x56x256xf32, #tpu.memory_space<vmem>> -> memref<1x1x256xf32, #tpu.memory_space<vmem>>
    %dma_wait3A_1842 = tpu.memref_squeeze %dma_wait3A_1841 : memref<1x1x256xf32, #tpu.memory_space<vmem>> -> memref<1x256xf32, #tpu.memory_space<vmem>>
    %dma_wait3A_1843 = arith.constant 0 : i32
    %dma_wait3A_1844 = tpu.memref_slice %arg2[%squeeze3A_423, %dma_wait3A_1843] : memref<115200x256xf32, #tpu.memory_space<hbm>> -> memref<1x256xf32, #tpu.memory_space<hbm>>
    %dma_wait3A_1845 = arith.constant 32 : i32
    %dma_wait3A_1846 = arith.constant 0 : i32
    %dma_wait3A_1847 = tpu.memref_slice %arg6[%dma_wait3A_1838, %dma_wait3A_1845, %dma_wait3A_1846] : memref<4x56x256xf32, #tpu.memory_space<vmem>> -> memref<1x1x256xf32, #tpu.memory_space<vmem>>
    %dma_wait3A_1848 = tpu.memref_squeeze %dma_wait3A_1847 : memref<1x1x256xf32, #tpu.memory_space<vmem>> -> memref<1x256xf32, #tpu.memory_space<vmem>>
    %dma_wait3A_1849 = arith.constant 0 : i32
    %dma_wait3A_1850 = tpu.memref_slice %arg2[%squeeze3A_423, %dma_wait3A_1849] : memref<115200x256xf32, #tpu.memory_space<hbm>> -> memref<1x256xf32, #tpu.memory_space<hbm>>
    tpu.wait_dma2 semaphore(%arg8 : memref<!tpu.dma_semaphore, #tpu.memory_space<semaphore_mem>>) src(%dma_wait3A_1850 : memref<1x256xf32, #tpu.memory_space<hbm>>) dst(%dma_wait3A_1848 : memref<1x256xf32, #tpu.memory_space<vmem>>)
    %dma_wait3A_1851 = arith.constant 1 : i32
    %dma_wait3A_1852 = arith.constant 33 : i32
    %dma_wait3A_1853 = arith.constant 0 : i32
    %dma_wait3A_1854 = tpu.memref_slice %arg6[%dma_wait3A_1851, %dma_wait3A_1852, %dma_wait3A_1853] : memref<4x56x256xf32, #tpu.memory_space<vmem>> -> memref<1x1x256xf32, #tpu.memory_space<vmem>>
    %dma_wait3A_1855 = tpu.memref_squeeze %dma_wait3A_1854 : memref<1x1x256xf32, #tpu.memory_space<vmem>> -> memref<1x256xf32, #tpu.memory_space<vmem>>
    %dma_wait3A_1856 = arith.constant 0 : i32
    %dma_wait3A_1857 = tpu.memref_slice %arg2[%squeeze3A_438, %dma_wait3A_1856] : memref<115200x256xf32, #tpu.memory_space<hbm>> -> memref<1x256xf32, #tpu.memory_space<hbm>>
    %dma_wait3A_1858 = arith.constant 33 : i32
    %dma_wait3A_1859 = arith.constant 0 : i32
    %dma_wait3A_1860 = tpu.memref_slice %arg6[%dma_wait3A_1851, %dma_wait3A_1858, %dma_wait3A_1859] : memref<4x56x256xf32, #tpu.memory_space<vmem>> -> memref<1x1x256xf32, #tpu.memory_space<vmem>>
    %dma_wait3A_1861 = tpu.memref_squeeze %dma_wait3A_1860 : memref<1x1x256xf32, #tpu.memory_space<vmem>> -> memref<1x256xf32, #tpu.memory_space<vmem>>
    %dma_wait3A_1862 = arith.constant 0 : i32
    %dma_wait3A_1863 = tpu.memref_slice %arg2[%squeeze3A_438, %dma_wait3A_1862] : memref<115200x256xf32, #tpu.memory_space<hbm>> -> memref<1x256xf32, #tpu.memory_space<hbm>>
    tpu.wait_dma2 semaphore(%arg8 : memref<!tpu.dma_semaphore, #tpu.memory_space<semaphore_mem>>) src(%dma_wait3A_1863 : memref<1x256xf32, #tpu.memory_space<hbm>>) dst(%dma_wait3A_1861 : memref<1x256xf32, #tpu.memory_space<vmem>>)
    %dma_wait3A_1864 = arith.constant 1 : i32
    %dma_wait3A_1865 = arith.constant 34 : i32
    %dma_wait3A_1866 = arith.constant 0 : i32
    %dma_wait3A_1867 = tpu.memref_slice %arg6[%dma_wait3A_1864, %dma_wait3A_1865, %dma_wait3A_1866] : memref<4x56x256xf32, #tpu.memory_space<vmem>> -> memref<1x1x256xf32, #tpu.memory_space<vmem>>
    %dma_wait3A_1868 = tpu.memref_squeeze %dma_wait3A_1867 : memref<1x1x256xf32, #tpu.memory_space<vmem>> -> memref<1x256xf32, #tpu.memory_space<vmem>>
    %dma_wait3A_1869 = arith.constant 0 : i32
    %dma_wait3A_1870 = tpu.memref_slice %arg2[%squeeze3A_453, %dma_wait3A_1869] : memref<115200x256xf32, #tpu.memory_space<hbm>> -> memref<1x256xf32, #tpu.memory_space<hbm>>
    %dma_wait3A_1871 = arith.constant 34 : i32
    %dma_wait3A_1872 = arith.constant 0 : i32
    %dma_wait3A_1873 = tpu.memref_slice %arg6[%dma_wait3A_1864, %dma_wait3A_1871, %dma_wait3A_1872] : memref<4x56x256xf32, #tpu.memory_space<vmem>> -> memref<1x1x256xf32, #tpu.memory_space<vmem>>
    %dma_wait3A_1874 = tpu.memref_squeeze %dma_wait3A_1873 : memref<1x1x256xf32, #tpu.memory_space<vmem>> -> memref<1x256xf32, #tpu.memory_space<vmem>>
    %dma_wait3A_1875 = arith.constant 0 : i32
    %dma_wait3A_1876 = tpu.memref_slice %arg2[%squeeze3A_453, %dma_wait3A_1875] : memref<115200x256xf32, #tpu.memory_space<hbm>> -> memref<1x256xf32, #tpu.memory_space<hbm>>
    tpu.wait_dma2 semaphore(%arg8 : memref<!tpu.dma_semaphore, #tpu.memory_space<semaphore_mem>>) src(%dma_wait3A_1876 : memref<1x256xf32, #tpu.memory_space<hbm>>) dst(%dma_wait3A_1874 : memref<1x256xf32, #tpu.memory_space<vmem>>)
    %dma_wait3A_1877 = arith.constant 1 : i32
    %dma_wait3A_1878 = arith.constant 35 : i32
    %dma_wait3A_1879 = arith.constant 0 : i32
    %dma_wait3A_1880 = tpu.memref_slice %arg6[%dma_wait3A_1877, %dma_wait3A_1878, %dma_wait3A_1879] : memref<4x56x256xf32, #tpu.memory_space<vmem>> -> memref<1x1x256xf32, #tpu.memory_space<vmem>>
    %dma_wait3A_1881 = tpu.memref_squeeze %dma_wait3A_1880 : memref<1x1x256xf32, #tpu.memory_space<vmem>> -> memref<1x256xf32, #tpu.memory_space<vmem>>
    %dma_wait3A_1882 = arith.constant 0 : i32
    %dma_wait3A_1883 = tpu.memref_slice %arg2[%squeeze3A_468, %dma_wait3A_1882] : memref<115200x256xf32, #tpu.memory_space<hbm>> -> memref<1x256xf32, #tpu.memory_space<hbm>>
    %dma_wait3A_1884 = arith.constant 35 : i32
    %dma_wait3A_1885 = arith.constant 0 : i32
    %dma_wait3A_1886 = tpu.memref_slice %arg6[%dma_wait3A_1877, %dma_wait3A_1884, %dma_wait3A_1885] : memref<4x56x256xf32, #tpu.memory_space<vmem>> -> memref<1x1x256xf32, #tpu.memory_space<vmem>>
    %dma_wait3A_1887 = tpu.memref_squeeze %dma_wait3A_1886 : memref<1x1x256xf32, #tpu.memory_space<vmem>> -> memref<1x256xf32, #tpu.memory_space<vmem>>
    %dma_wait3A_1888 = arith.constant 0 : i32
    %dma_wait3A_1889 = tpu.memref_slice %arg2[%squeeze3A_468, %dma_wait3A_1888] : memref<115200x256xf32, #tpu.memory_space<hbm>> -> memref<1x256xf32, #tpu.memory_space<hbm>>
    tpu.wait_dma2 semaphore(%arg8 : memref<!tpu.dma_semaphore, #tpu.memory_space<semaphore_mem>>) src(%dma_wait3A_1889 : memref<1x256xf32, #tpu.memory_space<hbm>>) dst(%dma_wait3A_1887 : memref<1x256xf32, #tpu.memory_space<vmem>>)
    %dma_wait3A_1890 = arith.constant 1 : i32
    %dma_wait3A_1891 = arith.constant 36 : i32
    %dma_wait3A_1892 = arith.constant 0 : i32
    %dma_wait3A_1893 = tpu.memref_slice %arg6[%dma_wait3A_1890, %dma_wait3A_1891, %dma_wait3A_1892] : memref<4x56x256xf32, #tpu.memory_space<vmem>> -> memref<1x1x256xf32, #tpu.memory_space<vmem>>
    %dma_wait3A_1894 = tpu.memref_squeeze %dma_wait3A_1893 : memref<1x1x256xf32, #tpu.memory_space<vmem>> -> memref<1x256xf32, #tpu.memory_space<vmem>>
    %dma_wait3A_1895 = arith.constant 0 : i32
    %dma_wait3A_1896 = tpu.memref_slice %arg2[%squeeze3A_483, %dma_wait3A_1895] : memref<115200x256xf32, #tpu.memory_space<hbm>> -> memref<1x256xf32, #tpu.memory_space<hbm>>
    %dma_wait3A_1897 = arith.constant 36 : i32
    %dma_wait3A_1898 = arith.constant 0 : i32
    %dma_wait3A_1899 = tpu.memref_slice %arg6[%dma_wait3A_1890, %dma_wait3A_1897, %dma_wait3A_1898] : memref<4x56x256xf32, #tpu.memory_space<vmem>> -> memref<1x1x256xf32, #tpu.memory_space<vmem>>
    %dma_wait3A_1900 = tpu.memref_squeeze %dma_wait3A_1899 : memref<1x1x256xf32, #tpu.memory_space<vmem>> -> memref<1x256xf32, #tpu.memory_space<vmem>>
    %dma_wait3A_1901 = arith.constant 0 : i32
    %dma_wait3A_1902 = tpu.memref_slice %arg2[%squeeze3A_483, %dma_wait3A_1901] : memref<115200x256xf32, #tpu.memory_space<hbm>> -> memref<1x256xf32, #tpu.memory_space<hbm>>
    tpu.wait_dma2 semaphore(%arg8 : memref<!tpu.dma_semaphore, #tpu.memory_space<semaphore_mem>>) src(%dma_wait3A_1902 : memref<1x256xf32, #tpu.memory_space<hbm>>) dst(%dma_wait3A_1900 : memref<1x256xf32, #tpu.memory_space<vmem>>)
    %dma_wait3A_1903 = arith.constant 1 : i32
    %dma_wait3A_1904 = arith.constant 37 : i32
    %dma_wait3A_1905 = arith.constant 0 : i32
    %dma_wait3A_1906 = tpu.memref_slice %arg6[%dma_wait3A_1903, %dma_wait3A_1904, %dma_wait3A_1905] : memref<4x56x256xf32, #tpu.memory_space<vmem>> -> memref<1x1x256xf32, #tpu.memory_space<vmem>>
    %dma_wait3A_1907 = tpu.memref_squeeze %dma_wait3A_1906 : memref<1x1x256xf32, #tpu.memory_space<vmem>> -> memref<1x256xf32, #tpu.memory_space<vmem>>
    %dma_wait3A_1908 = arith.constant 0 : i32
    %dma_wait3A_1909 = tpu.memref_slice %arg2[%squeeze3A_498, %dma_wait3A_1908] : memref<115200x256xf32, #tpu.memory_space<hbm>> -> memref<1x256xf32, #tpu.memory_space<hbm>>
    %dma_wait3A_1910 = arith.constant 37 : i32
    %dma_wait3A_1911 = arith.constant 0 : i32
    %dma_wait3A_1912 = tpu.memref_slice %arg6[%dma_wait3A_1903, %dma_wait3A_1910, %dma_wait3A_1911] : memref<4x56x256xf32, #tpu.memory_space<vmem>> -> memref<1x1x256xf32, #tpu.memory_space<vmem>>
    %dma_wait3A_1913 = tpu.memref_squeeze %dma_wait3A_1912 : memref<1x1x256xf32, #tpu.memory_space<vmem>> -> memref<1x256xf32, #tpu.memory_space<vmem>>
    %dma_wait3A_1914 = arith.constant 0 : i32
    %dma_wait3A_1915 = tpu.memref_slice %arg2[%squeeze3A_498, %dma_wait3A_1914] : memref<115200x256xf32, #tpu.memory_space<hbm>> -> memref<1x256xf32, #tpu.memory_space<hbm>>
    tpu.wait_dma2 semaphore(%arg8 : memref<!tpu.dma_semaphore, #tpu.memory_space<semaphore_mem>>) src(%dma_wait3A_1915 : memref<1x256xf32, #tpu.memory_space<hbm>>) dst(%dma_wait3A_1913 : memref<1x256xf32, #tpu.memory_space<vmem>>)
    %dma_wait3A_1916 = arith.constant 1 : i32
    %dma_wait3A_1917 = arith.constant 38 : i32
    %dma_wait3A_1918 = arith.constant 0 : i32
    %dma_wait3A_1919 = tpu.memref_slice %arg6[%dma_wait3A_1916, %dma_wait3A_1917, %dma_wait3A_1918] : memref<4x56x256xf32, #tpu.memory_space<vmem>> -> memref<1x1x256xf32, #tpu.memory_space<vmem>>
    %dma_wait3A_1920 = tpu.memref_squeeze %dma_wait3A_1919 : memref<1x1x256xf32, #tpu.memory_space<vmem>> -> memref<1x256xf32, #tpu.memory_space<vmem>>
    %dma_wait3A_1921 = arith.constant 0 : i32
    %dma_wait3A_1922 = tpu.memref_slice %arg2[%squeeze3A_513, %dma_wait3A_1921] : memref<115200x256xf32, #tpu.memory_space<hbm>> -> memref<1x256xf32, #tpu.memory_space<hbm>>
    %dma_wait3A_1923 = arith.constant 38 : i32
    %dma_wait3A_1924 = arith.constant 0 : i32
    %dma_wait3A_1925 = tpu.memref_slice %arg6[%dma_wait3A_1916, %dma_wait3A_1923, %dma_wait3A_1924] : memref<4x56x256xf32, #tpu.memory_space<vmem>> -> memref<1x1x256xf32, #tpu.memory_space<vmem>>
    %dma_wait3A_1926 = tpu.memref_squeeze %dma_wait3A_1925 : memref<1x1x256xf32, #tpu.memory_space<vmem>> -> memref<1x256xf32, #tpu.memory_space<vmem>>
    %dma_wait3A_1927 = arith.constant 0 : i32
    %dma_wait3A_1928 = tpu.memref_slice %arg2[%squeeze3A_513, %dma_wait3A_1927] : memref<115200x256xf32, #tpu.memory_space<hbm>> -> memref<1x256xf32, #tpu.memory_space<hbm>>
    tpu.wait_dma2 semaphore(%arg8 : memref<!tpu.dma_semaphore, #tpu.memory_space<semaphore_mem>>) src(%dma_wait3A_1928 : memref<1x256xf32, #tpu.memory_space<hbm>>) dst(%dma_wait3A_1926 : memref<1x256xf32, #tpu.memory_space<vmem>>)
    %dma_wait3A_1929 = arith.constant 1 : i32
    %dma_wait3A_1930 = arith.constant 39 : i32
    %dma_wait3A_1931 = arith.constant 0 : i32
    %dma_wait3A_1932 = tpu.memref_slice %arg6[%dma_wait3A_1929, %dma_wait3A_1930, %dma_wait3A_1931] : memref<4x56x256xf32, #tpu.memory_space<vmem>> -> memref<1x1x256xf32, #tpu.memory_space<vmem>>
    %dma_wait3A_1933 = tpu.memref_squeeze %dma_wait3A_1932 : memref<1x1x256xf32, #tpu.memory_space<vmem>> -> memref<1x256xf32, #tpu.memory_space<vmem>>
    %dma_wait3A_1934 = arith.constant 0 : i32
    %dma_wait3A_1935 = tpu.memref_slice %arg2[%squeeze3A_528, %dma_wait3A_1934] : memref<115200x256xf32, #tpu.memory_space<hbm>> -> memref<1x256xf32, #tpu.memory_space<hbm>>
    %dma_wait3A_1936 = arith.constant 39 : i32
    %dma_wait3A_1937 = arith.constant 0 : i32
    %dma_wait3A_1938 = tpu.memref_slice %arg6[%dma_wait3A_1929, %dma_wait3A_1936, %dma_wait3A_1937] : memref<4x56x256xf32, #tpu.memory_space<vmem>> -> memref<1x1x256xf32, #tpu.memory_space<vmem>>
    %dma_wait3A_1939 = tpu.memref_squeeze %dma_wait3A_1938 : memref<1x1x256xf32, #tpu.memory_space<vmem>> -> memref<1x256xf32, #tpu.memory_space<vmem>>
    %dma_wait3A_1940 = arith.constant 0 : i32
    %dma_wait3A_1941 = tpu.memref_slice %arg2[%squeeze3A_528, %dma_wait3A_1940] : memref<115200x256xf32, #tpu.memory_space<hbm>> -> memref<1x256xf32, #tpu.memory_space<hbm>>
    tpu.wait_dma2 semaphore(%arg8 : memref<!tpu.dma_semaphore, #tpu.memory_space<semaphore_mem>>) src(%dma_wait3A_1941 : memref<1x256xf32, #tpu.memory_space<hbm>>) dst(%dma_wait3A_1939 : memref<1x256xf32, #tpu.memory_space<vmem>>)
    %dma_wait3A_1942 = arith.constant 1 : i32
    %dma_wait3A_1943 = arith.constant 40 : i32
    %dma_wait3A_1944 = arith.constant 0 : i32
    %dma_wait3A_1945 = tpu.memref_slice %arg6[%dma_wait3A_1942, %dma_wait3A_1943, %dma_wait3A_1944] : memref<4x56x256xf32, #tpu.memory_space<vmem>> -> memref<1x1x256xf32, #tpu.memory_space<vmem>>
    %dma_wait3A_1946 = tpu.memref_squeeze %dma_wait3A_1945 : memref<1x1x256xf32, #tpu.memory_space<vmem>> -> memref<1x256xf32, #tpu.memory_space<vmem>>
    %dma_wait3A_1947 = arith.constant 0 : i32
    %dma_wait3A_1948 = tpu.memref_slice %arg2[%squeeze3A_543, %dma_wait3A_1947] : memref<115200x256xf32, #tpu.memory_space<hbm>> -> memref<1x256xf32, #tpu.memory_space<hbm>>
    %dma_wait3A_1949 = arith.constant 40 : i32
    %dma_wait3A_1950 = arith.constant 0 : i32
    %dma_wait3A_1951 = tpu.memref_slice %arg6[%dma_wait3A_1942, %dma_wait3A_1949, %dma_wait3A_1950] : memref<4x56x256xf32, #tpu.memory_space<vmem>> -> memref<1x1x256xf32, #tpu.memory_space<vmem>>
    %dma_wait3A_1952 = tpu.memref_squeeze %dma_wait3A_1951 : memref<1x1x256xf32, #tpu.memory_space<vmem>> -> memref<1x256xf32, #tpu.memory_space<vmem>>
    %dma_wait3A_1953 = arith.constant 0 : i32
    %dma_wait3A_1954 = tpu.memref_slice %arg2[%squeeze3A_543, %dma_wait3A_1953] : memref<115200x256xf32, #tpu.memory_space<hbm>> -> memref<1x256xf32, #tpu.memory_space<hbm>>
    tpu.wait_dma2 semaphore(%arg8 : memref<!tpu.dma_semaphore, #tpu.memory_space<semaphore_mem>>) src(%dma_wait3A_1954 : memref<1x256xf32, #tpu.memory_space<hbm>>) dst(%dma_wait3A_1952 : memref<1x256xf32, #tpu.memory_space<vmem>>)
    %dma_wait3A_1955 = arith.constant 1 : i32
    %dma_wait3A_1956 = arith.constant 41 : i32
    %dma_wait3A_1957 = arith.constant 0 : i32
    %dma_wait3A_1958 = tpu.memref_slice %arg6[%dma_wait3A_1955, %dma_wait3A_1956, %dma_wait3A_1957] : memref<4x56x256xf32, #tpu.memory_space<vmem>> -> memref<1x1x256xf32, #tpu.memory_space<vmem>>
    %dma_wait3A_1959 = tpu.memref_squeeze %dma_wait3A_1958 : memref<1x1x256xf32, #tpu.memory_space<vmem>> -> memref<1x256xf32, #tpu.memory_space<vmem>>
    %dma_wait3A_1960 = arith.constant 0 : i32
    %dma_wait3A_1961 = tpu.memref_slice %arg2[%squeeze3A_558, %dma_wait3A_1960] : memref<115200x256xf32, #tpu.memory_space<hbm>> -> memref<1x256xf32, #tpu.memory_space<hbm>>
    %dma_wait3A_1962 = arith.constant 41 : i32
    %dma_wait3A_1963 = arith.constant 0 : i32
    %dma_wait3A_1964 = tpu.memref_slice %arg6[%dma_wait3A_1955, %dma_wait3A_1962, %dma_wait3A_1963] : memref<4x56x256xf32, #tpu.memory_space<vmem>> -> memref<1x1x256xf32, #tpu.memory_space<vmem>>
    %dma_wait3A_1965 = tpu.memref_squeeze %dma_wait3A_1964 : memref<1x1x256xf32, #tpu.memory_space<vmem>> -> memref<1x256xf32, #tpu.memory_space<vmem>>
    %dma_wait3A_1966 = arith.constant 0 : i32
    %dma_wait3A_1967 = tpu.memref_slice %arg2[%squeeze3A_558, %dma_wait3A_1966] : memref<115200x256xf32, #tpu.memory_space<hbm>> -> memref<1x256xf32, #tpu.memory_space<hbm>>
    tpu.wait_dma2 semaphore(%arg8 : memref<!tpu.dma_semaphore, #tpu.memory_space<semaphore_mem>>) src(%dma_wait3A_1967 : memref<1x256xf32, #tpu.memory_space<hbm>>) dst(%dma_wait3A_1965 : memref<1x256xf32, #tpu.memory_space<vmem>>)
    %dma_wait3A_1968 = arith.constant 1 : i32
    %dma_wait3A_1969 = arith.constant 42 : i32
    %dma_wait3A_1970 = arith.constant 0 : i32
    %dma_wait3A_1971 = tpu.memref_slice %arg6[%dma_wait3A_1968, %dma_wait3A_1969, %dma_wait3A_1970] : memref<4x56x256xf32, #tpu.memory_space<vmem>> -> memref<1x1x256xf32, #tpu.memory_space<vmem>>
    %dma_wait3A_1972 = tpu.memref_squeeze %dma_wait3A_1971 : memref<1x1x256xf32, #tpu.memory_space<vmem>> -> memref<1x256xf32, #tpu.memory_space<vmem>>
    %dma_wait3A_1973 = arith.constant 0 : i32
    %dma_wait3A_1974 = tpu.memref_slice %arg2[%squeeze3A_573, %dma_wait3A_1973] : memref<115200x256xf32, #tpu.memory_space<hbm>> -> memref<1x256xf32, #tpu.memory_space<hbm>>
    %dma_wait3A_1975 = arith.constant 42 : i32
    %dma_wait3A_1976 = arith.constant 0 : i32
    %dma_wait3A_1977 = tpu.memref_slice %arg6[%dma_wait3A_1968, %dma_wait3A_1975, %dma_wait3A_1976] : memref<4x56x256xf32, #tpu.memory_space<vmem>> -> memref<1x1x256xf32, #tpu.memory_space<vmem>>
    %dma_wait3A_1978 = tpu.memref_squeeze %dma_wait3A_1977 : memref<1x1x256xf32, #tpu.memory_space<vmem>> -> memref<1x256xf32, #tpu.memory_space<vmem>>
    %dma_wait3A_1979 = arith.constant 0 : i32
    %dma_wait3A_1980 = tpu.memref_slice %arg2[%squeeze3A_573, %dma_wait3A_1979] : memref<115200x256xf32, #tpu.memory_space<hbm>> -> memref<1x256xf32, #tpu.memory_space<hbm>>
    tpu.wait_dma2 semaphore(%arg8 : memref<!tpu.dma_semaphore, #tpu.memory_space<semaphore_mem>>) src(%dma_wait3A_1980 : memref<1x256xf32, #tpu.memory_space<hbm>>) dst(%dma_wait3A_1978 : memref<1x256xf32, #tpu.memory_space<vmem>>)
    %dma_wait3A_1981 = arith.constant 1 : i32
    %dma_wait3A_1982 = arith.constant 43 : i32
    %dma_wait3A_1983 = arith.constant 0 : i32
    %dma_wait3A_1984 = tpu.memref_slice %arg6[%dma_wait3A_1981, %dma_wait3A_1982, %dma_wait3A_1983] : memref<4x56x256xf32, #tpu.memory_space<vmem>> -> memref<1x1x256xf32, #tpu.memory_space<vmem>>
    %dma_wait3A_1985 = tpu.memref_squeeze %dma_wait3A_1984 : memref<1x1x256xf32, #tpu.memory_space<vmem>> -> memref<1x256xf32, #tpu.memory_space<vmem>>
    %dma_wait3A_1986 = arith.constant 0 : i32
    %dma_wait3A_1987 = tpu.memref_slice %arg2[%squeeze3A_588, %dma_wait3A_1986] : memref<115200x256xf32, #tpu.memory_space<hbm>> -> memref<1x256xf32, #tpu.memory_space<hbm>>
    %dma_wait3A_1988 = arith.constant 43 : i32
    %dma_wait3A_1989 = arith.constant 0 : i32
    %dma_wait3A_1990 = tpu.memref_slice %arg6[%dma_wait3A_1981, %dma_wait3A_1988, %dma_wait3A_1989] : memref<4x56x256xf32, #tpu.memory_space<vmem>> -> memref<1x1x256xf32, #tpu.memory_space<vmem>>
    %dma_wait3A_1991 = tpu.memref_squeeze %dma_wait3A_1990 : memref<1x1x256xf32, #tpu.memory_space<vmem>> -> memref<1x256xf32, #tpu.memory_space<vmem>>
    %dma_wait3A_1992 = arith.constant 0 : i32
    %dma_wait3A_1993 = tpu.memref_slice %arg2[%squeeze3A_588, %dma_wait3A_1992] : memref<115200x256xf32, #tpu.memory_space<hbm>> -> memref<1x256xf32, #tpu.memory_space<hbm>>
    tpu.wait_dma2 semaphore(%arg8 : memref<!tpu.dma_semaphore, #tpu.memory_space<semaphore_mem>>) src(%dma_wait3A_1993 : memref<1x256xf32, #tpu.memory_space<hbm>>) dst(%dma_wait3A_1991 : memref<1x256xf32, #tpu.memory_space<vmem>>)
    %dma_wait3A_1994 = arith.constant 1 : i32
    %dma_wait3A_1995 = arith.constant 44 : i32
    %dma_wait3A_1996 = arith.constant 0 : i32
    %dma_wait3A_1997 = tpu.memref_slice %arg6[%dma_wait3A_1994, %dma_wait3A_1995, %dma_wait3A_1996] : memref<4x56x256xf32, #tpu.memory_space<vmem>> -> memref<1x1x256xf32, #tpu.memory_space<vmem>>
    %dma_wait3A_1998 = tpu.memref_squeeze %dma_wait3A_1997 : memref<1x1x256xf32, #tpu.memory_space<vmem>> -> memref<1x256xf32, #tpu.memory_space<vmem>>
    %dma_wait3A_1999 = arith.constant 0 : i32
    %dma_wait3A_2000 = tpu.memref_slice %arg2[%squeeze3A_603, %dma_wait3A_1999] : memref<115200x256xf32, #tpu.memory_space<hbm>> -> memref<1x256xf32, #tpu.memory_space<hbm>>
    %dma_wait3A_2001 = arith.constant 44 : i32
    %dma_wait3A_2002 = arith.constant 0 : i32
    %dma_wait3A_2003 = tpu.memref_slice %arg6[%dma_wait3A_1994, %dma_wait3A_2001, %dma_wait3A_2002] : memref<4x56x256xf32, #tpu.memory_space<vmem>> -> memref<1x1x256xf32, #tpu.memory_space<vmem>>
    %dma_wait3A_2004 = tpu.memref_squeeze %dma_wait3A_2003 : memref<1x1x256xf32, #tpu.memory_space<vmem>> -> memref<1x256xf32, #tpu.memory_space<vmem>>
    %dma_wait3A_2005 = arith.constant 0 : i32
    %dma_wait3A_2006 = tpu.memref_slice %arg2[%squeeze3A_603, %dma_wait3A_2005] : memref<115200x256xf32, #tpu.memory_space<hbm>> -> memref<1x256xf32, #tpu.memory_space<hbm>>
    tpu.wait_dma2 semaphore(%arg8 : memref<!tpu.dma_semaphore, #tpu.memory_space<semaphore_mem>>) src(%dma_wait3A_2006 : memref<1x256xf32, #tpu.memory_space<hbm>>) dst(%dma_wait3A_2004 : memref<1x256xf32, #tpu.memory_space<vmem>>)
    %dma_wait3A_2007 = arith.constant 1 : i32
    %dma_wait3A_2008 = arith.constant 45 : i32
    %dma_wait3A_2009 = arith.constant 0 : i32
    %dma_wait3A_2010 = tpu.memref_slice %arg6[%dma_wait3A_2007, %dma_wait3A_2008, %dma_wait3A_2009] : memref<4x56x256xf32, #tpu.memory_space<vmem>> -> memref<1x1x256xf32, #tpu.memory_space<vmem>>
    %dma_wait3A_2011 = tpu.memref_squeeze %dma_wait3A_2010 : memref<1x1x256xf32, #tpu.memory_space<vmem>> -> memref<1x256xf32, #tpu.memory_space<vmem>>
    %dma_wait3A_2012 = arith.constant 0 : i32
    %dma_wait3A_2013 = tpu.memref_slice %arg2[%squeeze3A_618, %dma_wait3A_2012] : memref<115200x256xf32, #tpu.memory_space<hbm>> -> memref<1x256xf32, #tpu.memory_space<hbm>>
    %dma_wait3A_2014 = arith.constant 45 : i32
    %dma_wait3A_2015 = arith.constant 0 : i32
    %dma_wait3A_2016 = tpu.memref_slice %arg6[%dma_wait3A_2007, %dma_wait3A_2014, %dma_wait3A_2015] : memref<4x56x256xf32, #tpu.memory_space<vmem>> -> memref<1x1x256xf32, #tpu.memory_space<vmem>>
    %dma_wait3A_2017 = tpu.memref_squeeze %dma_wait3A_2016 : memref<1x1x256xf32, #tpu.memory_space<vmem>> -> memref<1x256xf32, #tpu.memory_space<vmem>>
    %dma_wait3A_2018 = arith.constant 0 : i32
    %dma_wait3A_2019 = tpu.memref_slice %arg2[%squeeze3A_618, %dma_wait3A_2018] : memref<115200x256xf32, #tpu.memory_space<hbm>> -> memref<1x256xf32, #tpu.memory_space<hbm>>
    tpu.wait_dma2 semaphore(%arg8 : memref<!tpu.dma_semaphore, #tpu.memory_space<semaphore_mem>>) src(%dma_wait3A_2019 : memref<1x256xf32, #tpu.memory_space<hbm>>) dst(%dma_wait3A_2017 : memref<1x256xf32, #tpu.memory_space<vmem>>)
    %dma_wait3A_2020 = arith.constant 1 : i32
    %dma_wait3A_2021 = arith.constant 46 : i32
    %dma_wait3A_2022 = arith.constant 0 : i32
    %dma_wait3A_2023 = tpu.memref_slice %arg6[%dma_wait3A_2020, %dma_wait3A_2021, %dma_wait3A_2022] : memref<4x56x256xf32, #tpu.memory_space<vmem>> -> memref<1x1x256xf32, #tpu.memory_space<vmem>>
    %dma_wait3A_2024 = tpu.memref_squeeze %dma_wait3A_2023 : memref<1x1x256xf32, #tpu.memory_space<vmem>> -> memref<1x256xf32, #tpu.memory_space<vmem>>
    %dma_wait3A_2025 = arith.constant 0 : i32
    %dma_wait3A_2026 = tpu.memref_slice %arg2[%squeeze3A_633, %dma_wait3A_2025] : memref<115200x256xf32, #tpu.memory_space<hbm>> -> memref<1x256xf32, #tpu.memory_space<hbm>>
    %dma_wait3A_2027 = arith.constant 46 : i32
    %dma_wait3A_2028 = arith.constant 0 : i32
    %dma_wait3A_2029 = tpu.memref_slice %arg6[%dma_wait3A_2020, %dma_wait3A_2027, %dma_wait3A_2028] : memref<4x56x256xf32, #tpu.memory_space<vmem>> -> memref<1x1x256xf32, #tpu.memory_space<vmem>>
    %dma_wait3A_2030 = tpu.memref_squeeze %dma_wait3A_2029 : memref<1x1x256xf32, #tpu.memory_space<vmem>> -> memref<1x256xf32, #tpu.memory_space<vmem>>
    %dma_wait3A_2031 = arith.constant 0 : i32
    %dma_wait3A_2032 = tpu.memref_slice %arg2[%squeeze3A_633, %dma_wait3A_2031] : memref<115200x256xf32, #tpu.memory_space<hbm>> -> memref<1x256xf32, #tpu.memory_space<hbm>>
    tpu.wait_dma2 semaphore(%arg8 : memref<!tpu.dma_semaphore, #tpu.memory_space<semaphore_mem>>) src(%dma_wait3A_2032 : memref<1x256xf32, #tpu.memory_space<hbm>>) dst(%dma_wait3A_2030 : memref<1x256xf32, #tpu.memory_space<vmem>>)
    %dma_wait3A_2033 = arith.constant 1 : i32
    %dma_wait3A_2034 = arith.constant 47 : i32
    %dma_wait3A_2035 = arith.constant 0 : i32
    %dma_wait3A_2036 = tpu.memref_slice %arg6[%dma_wait3A_2033, %dma_wait3A_2034, %dma_wait3A_2035] : memref<4x56x256xf32, #tpu.memory_space<vmem>> -> memref<1x1x256xf32, #tpu.memory_space<vmem>>
    %dma_wait3A_2037 = tpu.memref_squeeze %dma_wait3A_2036 : memref<1x1x256xf32, #tpu.memory_space<vmem>> -> memref<1x256xf32, #tpu.memory_space<vmem>>
    %dma_wait3A_2038 = arith.constant 0 : i32
    %dma_wait3A_2039 = tpu.memref_slice %arg2[%squeeze3A_648, %dma_wait3A_2038] : memref<115200x256xf32, #tpu.memory_space<hbm>> -> memref<1x256xf32, #tpu.memory_space<hbm>>
    %dma_wait3A_2040 = arith.constant 47 : i32
    %dma_wait3A_2041 = arith.constant 0 : i32
    %dma_wait3A_2042 = tpu.memref_slice %arg6[%dma_wait3A_2033, %dma_wait3A_2040, %dma_wait3A_2041] : memref<4x56x256xf32, #tpu.memory_space<vmem>> -> memref<1x1x256xf32, #tpu.memory_space<vmem>>
    %dma_wait3A_2043 = tpu.memref_squeeze %dma_wait3A_2042 : memref<1x1x256xf32, #tpu.memory_space<vmem>> -> memref<1x256xf32, #tpu.memory_space<vmem>>
    %dma_wait3A_2044 = arith.constant 0 : i32
    %dma_wait3A_2045 = tpu.memref_slice %arg2[%squeeze3A_648, %dma_wait3A_2044] : memref<115200x256xf32, #tpu.memory_space<hbm>> -> memref<1x256xf32, #tpu.memory_space<hbm>>
    tpu.wait_dma2 semaphore(%arg8 : memref<!tpu.dma_semaphore, #tpu.memory_space<semaphore_mem>>) src(%dma_wait3A_2045 : memref<1x256xf32, #tpu.memory_space<hbm>>) dst(%dma_wait3A_2043 : memref<1x256xf32, #tpu.memory_space<vmem>>)
    %dma_wait3A_2046 = arith.constant 1 : i32
    %dma_wait3A_2047 = arith.constant 48 : i32
    %dma_wait3A_2048 = arith.constant 0 : i32
    %dma_wait3A_2049 = tpu.memref_slice %arg6[%dma_wait3A_2046, %dma_wait3A_2047, %dma_wait3A_2048] : memref<4x56x256xf32, #tpu.memory_space<vmem>> -> memref<1x1x256xf32, #tpu.memory_space<vmem>>
    %dma_wait3A_2050 = tpu.memref_squeeze %dma_wait3A_2049 : memref<1x1x256xf32, #tpu.memory_space<vmem>> -> memref<1x256xf32, #tpu.memory_space<vmem>>
    %dma_wait3A_2051 = arith.constant 0 : i32
    %dma_wait3A_2052 = tpu.memref_slice %arg2[%squeeze3A_668, %dma_wait3A_2051] : memref<115200x256xf32, #tpu.memory_space<hbm>> -> memref<1x256xf32, #tpu.memory_space<hbm>>
    %dma_wait3A_2053 = arith.constant 48 : i32
    %dma_wait3A_2054 = arith.constant 0 : i32
    %dma_wait3A_2055 = tpu.memref_slice %arg6[%dma_wait3A_2046, %dma_wait3A_2053, %dma_wait3A_2054] : memref<4x56x256xf32, #tpu.memory_space<vmem>> -> memref<1x1x256xf32, #tpu.memory_space<vmem>>
    %dma_wait3A_2056 = tpu.memref_squeeze %dma_wait3A_2055 : memref<1x1x256xf32, #tpu.memory_space<vmem>> -> memref<1x256xf32, #tpu.memory_space<vmem>>
    %dma_wait3A_2057 = arith.constant 0 : i32
    %dma_wait3A_2058 = tpu.memref_slice %arg2[%squeeze3A_668, %dma_wait3A_2057] : memref<115200x256xf32, #tpu.memory_space<hbm>> -> memref<1x256xf32, #tpu.memory_space<hbm>>
    tpu.wait_dma2 semaphore(%arg8 : memref<!tpu.dma_semaphore, #tpu.memory_space<semaphore_mem>>) src(%dma_wait3A_2058 : memref<1x256xf32, #tpu.memory_space<hbm>>) dst(%dma_wait3A_2056 : memref<1x256xf32, #tpu.memory_space<vmem>>)
    %dma_wait3A_2059 = arith.constant 1 : i32
    %dma_wait3A_2060 = arith.constant 49 : i32
    %dma_wait3A_2061 = arith.constant 0 : i32
    %dma_wait3A_2062 = tpu.memref_slice %arg6[%dma_wait3A_2059, %dma_wait3A_2060, %dma_wait3A_2061] : memref<4x56x256xf32, #tpu.memory_space<vmem>> -> memref<1x1x256xf32, #tpu.memory_space<vmem>>
    %dma_wait3A_2063 = tpu.memref_squeeze %dma_wait3A_2062 : memref<1x1x256xf32, #tpu.memory_space<vmem>> -> memref<1x256xf32, #tpu.memory_space<vmem>>
    %dma_wait3A_2064 = arith.constant 0 : i32
    %dma_wait3A_2065 = tpu.memref_slice %arg2[%squeeze3A_683, %dma_wait3A_2064] : memref<115200x256xf32, #tpu.memory_space<hbm>> -> memref<1x256xf32, #tpu.memory_space<hbm>>
    %dma_wait3A_2066 = arith.constant 49 : i32
    %dma_wait3A_2067 = arith.constant 0 : i32
    %dma_wait3A_2068 = tpu.memref_slice %arg6[%dma_wait3A_2059, %dma_wait3A_2066, %dma_wait3A_2067] : memref<4x56x256xf32, #tpu.memory_space<vmem>> -> memref<1x1x256xf32, #tpu.memory_space<vmem>>
    %dma_wait3A_2069 = tpu.memref_squeeze %dma_wait3A_2068 : memref<1x1x256xf32, #tpu.memory_space<vmem>> -> memref<1x256xf32, #tpu.memory_space<vmem>>
    %dma_wait3A_2070 = arith.constant 0 : i32
    %dma_wait3A_2071 = tpu.memref_slice %arg2[%squeeze3A_683, %dma_wait3A_2070] : memref<115200x256xf32, #tpu.memory_space<hbm>> -> memref<1x256xf32, #tpu.memory_space<hbm>>
    tpu.wait_dma2 semaphore(%arg8 : memref<!tpu.dma_semaphore, #tpu.memory_space<semaphore_mem>>) src(%dma_wait3A_2071 : memref<1x256xf32, #tpu.memory_space<hbm>>) dst(%dma_wait3A_2069 : memref<1x256xf32, #tpu.memory_space<vmem>>)
    %dma_wait3A_2072 = arith.constant 1 : i32
    %dma_wait3A_2073 = arith.constant 50 : i32
    %dma_wait3A_2074 = arith.constant 0 : i32
    %dma_wait3A_2075 = tpu.memref_slice %arg6[%dma_wait3A_2072, %dma_wait3A_2073, %dma_wait3A_2074] : memref<4x56x256xf32, #tpu.memory_space<vmem>> -> memref<1x1x256xf32, #tpu.memory_space<vmem>>
    %dma_wait3A_2076 = tpu.memref_squeeze %dma_wait3A_2075 : memref<1x1x256xf32, #tpu.memory_space<vmem>> -> memref<1x256xf32, #tpu.memory_space<vmem>>
    %dma_wait3A_2077 = arith.constant 0 : i32
    %dma_wait3A_2078 = tpu.memref_slice %arg2[%squeeze3A_698, %dma_wait3A_2077] : memref<115200x256xf32, #tpu.memory_space<hbm>> -> memref<1x256xf32, #tpu.memory_space<hbm>>
    %dma_wait3A_2079 = arith.constant 50 : i32
    %dma_wait3A_2080 = arith.constant 0 : i32
    %dma_wait3A_2081 = tpu.memref_slice %arg6[%dma_wait3A_2072, %dma_wait3A_2079, %dma_wait3A_2080] : memref<4x56x256xf32, #tpu.memory_space<vmem>> -> memref<1x1x256xf32, #tpu.memory_space<vmem>>
    %dma_wait3A_2082 = tpu.memref_squeeze %dma_wait3A_2081 : memref<1x1x256xf32, #tpu.memory_space<vmem>> -> memref<1x256xf32, #tpu.memory_space<vmem>>
    %dma_wait3A_2083 = arith.constant 0 : i32
    %dma_wait3A_2084 = tpu.memref_slice %arg2[%squeeze3A_698, %dma_wait3A_2083] : memref<115200x256xf32, #tpu.memory_space<hbm>> -> memref<1x256xf32, #tpu.memory_space<hbm>>
    tpu.wait_dma2 semaphore(%arg8 : memref<!tpu.dma_semaphore, #tpu.memory_space<semaphore_mem>>) src(%dma_wait3A_2084 : memref<1x256xf32, #tpu.memory_space<hbm>>) dst(%dma_wait3A_2082 : memref<1x256xf32, #tpu.memory_space<vmem>>)
    %dma_wait3A_2085 = arith.constant 1 : i32
    %dma_wait3A_2086 = arith.constant 51 : i32
    %dma_wait3A_2087 = arith.constant 0 : i32
    %dma_wait3A_2088 = tpu.memref_slice %arg6[%dma_wait3A_2085, %dma_wait3A_2086, %dma_wait3A_2087] : memref<4x56x256xf32, #tpu.memory_space<vmem>> -> memref<1x1x256xf32, #tpu.memory_space<vmem>>
    %dma_wait3A_2089 = tpu.memref_squeeze %dma_wait3A_2088 : memref<1x1x256xf32, #tpu.memory_space<vmem>> -> memref<1x256xf32, #tpu.memory_space<vmem>>
    %dma_wait3A_2090 = arith.constant 0 : i32
    %dma_wait3A_2091 = tpu.memref_slice %arg2[%squeeze3A_713, %dma_wait3A_2090] : memref<115200x256xf32, #tpu.memory_space<hbm>> -> memref<1x256xf32, #tpu.memory_space<hbm>>
    %dma_wait3A_2092 = arith.constant 51 : i32
    %dma_wait3A_2093 = arith.constant 0 : i32
    %dma_wait3A_2094 = tpu.memref_slice %arg6[%dma_wait3A_2085, %dma_wait3A_2092, %dma_wait3A_2093] : memref<4x56x256xf32, #tpu.memory_space<vmem>> -> memref<1x1x256xf32, #tpu.memory_space<vmem>>
    %dma_wait3A_2095 = tpu.memref_squeeze %dma_wait3A_2094 : memref<1x1x256xf32, #tpu.memory_space<vmem>> -> memref<1x256xf32, #tpu.memory_space<vmem>>
    %dma_wait3A_2096 = arith.constant 0 : i32
    %dma_wait3A_2097 = tpu.memref_slice %arg2[%squeeze3A_713, %dma_wait3A_2096] : memref<115200x256xf32, #tpu.memory_space<hbm>> -> memref<1x256xf32, #tpu.memory_space<hbm>>
    tpu.wait_dma2 semaphore(%arg8 : memref<!tpu.dma_semaphore, #tpu.memory_space<semaphore_mem>>) src(%dma_wait3A_2097 : memref<1x256xf32, #tpu.memory_space<hbm>>) dst(%dma_wait3A_2095 : memref<1x256xf32, #tpu.memory_space<vmem>>)
    %dma_wait3A_2098 = arith.constant 1 : i32
    %dma_wait3A_2099 = arith.constant 52 : i32
    %dma_wait3A_2100 = arith.constant 0 : i32
    %dma_wait3A_2101 = tpu.memref_slice %arg6[%dma_wait3A_2098, %dma_wait3A_2099, %dma_wait3A_2100] : memref<4x56x256xf32, #tpu.memory_space<vmem>> -> memref<1x1x256xf32, #tpu.memory_space<vmem>>
    %dma_wait3A_2102 = tpu.memref_squeeze %dma_wait3A_2101 : memref<1x1x256xf32, #tpu.memory_space<vmem>> -> memref<1x256xf32, #tpu.memory_space<vmem>>
    %dma_wait3A_2103 = arith.constant 0 : i32
    %dma_wait3A_2104 = tpu.memref_slice %arg2[%squeeze3A_728, %dma_wait3A_2103] : memref<115200x256xf32, #tpu.memory_space<hbm>> -> memref<1x256xf32, #tpu.memory_space<hbm>>
    %dma_wait3A_2105 = arith.constant 52 : i32
    %dma_wait3A_2106 = arith.constant 0 : i32
    %dma_wait3A_2107 = tpu.memref_slice %arg6[%dma_wait3A_2098, %dma_wait3A_2105, %dma_wait3A_2106] : memref<4x56x256xf32, #tpu.memory_space<vmem>> -> memref<1x1x256xf32, #tpu.memory_space<vmem>>
    %dma_wait3A_2108 = tpu.memref_squeeze %dma_wait3A_2107 : memref<1x1x256xf32, #tpu.memory_space<vmem>> -> memref<1x256xf32, #tpu.memory_space<vmem>>
    %dma_wait3A_2109 = arith.constant 0 : i32
    %dma_wait3A_2110 = tpu.memref_slice %arg2[%squeeze3A_728, %dma_wait3A_2109] : memref<115200x256xf32, #tpu.memory_space<hbm>> -> memref<1x256xf32, #tpu.memory_space<hbm>>
    tpu.wait_dma2 semaphore(%arg8 : memref<!tpu.dma_semaphore, #tpu.memory_space<semaphore_mem>>) src(%dma_wait3A_2110 : memref<1x256xf32, #tpu.memory_space<hbm>>) dst(%dma_wait3A_2108 : memref<1x256xf32, #tpu.memory_space<vmem>>)
    %dma_wait3A_2111 = arith.constant 1 : i32
    %dma_wait3A_2112 = arith.constant 53 : i32
    %dma_wait3A_2113 = arith.constant 0 : i32
    %dma_wait3A_2114 = tpu.memref_slice %arg6[%dma_wait3A_2111, %dma_wait3A_2112, %dma_wait3A_2113] : memref<4x56x256xf32, #tpu.memory_space<vmem>> -> memref<1x1x256xf32, #tpu.memory_space<vmem>>
    %dma_wait3A_2115 = tpu.memref_squeeze %dma_wait3A_2114 : memref<1x1x256xf32, #tpu.memory_space<vmem>> -> memref<1x256xf32, #tpu.memory_space<vmem>>
    %dma_wait3A_2116 = arith.constant 0 : i32
    %dma_wait3A_2117 = tpu.memref_slice %arg2[%squeeze3A_743, %dma_wait3A_2116] : memref<115200x256xf32, #tpu.memory_space<hbm>> -> memref<1x256xf32, #tpu.memory_space<hbm>>
    %dma_wait3A_2118 = arith.constant 53 : i32
    %dma_wait3A_2119 = arith.constant 0 : i32
    %dma_wait3A_2120 = tpu.memref_slice %arg6[%dma_wait3A_2111, %dma_wait3A_2118, %dma_wait3A_2119] : memref<4x56x256xf32, #tpu.memory_space<vmem>> -> memref<1x1x256xf32, #tpu.memory_space<vmem>>
    %dma_wait3A_2121 = tpu.memref_squeeze %dma_wait3A_2120 : memref<1x1x256xf32, #tpu.memory_space<vmem>> -> memref<1x256xf32, #tpu.memory_space<vmem>>
    %dma_wait3A_2122 = arith.constant 0 : i32
    %dma_wait3A_2123 = tpu.memref_slice %arg2[%squeeze3A_743, %dma_wait3A_2122] : memref<115200x256xf32, #tpu.memory_space<hbm>> -> memref<1x256xf32, #tpu.memory_space<hbm>>
    tpu.wait_dma2 semaphore(%arg8 : memref<!tpu.dma_semaphore, #tpu.memory_space<semaphore_mem>>) src(%dma_wait3A_2123 : memref<1x256xf32, #tpu.memory_space<hbm>>) dst(%dma_wait3A_2121 : memref<1x256xf32, #tpu.memory_space<vmem>>)
    %dma_wait3A_2124 = arith.constant 1 : i32
    %dma_wait3A_2125 = arith.constant 54 : i32
    %dma_wait3A_2126 = arith.constant 0 : i32
    %dma_wait3A_2127 = tpu.memref_slice %arg6[%dma_wait3A_2124, %dma_wait3A_2125, %dma_wait3A_2126] : memref<4x56x256xf32, #tpu.memory_space<vmem>> -> memref<1x1x256xf32, #tpu.memory_space<vmem>>
    %dma_wait3A_2128 = tpu.memref_squeeze %dma_wait3A_2127 : memref<1x1x256xf32, #tpu.memory_space<vmem>> -> memref<1x256xf32, #tpu.memory_space<vmem>>
    %dma_wait3A_2129 = arith.constant 0 : i32
    %dma_wait3A_2130 = tpu.memref_slice %arg2[%squeeze3A_758, %dma_wait3A_2129] : memref<115200x256xf32, #tpu.memory_space<hbm>> -> memref<1x256xf32, #tpu.memory_space<hbm>>
    %dma_wait3A_2131 = arith.constant 54 : i32
    %dma_wait3A_2132 = arith.constant 0 : i32
    %dma_wait3A_2133 = tpu.memref_slice %arg6[%dma_wait3A_2124, %dma_wait3A_2131, %dma_wait3A_2132] : memref<4x56x256xf32, #tpu.memory_space<vmem>> -> memref<1x1x256xf32, #tpu.memory_space<vmem>>
    %dma_wait3A_2134 = tpu.memref_squeeze %dma_wait3A_2133 : memref<1x1x256xf32, #tpu.memory_space<vmem>> -> memref<1x256xf32, #tpu.memory_space<vmem>>
    %dma_wait3A_2135 = arith.constant 0 : i32
    %dma_wait3A_2136 = tpu.memref_slice %arg2[%squeeze3A_758, %dma_wait3A_2135] : memref<115200x256xf32, #tpu.memory_space<hbm>> -> memref<1x256xf32, #tpu.memory_space<hbm>>
    tpu.wait_dma2 semaphore(%arg8 : memref<!tpu.dma_semaphore, #tpu.memory_space<semaphore_mem>>) src(%dma_wait3A_2136 : memref<1x256xf32, #tpu.memory_space<hbm>>) dst(%dma_wait3A_2134 : memref<1x256xf32, #tpu.memory_space<vmem>>)
    %dma_wait3A_2137 = arith.constant 1 : i32
    %dma_wait3A_2138 = arith.constant 55 : i32
    %dma_wait3A_2139 = arith.constant 0 : i32
    %dma_wait3A_2140 = tpu.memref_slice %arg6[%dma_wait3A_2137, %dma_wait3A_2138, %dma_wait3A_2139] : memref<4x56x256xf32, #tpu.memory_space<vmem>> -> memref<1x1x256xf32, #tpu.memory_space<vmem>>
    %dma_wait3A_2141 = tpu.memref_squeeze %dma_wait3A_2140 : memref<1x1x256xf32, #tpu.memory_space<vmem>> -> memref<1x256xf32, #tpu.memory_space<vmem>>
    %dma_wait3A_2142 = arith.constant 0 : i32
    %dma_wait3A_2143 = tpu.memref_slice %arg2[%squeeze3A_773, %dma_wait3A_2142] : memref<115200x256xf32, #tpu.memory_space<hbm>> -> memref<1x256xf32, #tpu.memory_space<hbm>>
    %dma_wait3A_2144 = arith.constant 55 : i32
    %dma_wait3A_2145 = arith.constant 0 : i32
    %dma_wait3A_2146 = tpu.memref_slice %arg6[%dma_wait3A_2137, %dma_wait3A_2144, %dma_wait3A_2145] : memref<4x56x256xf32, #tpu.memory_space<vmem>> -> memref<1x1x256xf32, #tpu.memory_space<vmem>>
    %dma_wait3A_2147 = tpu.memref_squeeze %dma_wait3A_2146 : memref<1x1x256xf32, #tpu.memory_space<vmem>> -> memref<1x256xf32, #tpu.memory_space<vmem>>
    %dma_wait3A_2148 = arith.constant 0 : i32
    %dma_wait3A_2149 = tpu.memref_slice %arg2[%squeeze3A_773, %dma_wait3A_2148] : memref<115200x256xf32, #tpu.memory_space<hbm>> -> memref<1x256xf32, #tpu.memory_space<hbm>>
    tpu.wait_dma2 semaphore(%arg8 : memref<!tpu.dma_semaphore, #tpu.memory_space<semaphore_mem>>) src(%dma_wait3A_2149 : memref<1x256xf32, #tpu.memory_space<hbm>>) dst(%dma_wait3A_2147 : memref<1x256xf32, #tpu.memory_space<vmem>>)
    %dma_wait3A_2150 = arith.constant 2 : i32
    %dma_wait3A_2151 = arith.constant 32 : i32
    %dma_wait3A_2152 = arith.constant 0 : i32
    %dma_wait3A_2153 = tpu.memref_slice %arg6[%dma_wait3A_2150, %dma_wait3A_2151, %dma_wait3A_2152] : memref<4x56x256xf32, #tpu.memory_space<vmem>> -> memref<1x1x256xf32, #tpu.memory_space<vmem>>
    %dma_wait3A_2154 = tpu.memref_squeeze %dma_wait3A_2153 : memref<1x1x256xf32, #tpu.memory_space<vmem>> -> memref<1x256xf32, #tpu.memory_space<vmem>>
    %dma_wait3A_2155 = arith.constant 0 : i32
    %dma_wait3A_2156 = tpu.memref_slice %arg2[%squeeze3A_793, %dma_wait3A_2155] : memref<115200x256xf32, #tpu.memory_space<hbm>> -> memref<1x256xf32, #tpu.memory_space<hbm>>
    %dma_wait3A_2157 = arith.constant 32 : i32
    %dma_wait3A_2158 = arith.constant 0 : i32
    %dma_wait3A_2159 = tpu.memref_slice %arg6[%dma_wait3A_2150, %dma_wait3A_2157, %dma_wait3A_2158] : memref<4x56x256xf32, #tpu.memory_space<vmem>> -> memref<1x1x256xf32, #tpu.memory_space<vmem>>
    %dma_wait3A_2160 = tpu.memref_squeeze %dma_wait3A_2159 : memref<1x1x256xf32, #tpu.memory_space<vmem>> -> memref<1x256xf32, #tpu.memory_space<vmem>>
    %dma_wait3A_2161 = arith.constant 0 : i32
    %dma_wait3A_2162 = tpu.memref_slice %arg2[%squeeze3A_793, %dma_wait3A_2161] : memref<115200x256xf32, #tpu.memory_space<hbm>> -> memref<1x256xf32, #tpu.memory_space<hbm>>
    tpu.wait_dma2 semaphore(%arg8 : memref<!tpu.dma_semaphore, #tpu.memory_space<semaphore_mem>>) src(%dma_wait3A_2162 : memref<1x256xf32, #tpu.memory_space<hbm>>) dst(%dma_wait3A_2160 : memref<1x256xf32, #tpu.memory_space<vmem>>)
    %dma_wait3A_2163 = arith.constant 2 : i32
    %dma_wait3A_2164 = arith.constant 33 : i32
    %dma_wait3A_2165 = arith.constant 0 : i32
    %dma_wait3A_2166 = tpu.memref_slice %arg6[%dma_wait3A_2163, %dma_wait3A_2164, %dma_wait3A_2165] : memref<4x56x256xf32, #tpu.memory_space<vmem>> -> memref<1x1x256xf32, #tpu.memory_space<vmem>>
    %dma_wait3A_2167 = tpu.memref_squeeze %dma_wait3A_2166 : memref<1x1x256xf32, #tpu.memory_space<vmem>> -> memref<1x256xf32, #tpu.memory_space<vmem>>
    %dma_wait3A_2168 = arith.constant 0 : i32
    %dma_wait3A_2169 = tpu.memref_slice %arg2[%squeeze3A_808, %dma_wait3A_2168] : memref<115200x256xf32, #tpu.memory_space<hbm>> -> memref<1x256xf32, #tpu.memory_space<hbm>>
    %dma_wait3A_2170 = arith.constant 33 : i32
    %dma_wait3A_2171 = arith.constant 0 : i32
    %dma_wait3A_2172 = tpu.memref_slice %arg6[%dma_wait3A_2163, %dma_wait3A_2170, %dma_wait3A_2171] : memref<4x56x256xf32, #tpu.memory_space<vmem>> -> memref<1x1x256xf32, #tpu.memory_space<vmem>>
    %dma_wait3A_2173 = tpu.memref_squeeze %dma_wait3A_2172 : memref<1x1x256xf32, #tpu.memory_space<vmem>> -> memref<1x256xf32, #tpu.memory_space<vmem>>
    %dma_wait3A_2174 = arith.constant 0 : i32
    %dma_wait3A_2175 = tpu.memref_slice %arg2[%squeeze3A_808, %dma_wait3A_2174] : memref<115200x256xf32, #tpu.memory_space<hbm>> -> memref<1x256xf32, #tpu.memory_space<hbm>>
    tpu.wait_dma2 semaphore(%arg8 : memref<!tpu.dma_semaphore, #tpu.memory_space<semaphore_mem>>) src(%dma_wait3A_2175 : memref<1x256xf32, #tpu.memory_space<hbm>>) dst(%dma_wait3A_2173 : memref<1x256xf32, #tpu.memory_space<vmem>>)
    %dma_wait3A_2176 = arith.constant 2 : i32
    %dma_wait3A_2177 = arith.constant 34 : i32
    %dma_wait3A_2178 = arith.constant 0 : i32
    %dma_wait3A_2179 = tpu.memref_slice %arg6[%dma_wait3A_2176, %dma_wait3A_2177, %dma_wait3A_2178] : memref<4x56x256xf32, #tpu.memory_space<vmem>> -> memref<1x1x256xf32, #tpu.memory_space<vmem>>
    %dma_wait3A_2180 = tpu.memref_squeeze %dma_wait3A_2179 : memref<1x1x256xf32, #tpu.memory_space<vmem>> -> memref<1x256xf32, #tpu.memory_space<vmem>>
    %dma_wait3A_2181 = arith.constant 0 : i32
    %dma_wait3A_2182 = tpu.memref_slice %arg2[%squeeze3A_823, %dma_wait3A_2181] : memref<115200x256xf32, #tpu.memory_space<hbm>> -> memref<1x256xf32, #tpu.memory_space<hbm>>
    %dma_wait3A_2183 = arith.constant 34 : i32
    %dma_wait3A_2184 = arith.constant 0 : i32
    %dma_wait3A_2185 = tpu.memref_slice %arg6[%dma_wait3A_2176, %dma_wait3A_2183, %dma_wait3A_2184] : memref<4x56x256xf32, #tpu.memory_space<vmem>> -> memref<1x1x256xf32, #tpu.memory_space<vmem>>
    %dma_wait3A_2186 = tpu.memref_squeeze %dma_wait3A_2185 : memref<1x1x256xf32, #tpu.memory_space<vmem>> -> memref<1x256xf32, #tpu.memory_space<vmem>>
    %dma_wait3A_2187 = arith.constant 0 : i32
    %dma_wait3A_2188 = tpu.memref_slice %arg2[%squeeze3A_823, %dma_wait3A_2187] : memref<115200x256xf32, #tpu.memory_space<hbm>> -> memref<1x256xf32, #tpu.memory_space<hbm>>
    tpu.wait_dma2 semaphore(%arg8 : memref<!tpu.dma_semaphore, #tpu.memory_space<semaphore_mem>>) src(%dma_wait3A_2188 : memref<1x256xf32, #tpu.memory_space<hbm>>) dst(%dma_wait3A_2186 : memref<1x256xf32, #tpu.memory_space<vmem>>)
    %dma_wait3A_2189 = arith.constant 2 : i32
    %dma_wait3A_2190 = arith.constant 35 : i32
    %dma_wait3A_2191 = arith.constant 0 : i32
    %dma_wait3A_2192 = tpu.memref_slice %arg6[%dma_wait3A_2189, %dma_wait3A_2190, %dma_wait3A_2191] : memref<4x56x256xf32, #tpu.memory_space<vmem>> -> memref<1x1x256xf32, #tpu.memory_space<vmem>>
    %dma_wait3A_2193 = tpu.memref_squeeze %dma_wait3A_2192 : memref<1x1x256xf32, #tpu.memory_space<vmem>> -> memref<1x256xf32, #tpu.memory_space<vmem>>
    %dma_wait3A_2194 = arith.constant 0 : i32
    %dma_wait3A_2195 = tpu.memref_slice %arg2[%squeeze3A_838, %dma_wait3A_2194] : memref<115200x256xf32, #tpu.memory_space<hbm>> -> memref<1x256xf32, #tpu.memory_space<hbm>>
    %dma_wait3A_2196 = arith.constant 35 : i32
    %dma_wait3A_2197 = arith.constant 0 : i32
    %dma_wait3A_2198 = tpu.memref_slice %arg6[%dma_wait3A_2189, %dma_wait3A_2196, %dma_wait3A_2197] : memref<4x56x256xf32, #tpu.memory_space<vmem>> -> memref<1x1x256xf32, #tpu.memory_space<vmem>>
    %dma_wait3A_2199 = tpu.memref_squeeze %dma_wait3A_2198 : memref<1x1x256xf32, #tpu.memory_space<vmem>> -> memref<1x256xf32, #tpu.memory_space<vmem>>
    %dma_wait3A_2200 = arith.constant 0 : i32
    %dma_wait3A_2201 = tpu.memref_slice %arg2[%squeeze3A_838, %dma_wait3A_2200] : memref<115200x256xf32, #tpu.memory_space<hbm>> -> memref<1x256xf32, #tpu.memory_space<hbm>>
    tpu.wait_dma2 semaphore(%arg8 : memref<!tpu.dma_semaphore, #tpu.memory_space<semaphore_mem>>) src(%dma_wait3A_2201 : memref<1x256xf32, #tpu.memory_space<hbm>>) dst(%dma_wait3A_2199 : memref<1x256xf32, #tpu.memory_space<vmem>>)
    %dma_wait3A_2202 = arith.constant 2 : i32
    %dma_wait3A_2203 = arith.constant 36 : i32
    %dma_wait3A_2204 = arith.constant 0 : i32
    %dma_wait3A_2205 = tpu.memref_slice %arg6[%dma_wait3A_2202, %dma_wait3A_2203, %dma_wait3A_2204] : memref<4x56x256xf32, #tpu.memory_space<vmem>> -> memref<1x1x256xf32, #tpu.memory_space<vmem>>
    %dma_wait3A_2206 = tpu.memref_squeeze %dma_wait3A_2205 : memref<1x1x256xf32, #tpu.memory_space<vmem>> -> memref<1x256xf32, #tpu.memory_space<vmem>>
    %dma_wait3A_2207 = arith.constant 0 : i32
    %dma_wait3A_2208 = tpu.memref_slice %arg2[%squeeze3A_853, %dma_wait3A_2207] : memref<115200x256xf32, #tpu.memory_space<hbm>> -> memref<1x256xf32, #tpu.memory_space<hbm>>
    %dma_wait3A_2209 = arith.constant 36 : i32
    %dma_wait3A_2210 = arith.constant 0 : i32
    %dma_wait3A_2211 = tpu.memref_slice %arg6[%dma_wait3A_2202, %dma_wait3A_2209, %dma_wait3A_2210] : memref<4x56x256xf32, #tpu.memory_space<vmem>> -> memref<1x1x256xf32, #tpu.memory_space<vmem>>
    %dma_wait3A_2212 = tpu.memref_squeeze %dma_wait3A_2211 : memref<1x1x256xf32, #tpu.memory_space<vmem>> -> memref<1x256xf32, #tpu.memory_space<vmem>>
    %dma_wait3A_2213 = arith.constant 0 : i32
    %dma_wait3A_2214 = tpu.memref_slice %arg2[%squeeze3A_853, %dma_wait3A_2213] : memref<115200x256xf32, #tpu.memory_space<hbm>> -> memref<1x256xf32, #tpu.memory_space<hbm>>
    tpu.wait_dma2 semaphore(%arg8 : memref<!tpu.dma_semaphore, #tpu.memory_space<semaphore_mem>>) src(%dma_wait3A_2214 : memref<1x256xf32, #tpu.memory_space<hbm>>) dst(%dma_wait3A_2212 : memref<1x256xf32, #tpu.memory_space<vmem>>)
    %dma_wait3A_2215 = arith.constant 2 : i32
    %dma_wait3A_2216 = arith.constant 37 : i32
    %dma_wait3A_2217 = arith.constant 0 : i32
    %dma_wait3A_2218 = tpu.memref_slice %arg6[%dma_wait3A_2215, %dma_wait3A_2216, %dma_wait3A_2217] : memref<4x56x256xf32, #tpu.memory_space<vmem>> -> memref<1x1x256xf32, #tpu.memory_space<vmem>>
    %dma_wait3A_2219 = tpu.memref_squeeze %dma_wait3A_2218 : memref<1x1x256xf32, #tpu.memory_space<vmem>> -> memref<1x256xf32, #tpu.memory_space<vmem>>
    %dma_wait3A_2220 = arith.constant 0 : i32
    %dma_wait3A_2221 = tpu.memref_slice %arg2[%squeeze3A_868, %dma_wait3A_2220] : memref<115200x256xf32, #tpu.memory_space<hbm>> -> memref<1x256xf32, #tpu.memory_space<hbm>>
    %dma_wait3A_2222 = arith.constant 37 : i32
    %dma_wait3A_2223 = arith.constant 0 : i32
    %dma_wait3A_2224 = tpu.memref_slice %arg6[%dma_wait3A_2215, %dma_wait3A_2222, %dma_wait3A_2223] : memref<4x56x256xf32, #tpu.memory_space<vmem>> -> memref<1x1x256xf32, #tpu.memory_space<vmem>>
    %dma_wait3A_2225 = tpu.memref_squeeze %dma_wait3A_2224 : memref<1x1x256xf32, #tpu.memory_space<vmem>> -> memref<1x256xf32, #tpu.memory_space<vmem>>
    %dma_wait3A_2226 = arith.constant 0 : i32
    %dma_wait3A_2227 = tpu.memref_slice %arg2[%squeeze3A_868, %dma_wait3A_2226] : memref<115200x256xf32, #tpu.memory_space<hbm>> -> memref<1x256xf32, #tpu.memory_space<hbm>>
    tpu.wait_dma2 semaphore(%arg8 : memref<!tpu.dma_semaphore, #tpu.memory_space<semaphore_mem>>) src(%dma_wait3A_2227 : memref<1x256xf32, #tpu.memory_space<hbm>>) dst(%dma_wait3A_2225 : memref<1x256xf32, #tpu.memory_space<vmem>>)
    %dma_wait3A_2228 = arith.constant 2 : i32
    %dma_wait3A_2229 = arith.constant 38 : i32
    %dma_wait3A_2230 = arith.constant 0 : i32
    %dma_wait3A_2231 = tpu.memref_slice %arg6[%dma_wait3A_2228, %dma_wait3A_2229, %dma_wait3A_2230] : memref<4x56x256xf32, #tpu.memory_space<vmem>> -> memref<1x1x256xf32, #tpu.memory_space<vmem>>
    %dma_wait3A_2232 = tpu.memref_squeeze %dma_wait3A_2231 : memref<1x1x256xf32, #tpu.memory_space<vmem>> -> memref<1x256xf32, #tpu.memory_space<vmem>>
    %dma_wait3A_2233 = arith.constant 0 : i32
    %dma_wait3A_2234 = tpu.memref_slice %arg2[%squeeze3A_883, %dma_wait3A_2233] : memref<115200x256xf32, #tpu.memory_space<hbm>> -> memref<1x256xf32, #tpu.memory_space<hbm>>
    %dma_wait3A_2235 = arith.constant 38 : i32
    %dma_wait3A_2236 = arith.constant 0 : i32
    %dma_wait3A_2237 = tpu.memref_slice %arg6[%dma_wait3A_2228, %dma_wait3A_2235, %dma_wait3A_2236] : memref<4x56x256xf32, #tpu.memory_space<vmem>> -> memref<1x1x256xf32, #tpu.memory_space<vmem>>
    %dma_wait3A_2238 = tpu.memref_squeeze %dma_wait3A_2237 : memref<1x1x256xf32, #tpu.memory_space<vmem>> -> memref<1x256xf32, #tpu.memory_space<vmem>>
    %dma_wait3A_2239 = arith.constant 0 : i32
    %dma_wait3A_2240 = tpu.memref_slice %arg2[%squeeze3A_883, %dma_wait3A_2239] : memref<115200x256xf32, #tpu.memory_space<hbm>> -> memref<1x256xf32, #tpu.memory_space<hbm>>
    tpu.wait_dma2 semaphore(%arg8 : memref<!tpu.dma_semaphore, #tpu.memory_space<semaphore_mem>>) src(%dma_wait3A_2240 : memref<1x256xf32, #tpu.memory_space<hbm>>) dst(%dma_wait3A_2238 : memref<1x256xf32, #tpu.memory_space<vmem>>)
    %dma_wait3A_2241 = arith.constant 2 : i32
    %dma_wait3A_2242 = arith.constant 39 : i32
    %dma_wait3A_2243 = arith.constant 0 : i32
    %dma_wait3A_2244 = tpu.memref_slice %arg6[%dma_wait3A_2241, %dma_wait3A_2242, %dma_wait3A_2243] : memref<4x56x256xf32, #tpu.memory_space<vmem>> -> memref<1x1x256xf32, #tpu.memory_space<vmem>>
    %dma_wait3A_2245 = tpu.memref_squeeze %dma_wait3A_2244 : memref<1x1x256xf32, #tpu.memory_space<vmem>> -> memref<1x256xf32, #tpu.memory_space<vmem>>
    %dma_wait3A_2246 = arith.constant 0 : i32
    %dma_wait3A_2247 = tpu.memref_slice %arg2[%squeeze3A_898, %dma_wait3A_2246] : memref<115200x256xf32, #tpu.memory_space<hbm>> -> memref<1x256xf32, #tpu.memory_space<hbm>>
    %dma_wait3A_2248 = arith.constant 39 : i32
    %dma_wait3A_2249 = arith.constant 0 : i32
    %dma_wait3A_2250 = tpu.memref_slice %arg6[%dma_wait3A_2241, %dma_wait3A_2248, %dma_wait3A_2249] : memref<4x56x256xf32, #tpu.memory_space<vmem>> -> memref<1x1x256xf32, #tpu.memory_space<vmem>>
    %dma_wait3A_2251 = tpu.memref_squeeze %dma_wait3A_2250 : memref<1x1x256xf32, #tpu.memory_space<vmem>> -> memref<1x256xf32, #tpu.memory_space<vmem>>
    %dma_wait3A_2252 = arith.constant 0 : i32
    %dma_wait3A_2253 = tpu.memref_slice %arg2[%squeeze3A_898, %dma_wait3A_2252] : memref<115200x256xf32, #tpu.memory_space<hbm>> -> memref<1x256xf32, #tpu.memory_space<hbm>>
    tpu.wait_dma2 semaphore(%arg8 : memref<!tpu.dma_semaphore, #tpu.memory_space<semaphore_mem>>) src(%dma_wait3A_2253 : memref<1x256xf32, #tpu.memory_space<hbm>>) dst(%dma_wait3A_2251 : memref<1x256xf32, #tpu.memory_space<vmem>>)
    %dma_wait3A_2254 = arith.constant 2 : i32
    %dma_wait3A_2255 = arith.constant 40 : i32
    %dma_wait3A_2256 = arith.constant 0 : i32
    %dma_wait3A_2257 = tpu.memref_slice %arg6[%dma_wait3A_2254, %dma_wait3A_2255, %dma_wait3A_2256] : memref<4x56x256xf32, #tpu.memory_space<vmem>> -> memref<1x1x256xf32, #tpu.memory_space<vmem>>
    %dma_wait3A_2258 = tpu.memref_squeeze %dma_wait3A_2257 : memref<1x1x256xf32, #tpu.memory_space<vmem>> -> memref<1x256xf32, #tpu.memory_space<vmem>>
    %dma_wait3A_2259 = arith.constant 0 : i32
    %dma_wait3A_2260 = tpu.memref_slice %arg2[%squeeze3A_913, %dma_wait3A_2259] : memref<115200x256xf32, #tpu.memory_space<hbm>> -> memref<1x256xf32, #tpu.memory_space<hbm>>
    %dma_wait3A_2261 = arith.constant 40 : i32
    %dma_wait3A_2262 = arith.constant 0 : i32
    %dma_wait3A_2263 = tpu.memref_slice %arg6[%dma_wait3A_2254, %dma_wait3A_2261, %dma_wait3A_2262] : memref<4x56x256xf32, #tpu.memory_space<vmem>> -> memref<1x1x256xf32, #tpu.memory_space<vmem>>
    %dma_wait3A_2264 = tpu.memref_squeeze %dma_wait3A_2263 : memref<1x1x256xf32, #tpu.memory_space<vmem>> -> memref<1x256xf32, #tpu.memory_space<vmem>>
    %dma_wait3A_2265 = arith.constant 0 : i32
    %dma_wait3A_2266 = tpu.memref_slice %arg2[%squeeze3A_913, %dma_wait3A_2265] : memref<115200x256xf32, #tpu.memory_space<hbm>> -> memref<1x256xf32, #tpu.memory_space<hbm>>
    tpu.wait_dma2 semaphore(%arg8 : memref<!tpu.dma_semaphore, #tpu.memory_space<semaphore_mem>>) src(%dma_wait3A_2266 : memref<1x256xf32, #tpu.memory_space<hbm>>) dst(%dma_wait3A_2264 : memref<1x256xf32, #tpu.memory_space<vmem>>)
    %dma_wait3A_2267 = arith.constant 2 : i32
    %dma_wait3A_2268 = arith.constant 41 : i32
    %dma_wait3A_2269 = arith.constant 0 : i32
    %dma_wait3A_2270 = tpu.memref_slice %arg6[%dma_wait3A_2267, %dma_wait3A_2268, %dma_wait3A_2269] : memref<4x56x256xf32, #tpu.memory_space<vmem>> -> memref<1x1x256xf32, #tpu.memory_space<vmem>>
    %dma_wait3A_2271 = tpu.memref_squeeze %dma_wait3A_2270 : memref<1x1x256xf32, #tpu.memory_space<vmem>> -> memref<1x256xf32, #tpu.memory_space<vmem>>
    %dma_wait3A_2272 = arith.constant 0 : i32
    %dma_wait3A_2273 = tpu.memref_slice %arg2[%squeeze3A_928, %dma_wait3A_2272] : memref<115200x256xf32, #tpu.memory_space<hbm>> -> memref<1x256xf32, #tpu.memory_space<hbm>>
    %dma_wait3A_2274 = arith.constant 41 : i32
    %dma_wait3A_2275 = arith.constant 0 : i32
    %dma_wait3A_2276 = tpu.memref_slice %arg6[%dma_wait3A_2267, %dma_wait3A_2274, %dma_wait3A_2275] : memref<4x56x256xf32, #tpu.memory_space<vmem>> -> memref<1x1x256xf32, #tpu.memory_space<vmem>>
    %dma_wait3A_2277 = tpu.memref_squeeze %dma_wait3A_2276 : memref<1x1x256xf32, #tpu.memory_space<vmem>> -> memref<1x256xf32, #tpu.memory_space<vmem>>
    %dma_wait3A_2278 = arith.constant 0 : i32
    %dma_wait3A_2279 = tpu.memref_slice %arg2[%squeeze3A_928, %dma_wait3A_2278] : memref<115200x256xf32, #tpu.memory_space<hbm>> -> memref<1x256xf32, #tpu.memory_space<hbm>>
    tpu.wait_dma2 semaphore(%arg8 : memref<!tpu.dma_semaphore, #tpu.memory_space<semaphore_mem>>) src(%dma_wait3A_2279 : memref<1x256xf32, #tpu.memory_space<hbm>>) dst(%dma_wait3A_2277 : memref<1x256xf32, #tpu.memory_space<vmem>>)
    %dma_wait3A_2280 = arith.constant 2 : i32
    %dma_wait3A_2281 = arith.constant 42 : i32
    %dma_wait3A_2282 = arith.constant 0 : i32
    %dma_wait3A_2283 = tpu.memref_slice %arg6[%dma_wait3A_2280, %dma_wait3A_2281, %dma_wait3A_2282] : memref<4x56x256xf32, #tpu.memory_space<vmem>> -> memref<1x1x256xf32, #tpu.memory_space<vmem>>
    %dma_wait3A_2284 = tpu.memref_squeeze %dma_wait3A_2283 : memref<1x1x256xf32, #tpu.memory_space<vmem>> -> memref<1x256xf32, #tpu.memory_space<vmem>>
    %dma_wait3A_2285 = arith.constant 0 : i32
    %dma_wait3A_2286 = tpu.memref_slice %arg2[%squeeze3A_943, %dma_wait3A_2285] : memref<115200x256xf32, #tpu.memory_space<hbm>> -> memref<1x256xf32, #tpu.memory_space<hbm>>
    %dma_wait3A_2287 = arith.constant 42 : i32
    %dma_wait3A_2288 = arith.constant 0 : i32
    %dma_wait3A_2289 = tpu.memref_slice %arg6[%dma_wait3A_2280, %dma_wait3A_2287, %dma_wait3A_2288] : memref<4x56x256xf32, #tpu.memory_space<vmem>> -> memref<1x1x256xf32, #tpu.memory_space<vmem>>
    %dma_wait3A_2290 = tpu.memref_squeeze %dma_wait3A_2289 : memref<1x1x256xf32, #tpu.memory_space<vmem>> -> memref<1x256xf32, #tpu.memory_space<vmem>>
    %dma_wait3A_2291 = arith.constant 0 : i32
    %dma_wait3A_2292 = tpu.memref_slice %arg2[%squeeze3A_943, %dma_wait3A_2291] : memref<115200x256xf32, #tpu.memory_space<hbm>> -> memref<1x256xf32, #tpu.memory_space<hbm>>
    tpu.wait_dma2 semaphore(%arg8 : memref<!tpu.dma_semaphore, #tpu.memory_space<semaphore_mem>>) src(%dma_wait3A_2292 : memref<1x256xf32, #tpu.memory_space<hbm>>) dst(%dma_wait3A_2290 : memref<1x256xf32, #tpu.memory_space<vmem>>)
    %dma_wait3A_2293 = arith.constant 2 : i32
    %dma_wait3A_2294 = arith.constant 43 : i32
    %dma_wait3A_2295 = arith.constant 0 : i32
    %dma_wait3A_2296 = tpu.memref_slice %arg6[%dma_wait3A_2293, %dma_wait3A_2294, %dma_wait3A_2295] : memref<4x56x256xf32, #tpu.memory_space<vmem>> -> memref<1x1x256xf32, #tpu.memory_space<vmem>>
    %dma_wait3A_2297 = tpu.memref_squeeze %dma_wait3A_2296 : memref<1x1x256xf32, #tpu.memory_space<vmem>> -> memref<1x256xf32, #tpu.memory_space<vmem>>
    %dma_wait3A_2298 = arith.constant 0 : i32
    %dma_wait3A_2299 = tpu.memref_slice %arg2[%squeeze3A_958, %dma_wait3A_2298] : memref<115200x256xf32, #tpu.memory_space<hbm>> -> memref<1x256xf32, #tpu.memory_space<hbm>>
    %dma_wait3A_2300 = arith.constant 43 : i32
    %dma_wait3A_2301 = arith.constant 0 : i32
    %dma_wait3A_2302 = tpu.memref_slice %arg6[%dma_wait3A_2293, %dma_wait3A_2300, %dma_wait3A_2301] : memref<4x56x256xf32, #tpu.memory_space<vmem>> -> memref<1x1x256xf32, #tpu.memory_space<vmem>>
    %dma_wait3A_2303 = tpu.memref_squeeze %dma_wait3A_2302 : memref<1x1x256xf32, #tpu.memory_space<vmem>> -> memref<1x256xf32, #tpu.memory_space<vmem>>
    %dma_wait3A_2304 = arith.constant 0 : i32
    %dma_wait3A_2305 = tpu.memref_slice %arg2[%squeeze3A_958, %dma_wait3A_2304] : memref<115200x256xf32, #tpu.memory_space<hbm>> -> memref<1x256xf32, #tpu.memory_space<hbm>>
    tpu.wait_dma2 semaphore(%arg8 : memref<!tpu.dma_semaphore, #tpu.memory_space<semaphore_mem>>) src(%dma_wait3A_2305 : memref<1x256xf32, #tpu.memory_space<hbm>>) dst(%dma_wait3A_2303 : memref<1x256xf32, #tpu.memory_space<vmem>>)
    %dma_wait3A_2306 = arith.constant 2 : i32
    %dma_wait3A_2307 = arith.constant 44 : i32
    %dma_wait3A_2308 = arith.constant 0 : i32
    %dma_wait3A_2309 = tpu.memref_slice %arg6[%dma_wait3A_2306, %dma_wait3A_2307, %dma_wait3A_2308] : memref<4x56x256xf32, #tpu.memory_space<vmem>> -> memref<1x1x256xf32, #tpu.memory_space<vmem>>
    %dma_wait3A_2310 = tpu.memref_squeeze %dma_wait3A_2309 : memref<1x1x256xf32, #tpu.memory_space<vmem>> -> memref<1x256xf32, #tpu.memory_space<vmem>>
    %dma_wait3A_2311 = arith.constant 0 : i32
    %dma_wait3A_2312 = tpu.memref_slice %arg2[%squeeze3A_973, %dma_wait3A_2311] : memref<115200x256xf32, #tpu.memory_space<hbm>> -> memref<1x256xf32, #tpu.memory_space<hbm>>
    %dma_wait3A_2313 = arith.constant 44 : i32
    %dma_wait3A_2314 = arith.constant 0 : i32
    %dma_wait3A_2315 = tpu.memref_slice %arg6[%dma_wait3A_2306, %dma_wait3A_2313, %dma_wait3A_2314] : memref<4x56x256xf32, #tpu.memory_space<vmem>> -> memref<1x1x256xf32, #tpu.memory_space<vmem>>
    %dma_wait3A_2316 = tpu.memref_squeeze %dma_wait3A_2315 : memref<1x1x256xf32, #tpu.memory_space<vmem>> -> memref<1x256xf32, #tpu.memory_space<vmem>>
    %dma_wait3A_2317 = arith.constant 0 : i32
    %dma_wait3A_2318 = tpu.memref_slice %arg2[%squeeze3A_973, %dma_wait3A_2317] : memref<115200x256xf32, #tpu.memory_space<hbm>> -> memref<1x256xf32, #tpu.memory_space<hbm>>
    tpu.wait_dma2 semaphore(%arg8 : memref<!tpu.dma_semaphore, #tpu.memory_space<semaphore_mem>>) src(%dma_wait3A_2318 : memref<1x256xf32, #tpu.memory_space<hbm>>) dst(%dma_wait3A_2316 : memref<1x256xf32, #tpu.memory_space<vmem>>)
    %dma_wait3A_2319 = arith.constant 2 : i32
    %dma_wait3A_2320 = arith.constant 45 : i32
    %dma_wait3A_2321 = arith.constant 0 : i32
    %dma_wait3A_2322 = tpu.memref_slice %arg6[%dma_wait3A_2319, %dma_wait3A_2320, %dma_wait3A_2321] : memref<4x56x256xf32, #tpu.memory_space<vmem>> -> memref<1x1x256xf32, #tpu.memory_space<vmem>>
    %dma_wait3A_2323 = tpu.memref_squeeze %dma_wait3A_2322 : memref<1x1x256xf32, #tpu.memory_space<vmem>> -> memref<1x256xf32, #tpu.memory_space<vmem>>
    %dma_wait3A_2324 = arith.constant 0 : i32
    %dma_wait3A_2325 = tpu.memref_slice %arg2[%squeeze3A_988, %dma_wait3A_2324] : memref<115200x256xf32, #tpu.memory_space<hbm>> -> memref<1x256xf32, #tpu.memory_space<hbm>>
    %dma_wait3A_2326 = arith.constant 45 : i32
    %dma_wait3A_2327 = arith.constant 0 : i32
    %dma_wait3A_2328 = tpu.memref_slice %arg6[%dma_wait3A_2319, %dma_wait3A_2326, %dma_wait3A_2327] : memref<4x56x256xf32, #tpu.memory_space<vmem>> -> memref<1x1x256xf32, #tpu.memory_space<vmem>>
    %dma_wait3A_2329 = tpu.memref_squeeze %dma_wait3A_2328 : memref<1x1x256xf32, #tpu.memory_space<vmem>> -> memref<1x256xf32, #tpu.memory_space<vmem>>
    %dma_wait3A_2330 = arith.constant 0 : i32
    %dma_wait3A_2331 = tpu.memref_slice %arg2[%squeeze3A_988, %dma_wait3A_2330] : memref<115200x256xf32, #tpu.memory_space<hbm>> -> memref<1x256xf32, #tpu.memory_space<hbm>>
    tpu.wait_dma2 semaphore(%arg8 : memref<!tpu.dma_semaphore, #tpu.memory_space<semaphore_mem>>) src(%dma_wait3A_2331 : memref<1x256xf32, #tpu.memory_space<hbm>>) dst(%dma_wait3A_2329 : memref<1x256xf32, #tpu.memory_space<vmem>>)
    %dma_wait3A_2332 = arith.constant 2 : i32
    %dma_wait3A_2333 = arith.constant 46 : i32
    %dma_wait3A_2334 = arith.constant 0 : i32
    %dma_wait3A_2335 = tpu.memref_slice %arg6[%dma_wait3A_2332, %dma_wait3A_2333, %dma_wait3A_2334] : memref<4x56x256xf32, #tpu.memory_space<vmem>> -> memref<1x1x256xf32, #tpu.memory_space<vmem>>
    %dma_wait3A_2336 = tpu.memref_squeeze %dma_wait3A_2335 : memref<1x1x256xf32, #tpu.memory_space<vmem>> -> memref<1x256xf32, #tpu.memory_space<vmem>>
    %dma_wait3A_2337 = arith.constant 0 : i32
    %dma_wait3A_2338 = tpu.memref_slice %arg2[%squeeze3A_1003, %dma_wait3A_2337] : memref<115200x256xf32, #tpu.memory_space<hbm>> -> memref<1x256xf32, #tpu.memory_space<hbm>>
    %dma_wait3A_2339 = arith.constant 46 : i32
    %dma_wait3A_2340 = arith.constant 0 : i32
    %dma_wait3A_2341 = tpu.memref_slice %arg6[%dma_wait3A_2332, %dma_wait3A_2339, %dma_wait3A_2340] : memref<4x56x256xf32, #tpu.memory_space<vmem>> -> memref<1x1x256xf32, #tpu.memory_space<vmem>>
    %dma_wait3A_2342 = tpu.memref_squeeze %dma_wait3A_2341 : memref<1x1x256xf32, #tpu.memory_space<vmem>> -> memref<1x256xf32, #tpu.memory_space<vmem>>
    %dma_wait3A_2343 = arith.constant 0 : i32
    %dma_wait3A_2344 = tpu.memref_slice %arg2[%squeeze3A_1003, %dma_wait3A_2343] : memref<115200x256xf32, #tpu.memory_space<hbm>> -> memref<1x256xf32, #tpu.memory_space<hbm>>
    tpu.wait_dma2 semaphore(%arg8 : memref<!tpu.dma_semaphore, #tpu.memory_space<semaphore_mem>>) src(%dma_wait3A_2344 : memref<1x256xf32, #tpu.memory_space<hbm>>) dst(%dma_wait3A_2342 : memref<1x256xf32, #tpu.memory_space<vmem>>)
    %dma_wait3A_2345 = arith.constant 2 : i32
    %dma_wait3A_2346 = arith.constant 47 : i32
    %dma_wait3A_2347 = arith.constant 0 : i32
    %dma_wait3A_2348 = tpu.memref_slice %arg6[%dma_wait3A_2345, %dma_wait3A_2346, %dma_wait3A_2347] : memref<4x56x256xf32, #tpu.memory_space<vmem>> -> memref<1x1x256xf32, #tpu.memory_space<vmem>>
    %dma_wait3A_2349 = tpu.memref_squeeze %dma_wait3A_2348 : memref<1x1x256xf32, #tpu.memory_space<vmem>> -> memref<1x256xf32, #tpu.memory_space<vmem>>
    %dma_wait3A_2350 = arith.constant 0 : i32
    %dma_wait3A_2351 = tpu.memref_slice %arg2[%squeeze3A_1018, %dma_wait3A_2350] : memref<115200x256xf32, #tpu.memory_space<hbm>> -> memref<1x256xf32, #tpu.memory_space<hbm>>
    %dma_wait3A_2352 = arith.constant 47 : i32
    %dma_wait3A_2353 = arith.constant 0 : i32
    %dma_wait3A_2354 = tpu.memref_slice %arg6[%dma_wait3A_2345, %dma_wait3A_2352, %dma_wait3A_2353] : memref<4x56x256xf32, #tpu.memory_space<vmem>> -> memref<1x1x256xf32, #tpu.memory_space<vmem>>
    %dma_wait3A_2355 = tpu.memref_squeeze %dma_wait3A_2354 : memref<1x1x256xf32, #tpu.memory_space<vmem>> -> memref<1x256xf32, #tpu.memory_space<vmem>>
    %dma_wait3A_2356 = arith.constant 0 : i32
    %dma_wait3A_2357 = tpu.memref_slice %arg2[%squeeze3A_1018, %dma_wait3A_2356] : memref<115200x256xf32, #tpu.memory_space<hbm>> -> memref<1x256xf32, #tpu.memory_space<hbm>>
    tpu.wait_dma2 semaphore(%arg8 : memref<!tpu.dma_semaphore, #tpu.memory_space<semaphore_mem>>) src(%dma_wait3A_2357 : memref<1x256xf32, #tpu.memory_space<hbm>>) dst(%dma_wait3A_2355 : memref<1x256xf32, #tpu.memory_space<vmem>>)
    %dma_wait3A_2358 = arith.constant 2 : i32
    %dma_wait3A_2359 = arith.constant 48 : i32
    %dma_wait3A_2360 = arith.constant 0 : i32
    %dma_wait3A_2361 = tpu.memref_slice %arg6[%dma_wait3A_2358, %dma_wait3A_2359, %dma_wait3A_2360] : memref<4x56x256xf32, #tpu.memory_space<vmem>> -> memref<1x1x256xf32, #tpu.memory_space<vmem>>
    %dma_wait3A_2362 = tpu.memref_squeeze %dma_wait3A_2361 : memref<1x1x256xf32, #tpu.memory_space<vmem>> -> memref<1x256xf32, #tpu.memory_space<vmem>>
    %dma_wait3A_2363 = arith.constant 0 : i32
    %dma_wait3A_2364 = tpu.memref_slice %arg2[%squeeze3A_1038, %dma_wait3A_2363] : memref<115200x256xf32, #tpu.memory_space<hbm>> -> memref<1x256xf32, #tpu.memory_space<hbm>>
    %dma_wait3A_2365 = arith.constant 48 : i32
    %dma_wait3A_2366 = arith.constant 0 : i32
    %dma_wait3A_2367 = tpu.memref_slice %arg6[%dma_wait3A_2358, %dma_wait3A_2365, %dma_wait3A_2366] : memref<4x56x256xf32, #tpu.memory_space<vmem>> -> memref<1x1x256xf32, #tpu.memory_space<vmem>>
    %dma_wait3A_2368 = tpu.memref_squeeze %dma_wait3A_2367 : memref<1x1x256xf32, #tpu.memory_space<vmem>> -> memref<1x256xf32, #tpu.memory_space<vmem>>
    %dma_wait3A_2369 = arith.constant 0 : i32
    %dma_wait3A_2370 = tpu.memref_slice %arg2[%squeeze3A_1038, %dma_wait3A_2369] : memref<115200x256xf32, #tpu.memory_space<hbm>> -> memref<1x256xf32, #tpu.memory_space<hbm>>
    tpu.wait_dma2 semaphore(%arg8 : memref<!tpu.dma_semaphore, #tpu.memory_space<semaphore_mem>>) src(%dma_wait3A_2370 : memref<1x256xf32, #tpu.memory_space<hbm>>) dst(%dma_wait3A_2368 : memref<1x256xf32, #tpu.memory_space<vmem>>)
    %dma_wait3A_2371 = arith.constant 2 : i32
    %dma_wait3A_2372 = arith.constant 49 : i32
    %dma_wait3A_2373 = arith.constant 0 : i32
    %dma_wait3A_2374 = tpu.memref_slice %arg6[%dma_wait3A_2371, %dma_wait3A_2372, %dma_wait3A_2373] : memref<4x56x256xf32, #tpu.memory_space<vmem>> -> memref<1x1x256xf32, #tpu.memory_space<vmem>>
    %dma_wait3A_2375 = tpu.memref_squeeze %dma_wait3A_2374 : memref<1x1x256xf32, #tpu.memory_space<vmem>> -> memref<1x256xf32, #tpu.memory_space<vmem>>
    %dma_wait3A_2376 = arith.constant 0 : i32
    %dma_wait3A_2377 = tpu.memref_slice %arg2[%squeeze3A_1053, %dma_wait3A_2376] : memref<115200x256xf32, #tpu.memory_space<hbm>> -> memref<1x256xf32, #tpu.memory_space<hbm>>
    %dma_wait3A_2378 = arith.constant 49 : i32
    %dma_wait3A_2379 = arith.constant 0 : i32
    %dma_wait3A_2380 = tpu.memref_slice %arg6[%dma_wait3A_2371, %dma_wait3A_2378, %dma_wait3A_2379] : memref<4x56x256xf32, #tpu.memory_space<vmem>> -> memref<1x1x256xf32, #tpu.memory_space<vmem>>
    %dma_wait3A_2381 = tpu.memref_squeeze %dma_wait3A_2380 : memref<1x1x256xf32, #tpu.memory_space<vmem>> -> memref<1x256xf32, #tpu.memory_space<vmem>>
    %dma_wait3A_2382 = arith.constant 0 : i32
    %dma_wait3A_2383 = tpu.memref_slice %arg2[%squeeze3A_1053, %dma_wait3A_2382] : memref<115200x256xf32, #tpu.memory_space<hbm>> -> memref<1x256xf32, #tpu.memory_space<hbm>>
    tpu.wait_dma2 semaphore(%arg8 : memref<!tpu.dma_semaphore, #tpu.memory_space<semaphore_mem>>) src(%dma_wait3A_2383 : memref<1x256xf32, #tpu.memory_space<hbm>>) dst(%dma_wait3A_2381 : memref<1x256xf32, #tpu.memory_space<vmem>>)
    %dma_wait3A_2384 = arith.constant 2 : i32
    %dma_wait3A_2385 = arith.constant 50 : i32
    %dma_wait3A_2386 = arith.constant 0 : i32
    %dma_wait3A_2387 = tpu.memref_slice %arg6[%dma_wait3A_2384, %dma_wait3A_2385, %dma_wait3A_2386] : memref<4x56x256xf32, #tpu.memory_space<vmem>> -> memref<1x1x256xf32, #tpu.memory_space<vmem>>
    %dma_wait3A_2388 = tpu.memref_squeeze %dma_wait3A_2387 : memref<1x1x256xf32, #tpu.memory_space<vmem>> -> memref<1x256xf32, #tpu.memory_space<vmem>>
    %dma_wait3A_2389 = arith.constant 0 : i32
    %dma_wait3A_2390 = tpu.memref_slice %arg2[%squeeze3A_1068, %dma_wait3A_2389] : memref<115200x256xf32, #tpu.memory_space<hbm>> -> memref<1x256xf32, #tpu.memory_space<hbm>>
    %dma_wait3A_2391 = arith.constant 50 : i32
    %dma_wait3A_2392 = arith.constant 0 : i32
    %dma_wait3A_2393 = tpu.memref_slice %arg6[%dma_wait3A_2384, %dma_wait3A_2391, %dma_wait3A_2392] : memref<4x56x256xf32, #tpu.memory_space<vmem>> -> memref<1x1x256xf32, #tpu.memory_space<vmem>>
    %dma_wait3A_2394 = tpu.memref_squeeze %dma_wait3A_2393 : memref<1x1x256xf32, #tpu.memory_space<vmem>> -> memref<1x256xf32, #tpu.memory_space<vmem>>
    %dma_wait3A_2395 = arith.constant 0 : i32
    %dma_wait3A_2396 = tpu.memref_slice %arg2[%squeeze3A_1068, %dma_wait3A_2395] : memref<115200x256xf32, #tpu.memory_space<hbm>> -> memref<1x256xf32, #tpu.memory_space<hbm>>
    tpu.wait_dma2 semaphore(%arg8 : memref<!tpu.dma_semaphore, #tpu.memory_space<semaphore_mem>>) src(%dma_wait3A_2396 : memref<1x256xf32, #tpu.memory_space<hbm>>) dst(%dma_wait3A_2394 : memref<1x256xf32, #tpu.memory_space<vmem>>)
    %dma_wait3A_2397 = arith.constant 2 : i32
    %dma_wait3A_2398 = arith.constant 51 : i32
    %dma_wait3A_2399 = arith.constant 0 : i32
    %dma_wait3A_2400 = tpu.memref_slice %arg6[%dma_wait3A_2397, %dma_wait3A_2398, %dma_wait3A_2399] : memref<4x56x256xf32, #tpu.memory_space<vmem>> -> memref<1x1x256xf32, #tpu.memory_space<vmem>>
    %dma_wait3A_2401 = tpu.memref_squeeze %dma_wait3A_2400 : memref<1x1x256xf32, #tpu.memory_space<vmem>> -> memref<1x256xf32, #tpu.memory_space<vmem>>
    %dma_wait3A_2402 = arith.constant 0 : i32
    %dma_wait3A_2403 = tpu.memref_slice %arg2[%squeeze3A_1083, %dma_wait3A_2402] : memref<115200x256xf32, #tpu.memory_space<hbm>> -> memref<1x256xf32, #tpu.memory_space<hbm>>
    %dma_wait3A_2404 = arith.constant 51 : i32
    %dma_wait3A_2405 = arith.constant 0 : i32
    %dma_wait3A_2406 = tpu.memref_slice %arg6[%dma_wait3A_2397, %dma_wait3A_2404, %dma_wait3A_2405] : memref<4x56x256xf32, #tpu.memory_space<vmem>> -> memref<1x1x256xf32, #tpu.memory_space<vmem>>
    %dma_wait3A_2407 = tpu.memref_squeeze %dma_wait3A_2406 : memref<1x1x256xf32, #tpu.memory_space<vmem>> -> memref<1x256xf32, #tpu.memory_space<vmem>>
    %dma_wait3A_2408 = arith.constant 0 : i32
    %dma_wait3A_2409 = tpu.memref_slice %arg2[%squeeze3A_1083, %dma_wait3A_2408] : memref<115200x256xf32, #tpu.memory_space<hbm>> -> memref<1x256xf32, #tpu.memory_space<hbm>>
    tpu.wait_dma2 semaphore(%arg8 : memref<!tpu.dma_semaphore, #tpu.memory_space<semaphore_mem>>) src(%dma_wait3A_2409 : memref<1x256xf32, #tpu.memory_space<hbm>>) dst(%dma_wait3A_2407 : memref<1x256xf32, #tpu.memory_space<vmem>>)
    %dma_wait3A_2410 = arith.constant 2 : i32
    %dma_wait3A_2411 = arith.constant 52 : i32
    %dma_wait3A_2412 = arith.constant 0 : i32
    %dma_wait3A_2413 = tpu.memref_slice %arg6[%dma_wait3A_2410, %dma_wait3A_2411, %dma_wait3A_2412] : memref<4x56x256xf32, #tpu.memory_space<vmem>> -> memref<1x1x256xf32, #tpu.memory_space<vmem>>
    %dma_wait3A_2414 = tpu.memref_squeeze %dma_wait3A_2413 : memref<1x1x256xf32, #tpu.memory_space<vmem>> -> memref<1x256xf32, #tpu.memory_space<vmem>>
    %dma_wait3A_2415 = arith.constant 0 : i32
    %dma_wait3A_2416 = tpu.memref_slice %arg2[%squeeze3A_1098, %dma_wait3A_2415] : memref<115200x256xf32, #tpu.memory_space<hbm>> -> memref<1x256xf32, #tpu.memory_space<hbm>>
    %dma_wait3A_2417 = arith.constant 52 : i32
    %dma_wait3A_2418 = arith.constant 0 : i32
    %dma_wait3A_2419 = tpu.memref_slice %arg6[%dma_wait3A_2410, %dma_wait3A_2417, %dma_wait3A_2418] : memref<4x56x256xf32, #tpu.memory_space<vmem>> -> memref<1x1x256xf32, #tpu.memory_space<vmem>>
    %dma_wait3A_2420 = tpu.memref_squeeze %dma_wait3A_2419 : memref<1x1x256xf32, #tpu.memory_space<vmem>> -> memref<1x256xf32, #tpu.memory_space<vmem>>
    %dma_wait3A_2421 = arith.constant 0 : i32
    %dma_wait3A_2422 = tpu.memref_slice %arg2[%squeeze3A_1098, %dma_wait3A_2421] : memref<115200x256xf32, #tpu.memory_space<hbm>> -> memref<1x256xf32, #tpu.memory_space<hbm>>
    tpu.wait_dma2 semaphore(%arg8 : memref<!tpu.dma_semaphore, #tpu.memory_space<semaphore_mem>>) src(%dma_wait3A_2422 : memref<1x256xf32, #tpu.memory_space<hbm>>) dst(%dma_wait3A_2420 : memref<1x256xf32, #tpu.memory_space<vmem>>)
    %dma_wait3A_2423 = arith.constant 2 : i32
    %dma_wait3A_2424 = arith.constant 53 : i32
    %dma_wait3A_2425 = arith.constant 0 : i32
    %dma_wait3A_2426 = tpu.memref_slice %arg6[%dma_wait3A_2423, %dma_wait3A_2424, %dma_wait3A_2425] : memref<4x56x256xf32, #tpu.memory_space<vmem>> -> memref<1x1x256xf32, #tpu.memory_space<vmem>>
    %dma_wait3A_2427 = tpu.memref_squeeze %dma_wait3A_2426 : memref<1x1x256xf32, #tpu.memory_space<vmem>> -> memref<1x256xf32, #tpu.memory_space<vmem>>
    %dma_wait3A_2428 = arith.constant 0 : i32
    %dma_wait3A_2429 = tpu.memref_slice %arg2[%squeeze3A_1113, %dma_wait3A_2428] : memref<115200x256xf32, #tpu.memory_space<hbm>> -> memref<1x256xf32, #tpu.memory_space<hbm>>
    %dma_wait3A_2430 = arith.constant 53 : i32
    %dma_wait3A_2431 = arith.constant 0 : i32
    %dma_wait3A_2432 = tpu.memref_slice %arg6[%dma_wait3A_2423, %dma_wait3A_2430, %dma_wait3A_2431] : memref<4x56x256xf32, #tpu.memory_space<vmem>> -> memref<1x1x256xf32, #tpu.memory_space<vmem>>
    %dma_wait3A_2433 = tpu.memref_squeeze %dma_wait3A_2432 : memref<1x1x256xf32, #tpu.memory_space<vmem>> -> memref<1x256xf32, #tpu.memory_space<vmem>>
    %dma_wait3A_2434 = arith.constant 0 : i32
    %dma_wait3A_2435 = tpu.memref_slice %arg2[%squeeze3A_1113, %dma_wait3A_2434] : memref<115200x256xf32, #tpu.memory_space<hbm>> -> memref<1x256xf32, #tpu.memory_space<hbm>>
    tpu.wait_dma2 semaphore(%arg8 : memref<!tpu.dma_semaphore, #tpu.memory_space<semaphore_mem>>) src(%dma_wait3A_2435 : memref<1x256xf32, #tpu.memory_space<hbm>>) dst(%dma_wait3A_2433 : memref<1x256xf32, #tpu.memory_space<vmem>>)
    %dma_wait3A_2436 = arith.constant 2 : i32
    %dma_wait3A_2437 = arith.constant 54 : i32
    %dma_wait3A_2438 = arith.constant 0 : i32
    %dma_wait3A_2439 = tpu.memref_slice %arg6[%dma_wait3A_2436, %dma_wait3A_2437, %dma_wait3A_2438] : memref<4x56x256xf32, #tpu.memory_space<vmem>> -> memref<1x1x256xf32, #tpu.memory_space<vmem>>
    %dma_wait3A_2440 = tpu.memref_squeeze %dma_wait3A_2439 : memref<1x1x256xf32, #tpu.memory_space<vmem>> -> memref<1x256xf32, #tpu.memory_space<vmem>>
    %dma_wait3A_2441 = arith.constant 0 : i32
    %dma_wait3A_2442 = tpu.memref_slice %arg2[%squeeze3A_1128, %dma_wait3A_2441] : memref<115200x256xf32, #tpu.memory_space<hbm>> -> memref<1x256xf32, #tpu.memory_space<hbm>>
    %dma_wait3A_2443 = arith.constant 54 : i32
    %dma_wait3A_2444 = arith.constant 0 : i32
    %dma_wait3A_2445 = tpu.memref_slice %arg6[%dma_wait3A_2436, %dma_wait3A_2443, %dma_wait3A_2444] : memref<4x56x256xf32, #tpu.memory_space<vmem>> -> memref<1x1x256xf32, #tpu.memory_space<vmem>>
    %dma_wait3A_2446 = tpu.memref_squeeze %dma_wait3A_2445 : memref<1x1x256xf32, #tpu.memory_space<vmem>> -> memref<1x256xf32, #tpu.memory_space<vmem>>
    %dma_wait3A_2447 = arith.constant 0 : i32
    %dma_wait3A_2448 = tpu.memref_slice %arg2[%squeeze3A_1128, %dma_wait3A_2447] : memref<115200x256xf32, #tpu.memory_space<hbm>> -> memref<1x256xf32, #tpu.memory_space<hbm>>
    tpu.wait_dma2 semaphore(%arg8 : memref<!tpu.dma_semaphore, #tpu.memory_space<semaphore_mem>>) src(%dma_wait3A_2448 : memref<1x256xf32, #tpu.memory_space<hbm>>) dst(%dma_wait3A_2446 : memref<1x256xf32, #tpu.memory_space<vmem>>)
    %dma_wait3A_2449 = arith.constant 2 : i32
    %dma_wait3A_2450 = arith.constant 55 : i32
    %dma_wait3A_2451 = arith.constant 0 : i32
    %dma_wait3A_2452 = tpu.memref_slice %arg6[%dma_wait3A_2449, %dma_wait3A_2450, %dma_wait3A_2451] : memref<4x56x256xf32, #tpu.memory_space<vmem>> -> memref<1x1x256xf32, #tpu.memory_space<vmem>>
    %dma_wait3A_2453 = tpu.memref_squeeze %dma_wait3A_2452 : memref<1x1x256xf32, #tpu.memory_space<vmem>> -> memref<1x256xf32, #tpu.memory_space<vmem>>
    %dma_wait3A_2454 = arith.constant 0 : i32
    %dma_wait3A_2455 = tpu.memref_slice %arg2[%squeeze3A_1143, %dma_wait3A_2454] : memref<115200x256xf32, #tpu.memory_space<hbm>> -> memref<1x256xf32, #tpu.memory_space<hbm>>
    %dma_wait3A_2456 = arith.constant 55 : i32
    %dma_wait3A_2457 = arith.constant 0 : i32
    %dma_wait3A_2458 = tpu.memref_slice %arg6[%dma_wait3A_2449, %dma_wait3A_2456, %dma_wait3A_2457] : memref<4x56x256xf32, #tpu.memory_space<vmem>> -> memref<1x1x256xf32, #tpu.memory_space<vmem>>
    %dma_wait3A_2459 = tpu.memref_squeeze %dma_wait3A_2458 : memref<1x1x256xf32, #tpu.memory_space<vmem>> -> memref<1x256xf32, #tpu.memory_space<vmem>>
    %dma_wait3A_2460 = arith.constant 0 : i32
    %dma_wait3A_2461 = tpu.memref_slice %arg2[%squeeze3A_1143, %dma_wait3A_2460] : memref<115200x256xf32, #tpu.memory_space<hbm>> -> memref<1x256xf32, #tpu.memory_space<hbm>>
    tpu.wait_dma2 semaphore(%arg8 : memref<!tpu.dma_semaphore, #tpu.memory_space<semaphore_mem>>) src(%dma_wait3A_2461 : memref<1x256xf32, #tpu.memory_space<hbm>>) dst(%dma_wait3A_2459 : memref<1x256xf32, #tpu.memory_space<vmem>>)
    %dma_wait3A_2462 = arith.constant 3 : i32
    %dma_wait3A_2463 = arith.constant 32 : i32
    %dma_wait3A_2464 = arith.constant 0 : i32
    %dma_wait3A_2465 = tpu.memref_slice %arg6[%dma_wait3A_2462, %dma_wait3A_2463, %dma_wait3A_2464] : memref<4x56x256xf32, #tpu.memory_space<vmem>> -> memref<1x1x256xf32, #tpu.memory_space<vmem>>
    %dma_wait3A_2466 = tpu.memref_squeeze %dma_wait3A_2465 : memref<1x1x256xf32, #tpu.memory_space<vmem>> -> memref<1x256xf32, #tpu.memory_space<vmem>>
    %dma_wait3A_2467 = arith.constant 0 : i32
    %dma_wait3A_2468 = tpu.memref_slice %arg2[%squeeze3A_1163, %dma_wait3A_2467] : memref<115200x256xf32, #tpu.memory_space<hbm>> -> memref<1x256xf32, #tpu.memory_space<hbm>>
    %dma_wait3A_2469 = arith.constant 32 : i32
    %dma_wait3A_2470 = arith.constant 0 : i32
    %dma_wait3A_2471 = tpu.memref_slice %arg6[%dma_wait3A_2462, %dma_wait3A_2469, %dma_wait3A_2470] : memref<4x56x256xf32, #tpu.memory_space<vmem>> -> memref<1x1x256xf32, #tpu.memory_space<vmem>>
    %dma_wait3A_2472 = tpu.memref_squeeze %dma_wait3A_2471 : memref<1x1x256xf32, #tpu.memory_space<vmem>> -> memref<1x256xf32, #tpu.memory_space<vmem>>
    %dma_wait3A_2473 = arith.constant 0 : i32
    %dma_wait3A_2474 = tpu.memref_slice %arg2[%squeeze3A_1163, %dma_wait3A_2473] : memref<115200x256xf32, #tpu.memory_space<hbm>> -> memref<1x256xf32, #tpu.memory_space<hbm>>
    tpu.wait_dma2 semaphore(%arg8 : memref<!tpu.dma_semaphore, #tpu.memory_space<semaphore_mem>>) src(%dma_wait3A_2474 : memref<1x256xf32, #tpu.memory_space<hbm>>) dst(%dma_wait3A_2472 : memref<1x256xf32, #tpu.memory_space<vmem>>)
    %dma_wait3A_2475 = arith.constant 3 : i32
    %dma_wait3A_2476 = arith.constant 33 : i32
    %dma_wait3A_2477 = arith.constant 0 : i32
    %dma_wait3A_2478 = tpu.memref_slice %arg6[%dma_wait3A_2475, %dma_wait3A_2476, %dma_wait3A_2477] : memref<4x56x256xf32, #tpu.memory_space<vmem>> -> memref<1x1x256xf32, #tpu.memory_space<vmem>>
    %dma_wait3A_2479 = tpu.memref_squeeze %dma_wait3A_2478 : memref<1x1x256xf32, #tpu.memory_space<vmem>> -> memref<1x256xf32, #tpu.memory_space<vmem>>
    %dma_wait3A_2480 = arith.constant 0 : i32
    %dma_wait3A_2481 = tpu.memref_slice %arg2[%squeeze3A_1178, %dma_wait3A_2480] : memref<115200x256xf32, #tpu.memory_space<hbm>> -> memref<1x256xf32, #tpu.memory_space<hbm>>
    %dma_wait3A_2482 = arith.constant 33 : i32
    %dma_wait3A_2483 = arith.constant 0 : i32
    %dma_wait3A_2484 = tpu.memref_slice %arg6[%dma_wait3A_2475, %dma_wait3A_2482, %dma_wait3A_2483] : memref<4x56x256xf32, #tpu.memory_space<vmem>> -> memref<1x1x256xf32, #tpu.memory_space<vmem>>
    %dma_wait3A_2485 = tpu.memref_squeeze %dma_wait3A_2484 : memref<1x1x256xf32, #tpu.memory_space<vmem>> -> memref<1x256xf32, #tpu.memory_space<vmem>>
    %dma_wait3A_2486 = arith.constant 0 : i32
    %dma_wait3A_2487 = tpu.memref_slice %arg2[%squeeze3A_1178, %dma_wait3A_2486] : memref<115200x256xf32, #tpu.memory_space<hbm>> -> memref<1x256xf32, #tpu.memory_space<hbm>>
    tpu.wait_dma2 semaphore(%arg8 : memref<!tpu.dma_semaphore, #tpu.memory_space<semaphore_mem>>) src(%dma_wait3A_2487 : memref<1x256xf32, #tpu.memory_space<hbm>>) dst(%dma_wait3A_2485 : memref<1x256xf32, #tpu.memory_space<vmem>>)
    %dma_wait3A_2488 = arith.constant 3 : i32
    %dma_wait3A_2489 = arith.constant 34 : i32
    %dma_wait3A_2490 = arith.constant 0 : i32
    %dma_wait3A_2491 = tpu.memref_slice %arg6[%dma_wait3A_2488, %dma_wait3A_2489, %dma_wait3A_2490] : memref<4x56x256xf32, #tpu.memory_space<vmem>> -> memref<1x1x256xf32, #tpu.memory_space<vmem>>
    %dma_wait3A_2492 = tpu.memref_squeeze %dma_wait3A_2491 : memref<1x1x256xf32, #tpu.memory_space<vmem>> -> memref<1x256xf32, #tpu.memory_space<vmem>>
    %dma_wait3A_2493 = arith.constant 0 : i32
    %dma_wait3A_2494 = tpu.memref_slice %arg2[%squeeze3A_1193, %dma_wait3A_2493] : memref<115200x256xf32, #tpu.memory_space<hbm>> -> memref<1x256xf32, #tpu.memory_space<hbm>>
    %dma_wait3A_2495 = arith.constant 34 : i32
    %dma_wait3A_2496 = arith.constant 0 : i32
    %dma_wait3A_2497 = tpu.memref_slice %arg6[%dma_wait3A_2488, %dma_wait3A_2495, %dma_wait3A_2496] : memref<4x56x256xf32, #tpu.memory_space<vmem>> -> memref<1x1x256xf32, #tpu.memory_space<vmem>>
    %dma_wait3A_2498 = tpu.memref_squeeze %dma_wait3A_2497 : memref<1x1x256xf32, #tpu.memory_space<vmem>> -> memref<1x256xf32, #tpu.memory_space<vmem>>
    %dma_wait3A_2499 = arith.constant 0 : i32
    %dma_wait3A_2500 = tpu.memref_slice %arg2[%squeeze3A_1193, %dma_wait3A_2499] : memref<115200x256xf32, #tpu.memory_space<hbm>> -> memref<1x256xf32, #tpu.memory_space<hbm>>
    tpu.wait_dma2 semaphore(%arg8 : memref<!tpu.dma_semaphore, #tpu.memory_space<semaphore_mem>>) src(%dma_wait3A_2500 : memref<1x256xf32, #tpu.memory_space<hbm>>) dst(%dma_wait3A_2498 : memref<1x256xf32, #tpu.memory_space<vmem>>)
    %dma_wait3A_2501 = arith.constant 3 : i32
    %dma_wait3A_2502 = arith.constant 35 : i32
    %dma_wait3A_2503 = arith.constant 0 : i32
    %dma_wait3A_2504 = tpu.memref_slice %arg6[%dma_wait3A_2501, %dma_wait3A_2502, %dma_wait3A_2503] : memref<4x56x256xf32, #tpu.memory_space<vmem>> -> memref<1x1x256xf32, #tpu.memory_space<vmem>>
    %dma_wait3A_2505 = tpu.memref_squeeze %dma_wait3A_2504 : memref<1x1x256xf32, #tpu.memory_space<vmem>> -> memref<1x256xf32, #tpu.memory_space<vmem>>
    %dma_wait3A_2506 = arith.constant 0 : i32
    %dma_wait3A_2507 = tpu.memref_slice %arg2[%squeeze3A_1208, %dma_wait3A_2506] : memref<115200x256xf32, #tpu.memory_space<hbm>> -> memref<1x256xf32, #tpu.memory_space<hbm>>
    %dma_wait3A_2508 = arith.constant 35 : i32
    %dma_wait3A_2509 = arith.constant 0 : i32
    %dma_wait3A_2510 = tpu.memref_slice %arg6[%dma_wait3A_2501, %dma_wait3A_2508, %dma_wait3A_2509] : memref<4x56x256xf32, #tpu.memory_space<vmem>> -> memref<1x1x256xf32, #tpu.memory_space<vmem>>
    %dma_wait3A_2511 = tpu.memref_squeeze %dma_wait3A_2510 : memref<1x1x256xf32, #tpu.memory_space<vmem>> -> memref<1x256xf32, #tpu.memory_space<vmem>>
    %dma_wait3A_2512 = arith.constant 0 : i32
    %dma_wait3A_2513 = tpu.memref_slice %arg2[%squeeze3A_1208, %dma_wait3A_2512] : memref<115200x256xf32, #tpu.memory_space<hbm>> -> memref<1x256xf32, #tpu.memory_space<hbm>>
    tpu.wait_dma2 semaphore(%arg8 : memref<!tpu.dma_semaphore, #tpu.memory_space<semaphore_mem>>) src(%dma_wait3A_2513 : memref<1x256xf32, #tpu.memory_space<hbm>>) dst(%dma_wait3A_2511 : memref<1x256xf32, #tpu.memory_space<vmem>>)
    %dma_wait3A_2514 = arith.constant 3 : i32
    %dma_wait3A_2515 = arith.constant 36 : i32
    %dma_wait3A_2516 = arith.constant 0 : i32
    %dma_wait3A_2517 = tpu.memref_slice %arg6[%dma_wait3A_2514, %dma_wait3A_2515, %dma_wait3A_2516] : memref<4x56x256xf32, #tpu.memory_space<vmem>> -> memref<1x1x256xf32, #tpu.memory_space<vmem>>
    %dma_wait3A_2518 = tpu.memref_squeeze %dma_wait3A_2517 : memref<1x1x256xf32, #tpu.memory_space<vmem>> -> memref<1x256xf32, #tpu.memory_space<vmem>>
    %dma_wait3A_2519 = arith.constant 0 : i32
    %dma_wait3A_2520 = tpu.memref_slice %arg2[%squeeze3A_1223, %dma_wait3A_2519] : memref<115200x256xf32, #tpu.memory_space<hbm>> -> memref<1x256xf32, #tpu.memory_space<hbm>>
    %dma_wait3A_2521 = arith.constant 36 : i32
    %dma_wait3A_2522 = arith.constant 0 : i32
    %dma_wait3A_2523 = tpu.memref_slice %arg6[%dma_wait3A_2514, %dma_wait3A_2521, %dma_wait3A_2522] : memref<4x56x256xf32, #tpu.memory_space<vmem>> -> memref<1x1x256xf32, #tpu.memory_space<vmem>>
    %dma_wait3A_2524 = tpu.memref_squeeze %dma_wait3A_2523 : memref<1x1x256xf32, #tpu.memory_space<vmem>> -> memref<1x256xf32, #tpu.memory_space<vmem>>
    %dma_wait3A_2525 = arith.constant 0 : i32
    %dma_wait3A_2526 = tpu.memref_slice %arg2[%squeeze3A_1223, %dma_wait3A_2525] : memref<115200x256xf32, #tpu.memory_space<hbm>> -> memref<1x256xf32, #tpu.memory_space<hbm>>
    tpu.wait_dma2 semaphore(%arg8 : memref<!tpu.dma_semaphore, #tpu.memory_space<semaphore_mem>>) src(%dma_wait3A_2526 : memref<1x256xf32, #tpu.memory_space<hbm>>) dst(%dma_wait3A_2524 : memref<1x256xf32, #tpu.memory_space<vmem>>)
    %dma_wait3A_2527 = arith.constant 3 : i32
    %dma_wait3A_2528 = arith.constant 37 : i32
    %dma_wait3A_2529 = arith.constant 0 : i32
    %dma_wait3A_2530 = tpu.memref_slice %arg6[%dma_wait3A_2527, %dma_wait3A_2528, %dma_wait3A_2529] : memref<4x56x256xf32, #tpu.memory_space<vmem>> -> memref<1x1x256xf32, #tpu.memory_space<vmem>>
    %dma_wait3A_2531 = tpu.memref_squeeze %dma_wait3A_2530 : memref<1x1x256xf32, #tpu.memory_space<vmem>> -> memref<1x256xf32, #tpu.memory_space<vmem>>
    %dma_wait3A_2532 = arith.constant 0 : i32
    %dma_wait3A_2533 = tpu.memref_slice %arg2[%squeeze3A_1238, %dma_wait3A_2532] : memref<115200x256xf32, #tpu.memory_space<hbm>> -> memref<1x256xf32, #tpu.memory_space<hbm>>
    %dma_wait3A_2534 = arith.constant 37 : i32
    %dma_wait3A_2535 = arith.constant 0 : i32
    %dma_wait3A_2536 = tpu.memref_slice %arg6[%dma_wait3A_2527, %dma_wait3A_2534, %dma_wait3A_2535] : memref<4x56x256xf32, #tpu.memory_space<vmem>> -> memref<1x1x256xf32, #tpu.memory_space<vmem>>
    %dma_wait3A_2537 = tpu.memref_squeeze %dma_wait3A_2536 : memref<1x1x256xf32, #tpu.memory_space<vmem>> -> memref<1x256xf32, #tpu.memory_space<vmem>>
    %dma_wait3A_2538 = arith.constant 0 : i32
    %dma_wait3A_2539 = tpu.memref_slice %arg2[%squeeze3A_1238, %dma_wait3A_2538] : memref<115200x256xf32, #tpu.memory_space<hbm>> -> memref<1x256xf32, #tpu.memory_space<hbm>>
    tpu.wait_dma2 semaphore(%arg8 : memref<!tpu.dma_semaphore, #tpu.memory_space<semaphore_mem>>) src(%dma_wait3A_2539 : memref<1x256xf32, #tpu.memory_space<hbm>>) dst(%dma_wait3A_2537 : memref<1x256xf32, #tpu.memory_space<vmem>>)
    %dma_wait3A_2540 = arith.constant 3 : i32
    %dma_wait3A_2541 = arith.constant 38 : i32
    %dma_wait3A_2542 = arith.constant 0 : i32
    %dma_wait3A_2543 = tpu.memref_slice %arg6[%dma_wait3A_2540, %dma_wait3A_2541, %dma_wait3A_2542] : memref<4x56x256xf32, #tpu.memory_space<vmem>> -> memref<1x1x256xf32, #tpu.memory_space<vmem>>
    %dma_wait3A_2544 = tpu.memref_squeeze %dma_wait3A_2543 : memref<1x1x256xf32, #tpu.memory_space<vmem>> -> memref<1x256xf32, #tpu.memory_space<vmem>>
    %dma_wait3A_2545 = arith.constant 0 : i32
    %dma_wait3A_2546 = tpu.memref_slice %arg2[%squeeze3A_1253, %dma_wait3A_2545] : memref<115200x256xf32, #tpu.memory_space<hbm>> -> memref<1x256xf32, #tpu.memory_space<hbm>>
    %dma_wait3A_2547 = arith.constant 38 : i32
    %dma_wait3A_2548 = arith.constant 0 : i32
    %dma_wait3A_2549 = tpu.memref_slice %arg6[%dma_wait3A_2540, %dma_wait3A_2547, %dma_wait3A_2548] : memref<4x56x256xf32, #tpu.memory_space<vmem>> -> memref<1x1x256xf32, #tpu.memory_space<vmem>>
    %dma_wait3A_2550 = tpu.memref_squeeze %dma_wait3A_2549 : memref<1x1x256xf32, #tpu.memory_space<vmem>> -> memref<1x256xf32, #tpu.memory_space<vmem>>
    %dma_wait3A_2551 = arith.constant 0 : i32
    %dma_wait3A_2552 = tpu.memref_slice %arg2[%squeeze3A_1253, %dma_wait3A_2551] : memref<115200x256xf32, #tpu.memory_space<hbm>> -> memref<1x256xf32, #tpu.memory_space<hbm>>
    tpu.wait_dma2 semaphore(%arg8 : memref<!tpu.dma_semaphore, #tpu.memory_space<semaphore_mem>>) src(%dma_wait3A_2552 : memref<1x256xf32, #tpu.memory_space<hbm>>) dst(%dma_wait3A_2550 : memref<1x256xf32, #tpu.memory_space<vmem>>)
    %dma_wait3A_2553 = arith.constant 3 : i32
    %dma_wait3A_2554 = arith.constant 39 : i32
    %dma_wait3A_2555 = arith.constant 0 : i32
    %dma_wait3A_2556 = tpu.memref_slice %arg6[%dma_wait3A_2553, %dma_wait3A_2554, %dma_wait3A_2555] : memref<4x56x256xf32, #tpu.memory_space<vmem>> -> memref<1x1x256xf32, #tpu.memory_space<vmem>>
    %dma_wait3A_2557 = tpu.memref_squeeze %dma_wait3A_2556 : memref<1x1x256xf32, #tpu.memory_space<vmem>> -> memref<1x256xf32, #tpu.memory_space<vmem>>
    %dma_wait3A_2558 = arith.constant 0 : i32
    %dma_wait3A_2559 = tpu.memref_slice %arg2[%squeeze3A_1268, %dma_wait3A_2558] : memref<115200x256xf32, #tpu.memory_space<hbm>> -> memref<1x256xf32, #tpu.memory_space<hbm>>
    %dma_wait3A_2560 = arith.constant 39 : i32
    %dma_wait3A_2561 = arith.constant 0 : i32
    %dma_wait3A_2562 = tpu.memref_slice %arg6[%dma_wait3A_2553, %dma_wait3A_2560, %dma_wait3A_2561] : memref<4x56x256xf32, #tpu.memory_space<vmem>> -> memref<1x1x256xf32, #tpu.memory_space<vmem>>
    %dma_wait3A_2563 = tpu.memref_squeeze %dma_wait3A_2562 : memref<1x1x256xf32, #tpu.memory_space<vmem>> -> memref<1x256xf32, #tpu.memory_space<vmem>>
    %dma_wait3A_2564 = arith.constant 0 : i32
    %dma_wait3A_2565 = tpu.memref_slice %arg2[%squeeze3A_1268, %dma_wait3A_2564] : memref<115200x256xf32, #tpu.memory_space<hbm>> -> memref<1x256xf32, #tpu.memory_space<hbm>>
    tpu.wait_dma2 semaphore(%arg8 : memref<!tpu.dma_semaphore, #tpu.memory_space<semaphore_mem>>) src(%dma_wait3A_2565 : memref<1x256xf32, #tpu.memory_space<hbm>>) dst(%dma_wait3A_2563 : memref<1x256xf32, #tpu.memory_space<vmem>>)
    %dma_wait3A_2566 = arith.constant 3 : i32
    %dma_wait3A_2567 = arith.constant 40 : i32
    %dma_wait3A_2568 = arith.constant 0 : i32
    %dma_wait3A_2569 = tpu.memref_slice %arg6[%dma_wait3A_2566, %dma_wait3A_2567, %dma_wait3A_2568] : memref<4x56x256xf32, #tpu.memory_space<vmem>> -> memref<1x1x256xf32, #tpu.memory_space<vmem>>
    %dma_wait3A_2570 = tpu.memref_squeeze %dma_wait3A_2569 : memref<1x1x256xf32, #tpu.memory_space<vmem>> -> memref<1x256xf32, #tpu.memory_space<vmem>>
    %dma_wait3A_2571 = arith.constant 0 : i32
    %dma_wait3A_2572 = tpu.memref_slice %arg2[%squeeze3A_1283, %dma_wait3A_2571] : memref<115200x256xf32, #tpu.memory_space<hbm>> -> memref<1x256xf32, #tpu.memory_space<hbm>>
    %dma_wait3A_2573 = arith.constant 40 : i32
    %dma_wait3A_2574 = arith.constant 0 : i32
    %dma_wait3A_2575 = tpu.memref_slice %arg6[%dma_wait3A_2566, %dma_wait3A_2573, %dma_wait3A_2574] : memref<4x56x256xf32, #tpu.memory_space<vmem>> -> memref<1x1x256xf32, #tpu.memory_space<vmem>>
    %dma_wait3A_2576 = tpu.memref_squeeze %dma_wait3A_2575 : memref<1x1x256xf32, #tpu.memory_space<vmem>> -> memref<1x256xf32, #tpu.memory_space<vmem>>
    %dma_wait3A_2577 = arith.constant 0 : i32
    %dma_wait3A_2578 = tpu.memref_slice %arg2[%squeeze3A_1283, %dma_wait3A_2577] : memref<115200x256xf32, #tpu.memory_space<hbm>> -> memref<1x256xf32, #tpu.memory_space<hbm>>
    tpu.wait_dma2 semaphore(%arg8 : memref<!tpu.dma_semaphore, #tpu.memory_space<semaphore_mem>>) src(%dma_wait3A_2578 : memref<1x256xf32, #tpu.memory_space<hbm>>) dst(%dma_wait3A_2576 : memref<1x256xf32, #tpu.memory_space<vmem>>)
    %dma_wait3A_2579 = arith.constant 3 : i32
    %dma_wait3A_2580 = arith.constant 41 : i32
    %dma_wait3A_2581 = arith.constant 0 : i32
    %dma_wait3A_2582 = tpu.memref_slice %arg6[%dma_wait3A_2579, %dma_wait3A_2580, %dma_wait3A_2581] : memref<4x56x256xf32, #tpu.memory_space<vmem>> -> memref<1x1x256xf32, #tpu.memory_space<vmem>>
    %dma_wait3A_2583 = tpu.memref_squeeze %dma_wait3A_2582 : memref<1x1x256xf32, #tpu.memory_space<vmem>> -> memref<1x256xf32, #tpu.memory_space<vmem>>
    %dma_wait3A_2584 = arith.constant 0 : i32
    %dma_wait3A_2585 = tpu.memref_slice %arg2[%squeeze3A_1298, %dma_wait3A_2584] : memref<115200x256xf32, #tpu.memory_space<hbm>> -> memref<1x256xf32, #tpu.memory_space<hbm>>
    %dma_wait3A_2586 = arith.constant 41 : i32
    %dma_wait3A_2587 = arith.constant 0 : i32
    %dma_wait3A_2588 = tpu.memref_slice %arg6[%dma_wait3A_2579, %dma_wait3A_2586, %dma_wait3A_2587] : memref<4x56x256xf32, #tpu.memory_space<vmem>> -> memref<1x1x256xf32, #tpu.memory_space<vmem>>
    %dma_wait3A_2589 = tpu.memref_squeeze %dma_wait3A_2588 : memref<1x1x256xf32, #tpu.memory_space<vmem>> -> memref<1x256xf32, #tpu.memory_space<vmem>>
    %dma_wait3A_2590 = arith.constant 0 : i32
    %dma_wait3A_2591 = tpu.memref_slice %arg2[%squeeze3A_1298, %dma_wait3A_2590] : memref<115200x256xf32, #tpu.memory_space<hbm>> -> memref<1x256xf32, #tpu.memory_space<hbm>>
    tpu.wait_dma2 semaphore(%arg8 : memref<!tpu.dma_semaphore, #tpu.memory_space<semaphore_mem>>) src(%dma_wait3A_2591 : memref<1x256xf32, #tpu.memory_space<hbm>>) dst(%dma_wait3A_2589 : memref<1x256xf32, #tpu.memory_space<vmem>>)
    %dma_wait3A_2592 = arith.constant 3 : i32
    %dma_wait3A_2593 = arith.constant 42 : i32
    %dma_wait3A_2594 = arith.constant 0 : i32
    %dma_wait3A_2595 = tpu.memref_slice %arg6[%dma_wait3A_2592, %dma_wait3A_2593, %dma_wait3A_2594] : memref<4x56x256xf32, #tpu.memory_space<vmem>> -> memref<1x1x256xf32, #tpu.memory_space<vmem>>
    %dma_wait3A_2596 = tpu.memref_squeeze %dma_wait3A_2595 : memref<1x1x256xf32, #tpu.memory_space<vmem>> -> memref<1x256xf32, #tpu.memory_space<vmem>>
    %dma_wait3A_2597 = arith.constant 0 : i32
    %dma_wait3A_2598 = tpu.memref_slice %arg2[%squeeze3A_1313, %dma_wait3A_2597] : memref<115200x256xf32, #tpu.memory_space<hbm>> -> memref<1x256xf32, #tpu.memory_space<hbm>>
    %dma_wait3A_2599 = arith.constant 42 : i32
    %dma_wait3A_2600 = arith.constant 0 : i32
    %dma_wait3A_2601 = tpu.memref_slice %arg6[%dma_wait3A_2592, %dma_wait3A_2599, %dma_wait3A_2600] : memref<4x56x256xf32, #tpu.memory_space<vmem>> -> memref<1x1x256xf32, #tpu.memory_space<vmem>>
    %dma_wait3A_2602 = tpu.memref_squeeze %dma_wait3A_2601 : memref<1x1x256xf32, #tpu.memory_space<vmem>> -> memref<1x256xf32, #tpu.memory_space<vmem>>
    %dma_wait3A_2603 = arith.constant 0 : i32
    %dma_wait3A_2604 = tpu.memref_slice %arg2[%squeeze3A_1313, %dma_wait3A_2603] : memref<115200x256xf32, #tpu.memory_space<hbm>> -> memref<1x256xf32, #tpu.memory_space<hbm>>
    tpu.wait_dma2 semaphore(%arg8 : memref<!tpu.dma_semaphore, #tpu.memory_space<semaphore_mem>>) src(%dma_wait3A_2604 : memref<1x256xf32, #tpu.memory_space<hbm>>) dst(%dma_wait3A_2602 : memref<1x256xf32, #tpu.memory_space<vmem>>)
    %dma_wait3A_2605 = arith.constant 3 : i32
    %dma_wait3A_2606 = arith.constant 43 : i32
    %dma_wait3A_2607 = arith.constant 0 : i32
    %dma_wait3A_2608 = tpu.memref_slice %arg6[%dma_wait3A_2605, %dma_wait3A_2606, %dma_wait3A_2607] : memref<4x56x256xf32, #tpu.memory_space<vmem>> -> memref<1x1x256xf32, #tpu.memory_space<vmem>>
    %dma_wait3A_2609 = tpu.memref_squeeze %dma_wait3A_2608 : memref<1x1x256xf32, #tpu.memory_space<vmem>> -> memref<1x256xf32, #tpu.memory_space<vmem>>
    %dma_wait3A_2610 = arith.constant 0 : i32
    %dma_wait3A_2611 = tpu.memref_slice %arg2[%squeeze3A_1328, %dma_wait3A_2610] : memref<115200x256xf32, #tpu.memory_space<hbm>> -> memref<1x256xf32, #tpu.memory_space<hbm>>
    %dma_wait3A_2612 = arith.constant 43 : i32
    %dma_wait3A_2613 = arith.constant 0 : i32
    %dma_wait3A_2614 = tpu.memref_slice %arg6[%dma_wait3A_2605, %dma_wait3A_2612, %dma_wait3A_2613] : memref<4x56x256xf32, #tpu.memory_space<vmem>> -> memref<1x1x256xf32, #tpu.memory_space<vmem>>
    %dma_wait3A_2615 = tpu.memref_squeeze %dma_wait3A_2614 : memref<1x1x256xf32, #tpu.memory_space<vmem>> -> memref<1x256xf32, #tpu.memory_space<vmem>>
    %dma_wait3A_2616 = arith.constant 0 : i32
    %dma_wait3A_2617 = tpu.memref_slice %arg2[%squeeze3A_1328, %dma_wait3A_2616] : memref<115200x256xf32, #tpu.memory_space<hbm>> -> memref<1x256xf32, #tpu.memory_space<hbm>>
    tpu.wait_dma2 semaphore(%arg8 : memref<!tpu.dma_semaphore, #tpu.memory_space<semaphore_mem>>) src(%dma_wait3A_2617 : memref<1x256xf32, #tpu.memory_space<hbm>>) dst(%dma_wait3A_2615 : memref<1x256xf32, #tpu.memory_space<vmem>>)
    %dma_wait3A_2618 = arith.constant 3 : i32
    %dma_wait3A_2619 = arith.constant 44 : i32
    %dma_wait3A_2620 = arith.constant 0 : i32
    %dma_wait3A_2621 = tpu.memref_slice %arg6[%dma_wait3A_2618, %dma_wait3A_2619, %dma_wait3A_2620] : memref<4x56x256xf32, #tpu.memory_space<vmem>> -> memref<1x1x256xf32, #tpu.memory_space<vmem>>
    %dma_wait3A_2622 = tpu.memref_squeeze %dma_wait3A_2621 : memref<1x1x256xf32, #tpu.memory_space<vmem>> -> memref<1x256xf32, #tpu.memory_space<vmem>>
    %dma_wait3A_2623 = arith.constant 0 : i32
    %dma_wait3A_2624 = tpu.memref_slice %arg2[%squeeze3A_1343, %dma_wait3A_2623] : memref<115200x256xf32, #tpu.memory_space<hbm>> -> memref<1x256xf32, #tpu.memory_space<hbm>>
    %dma_wait3A_2625 = arith.constant 44 : i32
    %dma_wait3A_2626 = arith.constant 0 : i32
    %dma_wait3A_2627 = tpu.memref_slice %arg6[%dma_wait3A_2618, %dma_wait3A_2625, %dma_wait3A_2626] : memref<4x56x256xf32, #tpu.memory_space<vmem>> -> memref<1x1x256xf32, #tpu.memory_space<vmem>>
    %dma_wait3A_2628 = tpu.memref_squeeze %dma_wait3A_2627 : memref<1x1x256xf32, #tpu.memory_space<vmem>> -> memref<1x256xf32, #tpu.memory_space<vmem>>
    %dma_wait3A_2629 = arith.constant 0 : i32
    %dma_wait3A_2630 = tpu.memref_slice %arg2[%squeeze3A_1343, %dma_wait3A_2629] : memref<115200x256xf32, #tpu.memory_space<hbm>> -> memref<1x256xf32, #tpu.memory_space<hbm>>
    tpu.wait_dma2 semaphore(%arg8 : memref<!tpu.dma_semaphore, #tpu.memory_space<semaphore_mem>>) src(%dma_wait3A_2630 : memref<1x256xf32, #tpu.memory_space<hbm>>) dst(%dma_wait3A_2628 : memref<1x256xf32, #tpu.memory_space<vmem>>)
    %dma_wait3A_2631 = arith.constant 3 : i32
    %dma_wait3A_2632 = arith.constant 45 : i32
    %dma_wait3A_2633 = arith.constant 0 : i32
    %dma_wait3A_2634 = tpu.memref_slice %arg6[%dma_wait3A_2631, %dma_wait3A_2632, %dma_wait3A_2633] : memref<4x56x256xf32, #tpu.memory_space<vmem>> -> memref<1x1x256xf32, #tpu.memory_space<vmem>>
    %dma_wait3A_2635 = tpu.memref_squeeze %dma_wait3A_2634 : memref<1x1x256xf32, #tpu.memory_space<vmem>> -> memref<1x256xf32, #tpu.memory_space<vmem>>
    %dma_wait3A_2636 = arith.constant 0 : i32
    %dma_wait3A_2637 = tpu.memref_slice %arg2[%squeeze3A_1358, %dma_wait3A_2636] : memref<115200x256xf32, #tpu.memory_space<hbm>> -> memref<1x256xf32, #tpu.memory_space<hbm>>
    %dma_wait3A_2638 = arith.constant 45 : i32
    %dma_wait3A_2639 = arith.constant 0 : i32
    %dma_wait3A_2640 = tpu.memref_slice %arg6[%dma_wait3A_2631, %dma_wait3A_2638, %dma_wait3A_2639] : memref<4x56x256xf32, #tpu.memory_space<vmem>> -> memref<1x1x256xf32, #tpu.memory_space<vmem>>
    %dma_wait3A_2641 = tpu.memref_squeeze %dma_wait3A_2640 : memref<1x1x256xf32, #tpu.memory_space<vmem>> -> memref<1x256xf32, #tpu.memory_space<vmem>>
    %dma_wait3A_2642 = arith.constant 0 : i32
    %dma_wait3A_2643 = tpu.memref_slice %arg2[%squeeze3A_1358, %dma_wait3A_2642] : memref<115200x256xf32, #tpu.memory_space<hbm>> -> memref<1x256xf32, #tpu.memory_space<hbm>>
    tpu.wait_dma2 semaphore(%arg8 : memref<!tpu.dma_semaphore, #tpu.memory_space<semaphore_mem>>) src(%dma_wait3A_2643 : memref<1x256xf32, #tpu.memory_space<hbm>>) dst(%dma_wait3A_2641 : memref<1x256xf32, #tpu.memory_space<vmem>>)
    %dma_wait3A_2644 = arith.constant 3 : i32
    %dma_wait3A_2645 = arith.constant 46 : i32
    %dma_wait3A_2646 = arith.constant 0 : i32
    %dma_wait3A_2647 = tpu.memref_slice %arg6[%dma_wait3A_2644, %dma_wait3A_2645, %dma_wait3A_2646] : memref<4x56x256xf32, #tpu.memory_space<vmem>> -> memref<1x1x256xf32, #tpu.memory_space<vmem>>
    %dma_wait3A_2648 = tpu.memref_squeeze %dma_wait3A_2647 : memref<1x1x256xf32, #tpu.memory_space<vmem>> -> memref<1x256xf32, #tpu.memory_space<vmem>>
    %dma_wait3A_2649 = arith.constant 0 : i32
    %dma_wait3A_2650 = tpu.memref_slice %arg2[%squeeze3A_1373, %dma_wait3A_2649] : memref<115200x256xf32, #tpu.memory_space<hbm>> -> memref<1x256xf32, #tpu.memory_space<hbm>>
    %dma_wait3A_2651 = arith.constant 46 : i32
    %dma_wait3A_2652 = arith.constant 0 : i32
    %dma_wait3A_2653 = tpu.memref_slice %arg6[%dma_wait3A_2644, %dma_wait3A_2651, %dma_wait3A_2652] : memref<4x56x256xf32, #tpu.memory_space<vmem>> -> memref<1x1x256xf32, #tpu.memory_space<vmem>>
    %dma_wait3A_2654 = tpu.memref_squeeze %dma_wait3A_2653 : memref<1x1x256xf32, #tpu.memory_space<vmem>> -> memref<1x256xf32, #tpu.memory_space<vmem>>
    %dma_wait3A_2655 = arith.constant 0 : i32
    %dma_wait3A_2656 = tpu.memref_slice %arg2[%squeeze3A_1373, %dma_wait3A_2655] : memref<115200x256xf32, #tpu.memory_space<hbm>> -> memref<1x256xf32, #tpu.memory_space<hbm>>
    tpu.wait_dma2 semaphore(%arg8 : memref<!tpu.dma_semaphore, #tpu.memory_space<semaphore_mem>>) src(%dma_wait3A_2656 : memref<1x256xf32, #tpu.memory_space<hbm>>) dst(%dma_wait3A_2654 : memref<1x256xf32, #tpu.memory_space<vmem>>)
    %dma_wait3A_2657 = arith.constant 3 : i32
    %dma_wait3A_2658 = arith.constant 47 : i32
    %dma_wait3A_2659 = arith.constant 0 : i32
    %dma_wait3A_2660 = tpu.memref_slice %arg6[%dma_wait3A_2657, %dma_wait3A_2658, %dma_wait3A_2659] : memref<4x56x256xf32, #tpu.memory_space<vmem>> -> memref<1x1x256xf32, #tpu.memory_space<vmem>>
    %dma_wait3A_2661 = tpu.memref_squeeze %dma_wait3A_2660 : memref<1x1x256xf32, #tpu.memory_space<vmem>> -> memref<1x256xf32, #tpu.memory_space<vmem>>
    %dma_wait3A_2662 = arith.constant 0 : i32
    %dma_wait3A_2663 = tpu.memref_slice %arg2[%squeeze3A_1388, %dma_wait3A_2662] : memref<115200x256xf32, #tpu.memory_space<hbm>> -> memref<1x256xf32, #tpu.memory_space<hbm>>
    %dma_wait3A_2664 = arith.constant 47 : i32
    %dma_wait3A_2665 = arith.constant 0 : i32
    %dma_wait3A_2666 = tpu.memref_slice %arg6[%dma_wait3A_2657, %dma_wait3A_2664, %dma_wait3A_2665] : memref<4x56x256xf32, #tpu.memory_space<vmem>> -> memref<1x1x256xf32, #tpu.memory_space<vmem>>
    %dma_wait3A_2667 = tpu.memref_squeeze %dma_wait3A_2666 : memref<1x1x256xf32, #tpu.memory_space<vmem>> -> memref<1x256xf32, #tpu.memory_space<vmem>>
    %dma_wait3A_2668 = arith.constant 0 : i32
    %dma_wait3A_2669 = tpu.memref_slice %arg2[%squeeze3A_1388, %dma_wait3A_2668] : memref<115200x256xf32, #tpu.memory_space<hbm>> -> memref<1x256xf32, #tpu.memory_space<hbm>>
    tpu.wait_dma2 semaphore(%arg8 : memref<!tpu.dma_semaphore, #tpu.memory_space<semaphore_mem>>) src(%dma_wait3A_2669 : memref<1x256xf32, #tpu.memory_space<hbm>>) dst(%dma_wait3A_2667 : memref<1x256xf32, #tpu.memory_space<vmem>>)
    %dma_wait3A_2670 = arith.constant 3 : i32
    %dma_wait3A_2671 = arith.constant 48 : i32
    %dma_wait3A_2672 = arith.constant 0 : i32
    %dma_wait3A_2673 = tpu.memref_slice %arg6[%dma_wait3A_2670, %dma_wait3A_2671, %dma_wait3A_2672] : memref<4x56x256xf32, #tpu.memory_space<vmem>> -> memref<1x1x256xf32, #tpu.memory_space<vmem>>
    %dma_wait3A_2674 = tpu.memref_squeeze %dma_wait3A_2673 : memref<1x1x256xf32, #tpu.memory_space<vmem>> -> memref<1x256xf32, #tpu.memory_space<vmem>>
    %dma_wait3A_2675 = arith.constant 0 : i32
    %dma_wait3A_2676 = tpu.memref_slice %arg2[%squeeze3A_1408, %dma_wait3A_2675] : memref<115200x256xf32, #tpu.memory_space<hbm>> -> memref<1x256xf32, #tpu.memory_space<hbm>>
    %dma_wait3A_2677 = arith.constant 48 : i32
    %dma_wait3A_2678 = arith.constant 0 : i32
    %dma_wait3A_2679 = tpu.memref_slice %arg6[%dma_wait3A_2670, %dma_wait3A_2677, %dma_wait3A_2678] : memref<4x56x256xf32, #tpu.memory_space<vmem>> -> memref<1x1x256xf32, #tpu.memory_space<vmem>>
    %dma_wait3A_2680 = tpu.memref_squeeze %dma_wait3A_2679 : memref<1x1x256xf32, #tpu.memory_space<vmem>> -> memref<1x256xf32, #tpu.memory_space<vmem>>
    %dma_wait3A_2681 = arith.constant 0 : i32
    %dma_wait3A_2682 = tpu.memref_slice %arg2[%squeeze3A_1408, %dma_wait3A_2681] : memref<115200x256xf32, #tpu.memory_space<hbm>> -> memref<1x256xf32, #tpu.memory_space<hbm>>
    tpu.wait_dma2 semaphore(%arg8 : memref<!tpu.dma_semaphore, #tpu.memory_space<semaphore_mem>>) src(%dma_wait3A_2682 : memref<1x256xf32, #tpu.memory_space<hbm>>) dst(%dma_wait3A_2680 : memref<1x256xf32, #tpu.memory_space<vmem>>)
    %dma_wait3A_2683 = arith.constant 3 : i32
    %dma_wait3A_2684 = arith.constant 49 : i32
    %dma_wait3A_2685 = arith.constant 0 : i32
    %dma_wait3A_2686 = tpu.memref_slice %arg6[%dma_wait3A_2683, %dma_wait3A_2684, %dma_wait3A_2685] : memref<4x56x256xf32, #tpu.memory_space<vmem>> -> memref<1x1x256xf32, #tpu.memory_space<vmem>>
    %dma_wait3A_2687 = tpu.memref_squeeze %dma_wait3A_2686 : memref<1x1x256xf32, #tpu.memory_space<vmem>> -> memref<1x256xf32, #tpu.memory_space<vmem>>
    %dma_wait3A_2688 = arith.constant 0 : i32
    %dma_wait3A_2689 = tpu.memref_slice %arg2[%squeeze3A_1423, %dma_wait3A_2688] : memref<115200x256xf32, #tpu.memory_space<hbm>> -> memref<1x256xf32, #tpu.memory_space<hbm>>
    %dma_wait3A_2690 = arith.constant 49 : i32
    %dma_wait3A_2691 = arith.constant 0 : i32
    %dma_wait3A_2692 = tpu.memref_slice %arg6[%dma_wait3A_2683, %dma_wait3A_2690, %dma_wait3A_2691] : memref<4x56x256xf32, #tpu.memory_space<vmem>> -> memref<1x1x256xf32, #tpu.memory_space<vmem>>
    %dma_wait3A_2693 = tpu.memref_squeeze %dma_wait3A_2692 : memref<1x1x256xf32, #tpu.memory_space<vmem>> -> memref<1x256xf32, #tpu.memory_space<vmem>>
    %dma_wait3A_2694 = arith.constant 0 : i32
    %dma_wait3A_2695 = tpu.memref_slice %arg2[%squeeze3A_1423, %dma_wait3A_2694] : memref<115200x256xf32, #tpu.memory_space<hbm>> -> memref<1x256xf32, #tpu.memory_space<hbm>>
    tpu.wait_dma2 semaphore(%arg8 : memref<!tpu.dma_semaphore, #tpu.memory_space<semaphore_mem>>) src(%dma_wait3A_2695 : memref<1x256xf32, #tpu.memory_space<hbm>>) dst(%dma_wait3A_2693 : memref<1x256xf32, #tpu.memory_space<vmem>>)
    %dma_wait3A_2696 = arith.constant 3 : i32
    %dma_wait3A_2697 = arith.constant 50 : i32
    %dma_wait3A_2698 = arith.constant 0 : i32
    %dma_wait3A_2699 = tpu.memref_slice %arg6[%dma_wait3A_2696, %dma_wait3A_2697, %dma_wait3A_2698] : memref<4x56x256xf32, #tpu.memory_space<vmem>> -> memref<1x1x256xf32, #tpu.memory_space<vmem>>
    %dma_wait3A_2700 = tpu.memref_squeeze %dma_wait3A_2699 : memref<1x1x256xf32, #tpu.memory_space<vmem>> -> memref<1x256xf32, #tpu.memory_space<vmem>>
    %dma_wait3A_2701 = arith.constant 0 : i32
    %dma_wait3A_2702 = tpu.memref_slice %arg2[%squeeze3A_1438, %dma_wait3A_2701] : memref<115200x256xf32, #tpu.memory_space<hbm>> -> memref<1x256xf32, #tpu.memory_space<hbm>>
    %dma_wait3A_2703 = arith.constant 50 : i32
    %dma_wait3A_2704 = arith.constant 0 : i32
    %dma_wait3A_2705 = tpu.memref_slice %arg6[%dma_wait3A_2696, %dma_wait3A_2703, %dma_wait3A_2704] : memref<4x56x256xf32, #tpu.memory_space<vmem>> -> memref<1x1x256xf32, #tpu.memory_space<vmem>>
    %dma_wait3A_2706 = tpu.memref_squeeze %dma_wait3A_2705 : memref<1x1x256xf32, #tpu.memory_space<vmem>> -> memref<1x256xf32, #tpu.memory_space<vmem>>
    %dma_wait3A_2707 = arith.constant 0 : i32
    %dma_wait3A_2708 = tpu.memref_slice %arg2[%squeeze3A_1438, %dma_wait3A_2707] : memref<115200x256xf32, #tpu.memory_space<hbm>> -> memref<1x256xf32, #tpu.memory_space<hbm>>
    tpu.wait_dma2 semaphore(%arg8 : memref<!tpu.dma_semaphore, #tpu.memory_space<semaphore_mem>>) src(%dma_wait3A_2708 : memref<1x256xf32, #tpu.memory_space<hbm>>) dst(%dma_wait3A_2706 : memref<1x256xf32, #tpu.memory_space<vmem>>)
    %dma_wait3A_2709 = arith.constant 3 : i32
    %dma_wait3A_2710 = arith.constant 51 : i32
    %dma_wait3A_2711 = arith.constant 0 : i32
    %dma_wait3A_2712 = tpu.memref_slice %arg6[%dma_wait3A_2709, %dma_wait3A_2710, %dma_wait3A_2711] : memref<4x56x256xf32, #tpu.memory_space<vmem>> -> memref<1x1x256xf32, #tpu.memory_space<vmem>>
    %dma_wait3A_2713 = tpu.memref_squeeze %dma_wait3A_2712 : memref<1x1x256xf32, #tpu.memory_space<vmem>> -> memref<1x256xf32, #tpu.memory_space<vmem>>
    %dma_wait3A_2714 = arith.constant 0 : i32
    %dma_wait3A_2715 = tpu.memref_slice %arg2[%squeeze3A_1453, %dma_wait3A_2714] : memref<115200x256xf32, #tpu.memory_space<hbm>> -> memref<1x256xf32, #tpu.memory_space<hbm>>
    %dma_wait3A_2716 = arith.constant 51 : i32
    %dma_wait3A_2717 = arith.constant 0 : i32
    %dma_wait3A_2718 = tpu.memref_slice %arg6[%dma_wait3A_2709, %dma_wait3A_2716, %dma_wait3A_2717] : memref<4x56x256xf32, #tpu.memory_space<vmem>> -> memref<1x1x256xf32, #tpu.memory_space<vmem>>
    %dma_wait3A_2719 = tpu.memref_squeeze %dma_wait3A_2718 : memref<1x1x256xf32, #tpu.memory_space<vmem>> -> memref<1x256xf32, #tpu.memory_space<vmem>>
    %dma_wait3A_2720 = arith.constant 0 : i32
    %dma_wait3A_2721 = tpu.memref_slice %arg2[%squeeze3A_1453, %dma_wait3A_2720] : memref<115200x256xf32, #tpu.memory_space<hbm>> -> memref<1x256xf32, #tpu.memory_space<hbm>>
    tpu.wait_dma2 semaphore(%arg8 : memref<!tpu.dma_semaphore, #tpu.memory_space<semaphore_mem>>) src(%dma_wait3A_2721 : memref<1x256xf32, #tpu.memory_space<hbm>>) dst(%dma_wait3A_2719 : memref<1x256xf32, #tpu.memory_space<vmem>>)
    %dma_wait3A_2722 = arith.constant 3 : i32
    %dma_wait3A_2723 = arith.constant 52 : i32
    %dma_wait3A_2724 = arith.constant 0 : i32
    %dma_wait3A_2725 = tpu.memref_slice %arg6[%dma_wait3A_2722, %dma_wait3A_2723, %dma_wait3A_2724] : memref<4x56x256xf32, #tpu.memory_space<vmem>> -> memref<1x1x256xf32, #tpu.memory_space<vmem>>
    %dma_wait3A_2726 = tpu.memref_squeeze %dma_wait3A_2725 : memref<1x1x256xf32, #tpu.memory_space<vmem>> -> memref<1x256xf32, #tpu.memory_space<vmem>>
    %dma_wait3A_2727 = arith.constant 0 : i32
    %dma_wait3A_2728 = tpu.memref_slice %arg2[%squeeze3A_1468, %dma_wait3A_2727] : memref<115200x256xf32, #tpu.memory_space<hbm>> -> memref<1x256xf32, #tpu.memory_space<hbm>>
    %dma_wait3A_2729 = arith.constant 52 : i32
    %dma_wait3A_2730 = arith.constant 0 : i32
    %dma_wait3A_2731 = tpu.memref_slice %arg6[%dma_wait3A_2722, %dma_wait3A_2729, %dma_wait3A_2730] : memref<4x56x256xf32, #tpu.memory_space<vmem>> -> memref<1x1x256xf32, #tpu.memory_space<vmem>>
    %dma_wait3A_2732 = tpu.memref_squeeze %dma_wait3A_2731 : memref<1x1x256xf32, #tpu.memory_space<vmem>> -> memref<1x256xf32, #tpu.memory_space<vmem>>
    %dma_wait3A_2733 = arith.constant 0 : i32
    %dma_wait3A_2734 = tpu.memref_slice %arg2[%squeeze3A_1468, %dma_wait3A_2733] : memref<115200x256xf32, #tpu.memory_space<hbm>> -> memref<1x256xf32, #tpu.memory_space<hbm>>
    tpu.wait_dma2 semaphore(%arg8 : memref<!tpu.dma_semaphore, #tpu.memory_space<semaphore_mem>>) src(%dma_wait3A_2734 : memref<1x256xf32, #tpu.memory_space<hbm>>) dst(%dma_wait3A_2732 : memref<1x256xf32, #tpu.memory_space<vmem>>)
    %dma_wait3A_2735 = arith.constant 3 : i32
    %dma_wait3A_2736 = arith.constant 53 : i32
    %dma_wait3A_2737 = arith.constant 0 : i32
    %dma_wait3A_2738 = tpu.memref_slice %arg6[%dma_wait3A_2735, %dma_wait3A_2736, %dma_wait3A_2737] : memref<4x56x256xf32, #tpu.memory_space<vmem>> -> memref<1x1x256xf32, #tpu.memory_space<vmem>>
    %dma_wait3A_2739 = tpu.memref_squeeze %dma_wait3A_2738 : memref<1x1x256xf32, #tpu.memory_space<vmem>> -> memref<1x256xf32, #tpu.memory_space<vmem>>
    %dma_wait3A_2740 = arith.constant 0 : i32
    %dma_wait3A_2741 = tpu.memref_slice %arg2[%squeeze3A_1483, %dma_wait3A_2740] : memref<115200x256xf32, #tpu.memory_space<hbm>> -> memref<1x256xf32, #tpu.memory_space<hbm>>
    %dma_wait3A_2742 = arith.constant 53 : i32
    %dma_wait3A_2743 = arith.constant 0 : i32
    %dma_wait3A_2744 = tpu.memref_slice %arg6[%dma_wait3A_2735, %dma_wait3A_2742, %dma_wait3A_2743] : memref<4x56x256xf32, #tpu.memory_space<vmem>> -> memref<1x1x256xf32, #tpu.memory_space<vmem>>
    %dma_wait3A_2745 = tpu.memref_squeeze %dma_wait3A_2744 : memref<1x1x256xf32, #tpu.memory_space<vmem>> -> memref<1x256xf32, #tpu.memory_space<vmem>>
    %dma_wait3A_2746 = arith.constant 0 : i32
    %dma_wait3A_2747 = tpu.memref_slice %arg2[%squeeze3A_1483, %dma_wait3A_2746] : memref<115200x256xf32, #tpu.memory_space<hbm>> -> memref<1x256xf32, #tpu.memory_space<hbm>>
    tpu.wait_dma2 semaphore(%arg8 : memref<!tpu.dma_semaphore, #tpu.memory_space<semaphore_mem>>) src(%dma_wait3A_2747 : memref<1x256xf32, #tpu.memory_space<hbm>>) dst(%dma_wait3A_2745 : memref<1x256xf32, #tpu.memory_space<vmem>>)
    %dma_wait3A_2748 = arith.constant 3 : i32
    %dma_wait3A_2749 = arith.constant 54 : i32
    %dma_wait3A_2750 = arith.constant 0 : i32
    %dma_wait3A_2751 = tpu.memref_slice %arg6[%dma_wait3A_2748, %dma_wait3A_2749, %dma_wait3A_2750] : memref<4x56x256xf32, #tpu.memory_space<vmem>> -> memref<1x1x256xf32, #tpu.memory_space<vmem>>
    %dma_wait3A_2752 = tpu.memref_squeeze %dma_wait3A_2751 : memref<1x1x256xf32, #tpu.memory_space<vmem>> -> memref<1x256xf32, #tpu.memory_space<vmem>>
    %dma_wait3A_2753 = arith.constant 0 : i32
    %dma_wait3A_2754 = tpu.memref_slice %arg2[%squeeze3A_1498, %dma_wait3A_2753] : memref<115200x256xf32, #tpu.memory_space<hbm>> -> memref<1x256xf32, #tpu.memory_space<hbm>>
    %dma_wait3A_2755 = arith.constant 54 : i32
    %dma_wait3A_2756 = arith.constant 0 : i32
    %dma_wait3A_2757 = tpu.memref_slice %arg6[%dma_wait3A_2748, %dma_wait3A_2755, %dma_wait3A_2756] : memref<4x56x256xf32, #tpu.memory_space<vmem>> -> memref<1x1x256xf32, #tpu.memory_space<vmem>>
    %dma_wait3A_2758 = tpu.memref_squeeze %dma_wait3A_2757 : memref<1x1x256xf32, #tpu.memory_space<vmem>> -> memref<1x256xf32, #tpu.memory_space<vmem>>
    %dma_wait3A_2759 = arith.constant 0 : i32
    %dma_wait3A_2760 = tpu.memref_slice %arg2[%squeeze3A_1498, %dma_wait3A_2759] : memref<115200x256xf32, #tpu.memory_space<hbm>> -> memref<1x256xf32, #tpu.memory_space<hbm>>
    tpu.wait_dma2 semaphore(%arg8 : memref<!tpu.dma_semaphore, #tpu.memory_space<semaphore_mem>>) src(%dma_wait3A_2760 : memref<1x256xf32, #tpu.memory_space<hbm>>) dst(%dma_wait3A_2758 : memref<1x256xf32, #tpu.memory_space<vmem>>)
    %dma_wait3A_2761 = arith.constant 3 : i32
    %dma_wait3A_2762 = arith.constant 55 : i32
    %dma_wait3A_2763 = arith.constant 0 : i32
    %dma_wait3A_2764 = tpu.memref_slice %arg6[%dma_wait3A_2761, %dma_wait3A_2762, %dma_wait3A_2763] : memref<4x56x256xf32, #tpu.memory_space<vmem>> -> memref<1x1x256xf32, #tpu.memory_space<vmem>>
    %dma_wait3A_2765 = tpu.memref_squeeze %dma_wait3A_2764 : memref<1x1x256xf32, #tpu.memory_space<vmem>> -> memref<1x256xf32, #tpu.memory_space<vmem>>
    %dma_wait3A_2766 = arith.constant 0 : i32
    %dma_wait3A_2767 = tpu.memref_slice %arg2[%squeeze3A_1513, %dma_wait3A_2766] : memref<115200x256xf32, #tpu.memory_space<hbm>> -> memref<1x256xf32, #tpu.memory_space<hbm>>
    %dma_wait3A_2768 = arith.constant 55 : i32
    %dma_wait3A_2769 = arith.constant 0 : i32
    %dma_wait3A_2770 = tpu.memref_slice %arg6[%dma_wait3A_2761, %dma_wait3A_2768, %dma_wait3A_2769] : memref<4x56x256xf32, #tpu.memory_space<vmem>> -> memref<1x1x256xf32, #tpu.memory_space<vmem>>
    %dma_wait3A_2771 = tpu.memref_squeeze %dma_wait3A_2770 : memref<1x1x256xf32, #tpu.memory_space<vmem>> -> memref<1x256xf32, #tpu.memory_space<vmem>>
    %dma_wait3A_2772 = arith.constant 0 : i32
    %dma_wait3A_2773 = tpu.memref_slice %arg2[%squeeze3A_1513, %dma_wait3A_2772] : memref<115200x256xf32, #tpu.memory_space<hbm>> -> memref<1x256xf32, #tpu.memory_space<hbm>>
    tpu.wait_dma2 semaphore(%arg8 : memref<!tpu.dma_semaphore, #tpu.memory_space<semaphore_mem>>) src(%dma_wait3A_2773 : memref<1x256xf32, #tpu.memory_space<hbm>>) dst(%dma_wait3A_2771 : memref<1x256xf32, #tpu.memory_space<vmem>>)
    %dma_wait3A_2774 = arith.constant 0 : i32
    %dma_wait3A_2775 = arith.constant 0 : i32
    %dma_wait3A_2776 = arith.constant 0 : i32
    %dma_wait3A_2777 = arith.constant 0 : i32
    %dma_wait3A_2778 = tpu.memref_slice %arg6[%dma_wait3A_2775, %dma_wait3A_2776, %dma_wait3A_2777] : memref<4x56x256xf32, #tpu.memory_space<vmem>> -> memref<1x32x256xf32, #tpu.memory_space<vmem>>
    %dma_wait3A_2779 = tpu.memref_squeeze %dma_wait3A_2778 : memref<1x32x256xf32, #tpu.memory_space<vmem>> -> memref<32x256xf32, #tpu.memory_space<vmem>>
    %dma_wait3A_2780 = arith.constant 0 : i32
    %dma_wait3A_2781 = tpu.memref_slice %arg5[%dma_wait3A_2774, %dma_wait3A_2780] : memref<4x128xi32, #tpu.memory_space<vmem>> -> memref<1x32xi32, #tpu.memory_space<vmem>>
    %dma_wait3A_2782 = tpu.memref_squeeze %dma_wait3A_2781 : memref<1x32xi32, #tpu.memory_space<vmem>> -> memref<32xi32, #tpu.memory_space<vmem>>
    %dma_wait3A_2783 = arith.constant 0 : i32
    %dma_wait3A_2784 = arith.constant 0 : i32
    %dma_wait3A_2785 = tpu.memref_slice %arg2[%dma_wait3A_2783, %dma_wait3A_2784] : memref<115200x256xf32, #tpu.memory_space<hbm>> -> memref<115200x256xf32, #tpu.memory_space<hbm>>
    tpu.wait_indirect_dma semaphore(%arg7 : memref<!tpu.dma_semaphore, #tpu.memory_space<semaphore_mem>>) src(%dma_wait3A_2785 : memref<115200x256xf32, #tpu.memory_space<hbm>>) dst(%dma_wait3A_2779 : memref<32x256xf32, #tpu.memory_space<vmem>>)
    %add3A_2786 = arith.constant 0 : i32
    %add3A_2787 = arith.addi %mul3A_2, %add3A_2786 : i32
    %dma_start3A_2788 = arith.constant 0 : i32
    %dma_start3A_2789 = arith.constant 0 : i32
    %dma_start3A_2790 = arith.constant 0 : i32
    %dma_start3A_2791 = tpu.memref_slice %arg6[%dma_start3A_2788, %dma_start3A_2789, %dma_start3A_2790] : memref<4x56x256xf32, #tpu.memory_space<vmem>> -> memref<1x56x256xf32, #tpu.memory_space<vmem>>
    %dma_start3A_2792 = tpu.memref_squeeze %dma_start3A_2791 : memref<1x56x256xf32, #tpu.memory_space<vmem>> -> memref<56x256xf32, #tpu.memory_space<vmem>>
    %dma_start3A_2793 = arith.constant 0 : i32
    %dma_start3A_2794 = arith.constant 0 : i32
    %dma_start3A_2795 = tpu.memref_slice %arg4[%add3A_2787, %dma_start3A_2793, %dma_start3A_2794] : memref<128x56x256xf32, #tpu.memory_space<hbm>> -> memref<1x56x256xf32, #tpu.memory_space<hbm>>
    %dma_start3A_2796 = tpu.memref_squeeze %dma_start3A_2795 : memref<1x56x256xf32, #tpu.memory_space<hbm>> -> memref<56x256xf32, #tpu.memory_space<hbm>>
    %dma_start3A_2797 = arith.constant 0 : i32
    %dma_start3A_2798 = arith.constant 0 : i32
    %dma_start3A_2799 = tpu.memref_slice %arg4[%add3A_2787, %dma_start3A_2797, %dma_start3A_2798] : memref<128x56x256xf32, #tpu.memory_space<hbm>> -> memref<1x56x256xf32, #tpu.memory_space<hbm>>
    %dma_start3A_2800 = tpu.memref_squeeze %dma_start3A_2799 : memref<1x56x256xf32, #tpu.memory_space<hbm>> -> memref<56x256xf32, #tpu.memory_space<hbm>>
    %dma_start3A_2801 = arith.constant 0 : i32
    %dma_start3A_2802 = arith.constant 0 : i32
    %dma_start3A_2803 = tpu.memref_slice %arg6[%dma_start3A_2788, %dma_start3A_2801, %dma_start3A_2802] : memref<4x56x256xf32, #tpu.memory_space<vmem>> -> memref<1x56x256xf32, #tpu.memory_space<vmem>>
    %dma_start3A_2804 = tpu.memref_squeeze %dma_start3A_2803 : memref<1x56x256xf32, #tpu.memory_space<vmem>> -> memref<56x256xf32, #tpu.memory_space<vmem>>
    tpu.enqueue_dma source(%dma_start3A_2804 : memref<56x256xf32, #tpu.memory_space<vmem>>) target(%dma_start3A_2800 : memref<56x256xf32, #tpu.memory_space<hbm>>) target_semaphore(%arg9 : memref<!tpu.dma_semaphore, #tpu.memory_space<semaphore_mem>>)
    %dma_wait3A_2805 = arith.constant 1 : i32
    %dma_wait3A_2806 = arith.constant 1 : i32
    %dma_wait3A_2807 = arith.constant 0 : i32
    %dma_wait3A_2808 = arith.constant 0 : i32
    %dma_wait3A_2809 = tpu.memref_slice %arg6[%dma_wait3A_2806, %dma_wait3A_2807, %dma_wait3A_2808] : memref<4x56x256xf32, #tpu.memory_space<vmem>> -> memref<1x32x256xf32, #tpu.memory_space<vmem>>
    %dma_wait3A_2810 = tpu.memref_squeeze %dma_wait3A_2809 : memref<1x32x256xf32, #tpu.memory_space<vmem>> -> memref<32x256xf32, #tpu.memory_space<vmem>>
    %dma_wait3A_2811 = arith.constant 0 : i32
    %dma_wait3A_2812 = tpu.memref_slice %arg5[%dma_wait3A_2805, %dma_wait3A_2811] : memref<4x128xi32, #tpu.memory_space<vmem>> -> memref<1x32xi32, #tpu.memory_space<vmem>>
    %dma_wait3A_2813 = tpu.memref_squeeze %dma_wait3A_2812 : memref<1x32xi32, #tpu.memory_space<vmem>> -> memref<32xi32, #tpu.memory_space<vmem>>
    %dma_wait3A_2814 = arith.constant 0 : i32
    %dma_wait3A_2815 = arith.constant 0 : i32
    %dma_wait3A_2816 = tpu.memref_slice %arg2[%dma_wait3A_2814, %dma_wait3A_2815] : memref<115200x256xf32, #tpu.memory_space<hbm>> -> memref<115200x256xf32, #tpu.memory_space<hbm>>
    tpu.wait_indirect_dma semaphore(%arg7 : memref<!tpu.dma_semaphore, #tpu.memory_space<semaphore_mem>>) src(%dma_wait3A_2816 : memref<115200x256xf32, #tpu.memory_space<hbm>>) dst(%dma_wait3A_2810 : memref<32x256xf32, #tpu.memory_space<vmem>>)
    %add3A_2817 = arith.constant 1 : i32
    %add3A_2818 = arith.addi %mul3A_2, %add3A_2817 : i32
    %dma_start3A_2819 = arith.constant 1 : i32
    %dma_start3A_2820 = arith.constant 0 : i32
    %dma_start3A_2821 = arith.constant 0 : i32
    %dma_start3A_2822 = tpu.memref_slice %arg6[%dma_start3A_2819, %dma_start3A_2820, %dma_start3A_2821] : memref<4x56x256xf32, #tpu.memory_space<vmem>> -> memref<1x56x256xf32, #tpu.memory_space<vmem>>
    %dma_start3A_2823 = tpu.memref_squeeze %dma_start3A_2822 : memref<1x56x256xf32, #tpu.memory_space<vmem>> -> memref<56x256xf32, #tpu.memory_space<vmem>>
    %dma_start3A_2824 = arith.constant 0 : i32
    %dma_start3A_2825 = arith.constant 0 : i32
    %dma_start3A_2826 = tpu.memref_slice %arg4[%add3A_2818, %dma_start3A_2824, %dma_start3A_2825] : memref<128x56x256xf32, #tpu.memory_space<hbm>> -> memref<1x56x256xf32, #tpu.memory_space<hbm>>
    %dma_start3A_2827 = tpu.memref_squeeze %dma_start3A_2826 : memref<1x56x256xf32, #tpu.memory_space<hbm>> -> memref<56x256xf32, #tpu.memory_space<hbm>>
    %dma_start3A_2828 = arith.constant 0 : i32
    %dma_start3A_2829 = arith.constant 0 : i32
    %dma_start3A_2830 = tpu.memref_slice %arg4[%add3A_2818, %dma_start3A_2828, %dma_start3A_2829] : memref<128x56x256xf32, #tpu.memory_space<hbm>> -> memref<1x56x256xf32, #tpu.memory_space<hbm>>
    %dma_start3A_2831 = tpu.memref_squeeze %dma_start3A_2830 : memref<1x56x256xf32, #tpu.memory_space<hbm>> -> memref<56x256xf32, #tpu.memory_space<hbm>>
    %dma_start3A_2832 = arith.constant 0 : i32
    %dma_start3A_2833 = arith.constant 0 : i32
    %dma_start3A_2834 = tpu.memref_slice %arg6[%dma_start3A_2819, %dma_start3A_2832, %dma_start3A_2833] : memref<4x56x256xf32, #tpu.memory_space<vmem>> -> memref<1x56x256xf32, #tpu.memory_space<vmem>>
    %dma_start3A_2835 = tpu.memref_squeeze %dma_start3A_2834 : memref<1x56x256xf32, #tpu.memory_space<vmem>> -> memref<56x256xf32, #tpu.memory_space<vmem>>
    tpu.enqueue_dma source(%dma_start3A_2835 : memref<56x256xf32, #tpu.memory_space<vmem>>) target(%dma_start3A_2831 : memref<56x256xf32, #tpu.memory_space<hbm>>) target_semaphore(%arg9 : memref<!tpu.dma_semaphore, #tpu.memory_space<semaphore_mem>>)
    %dma_wait3A_2836 = arith.constant 2 : i32
    %dma_wait3A_2837 = arith.constant 2 : i32
    %dma_wait3A_2838 = arith.constant 0 : i32
    %dma_wait3A_2839 = arith.constant 0 : i32
    %dma_wait3A_2840 = tpu.memref_slice %arg6[%dma_wait3A_2837, %dma_wait3A_2838, %dma_wait3A_2839] : memref<4x56x256xf32, #tpu.memory_space<vmem>> -> memref<1x32x256xf32, #tpu.memory_space<vmem>>
    %dma_wait3A_2841 = tpu.memref_squeeze %dma_wait3A_2840 : memref<1x32x256xf32, #tpu.memory_space<vmem>> -> memref<32x256xf32, #tpu.memory_space<vmem>>
    %dma_wait3A_2842 = arith.constant 0 : i32
    %dma_wait3A_2843 = tpu.memref_slice %arg5[%dma_wait3A_2836, %dma_wait3A_2842] : memref<4x128xi32, #tpu.memory_space<vmem>> -> memref<1x32xi32, #tpu.memory_space<vmem>>
    %dma_wait3A_2844 = tpu.memref_squeeze %dma_wait3A_2843 : memref<1x32xi32, #tpu.memory_space<vmem>> -> memref<32xi32, #tpu.memory_space<vmem>>
    %dma_wait3A_2845 = arith.constant 0 : i32
    %dma_wait3A_2846 = arith.constant 0 : i32
    %dma_wait3A_2847 = tpu.memref_slice %arg2[%dma_wait3A_2845, %dma_wait3A_2846] : memref<115200x256xf32, #tpu.memory_space<hbm>> -> memref<115200x256xf32, #tpu.memory_space<hbm>>
    tpu.wait_indirect_dma semaphore(%arg7 : memref<!tpu.dma_semaphore, #tpu.memory_space<semaphore_mem>>) src(%dma_wait3A_2847 : memref<115200x256xf32, #tpu.memory_space<hbm>>) dst(%dma_wait3A_2841 : memref<32x256xf32, #tpu.memory_space<vmem>>)
    %add3A_2848 = arith.constant 2 : i32
    %add3A_2849 = arith.addi %mul3A_2, %add3A_2848 : i32
    %dma_start3A_2850 = arith.constant 2 : i32
    %dma_start3A_2851 = arith.constant 0 : i32
    %dma_start3A_2852 = arith.constant 0 : i32
    %dma_start3A_2853 = tpu.memref_slice %arg6[%dma_start3A_2850, %dma_start3A_2851, %dma_start3A_2852] : memref<4x56x256xf32, #tpu.memory_space<vmem>> -> memref<1x56x256xf32, #tpu.memory_space<vmem>>
    %dma_start3A_2854 = tpu.memref_squeeze %dma_start3A_2853 : memref<1x56x256xf32, #tpu.memory_space<vmem>> -> memref<56x256xf32, #tpu.memory_space<vmem>>
    %dma_start3A_2855 = arith.constant 0 : i32
    %dma_start3A_2856 = arith.constant 0 : i32
    %dma_start3A_2857 = tpu.memref_slice %arg4[%add3A_2849, %dma_start3A_2855, %dma_start3A_2856] : memref<128x56x256xf32, #tpu.memory_space<hbm>> -> memref<1x56x256xf32, #tpu.memory_space<hbm>>
    %dma_start3A_2858 = tpu.memref_squeeze %dma_start3A_2857 : memref<1x56x256xf32, #tpu.memory_space<hbm>> -> memref<56x256xf32, #tpu.memory_space<hbm>>
    %dma_start3A_2859 = arith.constant 0 : i32
    %dma_start3A_2860 = arith.constant 0 : i32
    %dma_start3A_2861 = tpu.memref_slice %arg4[%add3A_2849, %dma_start3A_2859, %dma_start3A_2860] : memref<128x56x256xf32, #tpu.memory_space<hbm>> -> memref<1x56x256xf32, #tpu.memory_space<hbm>>
    %dma_start3A_2862 = tpu.memref_squeeze %dma_start3A_2861 : memref<1x56x256xf32, #tpu.memory_space<hbm>> -> memref<56x256xf32, #tpu.memory_space<hbm>>
    %dma_start3A_2863 = arith.constant 0 : i32
    %dma_start3A_2864 = arith.constant 0 : i32
    %dma_start3A_2865 = tpu.memref_slice %arg6[%dma_start3A_2850, %dma_start3A_2863, %dma_start3A_2864] : memref<4x56x256xf32, #tpu.memory_space<vmem>> -> memref<1x56x256xf32, #tpu.memory_space<vmem>>
    %dma_start3A_2866 = tpu.memref_squeeze %dma_start3A_2865 : memref<1x56x256xf32, #tpu.memory_space<vmem>> -> memref<56x256xf32, #tpu.memory_space<vmem>>
    tpu.enqueue_dma source(%dma_start3A_2866 : memref<56x256xf32, #tpu.memory_space<vmem>>) target(%dma_start3A_2862 : memref<56x256xf32, #tpu.memory_space<hbm>>) target_semaphore(%arg9 : memref<!tpu.dma_semaphore, #tpu.memory_space<semaphore_mem>>)
    %dma_wait3A_2867 = arith.constant 3 : i32
    %dma_wait3A_2868 = arith.constant 3 : i32
    %dma_wait3A_2869 = arith.constant 0 : i32
    %dma_wait3A_2870 = arith.constant 0 : i32
    %dma_wait3A_2871 = tpu.memref_slice %arg6[%dma_wait3A_2868, %dma_wait3A_2869, %dma_wait3A_2870] : memref<4x56x256xf32, #tpu.memory_space<vmem>> -> memref<1x32x256xf32, #tpu.memory_space<vmem>>
    %dma_wait3A_2872 = tpu.memref_squeeze %dma_wait3A_2871 : memref<1x32x256xf32, #tpu.memory_space<vmem>> -> memref<32x256xf32, #tpu.memory_space<vmem>>
    %dma_wait3A_2873 = arith.constant 0 : i32
    %dma_wait3A_2874 = tpu.memref_slice %arg5[%dma_wait3A_2867, %dma_wait3A_2873] : memref<4x128xi32, #tpu.memory_space<vmem>> -> memref<1x32xi32, #tpu.memory_space<vmem>>
    %dma_wait3A_2875 = tpu.memref_squeeze %dma_wait3A_2874 : memref<1x32xi32, #tpu.memory_space<vmem>> -> memref<32xi32, #tpu.memory_space<vmem>>
    %dma_wait3A_2876 = arith.constant 0 : i32
    %dma_wait3A_2877 = arith.constant 0 : i32
    %dma_wait3A_2878 = tpu.memref_slice %arg2[%dma_wait3A_2876, %dma_wait3A_2877] : memref<115200x256xf32, #tpu.memory_space<hbm>> -> memref<115200x256xf32, #tpu.memory_space<hbm>>
    tpu.wait_indirect_dma semaphore(%arg7 : memref<!tpu.dma_semaphore, #tpu.memory_space<semaphore_mem>>) src(%dma_wait3A_2878 : memref<115200x256xf32, #tpu.memory_space<hbm>>) dst(%dma_wait3A_2872 : memref<32x256xf32, #tpu.memory_space<vmem>>)
    %add3A_2879 = arith.constant 3 : i32
    %add3A_2880 = arith.addi %mul3A_2, %add3A_2879 : i32
    %dma_start3A_2881 = arith.constant 3 : i32
    %dma_start3A_2882 = arith.constant 0 : i32
    %dma_start3A_2883 = arith.constant 0 : i32
    %dma_start3A_2884 = tpu.memref_slice %arg6[%dma_start3A_2881, %dma_start3A_2882, %dma_start3A_2883] : memref<4x56x256xf32, #tpu.memory_space<vmem>> -> memref<1x56x256xf32, #tpu.memory_space<vmem>>
    %dma_start3A_2885 = tpu.memref_squeeze %dma_start3A_2884 : memref<1x56x256xf32, #tpu.memory_space<vmem>> -> memref<56x256xf32, #tpu.memory_space<vmem>>
    %dma_start3A_2886 = arith.constant 0 : i32
    %dma_start3A_2887 = arith.constant 0 : i32
    %dma_start3A_2888 = tpu.memref_slice %arg4[%add3A_2880, %dma_start3A_2886, %dma_start3A_2887] : memref<128x56x256xf32, #tpu.memory_space<hbm>> -> memref<1x56x256xf32, #tpu.memory_space<hbm>>
    %dma_start3A_2889 = tpu.memref_squeeze %dma_start3A_2888 : memref<1x56x256xf32, #tpu.memory_space<hbm>> -> memref<56x256xf32, #tpu.memory_space<hbm>>
    %dma_start3A_2890 = arith.constant 0 : i32
    %dma_start3A_2891 = arith.constant 0 : i32
    %dma_start3A_2892 = tpu.memref_slice %arg4[%add3A_2880, %dma_start3A_2890, %dma_start3A_2891] : memref<128x56x256xf32, #tpu.memory_space<hbm>> -> memref<1x56x256xf32, #tpu.memory_space<hbm>>
    %dma_start3A_2893 = tpu.memref_squeeze %dma_start3A_2892 : memref<1x56x256xf32, #tpu.memory_space<hbm>> -> memref<56x256xf32, #tpu.memory_space<hbm>>
    %dma_start3A_2894 = arith.constant 0 : i32
    %dma_start3A_2895 = arith.constant 0 : i32
    %dma_start3A_2896 = tpu.memref_slice %arg6[%dma_start3A_2881, %dma_start3A_2894, %dma_start3A_2895] : memref<4x56x256xf32, #tpu.memory_space<vmem>> -> memref<1x56x256xf32, #tpu.memory_space<vmem>>
    %dma_start3A_2897 = tpu.memref_squeeze %dma_start3A_2896 : memref<1x56x256xf32, #tpu.memory_space<vmem>> -> memref<56x256xf32, #tpu.memory_space<vmem>>
    tpu.enqueue_dma source(%dma_start3A_2897 : memref<56x256xf32, #tpu.memory_space<vmem>>) target(%dma_start3A_2893 : memref<56x256xf32, #tpu.memory_space<hbm>>) target_semaphore(%arg9 : memref<!tpu.dma_semaphore, #tpu.memory_space<semaphore_mem>>)
    %dma_wait3A_2898 = arith.constant 0 : i32
    %dma_wait3A_2899 = arith.constant 0 : i32
    %dma_wait3A_2900 = arith.constant 0 : i32
    %dma_wait3A_2901 = tpu.memref_slice %arg6[%dma_wait3A_2898, %dma_wait3A_2899, %dma_wait3A_2900] : memref<4x56x256xf32, #tpu.memory_space<vmem>> -> memref<1x56x256xf32, #tpu.memory_space<vmem>>
    %dma_wait3A_2902 = tpu.memref_squeeze %dma_wait3A_2901 : memref<1x56x256xf32, #tpu.memory_space<vmem>> -> memref<56x256xf32, #tpu.memory_space<vmem>>
    %dma_wait3A_2903 = arith.constant 0 : i32
    %dma_wait3A_2904 = arith.constant 0 : i32
    %dma_wait3A_2905 = tpu.memref_slice %arg4[%add3A_2787, %dma_wait3A_2903, %dma_wait3A_2904] : memref<128x56x256xf32, #tpu.memory_space<hbm>> -> memref<1x56x256xf32, #tpu.memory_space<hbm>>
    %dma_wait3A_2906 = tpu.memref_squeeze %dma_wait3A_2905 : memref<1x56x256xf32, #tpu.memory_space<hbm>> -> memref<56x256xf32, #tpu.memory_space<hbm>>
    %dma_wait3A_2907 = arith.constant 0 : i32
    %dma_wait3A_2908 = arith.constant 0 : i32
    %dma_wait3A_2909 = tpu.memref_slice %arg4[%add3A_2787, %dma_wait3A_2907, %dma_wait3A_2908] : memref<128x56x256xf32, #tpu.memory_space<hbm>> -> memref<1x56x256xf32, #tpu.memory_space<hbm>>
    %dma_wait3A_2910 = tpu.memref_squeeze %dma_wait3A_2909 : memref<1x56x256xf32, #tpu.memory_space<hbm>> -> memref<56x256xf32, #tpu.memory_space<hbm>>
    %dma_wait3A_2911 = arith.constant 0 : i32
    %dma_wait3A_2912 = arith.constant 0 : i32
    %dma_wait3A_2913 = tpu.memref_slice %arg6[%dma_wait3A_2898, %dma_wait3A_2911, %dma_wait3A_2912] : memref<4x56x256xf32, #tpu.memory_space<vmem>> -> memref<1x56x256xf32, #tpu.memory_space<vmem>>
    %dma_wait3A_2914 = tpu.memref_squeeze %dma_wait3A_2913 : memref<1x56x256xf32, #tpu.memory_space<vmem>> -> memref<56x256xf32, #tpu.memory_space<vmem>>
    tpu.wait_dma2 semaphore(%arg9 : memref<!tpu.dma_semaphore, #tpu.memory_space<semaphore_mem>>) src(%dma_wait3A_2914 : memref<56x256xf32, #tpu.memory_space<vmem>>) dst(%dma_wait3A_2910 : memref<56x256xf32, #tpu.memory_space<hbm>>)
    %dma_wait3A_2915 = arith.constant 1 : i32
    %dma_wait3A_2916 = arith.constant 0 : i32
    %dma_wait3A_2917 = arith.constant 0 : i32
    %dma_wait3A_2918 = tpu.memref_slice %arg6[%dma_wait3A_2915, %dma_wait3A_2916, %dma_wait3A_2917] : memref<4x56x256xf32, #tpu.memory_space<vmem>> -> memref<1x56x256xf32, #tpu.memory_space<vmem>>
    %dma_wait3A_2919 = tpu.memref_squeeze %dma_wait3A_2918 : memref<1x56x256xf32, #tpu.memory_space<vmem>> -> memref<56x256xf32, #tpu.memory_space<vmem>>
    %dma_wait3A_2920 = arith.constant 0 : i32
    %dma_wait3A_2921 = arith.constant 0 : i32
    %dma_wait3A_2922 = tpu.memref_slice %arg4[%add3A_2818, %dma_wait3A_2920, %dma_wait3A_2921] : memref<128x56x256xf32, #tpu.memory_space<hbm>> -> memref<1x56x256xf32, #tpu.memory_space<hbm>>
    %dma_wait3A_2923 = tpu.memref_squeeze %dma_wait3A_2922 : memref<1x56x256xf32, #tpu.memory_space<hbm>> -> memref<56x256xf32, #tpu.memory_space<hbm>>
    %dma_wait3A_2924 = arith.constant 0 : i32
    %dma_wait3A_2925 = arith.constant 0 : i32
    %dma_wait3A_2926 = tpu.memref_slice %arg4[%add3A_2818, %dma_wait3A_2924, %dma_wait3A_2925] : memref<128x56x256xf32, #tpu.memory_space<hbm>> -> memref<1x56x256xf32, #tpu.memory_space<hbm>>
    %dma_wait3A_2927 = tpu.memref_squeeze %dma_wait3A_2926 : memref<1x56x256xf32, #tpu.memory_space<hbm>> -> memref<56x256xf32, #tpu.memory_space<hbm>>
    %dma_wait3A_2928 = arith.constant 0 : i32
    %dma_wait3A_2929 = arith.constant 0 : i32
    %dma_wait3A_2930 = tpu.memref_slice %arg6[%dma_wait3A_2915, %dma_wait3A_2928, %dma_wait3A_2929] : memref<4x56x256xf32, #tpu.memory_space<vmem>> -> memref<1x56x256xf32, #tpu.memory_space<vmem>>
    %dma_wait3A_2931 = tpu.memref_squeeze %dma_wait3A_2930 : memref<1x56x256xf32, #tpu.memory_space<vmem>> -> memref<56x256xf32, #tpu.memory_space<vmem>>
    tpu.wait_dma2 semaphore(%arg9 : memref<!tpu.dma_semaphore, #tpu.memory_space<semaphore_mem>>) src(%dma_wait3A_2931 : memref<56x256xf32, #tpu.memory_space<vmem>>) dst(%dma_wait3A_2927 : memref<56x256xf32, #tpu.memory_space<hbm>>)
    %dma_wait3A_2932 = arith.constant 2 : i32
    %dma_wait3A_2933 = arith.constant 0 : i32
    %dma_wait3A_2934 = arith.constant 0 : i32
    %dma_wait3A_2935 = tpu.memref_slice %arg6[%dma_wait3A_2932, %dma_wait3A_2933, %dma_wait3A_2934] : memref<4x56x256xf32, #tpu.memory_space<vmem>> -> memref<1x56x256xf32, #tpu.memory_space<vmem>>
    %dma_wait3A_2936 = tpu.memref_squeeze %dma_wait3A_2935 : memref<1x56x256xf32, #tpu.memory_space<vmem>> -> memref<56x256xf32, #tpu.memory_space<vmem>>
    %dma_wait3A_2937 = arith.constant 0 : i32
    %dma_wait3A_2938 = arith.constant 0 : i32
    %dma_wait3A_2939 = tpu.memref_slice %arg4[%add3A_2849, %dma_wait3A_2937, %dma_wait3A_2938] : memref<128x56x256xf32, #tpu.memory_space<hbm>> -> memref<1x56x256xf32, #tpu.memory_space<hbm>>
    %dma_wait3A_2940 = tpu.memref_squeeze %dma_wait3A_2939 : memref<1x56x256xf32, #tpu.memory_space<hbm>> -> memref<56x256xf32, #tpu.memory_space<hbm>>
    %dma_wait3A_2941 = arith.constant 0 : i32
    %dma_wait3A_2942 = arith.constant 0 : i32
    %dma_wait3A_2943 = tpu.memref_slice %arg4[%add3A_2849, %dma_wait3A_2941, %dma_wait3A_2942] : memref<128x56x256xf32, #tpu.memory_space<hbm>> -> memref<1x56x256xf32, #tpu.memory_space<hbm>>
    %dma_wait3A_2944 = tpu.memref_squeeze %dma_wait3A_2943 : memref<1x56x256xf32, #tpu.memory_space<hbm>> -> memref<56x256xf32, #tpu.memory_space<hbm>>
    %dma_wait3A_2945 = arith.constant 0 : i32
    %dma_wait3A_2946 = arith.constant 0 : i32
    %dma_wait3A_2947 = tpu.memref_slice %arg6[%dma_wait3A_2932, %dma_wait3A_2945, %dma_wait3A_2946] : memref<4x56x256xf32, #tpu.memory_space<vmem>> -> memref<1x56x256xf32, #tpu.memory_space<vmem>>
    %dma_wait3A_2948 = tpu.memref_squeeze %dma_wait3A_2947 : memref<1x56x256xf32, #tpu.memory_space<vmem>> -> memref<56x256xf32, #tpu.memory_space<vmem>>
    tpu.wait_dma2 semaphore(%arg9 : memref<!tpu.dma_semaphore, #tpu.memory_space<semaphore_mem>>) src(%dma_wait3A_2948 : memref<56x256xf32, #tpu.memory_space<vmem>>) dst(%dma_wait3A_2944 : memref<56x256xf32, #tpu.memory_space<hbm>>)
    %dma_wait3A_2949 = arith.constant 3 : i32
    %dma_wait3A_2950 = arith.constant 0 : i32
    %dma_wait3A_2951 = arith.constant 0 : i32
    %dma_wait3A_2952 = tpu.memref_slice %arg6[%dma_wait3A_2949, %dma_wait3A_2950, %dma_wait3A_2951] : memref<4x56x256xf32, #tpu.memory_space<vmem>> -> memref<1x56x256xf32, #tpu.memory_space<vmem>>
    %dma_wait3A_2953 = tpu.memref_squeeze %dma_wait3A_2952 : memref<1x56x256xf32, #tpu.memory_space<vmem>> -> memref<56x256xf32, #tpu.memory_space<vmem>>
    %dma_wait3A_2954 = arith.constant 0 : i32
    %dma_wait3A_2955 = arith.constant 0 : i32
    %dma_wait3A_2956 = tpu.memref_slice %arg4[%add3A_2880, %dma_wait3A_2954, %dma_wait3A_2955] : memref<128x56x256xf32, #tpu.memory_space<hbm>> -> memref<1x56x256xf32, #tpu.memory_space<hbm>>
    %dma_wait3A_2957 = tpu.memref_squeeze %dma_wait3A_2956 : memref<1x56x256xf32, #tpu.memory_space<hbm>> -> memref<56x256xf32, #tpu.memory_space<hbm>>
    %dma_wait3A_2958 = arith.constant 0 : i32
    %dma_wait3A_2959 = arith.constant 0 : i32
    %dma_wait3A_2960 = tpu.memref_slice %arg4[%add3A_2880, %dma_wait3A_2958, %dma_wait3A_2959] : memref<128x56x256xf32, #tpu.memory_space<hbm>> -> memref<1x56x256xf32, #tpu.memory_space<hbm>>
    %dma_wait3A_2961 = tpu.memref_squeeze %dma_wait3A_2960 : memref<1x56x256xf32, #tpu.memory_space<hbm>> -> memref<56x256xf32, #tpu.memory_space<hbm>>
    %dma_wait3A_2962 = arith.constant 0 : i32
    %dma_wait3A_2963 = arith.constant 0 : i32
    %dma_wait3A_2964 = tpu.memref_slice %arg6[%dma_wait3A_2949, %dma_wait3A_2962, %dma_wait3A_2963] : memref<4x56x256xf32, #tpu.memory_space<vmem>> -> memref<1x56x256xf32, #tpu.memory_space<vmem>>
    %dma_wait3A_2965 = tpu.memref_squeeze %dma_wait3A_2964 : memref<1x56x256xf32, #tpu.memory_space<vmem>> -> memref<56x256xf32, #tpu.memory_space<vmem>>
    tpu.wait_dma2 semaphore(%arg9 : memref<!tpu.dma_semaphore, #tpu.memory_space<semaphore_mem>>) src(%dma_wait3A_2965 : memref<56x256xf32, #tpu.memory_space<vmem>>) dst(%dma_wait3A_2961 : memref<56x256xf32, #tpu.memory_space<hbm>>)
    return
  }
}

module attributes {stable_mosaic.version = 14 : i64} {
  func.func @_scores_body(%arg0: i32, %arg1: memref<81x128x128xf32, #tpu.memory_space<vmem>>, %arg2: memref<128x128xf32, #tpu.memory_space<vmem>>) attributes {dimension_semantics = [#tpu.dimension_semantics<arbitrary>], iteration_bounds = array<i64: 8>, scalar_prefetch = 0 : i64, scratch_operands = 0 : i64, tpu.core_type = #tpu.core_type<tc>, window_params = [{transform_indices = @transform_0, window_bounds = array<i64: 81, 128, 128>}, {transform_indices = @transform_1, window_bounds = array<i64: 128, 128>}]} {
    %get3A = arith.constant 0 : index
    %get3A_0 = arith.constant 0 : index
    %get3A_1 = arith.constant 0 : index
    %get3A_2 = vector.load %arg1[%get3A, %get3A_0, %get3A_1] : memref<81x128x128xf32, #tpu.memory_space<vmem>>, vector<81x128x128xf32>
    %reduce_max3A = arith.constant dense<0xFF800000> : vector<128x128xf32>
    %reduce_max3A_3 = vector.multi_reduction <maximumf>, %get3A_2, %reduce_max3A [0] : vector<81x128x128xf32> to vector<128x128xf32>
    %broadcast_in_dim3A = vector.shape_cast %reduce_max3A_3 : vector<128x128xf32> to vector<1x128x128xf32>
    %sub3A = vector.broadcast %broadcast_in_dim3A : vector<1x128x128xf32> to vector<81x128x128xf32>
    %sub3A_4 = arith.subf %get3A_2, %sub3A : vector<81x128x128xf32>
    %exp3A = math.exp %sub3A_4 : vector<81x128x128xf32>
    %reduce_sum3A = arith.constant dense<0.000000e+00> : vector<128x128xf32>
    %reduce_sum3A_5 = vector.multi_reduction <add>, %exp3A, %reduce_sum3A [0] : vector<81x128x128xf32> to vector<128x128xf32>
    %slice3A = vector.extract_strided_slice %get3A_2 {offsets = [0, 0, 0], sizes = [80, 128, 128], strides = [1, 1, 1]} : vector<81x128x128xf32> to vector<80x128x128xf32>
    %reduce_max3A_6 = arith.constant dense<0xFF800000> : vector<128x128xf32>
    %reduce_max3A_7 = vector.multi_reduction <maximumf>, %slice3A, %reduce_max3A_6 [0] : vector<80x128x128xf32> to vector<128x128xf32>
    %sub3A_8 = arith.subf %reduce_max3A_7, %reduce_max3A_3 : vector<128x128xf32>
    %exp3A_9 = math.exp %sub3A_8 : vector<128x128xf32>
    %div3A = arith.divf %exp3A_9, %reduce_sum3A_5 : vector<128x128xf32>
    %swap3A = arith.constant 0 : index
    %swap3A_10 = arith.constant 0 : index
    %swap3A_11 = vector.load %arg2[%swap3A, %swap3A_10] : memref<128x128xf32, #tpu.memory_space<vmem>>, vector<128x128xf32>
    tpu.vector_store %arg2[%swap3A, %swap3A_10], %div3A {strides = array<i32>} : memref<128x128xf32, #tpu.memory_space<vmem>>, vector<128x128xf32>,
    return
  }
  func.func @transform_0(%arg0: i32) -> (i32, i32, i32) {
    %c0_i32 = arith.constant 0 : i32
    %c0_i32_0 = arith.constant 0 : i32
    %c0_i32_1 = arith.constant 0 : i32
    return %c0_i32, %arg0, %c0_i32_0 : i32, i32, i32
  }
  func.func @transform_1(%arg0: i32) -> (i32, i32) {
    %c0_i32 = arith.constant 0 : i32
    %c0_i32_0 = arith.constant 0 : i32
    return %arg0, %c0_i32 : i32, i32
  }
}

module attributes {stable_mosaic.version = 14 : i64} {
  func.func @_topk_body(%arg0: memref<900x128xf32, #tpu.memory_space<vmem>>, %arg1: memref<128x128xi32, #tpu.memory_space<vmem>>) attributes {dimension_semantics = [], scalar_prefetch = 0 : i64, scratch_operands = 0 : i64, tpu.core_type = #tpu.core_type<tc>} {
    %get3A = arith.constant 0 : index
    %get3A_0 = arith.constant 0 : index
    %get3A_1 = vector.load %arg0[%get3A, %get3A_0] : memref<900x128xf32, #tpu.memory_space<vmem>>, vector<900x128xf32>
    %iota3A = tpu.iota {dimensions = array<i32: 0>} : vector<900x128xi32>
    %iota3A_2 = tpu.iota {dimensions = array<i32: 0>} : vector<128x128xi32>
    %iota3A_3 = tpu.iota {dimensions = array<i32: 1>} : vector<128x128xi32>
    %broadcast_in_dim3A = arith.constant 0 : i32
    %broadcast_in_dim3A_4 = vector.broadcast %broadcast_in_dim3A : i32 to vector<128x128xi32>
    %scan3A = arith.constant 0 : i32
    %scan3A_5 = arith.constant 50 : i32
    %scan3A_6 = arith.addi %scan3A, %scan3A_5 : i32
    %scan3A_7 = arith.constant 1 : i32
    %scan3A_8:2 = scf.for %scan3A_12 = %scan3A to %scan3A_6 step %scan3A_7 iter_args(%scan3A_13 = %get3A_1, %scan3A_14 = %broadcast_in_dim3A_4) -> (vector<900x128xf32>, vector<128x128xi32>)  : i32 {
      %reduce_max3A = arith.constant dense<0xFF800000> : vector<128xf32>
      %reduce_max3A_15 = vector.multi_reduction <maximumf>, %scan3A_13, %reduce_max3A [0] : vector<900x128xf32> to vector<128xf32>
      %broadcast_in_dim3A_16 = vector.shape_cast %reduce_max3A_15 : vector<128xf32> to vector<1x128xf32>
      %eq3A = vector.broadcast %broadcast_in_dim3A_16 : vector<1x128xf32> to vector<900x128xf32>
      %eq3A_17 = arith.cmpf oeq, %scan3A_13, %eq3A : vector<900x128xf32>
      %jit3A = arith.constant 900 : i32
      %broadcast_in_dim3A_18 = vector.broadcast %jit3A : i32 to vector<900x128xi32>
      %select_n3A = arith.select %eq3A_17, %iota3A, %broadcast_in_dim3A_18 : vector<900x128xi1>, vector<900x128xi32>
      %reduce_min3A = arith.constant dense<2147483647> : vector<128xi32>
      %reduce_min3A_19 = vector.multi_reduction <minsi>, %select_n3A, %reduce_min3A [0] : vector<900x128xi32> to vector<128xi32>
      %eq3A_20 = vector.broadcast %scan3A_12 : i32 to vector<128x128xi32>
      %eq3A_21 = arith.cmpi eq, %iota3A_2, %eq3A_20 : vector<128x128xi32>
      %broadcast_in_dim3A_22 = vector.shape_cast %reduce_min3A_19 : vector<128xi32> to vector<1x128xi32>
      %mul3A = arith.constant 128 : i32
      %mul3A_23 = vector.broadcast %mul3A : i32 to vector<1x128xi32>
      %mul3A_24 = arith.muli %broadcast_in_dim3A_22, %mul3A_23 : vector<1x128xi32>
      %add3A = vector.broadcast %mul3A_24 : vector<1x128xi32> to vector<128x128xi32>
      %add3A_25 = arith.addi %add3A, %iota3A_3 : vector<128x128xi32>
      %select_n3A_26 = arith.select %eq3A_21, %add3A_25, %scan3A_14 : vector<128x128xi1>, vector<128x128xi32>
      %broadcast_in_dim3A_27 = vector.shape_cast %reduce_min3A_19 : vector<128xi32> to vector<1x128xi32>
      %eq3A_28 = vector.broadcast %broadcast_in_dim3A_27 : vector<1x128xi32> to vector<900x128xi32>
      %eq3A_29 = arith.cmpi eq, %iota3A, %eq3A_28 : vector<900x128xi32>
      %jit3A_30 = arith.constant -3.400000e+38 : f32
      %broadcast_in_dim3A_31 = vector.broadcast %jit3A_30 : f32 to vector<900x128xf32>
      %select_n3A_32 = arith.select %eq3A_29, %broadcast_in_dim3A_31, %scan3A_13 : vector<900x128xi1>, vector<900x128xf32>
      scf.yield %select_n3A_32, %select_n3A_26 : vector<900x128xf32>, vector<128x128xi32>
    }
    %scan3A_9 = arith.constant 50 : i32
    %swap3A = arith.constant 0 : index
    %swap3A_10 = arith.constant 0 : index
    %swap3A_11 = vector.load %arg1[%swap3A, %swap3A_10] : memref<128x128xi32, #tpu.memory_space<vmem>>, vector<128x128xi32>
    tpu.vector_store %arg1[%swap3A, %swap3A_10], %scan3A_8#1 {strides = array<i32>} : memref<128x128xi32, #tpu.memory_space<vmem>>, vector<128x128xi32>,
    return
  }
}

</mosaic_0001>

<sc_bundles>
// kernel: kernel.5.cloned.1.call-start
scs
__scs_entry_jumppad:
0x0: {  	(pc) =	sbr.rel $0x88, $3  }
0x1: {  	(tag) =	ssettag $0x0;
	lr =	simm.s32 $0x1  }
0x2: {  	[smem:$0x3F9F] =	sst lr;
	_ =	strace $0xD0000000  }
0x3: {  	_ = 	snop  }
0x4: {  	_ = 	snop  }
0x5: {  	_ = 	snop  }
0x6: {  	_ = 	snop  }
0x7: {  	_ = 	snop  }
__scs_overlays_trampoline_lowered:
0x8: {  	[smem:$0x3FAE] =	sst s0  }
0x9: {  	[smem:$0x3FAF] =	sst s1  }
0xa: {  	[smem:$0x3FB0] =	sst s2  }
0xb: {  	[smem:$0x3FB1] =	sst s3  }
0xc: {  	[smem:$0x3FB2] =	sst s4  }
0xd: {  	[smem:$0x3FB3] =	sst s5  }
0xe: {  	[smem:$0x3FB4] =	sst s6  }
0xf: {  	[smem:$0x3FB5] =	sst s7  }
0x10: {  	[smem:$0x3FB6] =	sst s8  }
0x11: {  	[smem:$0x3FB7] =	sst s9;
	s0 =	simm.s32 @!p0 $0x0  }
0x12: {  	s1 =	sld [smem:$0x3F9D];
	s0 =	simm.s32 @p0 $0x1  }
0x13: {  	[smem:$0x3FB8] =	sst s0;
	s0 =	simm.s32 @!p1 $0x0  }
0x14: {  	s2 =	sld [smem:$0x3F9C];
	s0 =	simm.s32 @p1 $0x1  }
0x15: {  	[smem:$0x3FB9] =	sst s0;
	s0 =	simm.s32 @!p2 $0x0  }
0x16: {  	s3 =	sld [smem:$0x3FDB];
	s0 =	simm.s32 @p2 $0x1  }
0x17: {  	s4 =	simm.s32 $0x1BF5;
	[smem:$0x3FBB] =	sst s0  }
0x18: {  	s0 =	sld [smem:$0x3F9E];
	_ =	swait.ge [sflag:s4], $0x0  }
0x19: {  	s7 =	sld [smem:$0x3F9F]  }
0x1a: {  	s8 =	sadd.s32 $0xFFFFE003, lr  }
0x1b: {  	s9 =	sadd.s32 $0xFFFFFEF7, lr;
	s5 =	simm.s32 $0xFFFFFFFF;
	p2 =	slt.u32 s8, $0xFFFFF086  }
0x1c: {  	p1 =	slt.u32 s9, $0xF7A;
	s5 =	simm.s32 @!p2 $0x0  }
0x1d: {  	s5 =	simm.s32 @p1 $0x1;
	p0 =	seq.s32 s7, s2  }
0x1e: {  	s7 =	smul.u32 @!p0 $0xF7A, s2;
	p2 =	seq.s32 @!p0 s5, $0x0  }
0x1f: {  	s9 =	smul.u32 $0xF7A, s1;
	s8 =	simm.s32 @!p0 $0x1BF5;
	p2 =	por !p2, p0  }
0x20: {  	[sflag:s8] =	ssyncset.s32 @!p0 $0xFFFFF086;
	s6 =	sadd.s32 @!p0 s3, s7;
	s7 =	simm.s32 @!p0 $0x108  }
0x21: {  	s3 =	sadd.s32 s3, s9;
	s6 =	sadd.s32 @!p0 $0x88, s6;
	s7 =	simm.s32 @p2 $0x1082  }
0x22: {  	[simem:s7], [sflag:s8] =	dma.local @!p0 [hbm:s6], $0xF7A  }
0x23: {  	s9 =	sor.u32 $0xD0000000, s2;
	s6 =	simm.s32 $0x108;
	_ =	swait.ge @!p0 [sflag:s8], $0x0  }
0x24: {  	s3 =	sadd.s32 $0x88, s3;
	s6 =	simm.s32 @!p1 $0x1082;
	[sflag:s4] =	ssyncset.s32 $0xFFFFF086  }
0x25: {  	[simem:s6], [sflag:s4] =	dma.local [hbm:s3], $0xF7A  }
0x26: {  	[smem:$0x3F9F] =	sst s1;
	(tag) =	ssettag s2;
	_ =	strace s9  }
0x27: {  	s1 =	sld [smem:$0x3FAF]  }
0x28: {  	s2 =	sld [smem:$0x3FB0]  }
0x29: {  	s4 =	sld [smem:$0x3FB2]  }
0x2a: {  	p0 =	seq.s32 s5, $0x0;
	s5 =	sld [smem:$0x3FB3]  }
0x2b: {  	s6 =	sld [smem:$0x3FB4]  }
0x2c: {  	s7 =	sld [smem:$0x3FB5]  }
0x2d: {  	s3 =	simm.s32 $0x108;
	s8 =	sld [smem:$0x3FB6]  }
0x2e: {  	s3 =	simm.s32 @!p0 $0x1082;
	s9 =	sld [smem:$0x3FB7]  }
0x2f: {  	lr =	sadd.s32 s0, s3;
	s0 =	sld [smem:$0x3FAE]  }
0x30: {  	s3 =	sld [smem:$0x3FB1]  }
0x31: {  	[smem:$0x3FBA] =	sst s10  }
0x32: {  	s10 =	sld [smem:$0x3FB8];
	_ =	sdelay $0x3  }
0x33: {  	p0 =	seq.s32 s10, $0x1;
	s10 =	sld [smem:$0x3FBA];
	_ =	sdelay $0x3  }
0x34: {  	[smem:$0x3FBA] =	sst s10  }
0x35: {  	s10 =	sld [smem:$0x3FB9];
	_ =	sdelay $0x3  }
0x36: {  	p1 =	seq.s32 s10, $0x1;
	s10 =	sld [smem:$0x3FBA];
	_ =	sdelay $0x3  }
0x37: {  	[smem:$0x3FBA] =	sst s10  }
0x38: {  	s10 =	sld [smem:$0x3FBB]  }
0x39: {  	_ = 	snop;
	(pc) =	sbr.ind lr, $3  }
0x3a: {  	_ = 	snop  }
0x3b: {  	_ = 	snop  }
0x3c: {  	p2 =	seq.s32 s10, $0x1;
	s10 =	sld [smem:$0x3FBA]  }
0x3d: {  	_ =	shalt  }
0x3e: {  	_ =	shalt  }
0x3f: {  	_ =	shalt  }
0x40: {  	_ =	shalt  }
0x41: {  	_ =	shalt  }
0x42: {  	_ =	shalt  }
0x43: {  	_ =	shalt  }
0x44: {  	_ =	shalt  }
0x45: {  	_ =	shalt  }
0x46: {  	_ =	shalt  }
0x47: {  	_ =	shalt  }
0x48: {  	_ =	shalt  }
0x49: {  	_ =	shalt  }
0x4a: {  	_ =	shalt  }
0x4b: {  	_ =	shalt  }
0x4c: {  	_ =	shalt  }
0x4d: {  	_ =	shalt  }
0x4e: {  	_ =	shalt  }
0x4f: {  	_ =	shalt  }
0x50: {  	_ =	shalt  }
0x51: {  	_ =	shalt  }
0x52: {  	_ =	shalt  }
0x53: {  	_ =	shalt  }
0x54: {  	_ =	shalt  }
0x55: {  	_ =	shalt  }
0x56: {  	_ =	shalt  }
0x57: {  	_ =	shalt  }
0x58: {  	_ =	shalt  }
0x59: {  	_ =	shalt  }
0x5a: {  	_ =	shalt  }
0x5b: {  	_ =	shalt  }
0x5c: {  	_ =	shalt  }
0x5d: {  	_ =	shalt  }
0x5e: {  	_ =	shalt  }
0x5f: {  	_ =	shalt  }
0x60: {  	_ =	shalt  }
0x61: {  	_ =	shalt  }
0x62: {  	_ =	shalt  }
0x63: {  	_ =	shalt  }
0x64: {  	_ =	shalt  }
0x65: {  	_ =	shalt  }
0x66: {  	_ =	shalt  }
0x67: {  	_ =	shalt  }
0x68: {  	_ =	shalt  }
0x69: {  	_ =	shalt  }
0x6a: {  	_ =	shalt  }
0x6b: {  	_ =	shalt  }
0x6c: {  	_ =	shalt  }
0x6d: {  	_ =	shalt  }
0x6e: {  	_ =	shalt  }
0x6f: {  	_ =	shalt  }
0x70: {  	_ =	shalt  }
0x71: {  	_ =	shalt  }
0x72: {  	_ =	shalt  }
0x73: {  	_ =	shalt  }
0x74: {  	_ =	shalt  }
0x75: {  	_ =	shalt  }
0x76: {  	_ =	shalt  }
0x77: {  	_ =	shalt  }
0x78: {  	_ =	shalt  }
0x79: {  	_ =	shalt  }
0x7a: {  	_ =	shalt  }
0x7b: {  	_ =	shalt  }
0x7c: {  	_ =	shalt  }
0x7d: {  	_ =	shalt  }
0x7e: {  	_ =	shalt  }
0x7f: {  	_ =	shalt  }
0x80: {  	_ =	shalt  }
0x81: {  	_ =	shalt  }
0x82: {  	_ =	shalt  }
0x83: {  	_ =	shalt  }
0x84: {  	_ =	shalt  }
0x85: {  	_ =	shalt  }
0x86: {  	_ =	shalt  }
0x87: {  	_ =	shalt  }
.Lfunc_end0:
.L_simem_size_0:
called_computation_lowered:
.L_overlay_start_0:
0x88: {  	s2 =	sld [smem:$0x3FD9]  }
0x89: {  	s3 =	sld [smem:$0x3FFE];
	_ =	sdelay $0x1  }
0x8a: {  	s1 =	srdreg.scid  }
0x8b: {  	s0 =	sand.u32 $0x1, s1  }
0x8c: {  	s17 =	sshll.u32 s0, $0xA;
	s2 =	sadd.s32 s3, s2  }
0x8d: {  	s2 =	sadd.s32 s2, s17  }
0x8e: {  	[smem:$0x3FC6] =	sst s2  }
0x8f: {  	_ = 	snop  }
0x90: {  	s2 =	sld [smem:$0x3FC9]  }
0x91: {  	s18 =	sld [smem:$0x3FD0];
	(tm) =	ssettm $0x1  }
0x92: {  	s4 =	sld [smem:$0x3FFB];
	_ =	sdelay $0x3  }
0x93: {  	_ =	strace s4  }
0x94: {  	s4 =	sld [smem:$0x3FFC];
	_ =	sdelay $0x3  }
0x95: {  	_ =	strace s4  }
0x96: {  	s4 =	sld [smem:$0x3FFD];
	_ =	sdelay $0x3  }
0x97: {  	_ =	strace s4  }
0x98: {  	_ =	strace $0x8FFFFFFF  }
0x99: {  	s19 =	sld [smem:$0x3FDB];
	_ =	sdelay $0x1  }
0x9a: {  	s5 =	simm.s32 $_scs_section_size  }
0x9b: {  	s6 =	simm.s32 $_size__tile_overlayer_lowered;
	s7 =	simm.s32 $_tile_overlayer_lowered  }
0x9c: {  	s22 =	simm.s32 $0x1BFF;
	s21 =	sshll.u32 s7, $0x1;
	s4 =	sadd.s32 s5, s19  }
0x9d: {  	s8 =	simm.s32 $0x0;
	s20 =	sshll.u32 s6, $0x1;
	s6 =	sadd.s32 s21, s4  }
0x9e: {  	[timem:s8], [sflag:s22] =	dma.local [hbm:s6], s20  }
0x9f: {  	_ =	swait.ge [sflag:s22], s20  }
0xa0: {  	s5 =	ssub.s32 $0x0, s20;
	[sflag:s22] =	ssyncset.done $0x0  }
0xa1: {  	[sflag:s22] =	ssyncadd.s32 s5;
	_ =	sdelay $0x1  }
0xa2: {  	s23 =	simm.s32 $0x1B8B  }
0xa3: {  	_ =	swait.ge [sflag:s23], $0x1  }
0xa4: {  	[sflag:s23] =	ssyncset.done $0x0  }
0xa5: {  	s25 =	simm.s32 $0x1B8E;
	s24 =	sld [smem:$0x3FFE];
	[sflag:s23] =	ssyncadd.s32 $0xFFFFFFFF  }
0xa6: {  	s26 =	simm.s32 $execute0_lowered;
	[smem:$0x3FD2] =	sst s25  }
0xa7: {  	s6 =	sshll.u32 s26, $0x1;
	_ =	strace $0x80000046;
	[dreg:$0x1] =	wrdreg $0xFFFFFFFF  }
0xa8: {  	s28 =	simm.s32 $_size_execute0_lowered;
	s4 =	sadd.s32 s4, s6;
	[dreg:$0x0] =	wrdreg $0x0  }
0xa9: {  	s6 =	sshll.u32 s28, $0x1;
	[dreg:$0x2] =	wrdreg s4  }
0xaa: {  	[dreg:$0x3] =	wrdreg s6  }
0xab: {  	[dreg:$0x4] =	wrdreg $0xC0  }
0xac: {  	_ =	task [dreg:s8], $0x5FFFF  }
0xad: {  	[dreg:$0x1] =	wrdreg $0xFFFFFFFF  }
0xae: {  	[dreg:$0x0] =	wrdreg $0x60  }
0xaf: {  	[dreg:$0x2] =	wrdreg s2  }
0xb0: {  	[dreg:$0x3] =	wrdreg s18  }
0xb1: {  	[dreg:$0x4] =	wrdreg s24  }
0xb2: {  	[dreg:$0x5] =	wrdreg $0x9  }
0xb3: {  	_ =	task.clear_ibuf [dreg:s8], $0x6FFFF;
	_ =	strace $0x90000046  }
0xb4: {  	s29 =	simm.s32 $0x9;
	_ =	strace $0x80000048  }
0xb5: {  	_ =	swait.ge [sflag:s29], $0x1  }
0xb6: {  	[sflag:s29] =	ssyncadd.s32 $0xFFFFFFFF  }
0xb7: {  	_ =	strace $0x90000048  }
0xb8: {  	_ =	sfence  }
0xb9: {  	s30 =	sld [smem:$0x0];
	_ =	sdelay $0x2  }
0xba: {  	s31 =	sshll.u32 s1, $0xD;
	s1 =	sshrl.u32 s1, $0x2  }
0xbb: {  	s3 =	sand.u32 $0x4000, s31;
	s1 =	sadd.s32 s1, s30  }
0xbc: {  	s0 =	sor.u32 s3, s0;
	s1 =	sshll.u32 s1, $0x11  }
0xbd: {  	s0 =	sor.u32 s1, s0  }
0xbe: {  	s0 =	sadd.s32 $0x8F2B, s0  }
0xbf: {  	[sflag:s0] =	ssyncadd.remote.s32 $0x1  }
0xc0: {  	_ =	sfence.sel $0xFFFF  }
0xc1: {  	[dreg:$0x0] =	wrdreg $0xFFFFFFFF;
	(pc) =	sbr.abs _section_cstart, $3  }
0xc2: {  	[dreg:$0x1] =	wrdreg $0xFFFFFFFF  }
0xc3: {  	_ =	task.clear_ibuf [dreg:s8], $0x2FFFF;
	_ =	strace $0x9FFFFFFF  }
0xc4: {  	(tm) =	ssettm $0x7FFFFFFF  }
0xc5: {  	_ =	shalt  }
tec
execute0_lowered:
.L_overlay_start_1:
0x0: {  	(tag) =	ssettag $0x1  }
0x1: {  	s1 =	rddreg [dreg:$0x0]  }
0x2: {  	s5 =	rddreg [dreg:$0x1]  }
0x3: {  	s6 =	rddreg [dreg:$0x2];
	s3 =	srdreg.scid  }
0x4: {  	s0 =	rddreg [dreg:$0x3];
	s4 =	sand.u32 $0x1, s3;
	s3 =	simm.s32 $0x0  }
0x5: {  	s26 =	simm.s32 $0xA00;
	[smem:$0x7FF] =	sst s3  }
0x6: {  	s28 =	simm.s32 $0x1200;
	_ =	strace $0x80000047;
	[dreg:$0x9] =	wrdreg s26  }
0x7: {  	s29 =	simm.s32 $0x1A00;
	[dreg:$0xa] =	wrdreg s28  }
0x8: {  	s30 =	simm.s32 $0x4200;
	[dreg:$0xb] =	wrdreg s29  }
0x9: {  	s31 =	simm.s32 $0x4A00;
	[dreg:$0xc] =	wrdreg s30  }
0xa: {  	s11 =	simm.s32 $0xBA00;
	[dreg:$0xd] =	wrdreg s31  }
0xb: {  	s12 =	simm.s32 $0xC200;
	[dreg:$0x13] =	wrdreg s11  }
0xc: {  	s13 =	simm.s32 $0x2200;
	[dreg:$0x14] =	wrdreg s12  }
0xd: {  	s14 =	simm.s32 $0x2600;
	[dreg:$0x15] =	wrdreg s13  }
0xe: {  	s15 =	simm.s32 $0x2280;
	[dreg:$0x16] =	wrdreg s14  }
0xf: {  	s2 =	stileid.u32;
	s16 =	simm.s32 $0x2680;
	[dreg:$0x17] =	wrdreg s15  }
0x10: {  	s17 =	simm.s32 $0x2300;
	s18 =	simm.s32 $0x2700;
	[dreg:$0x18] =	wrdreg s16  }
0x11: {  	s19 =	simm.s32 $0x2380;
	s7 =	sshll.u32 s2, $0x3;
	[dreg:$0x19] =	wrdreg s17  }
0x12: {  	s8 =	sshll.u32 s4, $0x2;
	s20 =	sshll.u32 s4, $0x6;
	[dreg:$0x1a] =	wrdreg s18  }
0x13: {  	s7 =	sor.u32 s8, s7;
	s8 =	simm.s32 $0x8200;
	[dreg:$0x1b] =	wrdreg s19  }
0x14: {  	s5 =	sadd.s32 s5, s20;
	s20 =	simm.s32 $0x2780;
	[dreg:$0x10] =	wrdreg s8  }
0x15: {  	s26 =	simm.s32 $0x2900;
	[dreg:$0x1c] =	wrdreg s20  }
0x16: {  	s28 =	simm.s32 $0x2580;
	[smem:$0x74B] =	sst s26  }
0x17: {  	s29 =	simm.s32 $0x2980;
	[smem:$0x74C] =	sst s28  }
0x18: {  	s30 =	simm.s32 $0x2A00;
	[smem:$0x74D] =	sst s29  }
0x19: {  	s31 =	simm.s32 $0x2E00;
	[smem:$0x74E] =	sst s30  }
0x1a: {  	s11 =	simm.s32 $0x2F80;
	[smem:$0x74F] =	sst s31  }
0x1b: {  	s12 =	simm.s32 $0x2C00;
	[smem:$0x755] =	sst s11  }
0x1c: {  	s13 =	simm.s32 $0x3000;
	[smem:$0x756] =	sst s12  }
0x1d: {  	s14 =	simm.s32 $0x2C80;
	[smem:$0x757] =	sst s13  }
0x1e: {  	s15 =	simm.s32 $0x3080;
	[smem:$0x758] =	sst s14  }
0x1f: {  	s16 =	simm.s32 $0x2D00;
	[smem:$0x759] =	sst s15  }
0x20: {  	s17 =	simm.s32 $0x3100;
	[smem:$0x75A] =	sst s16  }
0x21: {  	s18 =	simm.s32 $0x2D80;
	[smem:$0x75B] =	sst s17  }
0x22: {  	s10 =	sshll.u32 s2, $0x7;
	s19 =	simm.s32 $0x3180;
	[smem:$0x75C] =	sst s18  }
0x23: {  	s5 =	sadd.s32 s10, s5;
	[smem:$0x75D] =	sst s19  }
0x24: {  	s10 =	simm.s32 $0xB200;
	[dreg:$0x4] =	wrdreg s5  }
0x25: {  	s8 =	simm.s32 $0x2B00;
	[dreg:$0x12] =	wrdreg s10  }
0x26: {  	s20 =	simm.s32 $0x3200;
	[smem:$0x752] =	sst s8  }
0x27: {  	s26 =	simm.s32 $0x3380;
	[smem:$0x75E] =	sst s20  }
0x28: {  	s28 =	simm.s32 $0x3780;
	[smem:$0x764] =	sst s26  }
0x29: {  	s29 =	simm.s32 $0x3400;
	[smem:$0x765] =	sst s28  }
0x2a: {  	s30 =	simm.s32 $0x3800;
	[smem:$0x766] =	sst s29  }
0x2b: {  	s31 =	simm.s32 $0x3480;
	[smem:$0x767] =	sst s30  }
0x2c: {  	s11 =	simm.s32 $0x5A00;
	[smem:$0x768] =	sst s31  }
0x2d: {  	s12 =	simm.s32 $0x5E00;
	[smem:$0x76E] =	sst s11  }
0x2e: {  	s13 =	simm.s32 $0x5A80;
	[smem:$0x76F] =	sst s12  }
0x2f: {  	s14 =	simm.s32 $0x5E80;
	[smem:$0x770] =	sst s13  }
0x30: {  	s15 =	simm.s32 $0x5B00;
	[smem:$0x771] =	sst s14  }
0x31: {  	s16 =	simm.s32 $0x5F00;
	[smem:$0x772] =	sst s15  }
0x32: {  	s17 =	simm.s32 $0x5B80;
	[smem:$0x773] =	sst s16  }
0x33: {  	s18 =	simm.s32 $0x5F80;
	[smem:$0x774] =	sst s17  }
0x34: {  	s19 =	simm.s32 $0x5C00;
	[smem:$0x775] =	sst s18  }
0x35: {  	s10 =	simm.s32 $0x2B80;
	[smem:$0x776] =	sst s19  }
0x36: {  	s8 =	simm.s32 $0x3900;
	[smem:$0x754] =	sst s10  }
0x37: {  	s20 =	simm.s32 $0x6000;
	[smem:$0x76B] =	sst s8  }
0x38: {  	s26 =	simm.s32 $0x6180;
	[smem:$0x777] =	sst s20  }
0x39: {  	s28 =	simm.s32 $0x6200;
	[smem:$0x77D] =	sst s26  }
0x3a: {  	s29 =	simm.s32 $0x6600;
	[smem:$0x77E] =	sst s28  }
0x3b: {  	s30 =	simm.s32 $0x6280;
	[smem:$0x77F] =	sst s29  }
0x3c: {  	s31 =	simm.s32 $0x6680;
	[smem:$0x780] =	sst s30  }
0x3d: {  	s11 =	simm.s32 $0x6800;
	[smem:$0x781] =	sst s31  }
0x3e: {  	s12 =	simm.s32 $0x6480;
	[smem:$0x787] =	sst s11  }
0x3f: {  	s13 =	simm.s32 $0x6880;
	[smem:$0x788] =	sst s12  }
0x40: {  	s14 =	simm.s32 $0x6500;
	[smem:$0x789] =	sst s13  }
0x41: {  	s15 =	simm.s32 $0x6900;
	[smem:$0x78A] =	sst s14  }
0x42: {  	s16 =	simm.s32 $0x6580;
	[smem:$0x78B] =	sst s15  }
0x43: {  	s9 =	smul.u32 $0x3800, s7;
	s17 =	simm.s32 $0x6980;
	[smem:$0x78C] =	sst s16  }
0x44: {  	s7 =	smul.u32 $0x700, s7;
	s18 =	simm.s32 $0x6A00;
	[smem:$0x78D] =	sst s17  }
0x45: {  	s6 =	sadd.s32 $0x400, s6;
	s19 =	simm.s32 $0x6E00;
	[smem:$0x78E] =	sst s18  }
0x46: {  	s22 =	sadd.s32 s6, s7;
	[smem:$0x78F] =	sst s19  }
0x47: {  	s7 =	simm.s32 $0x7A00;
	[dreg:$0x5] =	wrdreg s22  }
0x48: {  	s21 =	sshrl.u32 s9, $0x3;
	s9 =	simm.s32 $0x8A00;
	[dreg:$0xf] =	wrdreg s7  }
0x49: {  	s10 =	simm.s32 $0x3980;
	[dreg:$0x11] =	wrdreg s9  }
0x4a: {  	s8 =	simm.s32 $0x6380;
	[smem:$0x76D] =	sst s10  }
0x4b: {  	s20 =	simm.s32 $0x6A80;
	[smem:$0x784] =	sst s8  }
0x4c: {  	s26 =	simm.s32 $0x6C00;
	[smem:$0x790] =	sst s20  }
0x4d: {  	s28 =	simm.s32 $0x7000;
	[smem:$0x796] =	sst s26  }
0x4e: {  	s29 =	simm.s32 $0x6C80;
	[smem:$0x797] =	sst s28  }
0x4f: {  	s30 =	simm.s32 $0x7080;
	[smem:$0x798] =	sst s29  }
0x50: {  	s31 =	simm.s32 $0x6D00;
	[smem:$0x799] =	sst s30  }
0x51: {  	s11 =	simm.s32 $0x9280;
	[smem:$0x79A] =	sst s31  }
0x52: {  	s12 =	simm.s32 $0x9680;
	[smem:$0x7A0] =	sst s11  }
0x53: {  	s13 =	simm.s32 $0x9300;
	[smem:$0x7A1] =	sst s12  }
0x54: {  	s14 =	simm.s32 $0x9700;
	[smem:$0x7A2] =	sst s13  }
0x55: {  	s15 =	simm.s32 $0x9380;
	[smem:$0x7A3] =	sst s14  }
0x56: {  	s16 =	simm.s32 $0x9780;
	[smem:$0x7A4] =	sst s15  }
0x57: {  	s17 =	simm.s32 $0x9400;
	[smem:$0x7A5] =	sst s16  }
0x58: {  	s18 =	simm.s32 $0x9800;
	[smem:$0x7A6] =	sst s17  }
0x59: {  	s19 =	simm.s32 $0x9480;
	[smem:$0x7A7] =	sst s18  }
0x5a: {  	s6 =	sadd.s32 s6, s21;
	s21 =	simm.s32 $0x2400;
	[smem:$0x7A8] =	sst s19  }
0x5b: {  	s22 =	simm.s32 $0x2800;
	[dreg:$0x1d] =	wrdreg s21  }
0x5c: {  	s7 =	simm.s32 $0x2E80;
	[dreg:$0x1e] =	wrdreg s22  }
0x5d: {  	s9 =	simm.s32 $0x2F00;
	[smem:$0x751] =	sst s7  }
0x5e: {  	s10 =	simm.s32 $0x6400;
	[smem:$0x753] =	sst s9  }
0x5f: {  	s8 =	simm.s32 $0x7180;
	[smem:$0x786] =	sst s10  }
0x60: {  	s20 =	simm.s32 $0x9880;
	[smem:$0x79D] =	sst s8  }
0x61: {  	s26 =	simm.s32 $0x9E00;
	[smem:$0x7A9] =	sst s20  }
0x62: {  	s28 =	simm.s32 $0x9A80;
	[smem:$0x7AF] =	sst s26  }
0x63: {  	s29 =	simm.s32 $0x9E80;
	[smem:$0x7B0] =	sst s28  }
0x64: {  	s30 =	simm.s32 $0x9B00;
	[smem:$0x7B1] =	sst s29  }
0x65: {  	s31 =	simm.s32 $0x9F00;
	[smem:$0x7B2] =	sst s30  }
0x66: {  	s11 =	simm.s32 $0xA080;
	[smem:$0x7B3] =	sst s31  }
0x67: {  	s12 =	simm.s32 $0x9D00;
	[smem:$0x7B9] =	sst s11  }
0x68: {  	s13 =	simm.s32 $0xA100;
	[smem:$0x7BA] =	sst s12  }
0x69: {  	s14 =	simm.s32 $0x9D80;
	[smem:$0x7BB] =	sst s13  }
0x6a: {  	s15 =	simm.s32 $0xA180;
	[smem:$0x7BC] =	sst s14  }
0x6b: {  	s16 =	simm.s32 $0xA200;
	[smem:$0x7BD] =	sst s15  }
0x6c: {  	s17 =	simm.s32 $0xA600;
	[smem:$0x7BE] =	sst s16  }
0x6d: {  	s18 =	simm.s32 $0xA280;
	[smem:$0x7BF] =	sst s17  }
0x6e: {  	s19 =	simm.s32 $0xA680;
	[smem:$0x7C0] =	sst s18  }
0x6f: {  	s23 =	sadd.s32 $0x700, s6;
	[smem:$0x7C1] =	sst s19  }
0x70: {  	s24 =	sadd.s32 $0xE00, s6;
	[dreg:$0x6] =	wrdreg s23  }
0x71: {  	s25 =	sadd.s32 $0x1500, s6;
	[dreg:$0x7] =	wrdreg s24  }
0x72: {  	s6 =	simm.s32 $0x5200;
	[dreg:$0x8] =	wrdreg s25  }
0x73: {  	s21 =	simm.s32 $0x3600;
	[dreg:$0xe] =	wrdreg s6  }
0x74: {  	s22 =	simm.s32 $0x3280;
	[smem:$0x75F] =	sst s21  }
0x75: {  	s7 =	simm.s32 $0x3500;
	[smem:$0x760] =	sst s22  }
0x76: {  	s9 =	simm.s32 $0x3580;
	[smem:$0x76A] =	sst s7  }
0x77: {  	s10 =	simm.s32 $0x9600;
	[smem:$0x76C] =	sst s9  }
0x78: {  	s8 =	simm.s32 $0x9C00;
	[smem:$0x79F] =	sst s10  }
0x79: {  	s20 =	simm.s32 $0xA300;
	[smem:$0x7B6] =	sst s8  }
0x7a: {  	s26 =	simm.s32 $0xA480;
	[smem:$0x7C2] =	sst s20  }
0x7b: {  	s28 =	simm.s32 $0xA880;
	[smem:$0x7C8] =	sst s26  }
0x7c: {  	s29 =	simm.s32 $0xA500;
	[smem:$0x7C9] =	sst s28  }
0x7d: {  	s30 =	simm.s32 $0xA900;
	[smem:$0x7CA] =	sst s29  }
0x7e: {  	s31 =	simm.s32 $0xA580;
	[smem:$0x7CB] =	sst s30  }
0x7f: {  	s11 =	simm.s32 $0xCB00;
	[smem:$0x7CC] =	sst s31  }
0x80: {  	s12 =	simm.s32 $0xCF00;
	[smem:$0x7D2] =	sst s11  }
0x81: {  	s13 =	simm.s32 $0xCB80;
	[smem:$0x7D3] =	sst s12  }
0x82: {  	s14 =	simm.s32 $0xCF80;
	[smem:$0x7D4] =	sst s13  }
0x83: {  	s15 =	simm.s32 $0xCC00;
	[smem:$0x7D5] =	sst s14  }
0x84: {  	s16 =	simm.s32 $0xD000;
	[smem:$0x7D6] =	sst s15  }
0x85: {  	s17 =	simm.s32 $0xCC80;
	[smem:$0x7D7] =	sst s16  }
0x86: {  	s18 =	simm.s32 $0xD080;
	[smem:$0x7D8] =	sst s17  }
0x87: {  	s19 =	simm.s32 $0xCD00;
	[smem:$0x7D9] =	sst s18  }
0x88: {  	s23 =	simm.s32 $0x2480;
	[smem:$0x7DA] =	sst s19  }
0x89: {  	s24 =	simm.s32 $0x2880;
	[dreg:$0x1f] =	wrdreg s23  }
0x8a: {  	s25 =	simm.s32 $0x2500;
	[smem:$0x749] =	sst s24  }
0x8b: {  	s6 =	simm.s32 $0x2A80;
	[smem:$0x74A] =	sst s25  }
0x8c: {  	s21 =	simm.s32 $0x5C80;
	[smem:$0x750] =	sst s6  }
0x8d: {  	s22 =	simm.s32 $0x6080;
	[smem:$0x778] =	sst s21  }
0x8e: {  	s7 =	simm.s32 $0x6700;
	[smem:$0x779] =	sst s22  }
0x8f: {  	s9 =	simm.s32 $0x6780;
	[smem:$0x783] =	sst s7  }
0x90: {  	s10 =	simm.s32 $0x9C80;
	[smem:$0x785] =	sst s9  }
0x91: {  	s8 =	simm.s32 $0xCE00;
	[smem:$0x7B8] =	sst s10  }
0x92: {  	s20 =	simm.s32 $0xD100;
	[smem:$0x7CF] =	sst s8  }
0x93: {  	s26 =	simm.s32 $0xD680;
	[smem:$0x7DB] =	sst s20  }
0x94: {  	s28 =	simm.s32 $0xD300;
	[smem:$0x7E1] =	sst s26  }
0x95: {  	s29 =	simm.s32 $0xD700;
	[smem:$0x7E2] =	sst s28  }
0x96: {  	s30 =	simm.s32 $0xD380;
	[smem:$0x7E3] =	sst s29  }
0x97: {  	s31 =	simm.s32 $0xD780;
	[smem:$0x7E4] =	sst s30  }
0x98: {  	s11 =	simm.s32 $0xD900;
	[smem:$0x7E5] =	sst s31  }
0x99: {  	s12 =	simm.s32 $0xD580;
	[smem:$0x7EB] =	sst s11  }
0x9a: {  	s13 =	simm.s32 $0xD980;
	[smem:$0x7EC] =	sst s12  }
0x9b: {  	s14 =	simm.s32 $0xDA00;
	[smem:$0x7ED] =	sst s13  }
0x9c: {  	s15 =	simm.s32 $0xDE00;
	[smem:$0x7EE] =	sst s14  }
0x9d: {  	s16 =	simm.s32 $0xDA80;
	[smem:$0x7EF] =	sst s15  }
0x9e: {  	s17 =	simm.s32 $0xDE80;
	[smem:$0x7F0] =	sst s16  }
0x9f: {  	s18 =	simm.s32 $0xDB00;
	[smem:$0x7F1] =	sst s17  }
0xa0: {  	s19 =	simm.s32 $0xDF00;
	[smem:$0x7F2] =	sst s18  }
0xa1: {  	s23 =	simm.s32 $0x3680;
	[smem:$0x7F3] =	sst s19  }
0xa2: {  	s24 =	simm.s32 $0x3300;
	[smem:$0x761] =	sst s23  }
0xa3: {  	s25 =	simm.s32 $0x3700;
	[smem:$0x762] =	sst s24  }
0xa4: {  	s6 =	simm.s32 $0x3880;
	[smem:$0x763] =	sst s25  }
0xa5: {  	s21 =	simm.s32 $0x6E80;
	[smem:$0x769] =	sst s6  }
0xa6: {  	s22 =	simm.s32 $0x6B00;
	[smem:$0x791] =	sst s21  }
0xa7: {  	s7 =	simm.s32 $0x6D80;
	[smem:$0x792] =	sst s22  }
0xa8: {  	s9 =	simm.s32 $0x9200;
	[smem:$0x79C] =	sst s7  }
0xa9: {  	s10 =	simm.s32 $0xCE80;
	[smem:$0x79E] =	sst s9  }
0xaa: {  	s8 =	simm.s32 $0xD480;
	[smem:$0x7D1] =	sst s10  }
0xab: {  	s20 =	simm.s32 $0xDB80;
	[smem:$0x7E8] =	sst s8  }
0xac: {  	s26 =	simm.s32 $0xE080;
	[smem:$0x7F4] =	sst s20  }
0xad: {  	s28 =	simm.s32 $0xDD00;
	[smem:$0x7F9] =	sst s26  }
0xae: {  	s29 =	simm.s32 $0xE100;
	[smem:$0x7FA] =	sst s28  }
0xaf: {  	s30 =	simm.s32 $0xDD80;
	[smem:$0x7FB] =	sst s29  }
0xb0: {  	s31 =	simm.s32 $0xE180;
	[smem:$0x7FC] =	sst s30  }
0xb1: {  	s23 =	simm.s32 $0x5D00;
	[smem:$0x7FD] =	sst s31  }
0xb2: {  	s24 =	simm.s32 $0x6100;
	[smem:$0x77A] =	sst s23  }
0xb3: {  	s25 =	simm.s32 $0x5D80;
	[smem:$0x77B] =	sst s24  }
0xb4: {  	s6 =	simm.s32 $0x6300;
	[smem:$0x77C] =	sst s25  }
0xb5: {  	s21 =	simm.s32 $0x9500;
	[smem:$0x782] =	sst s6  }
0xb6: {  	s22 =	simm.s32 $0x9900;
	[smem:$0x7AA] =	sst s21  }
0xb7: {  	s7 =	simm.s32 $0x9F80;
	[smem:$0x7AB] =	sst s22  }
0xb8: {  	s9 =	simm.s32 $0xA000;
	[smem:$0x7B5] =	sst s7  }
0xb9: {  	s10 =	simm.s32 $0xD500;
	[smem:$0x7B7] =	sst s9  }
0xba: {  	s23 =	simm.s32 $0x6F00;
	[smem:$0x7EA] =	sst s10  }
0xbb: {  	s24 =	simm.s32 $0x6B80;
	[smem:$0x793] =	sst s23  }
0xbc: {  	s25 =	simm.s32 $0x6F80;
	[smem:$0x794] =	sst s24  }
0xbd: {  	s6 =	simm.s32 $0x7100;
	[smem:$0x795] =	sst s25  }
0xbe: {  	s21 =	simm.s32 $0xA700;
	[smem:$0x79B] =	sst s6  }
0xbf: {  	s22 =	simm.s32 $0xA380;
	[smem:$0x7C3] =	sst s21  }
0xc0: {  	s7 =	simm.s32 $0xCA00;
	[smem:$0x7C4] =	sst s22  }
0xc1: {  	s9 =	simm.s32 $0xCA80;
	[smem:$0x7CE] =	sst s7  }
0xc2: {  	s23 =	simm.s32 $0x9580;
	[smem:$0x7D0] =	sst s9  }
0xc3: {  	s24 =	simm.s32 $0x9980;
	[smem:$0x7AC] =	sst s23  }
0xc4: {  	s25 =	simm.s32 $0x9A00;
	[smem:$0x7AD] =	sst s24  }
0xc5: {  	s6 =	simm.s32 $0x9B80;
	[smem:$0x7AE] =	sst s25  }
0xc6: {  	s21 =	simm.s32 $0xCD80;
	[smem:$0x7B4] =	sst s6  }
0xc7: {  	s22 =	simm.s32 $0xD180;
	[smem:$0x7DC] =	sst s21  }
0xc8: {  	s7 =	simm.s32 $0xD800;
	[smem:$0x7DD] =	sst s22  }
0xc9: {  	s9 =	simm.s32 $0xD880;
	[smem:$0x7E7] =	sst s7  }
0xca: {  	s23 =	simm.s32 $0xA780;
	[smem:$0x7E9] =	sst s9  }
0xcb: {  	s24 =	simm.s32 $0xA400;
	[smem:$0x7C5] =	sst s23  }
0xcc: {  	s4 =	ssub.s32 $0x2, s4;
	s25 =	simm.s32 $0xA800;
	[smem:$0x7C6] =	sst s24  }
0xcd: {  	s5 =	simm.s32 $0x4;
	s6 =	simm.s32 $0xA980;
	[smem:$0x7C7] =	sst s25  }
0xce: {  	s11 =	simm.s32 $0x1;
	s21 =	simm.s32 $0xDF80;
	[smem:$0x7CD] =	sst s6  }
0xcf: {  	s12 =	simm.s32 $0x3;
	s22 =	simm.s32 $0xDC00;
	[smem:$0x7F5] =	sst s21  }
0xd0: {  	s8 =	simm.s32 $0x7200;
	s23 =	simm.s32 $0xD200;
	[smem:$0x7F6] =	sst s22  }
0xd1: {  	s10 =	simm.s32 $0x2;
	s24 =	simm.s32 $0xD600;
	[smem:$0x7DE] =	sst s23  }
0xd2: {  	s7 =	simm.s32 $0x3A00;
	s25 =	simm.s32 $0xD280;
	[smem:$0x7DF] =	sst s24  }
0xd3: {  	s9 =	simm.s32 $0xAA00;
	s6 =	simm.s32 $0xD400;
	[smem:$0x7E0] =	sst s25  }
0xd4: {  	v2 =	vlaneseq.u32;
	[smem:$0x7E6] =	sst s6;
	s23 =	simm.s32 $0xE000;
	s24 =	sshrl.u32 s4, $0x1  }
0xd5: {  	vm0 =	vmmov $0xffff;
	v1 =	vshrl.u32 v2, $0x3;
	s25 =	simm.s32 $0xDC80;
	[smem:$0x7F7] =	sst s23;
	s4 =	ssub.s32 s4, s24  }
0xd6: {  	v0 =	vand.u32 $0x7, v2;
	v2 =	vor.u32 $0x8, v2;
	v1 =	vmul.u32 $0x8, v1;
	s6 =	simm.s32 $0x200;
	[smem:$0x7F8] =	sst s25;
	s4 =	smax.u32 s4, $0x1  }
.LBB2_1:
0xd7: {  	s13 =	rddreg [dreg:$0x4]  }
0xd8: {  	[tilespmem:s3], [sflag:$0x4] =	stream.linear.gather [hbm4b:s13+s3], $0x200, $0x38;
	[tilespmem:$0xE200] =	vst v63  }
0xd9: {  	_ =	swait.ge [sflag:s5], $0x200  }
0xda: {  	[sflag:s5] =	ssyncset.done $0x0  }
0xdb: {  	[sflag:s5] =	ssyncadd.s32 $0xFFFFFE00  }
0xdc: {  	v3 =	vld [tilespmem:$0x0];
	_ =	sdelay $0x4  }
0xdd: {  	v4 =	vshll.u32 v3, $0x1  }
0xde: {  	v3 =	vand.u32 $0x7, v3;
	v4 =	vand.u32 $0xFFFFFFF0, v4  }
0xdf: {  	v3 =	vor.u32 v3, v4  }
0xe0: {  	v4 =	vperm.xlane v3, v0;
	_ =	sdelay $0x1  }
0xe1: {  	v3 =	vperm.xlane v3, v2;
	v4 =	vadd.s32 v1, v4;
	_ =	sdelay $0x1  }
0xe2: {  	v3 =	vadd.s32 v1, v3;
	_ =	sdelay $0x2  }
0xe3: {  	[tilespmem:s6], [sflag:$0x1] =	stream.indirect_vreg.gather [hbm4b:s1+s3], $0x80, v4, vm0, $0xb8;
	[tilespmem:$0xE200] =	vst v63  }
0xe4: {  	s17 =	rddreg [dreg:$0x9]  }
0xe5: {  	[tilespmem:s17], [sflag:$0x1] =	stream.indirect_vreg.gather [hbm4b:s1+s3], $0x80, v3, vm0, $0xb8;
	[tilespmem:$0xE200] =	vst v63  }
0xe6: {  	v3 =	vld [tilespmem:$0x10];
	_ =	sdelay $0x4  }
0xe7: {  	v57 =	vshll.u32 v3, $0x1  }
0xe8: {  	v3 =	vand.u32 $0x7, v3;
	v4 =	vand.u32 $0xFFFFFFF0, v57  }
0xe9: {  	v3 =	vor.u32 v3, v4  }
0xea: {  	v4 =	vperm.xlane v3, v0;
	_ =	sdelay $0x1  }
0xeb: {  	v3 =	vperm.xlane v3, v2;
	v4 =	vadd.s32 v1, v4;
	_ =	sdelay $0x1  }
0xec: {  	v3 =	vadd.s32 v1, v3;
	_ =	sdelay $0x1  }
0xed: {  	s18 =	rddreg [dreg:$0xa]  }
0xee: {  	[tilespmem:s18], [sflag:$0x1] =	stream.indirect_vreg.gather [hbm4b:s1+s3], $0x80, v4, vm0, $0xb8;
	[tilespmem:$0xE200] =	vst v63  }
0xef: {  	s14 =	rddreg [dreg:$0xb]  }
0xf0: {  	[tilespmem:s14], [sflag:$0x1] =	stream.indirect_vreg.gather [hbm4b:s1+s3], $0x80, v3, vm0, $0xb8;
	[tilespmem:$0xE200] =	vst v63  }
0xf1: {  	v3 =	vld [tilespmem:$0x80];
	_ =	sdelay $0x4  }
0xf2: {  	v58 =	vshll.u32 v3, $0x1  }
0xf3: {  	v3 =	vand.u32 $0x7, v3;
	v4 =	vand.u32 $0xFFFFFFF0, v58  }
0xf4: {  	v3 =	vor.u32 v3, v4  }
0xf5: {  	v4 =	vperm.xlane v3, v0;
	_ =	sdelay $0x1  }
0xf6: {  	v3 =	vperm.xlane v3, v2;
	v4 =	vadd.s32 v1, v4;
	_ =	sdelay $0x1  }
0xf7: {  	v3 =	vadd.s32 v1, v3;
	_ =	sdelay $0x2  }
0xf8: {  	[tilespmem:s7], [sflag:$0x1] =	stream.indirect_vreg.gather [hbm4b:s1+s3], $0x80, v4, vm0, $0xb8;
	[tilespmem:$0xE200] =	vst v63  }
0xf9: {  	s19 =	rddreg [dreg:$0xc]  }
0xfa: {  	[tilespmem:s19], [sflag:$0x1] =	stream.indirect_vreg.gather [hbm4b:s1+s3], $0x80, v3, vm0, $0xb8;
	[tilespmem:$0xE200] =	vst v63  }
0xfb: {  	v3 =	vld [tilespmem:$0x90];
	_ =	sdelay $0x4  }
0xfc: {  	v59 =	vshll.u32 v3, $0x1  }
0xfd: {  	v3 =	vand.u32 $0x7, v3;
	v4 =	vand.u32 $0xFFFFFFF0, v59  }
0xfe: {  	v3 =	vor.u32 v3, v4  }
0xff: {  	v4 =	vperm.xlane v3, v0;
	_ =	sdelay $0x1  }
0x100: {  	v3 =	vperm.xlane v3, v2;
	v4 =	vadd.s32 v1, v4;
	_ =	sdelay $0x1  }
0x101: {  	v3 =	vadd.s32 v1, v3;
	_ =	sdelay $0x1  }
0x102: {  	s20 =	rddreg [dreg:$0xd]  }
0x103: {  	[tilespmem:s20], [sflag:$0x1] =	stream.indirect_vreg.gather [hbm4b:s1+s3], $0x80, v4, vm0, $0xb8;
	[tilespmem:$0xE200] =	vst v63  }
0x104: {  	s21 =	rddreg [dreg:$0xe]  }
0x105: {  	[tilespmem:s21], [sflag:$0x1] =	stream.indirect_vreg.gather [hbm4b:s1+s3], $0x80, v3, vm0, $0xb8;
	[tilespmem:$0xE200] =	vst v63  }
0x106: {  	v3 =	vld [tilespmem:$0x100];
	_ =	sdelay $0x4  }
0x107: {  	v60 =	vshll.u32 v3, $0x1  }
0x108: {  	v3 =	vand.u32 $0x7, v3;
	v4 =	vand.u32 $0xFFFFFFF0, v60  }
0x109: {  	v3 =	vor.u32 v3, v4  }
0x10a: {  	v4 =	vperm.xlane v3, v0;
	_ =	sdelay $0x1  }
0x10b: {  	v3 =	vperm.xlane v3, v2;
	v4 =	vadd.s32 v1, v4;
	_ =	sdelay $0x1  }
0x10c: {  	v3 =	vadd.s32 v1, v3;
	_ =	sdelay $0x2  }
0x10d: {  	[tilespmem:s8], [sflag:$0x1] =	stream.indirect_vreg.gather [hbm4b:s1+s3], $0x80, v4, vm0, $0xb8;
	[tilespmem:$0xE200] =	vst v63  }
0x10e: {  	s22 =	rddreg [dreg:$0xf]  }
0x10f: {  	[tilespmem:s22], [sflag:$0x1] =	stream.indirect_vreg.gather [hbm4b:s1+s3], $0x80, v3, vm0, $0xb8;
	[tilespmem:$0xE200] =	vst v63  }
0x110: {  	v3 =	vld [tilespmem:$0x110];
	_ =	sdelay $0x4  }
0x111: {  	v61 =	vshll.u32 v3, $0x1  }
0x112: {  	v3 =	vand.u32 $0x7, v3;
	v4 =	vand.u32 $0xFFFFFFF0, v61  }
0x113: {  	v3 =	vor.u32 v3, v4  }
0x114: {  	v4 =	vperm.xlane v3, v0;
	_ =	sdelay $0x1  }
0x115: {  	v3 =	vperm.xlane v3, v2;
	v4 =	vadd.s32 v1, v4;
	_ =	sdelay $0x1  }
0x116: {  	v3 =	vadd.s32 v1, v3;
	_ =	sdelay $0x1  }
0x117: {  	s23 =	rddreg [dreg:$0x10]  }
0x118: {  	[tilespmem:s23], [sflag:$0x1] =	stream.indirect_vreg.gather [hbm4b:s1+s3], $0x80, v4, vm0, $0xb8;
	[tilespmem:$0xE200] =	vst v63  }
0x119: {  	s24 =	rddreg [dreg:$0x11]  }
0x11a: {  	[tilespmem:s24], [sflag:$0x1] =	stream.indirect_vreg.gather [hbm4b:s1+s3], $0x80, v3, vm0, $0xb8;
	[tilespmem:$0xE200] =	vst v63  }
0x11b: {  	v3 =	vld [tilespmem:$0x180];
	_ =	sdelay $0x4  }
0x11c: {  	v62 =	vshll.u32 v3, $0x1  }
0x11d: {  	v3 =	vand.u32 $0x7, v3;
	v4 =	vand.u32 $0xFFFFFFF0, v62  }
0x11e: {  	v3 =	vor.u32 v3, v4  }
0x11f: {  	v4 =	vperm.xlane v3, v0;
	_ =	sdelay $0x1  }
0x120: {  	v3 =	vperm.xlane v3, v2;
	v4 =	vadd.s32 v1, v4;
	_ =	sdelay $0x1  }
0x121: {  	v3 =	vadd.s32 v1, v3;
	_ =	sdelay $0x2  }
0x122: {  	[tilespmem:s9], [sflag:$0x1] =	stream.indirect_vreg.gather [hbm4b:s1+s3], $0x80, v4, vm0, $0xb8;
	[tilespmem:$0xE200] =	vst v63  }
0x123: {  	s25 =	rddreg [dreg:$0x12]  }
0x124: {  	[tilespmem:s25], [sflag:$0x1] =	stream.indirect_vreg.gather [hbm4b:s1+s3], $0x80, v3, vm0, $0xb8;
	[tilespmem:$0xE200] =	vst v63  }
0x125: {  	v3 =	vld [tilespmem:$0x190];
	_ =	sdelay $0x4  }
0x126: {  	v63 =	vshll.u32 v3, $0x1  }
0x127: {  	v3 =	vand.u32 $0x7, v3;
	v4 =	vand.u32 $0xFFFFFFF0, v63  }
0x128: {  	v3 =	vor.u32 v3, v4  }
0x129: {  	v4 =	vperm.xlane v3, v0;
	_ =	sdelay $0x1  }
0x12a: {  	v3 =	vperm.xlane v3, v2;
	v4 =	vadd.s32 v1, v4;
	_ =	sdelay $0x1  }
0x12b: {  	v3 =	vadd.s32 v1, v3;
	_ =	sdelay $0x1  }
0x12c: {  	s26 =	rddreg [dreg:$0x13]  }
0x12d: {  	[tilespmem:s26], [sflag:$0x1] =	stream.indirect_vreg.gather [hbm4b:s1+s3], $0x80, v4, vm0, $0xb8;
	[tilespmem:$0xE200] =	vst v63  }
0x12e: {  	s28 =	rddreg [dreg:$0x14]  }
0x12f: {  	[tilespmem:s28], [sflag:$0x1] =	stream.indirect_vreg.gather [hbm4b:s1+s3], $0x80, v3, vm0, $0xb8;
	[tilespmem:$0xE200] =	vst v63  }
0x130: {  	v3 =	vld [tilespmem:$0x20];
	_ =	sdelay $0x4  }
0x131: {  	(v2sf) =	vpush v3, $0x0;
	_ =	sdelay $0x8  }
0x132: {  	(v2sf) =	vpush v3, $0x1;
	_ =	sdelay $0x5  }
0x133: {  	s29 =	spop (v2sf)  }
0x134: {  	(v2sf) =	vpush v3, $0x2;
	s30 =	sshll.u32 s29, $0x8;
	s13 =	sshll.u32 s29, $0x7  }
0x135: {  	s14 =	sand.u32 $0xFFFFF800, s30;
	s13 =	sand.u32 $0x380, s13  }
0x136: {  	s13 =	sor.u32 s13, s14  }
0x137: {  	s13 =	sshrl.u32 s13, $0x3  }
0x138: {  	s31 =	rddreg [dreg:$0x15];
	s13 =	sadd.s32 s1, s13  }
0x139: {  	[tilespmem:s31], [sflag:$0x2] =	stream.linear.gather [hbm4b:s13+s3], $0x80, $0x38;
	[tilespmem:$0xE200] =	vst v63  }
0x13a: {  	s15 =	rddreg [dreg:$0x16];
	s13 =	sadd.s32 $0x80, s13  }
0x13b: {  	[tilespmem:s15], [sflag:$0x2] =	stream.linear.gather [hbm4b:s13+s3], $0x80, $0x38;
	[tilespmem:$0xE200] =	vst v63  }
0x13c: {  	s15 =	spop (v2sf)  }
0x13d: {  	s16 =	sshll.u32 s15, $0x8;
	s13 =	sshll.u32 s15, $0x7  }
0x13e: {  	(v2sf) =	vpush v3, $0x3;
	s14 =	sand.u32 $0xFFFFF800, s16;
	s13 =	sand.u32 $0x380, s13  }
0x13f: {  	s13 =	sor.u32 s13, s14  }
0x140: {  	s13 =	sshrl.u32 s13, $0x3  }
0x141: {  	s17 =	rddreg [dreg:$0x17];
	s13 =	sadd.s32 s1, s13  }
0x142: {  	[tilespmem:s17], [sflag:$0x2] =	stream.linear.gather [hbm4b:s13+s3], $0x80, $0x38;
	[tilespmem:$0xE200] =	vst v63  }
0x143: {  	s18 =	rddreg [dreg:$0x18];
	s13 =	sadd.s32 $0x80, s13;
	s19 =	spop (v2sf)  }
0x144: {  	[tilespmem:s18], [sflag:$0x2] =	stream.linear.gather [hbm4b:s13+s3], $0x80, $0x38;
	[tilespmem:$0xE200] =	vst v63  }
0x145: {  	(v2sf) =	vpush v3, $0x4;
	s20 =	sshll.u32 s19, $0x8;
	s13 =	sshll.u32 s19, $0x7  }
0x146: {  	s14 =	sand.u32 $0xFFFFF800, s20;
	s13 =	sand.u32 $0x380, s13  }
0x147: {  	s13 =	sor.u32 s13, s14  }
0x148: {  	s13 =	sshrl.u32 s13, $0x3  }
0x149: {  	s21 =	rddreg [dreg:$0x19];
	s13 =	sadd.s32 s1, s13  }
0x14a: {  	[tilespmem:s21], [sflag:$0x2] =	stream.linear.gather [hbm4b:s13+s3], $0x80, $0x38;
	[tilespmem:$0xE200] =	vst v63  }
0x14b: {  	s22 =	rddreg [dreg:$0x1a];
	s13 =	sadd.s32 $0x80, s13  }
0x14c: {  	[tilespmem:s22], [sflag:$0x2] =	stream.linear.gather [hbm4b:s13+s3], $0x80, $0x38;
	[tilespmem:$0xE200] =	vst v63  }
0x14d: {  	s23 =	spop (v2sf)  }
0x14e: {  	s24 =	sshll.u32 s23, $0x8;
	s13 =	sshll.u32 s23, $0x7  }
0x14f: {  	(v2sf) =	vpush v3, $0x5;
	s14 =	sand.u32 $0xFFFFF800, s24;
	s13 =	sand.u32 $0x380, s13  }
0x150: {  	s13 =	sor.u32 s13, s14  }
0x151: {  	s13 =	sshrl.u32 s13, $0x3  }
0x152: {  	s25 =	rddreg [dreg:$0x1b];
	s13 =	sadd.s32 s1, s13  }
0x153: {  	[tilespmem:s25], [sflag:$0x2] =	stream.linear.gather [hbm4b:s13+s3], $0x80, $0x38;
	[tilespmem:$0xE200] =	vst v63  }
0x154: {  	s26 =	rddreg [dreg:$0x1c];
	s13 =	sadd.s32 $0x80, s13;
	s28 =	spop (v2sf)  }
0x155: {  	[tilespmem:s26], [sflag:$0x2] =	stream.linear.gather [hbm4b:s13+s3], $0x80, $0x38;
	[tilespmem:$0xE200] =	vst v63  }
0x156: {  	(v2sf) =	vpush v3, $0x6;
	s29 =	sshll.u32 s28, $0x8;
	s13 =	sshll.u32 s28, $0x7  }
0x157: {  	s14 =	sand.u32 $0xFFFFF800, s29;
	s13 =	sand.u32 $0x380, s13  }
0x158: {  	s13 =	sor.u32 s13, s14  }
0x159: {  	s13 =	sshrl.u32 s13, $0x3  }
0x15a: {  	s30 =	rddreg [dreg:$0x1d];
	s13 =	sadd.s32 s1, s13  }
0x15b: {  	[tilespmem:s30], [sflag:$0x2] =	stream.linear.gather [hbm4b:s13+s3], $0x80, $0x38;
	[tilespmem:$0xE200] =	vst v63  }
0x15c: {  	s31 =	rddreg [dreg:$0x1e];
	s13 =	sadd.s32 $0x80, s13  }
0x15d: {  	[tilespmem:s31], [sflag:$0x2] =	stream.linear.gather [hbm4b:s13+s3], $0x80, $0x38;
	[tilespmem:$0xE200] =	vst v63  }
0x15e: {  	s15 =	spop (v2sf)  }
0x15f: {  	s16 =	sshll.u32 s15, $0x8;
	s13 =	sshll.u32 s15, $0x7  }
0x160: {  	(v2sf) =	vpush v3, $0x7;
	s14 =	sand.u32 $0xFFFFF800, s16;
	s13 =	sand.u32 $0x380, s13  }
0x161: {  	s13 =	sor.u32 s13, s14  }
0x162: {  	s17 =	rddreg [dreg:$0x1f];
	s13 =	sshrl.u32 s13, $0x3  }
0x163: {  	s18 =	sld [smem:$0x749];
	s13 =	sadd.s32 s1, s13  }
0x164: {  	[tilespmem:s17], [sflag:$0x2] =	stream.linear.gather [hbm4b:s13+s3], $0x80, $0x38;
	[tilespmem:$0xE200] =	vst v63  }
0x165: {  	s13 =	sadd.s32 $0x80, s13;
	s19 =	spop (v2sf)  }
0x166: {  	[tilespmem:s18], [sflag:$0x2] =	stream.linear.gather [hbm4b:s13+s3], $0x80, $0x38;
	[tilespmem:$0xE200] =	vst v63  }
0x167: {  	(v2sf) =	vpush v3, $0x8;
	s20 =	sshll.u32 s19, $0x8;
	s13 =	sshll.u32 s19, $0x7  }
0x168: {  	s14 =	sand.u32 $0xFFFFF800, s20;
	s13 =	sand.u32 $0x380, s13  }
0x169: {  	s21 =	sld [smem:$0x74A];
	s13 =	sor.u32 s13, s14  }
0x16a: {  	s13 =	sshrl.u32 s13, $0x3  }
0x16b: {  	s22 =	sld [smem:$0x74B];
	s13 =	sadd.s32 s1, s13  }
0x16c: {  	[tilespmem:s21], [sflag:$0x2] =	stream.linear.gather [hbm4b:s13+s3], $0x80, $0x38;
	[tilespmem:$0xE200] =	vst v63  }
0x16d: {  	s13 =	sadd.s32 $0x80, s13  }
0x16e: {  	[tilespmem:s22], [sflag:$0x2] =	stream.linear.gather [hbm4b:s13+s3], $0x80, $0x38;
	[tilespmem:$0xE200] =	vst v63  }
0x16f: {  	s23 =	spop (v2sf)  }
0x170: {  	s24 =	sshll.u32 s23, $0x8;
	s13 =	sshll.u32 s23, $0x7  }
0x171: {  	(v2sf) =	vpush v3, $0x9;
	s14 =	sand.u32 $0xFFFFF800, s24;
	s13 =	sand.u32 $0x380, s13  }
0x172: {  	s25 =	sld [smem:$0x74C];
	s13 =	sor.u32 s13, s14  }
0x173: {  	s13 =	sshrl.u32 s13, $0x3  }
0x174: {  	s26 =	sld [smem:$0x74D];
	s13 =	sadd.s32 s1, s13  }
0x175: {  	[tilespmem:s25], [sflag:$0x2] =	stream.linear.gather [hbm4b:s13+s3], $0x80, $0x38;
	[tilespmem:$0xE200] =	vst v63  }
0x176: {  	s13 =	sadd.s32 $0x80, s13;
	s28 =	spop (v2sf)  }
0x177: {  	[tilespmem:s26], [sflag:$0x2] =	stream.linear.gather [hbm4b:s13+s3], $0x80, $0x38;
	[tilespmem:$0xE200] =	vst v63  }
0x178: {  	(v2sf) =	vpush v3, $0xA;
	s29 =	sshll.u32 s28, $0x8;
	s13 =	sshll.u32 s28, $0x7  }
0x179: {  	s14 =	sand.u32 $0xFFFFF800, s29;
	s13 =	sand.u32 $0x380, s13  }
0x17a: {  	s30 =	sld [smem:$0x74E];
	s13 =	sor.u32 s13, s14  }
0x17b: {  	s13 =	sshrl.u32 s13, $0x3  }
0x17c: {  	s31 =	sld [smem:$0x74F];
	s13 =	sadd.s32 s1, s13  }
0x17d: {  	[tilespmem:s30], [sflag:$0x2] =	stream.linear.gather [hbm4b:s13+s3], $0x80, $0x38;
	[tilespmem:$0xE200] =	vst v63  }
0x17e: {  	s13 =	sadd.s32 $0x80, s13  }
0x17f: {  	[tilespmem:s31], [sflag:$0x2] =	stream.linear.gather [hbm4b:s13+s3], $0x80, $0x38;
	[tilespmem:$0xE200] =	vst v63  }
0x180: {  	s15 =	spop (v2sf)  }
0x181: {  	s16 =	sshll.u32 s15, $0x8;
	s13 =	sshll.u32 s15, $0x7  }
0x182: {  	(v2sf) =	vpush v3, $0xB;
	s14 =	sand.u32 $0xFFFFF800, s16;
	s13 =	sand.u32 $0x380, s13  }
0x183: {  	s17 =	sld [smem:$0x750];
	s13 =	sor.u32 s13, s14  }
0x184: {  	s13 =	sshrl.u32 s13, $0x3  }
0x185: {  	s18 =	sld [smem:$0x751];
	s13 =	sadd.s32 s1, s13  }
0x186: {  	[tilespmem:s17], [sflag:$0x2] =	stream.linear.gather [hbm4b:s13+s3], $0x80, $0x38;
	[tilespmem:$0xE200] =	vst v63  }
0x187: {  	s13 =	sadd.s32 $0x80, s13;
	s19 =	spop (v2sf)  }
0x188: {  	[tilespmem:s18], [sflag:$0x2] =	stream.linear.gather [hbm4b:s13+s3], $0x80, $0x38;
	[tilespmem:$0xE200] =	vst v63  }
0x189: {  	(v2sf) =	vpush v3, $0xC;
	s20 =	sshll.u32 s19, $0x8;
	s13 =	sshll.u32 s19, $0x7  }
0x18a: {  	s14 =	sand.u32 $0xFFFFF800, s20;
	s13 =	sand.u32 $0x380, s13  }
0x18b: {  	s21 =	sld [smem:$0x752];
	s13 =	sor.u32 s13, s14  }
0x18c: {  	s13 =	sshrl.u32 s13, $0x3  }
0x18d: {  	s22 =	sld [smem:$0x753];
	s13 =	sadd.s32 s1, s13  }
0x18e: {  	[tilespmem:s21], [sflag:$0x2] =	stream.linear.gather [hbm4b:s13+s3], $0x80, $0x38;
	[tilespmem:$0xE200] =	vst v63  }
0x18f: {  	s13 =	sadd.s32 $0x80, s13  }
0x190: {  	[tilespmem:s22], [sflag:$0x2] =	stream.linear.gather [hbm4b:s13+s3], $0x80, $0x38;
	[tilespmem:$0xE200] =	vst v63  }
0x191: {  	s23 =	spop (v2sf)  }
0x192: {  	s24 =	sshll.u32 s23, $0x8;
	s13 =	sshll.u32 s23, $0x7  }
0x193: {  	(v2sf) =	vpush v3, $0xD;
	s14 =	sand.u32 $0xFFFFF800, s24;
	s13 =	sand.u32 $0x380, s13  }
0x194: {  	s25 =	sld [smem:$0x754];
	s13 =	sor.u32 s13, s14  }
0x195: {  	s13 =	sshrl.u32 s13, $0x3  }
0x196: {  	s26 =	sld [smem:$0x755];
	s13 =	sadd.s32 s1, s13  }
0x197: {  	[tilespmem:s25], [sflag:$0x2] =	stream.linear.gather [hbm4b:s13+s3], $0x80, $0x38;
	[tilespmem:$0xE200] =	vst v63  }
0x198: {  	s13 =	sadd.s32 $0x80, s13;
	s28 =	spop (v2sf)  }
0x199: {  	[tilespmem:s26], [sflag:$0x2] =	stream.linear.gather [hbm4b:s13+s3], $0x80, $0x38;
	[tilespmem:$0xE200] =	vst v63  }
0x19a: {  	(v2sf) =	vpush v3, $0xE;
	s29 =	sshll.u32 s28, $0x8;
	s13 =	sshll.u32 s28, $0x7  }
0x19b: {  	s14 =	sand.u32 $0xFFFFF800, s29;
	s13 =	sand.u32 $0x380, s13  }
0x19c: {  	s30 =	sld [smem:$0x756];
	s13 =	sor.u32 s13, s14  }
0x19d: {  	s13 =	sshrl.u32 s13, $0x3  }
0x19e: {  	s31 =	sld [smem:$0x757];
	s13 =	sadd.s32 s1, s13  }
0x19f: {  	[tilespmem:s30], [sflag:$0x2] =	stream.linear.gather [hbm4b:s13+s3], $0x80, $0x38;
	[tilespmem:$0xE200] =	vst v63  }
0x1a0: {  	s13 =	sadd.s32 $0x80, s13  }
0x1a1: {  	[tilespmem:s31], [sflag:$0x2] =	stream.linear.gather [hbm4b:s13+s3], $0x80, $0x38;
	[tilespmem:$0xE200] =	vst v63  }
0x1a2: {  	s15 =	spop (v2sf)  }
0x1a3: {  	s16 =	sshll.u32 s15, $0x8;
	s13 =	sshll.u32 s15, $0x7  }
0x1a4: {  	(v2sf) =	vpush v3, $0xF;
	s14 =	sand.u32 $0xFFFFF800, s16;
	s13 =	sand.u32 $0x380, s13  }
0x1a5: {  	s17 =	sld [smem:$0x758];
	s13 =	sor.u32 s13, s14  }
0x1a6: {  	s13 =	sshrl.u32 s13, $0x3  }
0x1a7: {  	s18 =	sld [smem:$0x759];
	s13 =	sadd.s32 s1, s13  }
0x1a8: {  	[tilespmem:s17], [sflag:$0x2] =	stream.linear.gather [hbm4b:s13+s3], $0x80, $0x38;
	[tilespmem:$0xE200] =	vst v63  }
0x1a9: {  	s13 =	sadd.s32 $0x80, s13;
	s19 =	spop (v2sf)  }
0x1aa: {  	[tilespmem:s18], [sflag:$0x2] =	stream.linear.gather [hbm4b:s13+s3], $0x80, $0x38;
	[tilespmem:$0xE200] =	vst v63  }
0x1ab: {  	s20 =	sshll.u32 s19, $0x8;
	s13 =	sshll.u32 s19, $0x7  }
0x1ac: {  	s14 =	sand.u32 $0xFFFFF800, s20;
	s13 =	sand.u32 $0x380, s13  }
0x1ad: {  	s21 =	sld [smem:$0x75A];
	s13 =	sor.u32 s13, s14  }
0x1ae: {  	s13 =	sshrl.u32 s13, $0x3  }
0x1af: {  	s22 =	sld [smem:$0x75B];
	s13 =	sadd.s32 s1, s13  }
0x1b0: {  	[tilespmem:s21], [sflag:$0x2] =	stream.linear.gather [hbm4b:s13+s3], $0x80, $0x38;
	[tilespmem:$0xE200] =	vst v63  }
0x1b1: {  	s13 =	sadd.s32 $0x80, s13  }
0x1b2: {  	[tilespmem:s22], [sflag:$0x2] =	stream.linear.gather [hbm4b:s13+s3], $0x80, $0x38;
	[tilespmem:$0xE200] =	vst v63  }
0x1b3: {  	s23 =	spop (v2sf)  }
0x1b4: {  	s24 =	sshll.u32 s23, $0x8;
	s13 =	sshll.u32 s23, $0x7  }
0x1b5: {  	s14 =	sand.u32 $0xFFFFF800, s24;
	s13 =	sand.u32 $0x380, s13  }
0x1b6: {  	s25 =	sld [smem:$0x75C];
	s13 =	sor.u32 s13, s14  }
0x1b7: {  	s13 =	sshrl.u32 s13, $0x3  }
0x1b8: {  	s26 =	sld [smem:$0x75D];
	s13 =	sadd.s32 s1, s13  }
0x1b9: {  	[tilespmem:s25], [sflag:$0x2] =	stream.linear.gather [hbm4b:s13+s3], $0x80, $0x38;
	[tilespmem:$0xE200] =	vst v63  }
0x1ba: {  	s13 =	sadd.s32 $0x80, s13  }
0x1bb: {  	[tilespmem:s26], [sflag:$0x2] =	stream.linear.gather [hbm4b:s13+s3], $0x80, $0x38;
	[tilespmem:$0xE200] =	vst v63  }
0x1bc: {  	v3 =	vld [tilespmem:$0x30];
	_ =	sdelay $0x4  }
0x1bd: {  	(v2sf) =	vpush v3, $0x0;
	_ =	sdelay $0x6  }
0x1be: {  	(v2sf) =	vpush v3, $0x1;
	_ =	sdelay $0x7  }
0x1bf: {  	s28 =	spop (v2sf)  }
0x1c0: {  	s29 =	sshll.u32 s28, $0x8;
	s13 =	sshll.u32 s28, $0x7  }
0x1c1: {  	(v2sf) =	vpush v3, $0x2;
	s14 =	sand.u32 $0xFFFFF800, s29;
	s13 =	sand.u32 $0x380, s13  }
0x1c2: {  	s30 =	sld [smem:$0x75E];
	s13 =	sor.u32 s13, s14  }
0x1c3: {  	s13 =	sshrl.u32 s13, $0x3  }
0x1c4: {  	s31 =	sld [smem:$0x75F];
	s13 =	sadd.s32 s1, s13  }
0x1c5: {  	[tilespmem:s30], [sflag:$0x2] =	stream.linear.gather [hbm4b:s13+s3], $0x80, $0x38;
	[tilespmem:$0xE200] =	vst v63  }
0x1c6: {  	s15 =	spop (v2sf);
	s13 =	sadd.s32 $0x80, s13  }
0x1c7: {  	[tilespmem:s31], [sflag:$0x2] =	stream.linear.gather [hbm4b:s13+s3], $0x80, $0x38;
	[tilespmem:$0xE200] =	vst v63  }
0x1c8: {  	(v2sf) =	vpush v3, $0x3;
	s16 =	sshll.u32 s15, $0x8;
	s13 =	sshll.u32 s15, $0x7  }
0x1c9: {  	s14 =	sand.u32 $0xFFFFF800, s16;
	s13 =	sand.u32 $0x380, s13  }
0x1ca: {  	s17 =	sld [smem:$0x760];
	s13 =	sor.u32 s13, s14  }
0x1cb: {  	s13 =	sshrl.u32 s13, $0x3  }
0x1cc: {  	s18 =	sld [smem:$0x761];
	s13 =	sadd.s32 s1, s13  }
0x1cd: {  	[tilespmem:s17], [sflag:$0x2] =	stream.linear.gather [hbm4b:s13+s3], $0x80, $0x38;
	[tilespmem:$0xE200] =	vst v63  }
0x1ce: {  	s13 =	sadd.s32 $0x80, s13  }
0x1cf: {  	[tilespmem:s18], [sflag:$0x2] =	stream.linear.gather [hbm4b:s13+s3], $0x80, $0x38;
	[tilespmem:$0xE200] =	vst v63  }
0x1d0: {  	s19 =	spop (v2sf)  }
0x1d1: {  	s20 =	sshll.u32 s19, $0x8;
	s13 =	sshll.u32 s19, $0x7  }
0x1d2: {  	(v2sf) =	vpush v3, $0x4;
	s14 =	sand.u32 $0xFFFFF800, s20;
	s13 =	sand.u32 $0x380, s13  }
0x1d3: {  	s21 =	sld [smem:$0x762];
	s13 =	sor.u32 s13, s14  }
0x1d4: {  	s13 =	sshrl.u32 s13, $0x3  }
0x1d5: {  	s22 =	sld [smem:$0x763];
	s13 =	sadd.s32 s1, s13  }
0x1d6: {  	[tilespmem:s21], [sflag:$0x2] =	stream.linear.gather [hbm4b:s13+s3], $0x80, $0x38;
	[tilespmem:$0xE200] =	vst v63  }
0x1d7: {  	s23 =	spop (v2sf);
	s13 =	sadd.s32 $0x80, s13  }
0x1d8: {  	[tilespmem:s22], [sflag:$0x2] =	stream.linear.gather [hbm4b:s13+s3], $0x80, $0x38;
	[tilespmem:$0xE200] =	vst v63  }
0x1d9: {  	(v2sf) =	vpush v3, $0x5;
	s24 =	sshll.u32 s23, $0x8;
	s13 =	sshll.u32 s23, $0x7  }
0x1da: {  	s14 =	sand.u32 $0xFFFFF800, s24;
	s13 =	sand.u32 $0x380, s13  }
0x1db: {  	s25 =	sld [smem:$0x764];
	s13 =	sor.u32 s13, s14  }
0x1dc: {  	s13 =	sshrl.u32 s13, $0x3  }
0x1dd: {  	s26 =	sld [smem:$0x765];
	s13 =	sadd.s32 s1, s13  }
0x1de: {  	[tilespmem:s25], [sflag:$0x2] =	stream.linear.gather [hbm4b:s13+s3], $0x80, $0x38;
	[tilespmem:$0xE200] =	vst v63  }
0x1df: {  	s13 =	sadd.s32 $0x80, s13  }
0x1e0: {  	[tilespmem:s26], [sflag:$0x2] =	stream.linear.gather [hbm4b:s13+s3], $0x80, $0x38;
	[tilespmem:$0xE200] =	vst v63  }
0x1e1: {  	s28 =	spop (v2sf)  }
0x1e2: {  	s29 =	sshll.u32 s28, $0x8;
	s13 =	sshll.u32 s28, $0x7  }
0x1e3: {  	(v2sf) =	vpush v3, $0x6;
	s14 =	sand.u32 $0xFFFFF800, s29;
	s13 =	sand.u32 $0x380, s13  }
0x1e4: {  	s30 =	sld [smem:$0x766];
	s13 =	sor.u32 s13, s14  }
0x1e5: {  	s13 =	sshrl.u32 s13, $0x3  }
0x1e6: {  	s31 =	sld [smem:$0x767];
	s13 =	sadd.s32 s1, s13  }
0x1e7: {  	[tilespmem:s30], [sflag:$0x2] =	stream.linear.gather [hbm4b:s13+s3], $0x80, $0x38;
	[tilespmem:$0xE200] =	vst v63  }
0x1e8: {  	s15 =	spop (v2sf);
	s13 =	sadd.s32 $0x80, s13  }
0x1e9: {  	[tilespmem:s31], [sflag:$0x2] =	stream.linear.gather [hbm4b:s13+s3], $0x80, $0x38;
	[tilespmem:$0xE200] =	vst v63  }
0x1ea: {  	(v2sf) =	vpush v3, $0x7;
	s16 =	sshll.u32 s15, $0x8;
	s13 =	sshll.u32 s15, $0x7  }
0x1eb: {  	s14 =	sand.u32 $0xFFFFF800, s16;
	s13 =	sand.u32 $0x380, s13  }
0x1ec: {  	s17 =	sld [smem:$0x768];
	s13 =	sor.u32 s13, s14  }
0x1ed: {  	s13 =	sshrl.u32 s13, $0x3  }
0x1ee: {  	s18 =	sld [smem:$0x769];
	s13 =	sadd.s32 s1, s13  }
0x1ef: {  	[tilespmem:s17], [sflag:$0x2] =	stream.linear.gather [hbm4b:s13+s3], $0x80, $0x38;
	[tilespmem:$0xE200] =	vst v63  }
0x1f0: {  	s13 =	sadd.s32 $0x80, s13  }
0x1f1: {  	[tilespmem:s18], [sflag:$0x2] =	stream.linear.gather [hbm4b:s13+s3], $0x80, $0x38;
	[tilespmem:$0xE200] =	vst v63  }
0x1f2: {  	s19 =	spop (v2sf)  }
0x1f3: {  	s20 =	sshll.u32 s19, $0x8;
	s13 =	sshll.u32 s19, $0x7  }
0x1f4: {  	s14 =	sand.u32 $0xFFFFF800, s20;
	s13 =	sand.u32 $0x380, s13  }
0x1f5: {  	s21 =	sld [smem:$0x76A];
	s13 =	sor.u32 s13, s14  }
0x1f6: {  	s13 =	sshrl.u32 s13, $0x3  }
0x1f7: {  	s22 =	sld [smem:$0x76B];
	s13 =	sadd.s32 s1, s13  }
0x1f8: {  	[tilespmem:s21], [sflag:$0x2] =	stream.linear.gather [hbm4b:s13+s3], $0x80, $0x38;
	[tilespmem:$0xE200] =	vst v63  }
0x1f9: {  	s23 =	spop (v2sf);
	s13 =	sadd.s32 $0x80, s13  }
0x1fa: {  	[tilespmem:s22], [sflag:$0x2] =	stream.linear.gather [hbm4b:s13+s3], $0x80, $0x38;
	[tilespmem:$0xE200] =	vst v63  }
0x1fb: {  	s24 =	sshll.u32 s23, $0x8;
	s13 =	sshll.u32 s23, $0x7  }
0x1fc: {  	s14 =	sand.u32 $0xFFFFF800, s24;
	s13 =	sand.u32 $0x380, s13  }
0x1fd: {  	s25 =	sld [smem:$0x76C];
	s13 =	sor.u32 s13, s14  }
0x1fe: {  	s13 =	sshrl.u32 s13, $0x3  }
0x1ff: {  	s26 =	sld [smem:$0x76D];
	s13 =	sadd.s32 s1, s13  }
0x200: {  	[tilespmem:s25], [sflag:$0x2] =	stream.linear.gather [hbm4b:s13+s3], $0x80, $0x38;
	[tilespmem:$0xE200] =	vst v63  }
0x201: {  	s13 =	sadd.s32 $0x80, s13  }
0x202: {  	[tilespmem:s26], [sflag:$0x2] =	stream.linear.gather [hbm4b:s13+s3], $0x80, $0x38;
	[tilespmem:$0xE200] =	vst v63  }
0x203: {  	v3 =	vld [tilespmem:$0xA0];
	_ =	sdelay $0x4  }
0x204: {  	(v2sf) =	vpush v3, $0x0;
	_ =	sdelay $0x6  }
0x205: {  	(v2sf) =	vpush v3, $0x1;
	_ =	sdelay $0x7  }
0x206: {  	s28 =	spop (v2sf)  }
0x207: {  	s29 =	sshll.u32 s28, $0x8;
	s13 =	sshll.u32 s28, $0x7  }
0x208: {  	(v2sf) =	vpush v3, $0x2;
	s14 =	sand.u32 $0xFFFFF800, s29;
	s13 =	sand.u32 $0x380, s13  }
0x209: {  	s30 =	sld [smem:$0x76E];
	s13 =	sor.u32 s13, s14  }
0x20a: {  	s13 =	sshrl.u32 s13, $0x3  }
0x20b: {  	s31 =	sld [smem:$0x76F];
	s13 =	sadd.s32 s1, s13  }
0x20c: {  	[tilespmem:s30], [sflag:$0x2] =	stream.linear.gather [hbm4b:s13+s3], $0x80, $0x38;
	[tilespmem:$0xE200] =	vst v63  }
0x20d: {  	s15 =	spop (v2sf);
	s13 =	sadd.s32 $0x80, s13  }
0x20e: {  	[tilespmem:s31], [sflag:$0x2] =	stream.linear.gather [hbm4b:s13+s3], $0x80, $0x38;
	[tilespmem:$0xE200] =	vst v63  }
0x20f: {  	(v2sf) =	vpush v3, $0x3;
	s16 =	sshll.u32 s15, $0x8;
	s13 =	sshll.u32 s15, $0x7  }
0x210: {  	s14 =	sand.u32 $0xFFFFF800, s16;
	s13 =	sand.u32 $0x380, s13  }
0x211: {  	s17 =	sld [smem:$0x770];
	s13 =	sor.u32 s13, s14  }
0x212: {  	s13 =	sshrl.u32 s13, $0x3  }
0x213: {  	s18 =	sld [smem:$0x771];
	s13 =	sadd.s32 s1, s13  }
0x214: {  	[tilespmem:s17], [sflag:$0x2] =	stream.linear.gather [hbm4b:s13+s3], $0x80, $0x38;
	[tilespmem:$0xE200] =	vst v63  }
0x215: {  	s13 =	sadd.s32 $0x80, s13  }
0x216: {  	[tilespmem:s18], [sflag:$0x2] =	stream.linear.gather [hbm4b:s13+s3], $0x80, $0x38;
	[tilespmem:$0xE200] =	vst v63  }
0x217: {  	s19 =	spop (v2sf)  }
0x218: {  	s20 =	sshll.u32 s19, $0x8;
	s13 =	sshll.u32 s19, $0x7  }
0x219: {  	(v2sf) =	vpush v3, $0x4;
	s14 =	sand.u32 $0xFFFFF800, s20;
	s13 =	sand.u32 $0x380, s13  }
0x21a: {  	s21 =	sld [smem:$0x772];
	s13 =	sor.u32 s13, s14  }
0x21b: {  	s13 =	sshrl.u32 s13, $0x3  }
0x21c: {  	s22 =	sld [smem:$0x773];
	s13 =	sadd.s32 s1, s13  }
0x21d: {  	[tilespmem:s21], [sflag:$0x2] =	stream.linear.gather [hbm4b:s13+s3], $0x80, $0x38;
	[tilespmem:$0xE200] =	vst v63  }
0x21e: {  	s23 =	spop (v2sf);
	s13 =	sadd.s32 $0x80, s13  }
0x21f: {  	[tilespmem:s22], [sflag:$0x2] =	stream.linear.gather [hbm4b:s13+s3], $0x80, $0x38;
	[tilespmem:$0xE200] =	vst v63  }
0x220: {  	(v2sf) =	vpush v3, $0x5;
	s24 =	sshll.u32 s23, $0x8;
	s13 =	sshll.u32 s23, $0x7  }
0x221: {  	s14 =	sand.u32 $0xFFFFF800, s24;
	s13 =	sand.u32 $0x380, s13  }
0x222: {  	s25 =	sld [smem:$0x774];
	s13 =	sor.u32 s13, s14  }
0x223: {  	s13 =	sshrl.u32 s13, $0x3  }
0x224: {  	s26 =	sld [smem:$0x775];
	s13 =	sadd.s32 s1, s13  }
0x225: {  	[tilespmem:s25], [sflag:$0x2] =	stream.linear.gather [hbm4b:s13+s3], $0x80, $0x38;
	[tilespmem:$0xE200] =	vst v63  }
0x226: {  	s13 =	sadd.s32 $0x80, s13  }
0x227: {  	[tilespmem:s26], [sflag:$0x2] =	stream.linear.gather [hbm4b:s13+s3], $0x80, $0x38;
	[tilespmem:$0xE200] =	vst v63  }
0x228: {  	s28 =	spop (v2sf)  }
0x229: {  	s29 =	sshll.u32 s28, $0x8;
	s13 =	sshll.u32 s28, $0x7  }
0x22a: {  	(v2sf) =	vpush v3, $0x6;
	s14 =	sand.u32 $0xFFFFF800, s29;
	s13 =	sand.u32 $0x380, s13  }
0x22b: {  	s30 =	sld [smem:$0x776];
	s13 =	sor.u32 s13, s14  }
0x22c: {  	s13 =	sshrl.u32 s13, $0x3  }
0x22d: {  	s31 =	sld [smem:$0x777];
	s13 =	sadd.s32 s1, s13  }
0x22e: {  	[tilespmem:s30], [sflag:$0x2] =	stream.linear.gather [hbm4b:s13+s3], $0x80, $0x38;
	[tilespmem:$0xE200] =	vst v63  }
0x22f: {  	s15 =	spop (v2sf);
	s13 =	sadd.s32 $0x80, s13  }
0x230: {  	[tilespmem:s31], [sflag:$0x2] =	stream.linear.gather [hbm4b:s13+s3], $0x80, $0x38;
	[tilespmem:$0xE200] =	vst v63  }
0x231: {  	(v2sf) =	vpush v3, $0x7;
	s16 =	sshll.u32 s15, $0x8;
	s13 =	sshll.u32 s15, $0x7  }
0x232: {  	s14 =	sand.u32 $0xFFFFF800, s16;
	s13 =	sand.u32 $0x380, s13  }
0x233: {  	s17 =	sld [smem:$0x778];
	s13 =	sor.u32 s13, s14  }
0x234: {  	s13 =	sshrl.u32 s13, $0x3  }
0x235: {  	s18 =	sld [smem:$0x779];
	s13 =	sadd.s32 s1, s13  }
0x236: {  	[tilespmem:s17], [sflag:$0x2] =	stream.linear.gather [hbm4b:s13+s3], $0x80, $0x38;
	[tilespmem:$0xE200] =	vst v63  }
0x237: {  	s13 =	sadd.s32 $0x80, s13  }
0x238: {  	[tilespmem:s18], [sflag:$0x2] =	stream.linear.gather [hbm4b:s13+s3], $0x80, $0x38;
	[tilespmem:$0xE200] =	vst v63  }
0x239: {  	s19 =	spop (v2sf)  }
0x23a: {  	s20 =	sshll.u32 s19, $0x8;
	s13 =	sshll.u32 s19, $0x7  }
0x23b: {  	(v2sf) =	vpush v3, $0x8;
	s14 =	sand.u32 $0xFFFFF800, s20;
	s13 =	sand.u32 $0x380, s13  }
0x23c: {  	s21 =	sld [smem:$0x77A];
	s13 =	sor.u32 s13, s14  }
0x23d: {  	s13 =	sshrl.u32 s13, $0x3  }
0x23e: {  	s22 =	sld [smem:$0x77B];
	s13 =	sadd.s32 s1, s13  }
0x23f: {  	[tilespmem:s21], [sflag:$0x2] =	stream.linear.gather [hbm4b:s13+s3], $0x80, $0x38;
	[tilespmem:$0xE200] =	vst v63  }
0x240: {  	s23 =	spop (v2sf);
	s13 =	sadd.s32 $0x80, s13  }
0x241: {  	[tilespmem:s22], [sflag:$0x2] =	stream.linear.gather [hbm4b:s13+s3], $0x80, $0x38;
	[tilespmem:$0xE200] =	vst v63  }
0x242: {  	(v2sf) =	vpush v3, $0x9;
	s24 =	sshll.u32 s23, $0x8;
	s13 =	sshll.u32 s23, $0x7  }
0x243: {  	s14 =	sand.u32 $0xFFFFF800, s24;
	s13 =	sand.u32 $0x380, s13  }
0x244: {  	s25 =	sld [smem:$0x77C];
	s13 =	sor.u32 s13, s14  }
0x245: {  	s13 =	sshrl.u32 s13, $0x3  }
0x246: {  	s26 =	sld [smem:$0x77D];
	s13 =	sadd.s32 s1, s13  }
0x247: {  	[tilespmem:s25], [sflag:$0x2] =	stream.linear.gather [hbm4b:s13+s3], $0x80, $0x38;
	[tilespmem:$0xE200] =	vst v63  }
0x248: {  	s13 =	sadd.s32 $0x80, s13  }
0x249: {  	[tilespmem:s26], [sflag:$0x2] =	stream.linear.gather [hbm4b:s13+s3], $0x80, $0x38;
	[tilespmem:$0xE200] =	vst v63  }
0x24a: {  	s28 =	spop (v2sf)  }
0x24b: {  	s29 =	sshll.u32 s28, $0x8;
	s13 =	sshll.u32 s28, $0x7  }
0x24c: {  	(v2sf) =	vpush v3, $0xA;
	s14 =	sand.u32 $0xFFFFF800, s29;
	s13 =	sand.u32 $0x380, s13  }
0x24d: {  	s30 =	sld [smem:$0x77E];
	s13 =	sor.u32 s13, s14  }
0x24e: {  	s13 =	sshrl.u32 s13, $0x3  }
0x24f: {  	s31 =	sld [smem:$0x77F];
	s13 =	sadd.s32 s1, s13  }
0x250: {  	[tilespmem:s30], [sflag:$0x2] =	stream.linear.gather [hbm4b:s13+s3], $0x80, $0x38;
	[tilespmem:$0xE200] =	vst v63  }
0x251: {  	s15 =	spop (v2sf);
	s13 =	sadd.s32 $0x80, s13  }
0x252: {  	[tilespmem:s31], [sflag:$0x2] =	stream.linear.gather [hbm4b:s13+s3], $0x80, $0x38;
	[tilespmem:$0xE200] =	vst v63  }
0x253: {  	(v2sf) =	vpush v3, $0xB;
	s16 =	sshll.u32 s15, $0x8;
	s13 =	sshll.u32 s15, $0x7  }
0x254: {  	s14 =	sand.u32 $0xFFFFF800, s16;
	s13 =	sand.u32 $0x380, s13  }
0x255: {  	s17 =	sld [smem:$0x780];
	s13 =	sor.u32 s13, s14  }
0x256: {  	s13 =	sshrl.u32 s13, $0x3  }
0x257: {  	s18 =	sld [smem:$0x781];
	s13 =	sadd.s32 s1, s13  }
0x258: {  	[tilespmem:s17], [sflag:$0x2] =	stream.linear.gather [hbm4b:s13+s3], $0x80, $0x38;
	[tilespmem:$0xE200] =	vst v63  }
0x259: {  	s13 =	sadd.s32 $0x80, s13  }
0x25a: {  	[tilespmem:s18], [sflag:$0x2] =	stream.linear.gather [hbm4b:s13+s3], $0x80, $0x38;
	[tilespmem:$0xE200] =	vst v63  }
0x25b: {  	s19 =	spop (v2sf)  }
0x25c: {  	s20 =	sshll.u32 s19, $0x8;
	s13 =	sshll.u32 s19, $0x7  }
0x25d: {  	(v2sf) =	vpush v3, $0xC;
	s14 =	sand.u32 $0xFFFFF800, s20;
	s13 =	sand.u32 $0x380, s13  }
0x25e: {  	s21 =	sld [smem:$0x782];
	s13 =	sor.u32 s13, s14  }
0x25f: {  	s13 =	sshrl.u32 s13, $0x3  }
0x260: {  	s22 =	sld [smem:$0x783];
	s13 =	sadd.s32 s1, s13  }
0x261: {  	[tilespmem:s21], [sflag:$0x2] =	stream.linear.gather [hbm4b:s13+s3], $0x80, $0x38;
	[tilespmem:$0xE200] =	vst v63  }
0x262: {  	s23 =	spop (v2sf);
	s13 =	sadd.s32 $0x80, s13  }
0x263: {  	[tilespmem:s22], [sflag:$0x2] =	stream.linear.gather [hbm4b:s13+s3], $0x80, $0x38;
	[tilespmem:$0xE200] =	vst v63  }
0x264: {  	(v2sf) =	vpush v3, $0xD;
	s24 =	sshll.u32 s23, $0x8;
	s13 =	sshll.u32 s23, $0x7  }
0x265: {  	s14 =	sand.u32 $0xFFFFF800, s24;
	s13 =	sand.u32 $0x380, s13  }
0x266: {  	s25 =	sld [smem:$0x784];
	s13 =	sor.u32 s13, s14  }
0x267: {  	s13 =	sshrl.u32 s13, $0x3  }
0x268: {  	s26 =	sld [smem:$0x785];
	s13 =	sadd.s32 s1, s13  }
0x269: {  	[tilespmem:s25], [sflag:$0x2] =	stream.linear.gather [hbm4b:s13+s3], $0x80, $0x38;
	[tilespmem:$0xE200] =	vst v63  }
0x26a: {  	s13 =	sadd.s32 $0x80, s13  }
0x26b: {  	[tilespmem:s26], [sflag:$0x2] =	stream.linear.gather [hbm4b:s13+s3], $0x80, $0x38;
	[tilespmem:$0xE200] =	vst v63  }
0x26c: {  	s28 =	spop (v2sf)  }
0x26d: {  	s29 =	sshll.u32 s28, $0x8;
	s13 =	sshll.u32 s28, $0x7  }
0x26e: {  	(v2sf) =	vpush v3, $0xE;
	s14 =	sand.u32 $0xFFFFF800, s29;
	s13 =	sand.u32 $0x380, s13  }
0x26f: {  	s30 =	sld [smem:$0x786];
	s13 =	sor.u32 s13, s14  }
0x270: {  	s13 =	sshrl.u32 s13, $0x3  }
0x271: {  	s31 =	sld [smem:$0x787];
	s13 =	sadd.s32 s1, s13  }
0x272: {  	[tilespmem:s30], [sflag:$0x2] =	stream.linear.gather [hbm4b:s13+s3], $0x80, $0x38;
	[tilespmem:$0xE200] =	vst v63  }
0x273: {  	s15 =	spop (v2sf);
	s13 =	sadd.s32 $0x80, s13  }
0x274: {  	[tilespmem:s31], [sflag:$0x2] =	stream.linear.gather [hbm4b:s13+s3], $0x80, $0x38;
	[tilespmem:$0xE200] =	vst v63  }
0x275: {  	(v2sf) =	vpush v3, $0xF;
	s16 =	sshll.u32 s15, $0x8;
	s13 =	sshll.u32 s15, $0x7  }
0x276: {  	s14 =	sand.u32 $0xFFFFF800, s16;
	s13 =	sand.u32 $0x380, s13  }
0x277: {  	s17 =	sld [smem:$0x788];
	s13 =	sor.u32 s13, s14  }
0x278: {  	s13 =	sshrl.u32 s13, $0x3  }
0x279: {  	s18 =	sld [smem:$0x789];
	s13 =	sadd.s32 s1, s13  }
0x27a: {  	[tilespmem:s17], [sflag:$0x2] =	stream.linear.gather [hbm4b:s13+s3], $0x80, $0x38;
	[tilespmem:$0xE200] =	vst v63  }
0x27b: {  	s13 =	sadd.s32 $0x80, s13  }
0x27c: {  	[tilespmem:s18], [sflag:$0x2] =	stream.linear.gather [hbm4b:s13+s3], $0x80, $0x38;
	[tilespmem:$0xE200] =	vst v63  }
0x27d: {  	s19 =	spop (v2sf)  }
0x27e: {  	s20 =	sshll.u32 s19, $0x8;
	s13 =	sshll.u32 s19, $0x7  }
0x27f: {  	s14 =	sand.u32 $0xFFFFF800, s20;
	s13 =	sand.u32 $0x380, s13  }
0x280: {  	s21 =	sld [smem:$0x78A];
	s13 =	sor.u32 s13, s14  }
0x281: {  	s13 =	sshrl.u32 s13, $0x3  }
0x282: {  	s22 =	sld [smem:$0x78B];
	s13 =	sadd.s32 s1, s13  }
0x283: {  	[tilespmem:s21], [sflag:$0x2] =	stream.linear.gather [hbm4b:s13+s3], $0x80, $0x38;
	[tilespmem:$0xE200] =	vst v63  }
0x284: {  	s23 =	spop (v2sf);
	s13 =	sadd.s32 $0x80, s13  }
0x285: {  	[tilespmem:s22], [sflag:$0x2] =	stream.linear.gather [hbm4b:s13+s3], $0x80, $0x38;
	[tilespmem:$0xE200] =	vst v63  }
0x286: {  	s24 =	sshll.u32 s23, $0x8;
	s13 =	sshll.u32 s23, $0x7  }
0x287: {  	s14 =	sand.u32 $0xFFFFF800, s24;
	s13 =	sand.u32 $0x380, s13  }
0x288: {  	s25 =	sld [smem:$0x78C];
	s13 =	sor.u32 s13, s14  }
0x289: {  	s13 =	sshrl.u32 s13, $0x3  }
0x28a: {  	s26 =	sld [smem:$0x78D];
	s13 =	sadd.s32 s1, s13  }
0x28b: {  	[tilespmem:s25], [sflag:$0x2] =	stream.linear.gather [hbm4b:s13+s3], $0x80, $0x38;
	[tilespmem:$0xE200] =	vst v63  }
0x28c: {  	s13 =	sadd.s32 $0x80, s13  }
0x28d: {  	[tilespmem:s26], [sflag:$0x2] =	stream.linear.gather [hbm4b:s13+s3], $0x80, $0x38;
	[tilespmem:$0xE200] =	vst v63  }
0x28e: {  	v3 =	vld [tilespmem:$0xB0];
	_ =	sdelay $0x4  }
0x28f: {  	(v2sf) =	vpush v3, $0x0;
	_ =	sdelay $0x6  }
0x290: {  	(v2sf) =	vpush v3, $0x1;
	_ =	sdelay $0x7  }
0x291: {  	s28 =	spop (v2sf)  }
0x292: {  	s29 =	sshll.u32 s28, $0x8;
	s13 =	sshll.u32 s28, $0x7  }
0x293: {  	(v2sf) =	vpush v3, $0x2;
	s14 =	sand.u32 $0xFFFFF800, s29;
	s13 =	sand.u32 $0x380, s13  }
0x294: {  	s30 =	sld [smem:$0x78E];
	s13 =	sor.u32 s13, s14  }
0x295: {  	s13 =	sshrl.u32 s13, $0x3  }
0x296: {  	s31 =	sld [smem:$0x78F];
	s13 =	sadd.s32 s1, s13  }
0x297: {  	[tilespmem:s30], [sflag:$0x2] =	stream.linear.gather [hbm4b:s13+s3], $0x80, $0x38;
	[tilespmem:$0xE200] =	vst v63  }
0x298: {  	s15 =	spop (v2sf);
	s13 =	sadd.s32 $0x80, s13  }
0x299: {  	[tilespmem:s31], [sflag:$0x2] =	stream.linear.gather [hbm4b:s13+s3], $0x80, $0x38;
	[tilespmem:$0xE200] =	vst v63  }
0x29a: {  	(v2sf) =	vpush v3, $0x3;
	s16 =	sshll.u32 s15, $0x8;
	s13 =	sshll.u32 s15, $0x7  }
0x29b: {  	s14 =	sand.u32 $0xFFFFF800, s16;
	s13 =	sand.u32 $0x380, s13  }
0x29c: {  	s17 =	sld [smem:$0x790];
	s13 =	sor.u32 s13, s14  }
0x29d: {  	s13 =	sshrl.u32 s13, $0x3  }
0x29e: {  	s18 =	sld [smem:$0x791];
	s13 =	sadd.s32 s1, s13  }
0x29f: {  	[tilespmem:s17], [sflag:$0x2] =	stream.linear.gather [hbm4b:s13+s3], $0x80, $0x38;
	[tilespmem:$0xE200] =	vst v63  }
0x2a0: {  	s13 =	sadd.s32 $0x80, s13  }
0x2a1: {  	[tilespmem:s18], [sflag:$0x2] =	stream.linear.gather [hbm4b:s13+s3], $0x80, $0x38;
	[tilespmem:$0xE200] =	vst v63  }
0x2a2: {  	s19 =	spop (v2sf)  }
0x2a3: {  	s20 =	sshll.u32 s19, $0x8;
	s13 =	sshll.u32 s19, $0x7  }
0x2a4: {  	(v2sf) =	vpush v3, $0x4;
	s14 =	sand.u32 $0xFFFFF800, s20;
	s13 =	sand.u32 $0x380, s13  }
0x2a5: {  	s21 =	sld [smem:$0x792];
	s13 =	sor.u32 s13, s14  }
0x2a6: {  	s13 =	sshrl.u32 s13, $0x3  }
0x2a7: {  	s22 =	sld [smem:$0x793];
	s13 =	sadd.s32 s1, s13  }
0x2a8: {  	[tilespmem:s21], [sflag:$0x2] =	stream.linear.gather [hbm4b:s13+s3], $0x80, $0x38;
	[tilespmem:$0xE200] =	vst v63  }
0x2a9: {  	s23 =	spop (v2sf);
	s13 =	sadd.s32 $0x80, s13  }
0x2aa: {  	[tilespmem:s22], [sflag:$0x2] =	stream.linear.gather [hbm4b:s13+s3], $0x80, $0x38;
	[tilespmem:$0xE200] =	vst v63  }
0x2ab: {  	(v2sf) =	vpush v3, $0x5;
	s24 =	sshll.u32 s23, $0x8;
	s13 =	sshll.u32 s23, $0x7  }
0x2ac: {  	s14 =	sand.u32 $0xFFFFF800, s24;
	s13 =	sand.u32 $0x380, s13  }
0x2ad: {  	s25 =	sld [smem:$0x794];
	s13 =	sor.u32 s13, s14  }
0x2ae: {  	s13 =	sshrl.u32 s13, $0x3  }
0x2af: {  	s26 =	sld [smem:$0x795];
	s13 =	sadd.s32 s1, s13  }
0x2b0: {  	[tilespmem:s25], [sflag:$0x2] =	stream.linear.gather [hbm4b:s13+s3], $0x80, $0x38;
	[tilespmem:$0xE200] =	vst v63  }
0x2b1: {  	s13 =	sadd.s32 $0x80, s13  }
0x2b2: {  	[tilespmem:s26], [sflag:$0x2] =	stream.linear.gather [hbm4b:s13+s3], $0x80, $0x38;
	[tilespmem:$0xE200] =	vst v63  }
0x2b3: {  	s28 =	spop (v2sf)  }
0x2b4: {  	s29 =	sshll.u32 s28, $0x8;
	s13 =	sshll.u32 s28, $0x7  }
0x2b5: {  	(v2sf) =	vpush v3, $0x6;
	s14 =	sand.u32 $0xFFFFF800, s29;
	s13 =	sand.u32 $0x380, s13  }
0x2b6: {  	s30 =	sld [smem:$0x796];
	s13 =	sor.u32 s13, s14  }
0x2b7: {  	s13 =	sshrl.u32 s13, $0x3  }
0x2b8: {  	s31 =	sld [smem:$0x797];
	s13 =	sadd.s32 s1, s13  }
0x2b9: {  	[tilespmem:s30], [sflag:$0x2] =	stream.linear.gather [hbm4b:s13+s3], $0x80, $0x38;
	[tilespmem:$0xE200] =	vst v63  }
0x2ba: {  	s15 =	spop (v2sf);
	s13 =	sadd.s32 $0x80, s13  }
0x2bb: {  	[tilespmem:s31], [sflag:$0x2] =	stream.linear.gather [hbm4b:s13+s3], $0x80, $0x38;
	[tilespmem:$0xE200] =	vst v63  }
0x2bc: {  	(v2sf) =	vpush v3, $0x7;
	s16 =	sshll.u32 s15, $0x8;
	s13 =	sshll.u32 s15, $0x7  }
0x2bd: {  	s14 =	sand.u32 $0xFFFFF800, s16;
	s13 =	sand.u32 $0x380, s13  }
0x2be: {  	s17 =	sld [smem:$0x798];
	s13 =	sor.u32 s13, s14  }
0x2bf: {  	s13 =	sshrl.u32 s13, $0x3  }
0x2c0: {  	s18 =	sld [smem:$0x799];
	s13 =	sadd.s32 s1, s13  }
0x2c1: {  	[tilespmem:s17], [sflag:$0x2] =	stream.linear.gather [hbm4b:s13+s3], $0x80, $0x38;
	[tilespmem:$0xE200] =	vst v63  }
0x2c2: {  	s13 =	sadd.s32 $0x80, s13  }
0x2c3: {  	[tilespmem:s18], [sflag:$0x2] =	stream.linear.gather [hbm4b:s13+s3], $0x80, $0x38;
	[tilespmem:$0xE200] =	vst v63  }
0x2c4: {  	s19 =	spop (v2sf)  }
0x2c5: {  	s20 =	sshll.u32 s19, $0x8;
	s13 =	sshll.u32 s19, $0x7  }
0x2c6: {  	s14 =	sand.u32 $0xFFFFF800, s20;
	s13 =	sand.u32 $0x380, s13  }
0x2c7: {  	s21 =	sld [smem:$0x79A];
	s13 =	sor.u32 s13, s14  }
0x2c8: {  	s13 =	sshrl.u32 s13, $0x3  }
0x2c9: {  	s22 =	sld [smem:$0x79B];
	s13 =	sadd.s32 s1, s13  }
0x2ca: {  	[tilespmem:s21], [sflag:$0x2] =	stream.linear.gather [hbm4b:s13+s3], $0x80, $0x38;
	[tilespmem:$0xE200] =	vst v63  }
0x2cb: {  	s23 =	spop (v2sf);
	s13 =	sadd.s32 $0x80, s13  }
0x2cc: {  	[tilespmem:s22], [sflag:$0x2] =	stream.linear.gather [hbm4b:s13+s3], $0x80, $0x38;
	[tilespmem:$0xE200] =	vst v63  }
0x2cd: {  	s24 =	sshll.u32 s23, $0x8;
	s13 =	sshll.u32 s23, $0x7  }
0x2ce: {  	s14 =	sand.u32 $0xFFFFF800, s24;
	s13 =	sand.u32 $0x380, s13  }
0x2cf: {  	s25 =	sld [smem:$0x79C];
	s13 =	sor.u32 s13, s14  }
0x2d0: {  	s13 =	sshrl.u32 s13, $0x3  }
0x2d1: {  	s26 =	sld [smem:$0x79D];
	s13 =	sadd.s32 s1, s13  }
0x2d2: {  	[tilespmem:s25], [sflag:$0x2] =	stream.linear.gather [hbm4b:s13+s3], $0x80, $0x38;
	[tilespmem:$0xE200] =	vst v63  }
0x2d3: {  	s13 =	sadd.s32 $0x80, s13  }
0x2d4: {  	[tilespmem:s26], [sflag:$0x2] =	stream.linear.gather [hbm4b:s13+s3], $0x80, $0x38;
	[tilespmem:$0xE200] =	vst v63  }
0x2d5: {  	v3 =	vld [tilespmem:$0x120];
	_ =	sdelay $0x4  }
0x2d6: {  	(v2sf) =	vpush v3, $0x0;
	_ =	sdelay $0x8  }
0x2d7: {  	(v2sf) =	vpush v3, $0x1;
	_ =	sdelay $0x5  }
0x2d8: {  	s28 =	spop (v2sf)  }
0x2d9: {  	s29 =	sshll.u32 s28, $0x8;
	s13 =	sshll.u32 s28, $0x7  }
0x2da: {  	s14 =	sand.u32 $0xFFFFF800, s29;
	s13 =	sand.u32 $0x380, s13  }
0x2db: {  	s30 =	sld [smem:$0x79E];
	s13 =	sor.u32 s13, s14  }
0x2dc: {  	s13 =	sshrl.u32 s13, $0x3  }
0x2dd: {  	s31 =	sld [smem:$0x79F];
	s13 =	sadd.s32 s1, s13  }
0x2de: {  	[tilespmem:s30], [sflag:$0x2] =	stream.linear.gather [hbm4b:s13+s3], $0x80, $0x38;
	[tilespmem:$0xE200] =	vst v63  }
0x2df: {  	s13 =	sadd.s32 $0x80, s13  }
0x2e0: {  	[tilespmem:s31], [sflag:$0x2] =	stream.linear.gather [hbm4b:s13+s3], $0x80, $0x38;
	[tilespmem:$0xE200] =	vst v63  }
0x2e1: {  	s13 =	spop (v2sf)  }
0x2e2: {  	(v2sf) =	vpush v3, $0x2;
	_ =	sdelay $0x6  }
0x2e3: {  	s16 =	sshll.u32 s13, $0x8;
	s13 =	sshll.u32 s13, $0x7;
	(v2sf) =	vpush v3, $0x3  }
0x2e4: {  	s14 =	sand.u32 $0xFFFFF800, s16;
	s13 =	sand.u32 $0x380, s13  }
0x2e5: {  	s17 =	sld [smem:$0x7A0];
	s13 =	sor.u32 s13, s14  }
0x2e6: {  	s13 =	sshrl.u32 s13, $0x3  }
0x2e7: {  	s18 =	sld [smem:$0x7A1];
	s13 =	sadd.s32 s1, s13  }
0x2e8: {  	[tilespmem:s17], [sflag:$0x2] =	stream.linear.gather [hbm4b:s13+s3], $0x80, $0x38;
	[tilespmem:$0xE200] =	vst v63  }
0x2e9: {  	s13 =	sadd.s32 $0x80, s13  }
0x2ea: {  	[tilespmem:s18], [sflag:$0x2] =	stream.linear.gather [hbm4b:s13+s3], $0x80, $0x38;
	[tilespmem:$0xE200] =	vst v63  }
0x2eb: {  	s19 =	spop (v2sf)  }
0x2ec: {  	s20 =	sshll.u32 s19, $0x8;
	s13 =	sshll.u32 s19, $0x7  }
0x2ed: {  	(v2sf) =	vpush v3, $0x4;
	s14 =	sand.u32 $0xFFFFF800, s20;
	s13 =	sand.u32 $0x380, s13  }
0x2ee: {  	s21 =	sld [smem:$0x7A2];
	s13 =	sor.u32 s13, s14  }
0x2ef: {  	s13 =	sshrl.u32 s13, $0x3  }
0x2f0: {  	s22 =	sld [smem:$0x7A3];
	s13 =	sadd.s32 s1, s13  }
0x2f1: {  	[tilespmem:s21], [sflag:$0x2] =	stream.linear.gather [hbm4b:s13+s3], $0x80, $0x38;
	[tilespmem:$0xE200] =	vst v63  }
0x2f2: {  	s23 =	spop (v2sf);
	s13 =	sadd.s32 $0x80, s13  }
0x2f3: {  	[tilespmem:s22], [sflag:$0x2] =	stream.linear.gather [hbm4b:s13+s3], $0x80, $0x38;
	[tilespmem:$0xE200] =	vst v63  }
0x2f4: {  	(v2sf) =	vpush v3, $0x5;
	s24 =	sshll.u32 s23, $0x8;
	s13 =	sshll.u32 s23, $0x7  }
0x2f5: {  	s14 =	sand.u32 $0xFFFFF800, s24;
	s13 =	sand.u32 $0x380, s13  }
0x2f6: {  	s25 =	sld [smem:$0x7A4];
	s13 =	sor.u32 s13, s14  }
0x2f7: {  	s13 =	sshrl.u32 s13, $0x3  }
0x2f8: {  	s26 =	sld [smem:$0x7A5];
	s13 =	sadd.s32 s1, s13  }
0x2f9: {  	[tilespmem:s25], [sflag:$0x2] =	stream.linear.gather [hbm4b:s13+s3], $0x80, $0x38;
	[tilespmem:$0xE200] =	vst v63  }
0x2fa: {  	s13 =	sadd.s32 $0x80, s13  }
0x2fb: {  	[tilespmem:s26], [sflag:$0x2] =	stream.linear.gather [hbm4b:s13+s3], $0x80, $0x38;
	[tilespmem:$0xE200] =	vst v63  }
0x2fc: {  	s28 =	spop (v2sf)  }
0x2fd: {  	s29 =	sshll.u32 s28, $0x8;
	s13 =	sshll.u32 s28, $0x7  }
0x2fe: {  	(v2sf) =	vpush v3, $0x6;
	s14 =	sand.u32 $0xFFFFF800, s29;
	s13 =	sand.u32 $0x380, s13  }
0x2ff: {  	s30 =	sld [smem:$0x7A6];
	s13 =	sor.u32 s13, s14  }
0x300: {  	s13 =	sshrl.u32 s13, $0x3  }
0x301: {  	s31 =	sld [smem:$0x7A7];
	s13 =	sadd.s32 s1, s13  }
0x302: {  	[tilespmem:s30], [sflag:$0x2] =	stream.linear.gather [hbm4b:s13+s3], $0x80, $0x38;
	[tilespmem:$0xE200] =	vst v63  }
0x303: {  	s15 =	spop (v2sf);
	s13 =	sadd.s32 $0x80, s13  }
0x304: {  	[tilespmem:s31], [sflag:$0x2] =	stream.linear.gather [hbm4b:s13+s3], $0x80, $0x38;
	[tilespmem:$0xE200] =	vst v63  }
0x305: {  	(v2sf) =	vpush v3, $0x7;
	s16 =	sshll.u32 s15, $0x8;
	s13 =	sshll.u32 s15, $0x7  }
0x306: {  	s14 =	sand.u32 $0xFFFFF800, s16;
	s13 =	sand.u32 $0x380, s13  }
0x307: {  	s17 =	sld [smem:$0x7A8];
	s13 =	sor.u32 s13, s14  }
0x308: {  	s13 =	sshrl.u32 s13, $0x3  }
0x309: {  	s18 =	sld [smem:$0x7A9];
	s13 =	sadd.s32 s1, s13  }
0x30a: {  	[tilespmem:s17], [sflag:$0x2] =	stream.linear.gather [hbm4b:s13+s3], $0x80, $0x38;
	[tilespmem:$0xE200] =	vst v63  }
0x30b: {  	s13 =	sadd.s32 $0x80, s13  }
0x30c: {  	[tilespmem:s18], [sflag:$0x2] =	stream.linear.gather [hbm4b:s13+s3], $0x80, $0x38;
	[tilespmem:$0xE200] =	vst v63  }
0x30d: {  	s19 =	spop (v2sf)  }
0x30e: {  	s20 =	sshll.u32 s19, $0x8;
	s13 =	sshll.u32 s19, $0x7  }
0x30f: {  	(v2sf) =	vpush v3, $0x8;
	s14 =	sand.u32 $0xFFFFF800, s20;
	s13 =	sand.u32 $0x380, s13  }
0x310: {  	s21 =	sld [smem:$0x7AA];
	s13 =	sor.u32 s13, s14  }
0x311: {  	s13 =	sshrl.u32 s13, $0x3  }
0x312: {  	s22 =	sld [smem:$0x7AB];
	s13 =	sadd.s32 s1, s13  }
0x313: {  	[tilespmem:s21], [sflag:$0x2] =	stream.linear.gather [hbm4b:s13+s3], $0x80, $0x38;
	[tilespmem:$0xE200] =	vst v63  }
0x314: {  	s23 =	spop (v2sf);
	s13 =	sadd.s32 $0x80, s13  }
0x315: {  	[tilespmem:s22], [sflag:$0x2] =	stream.linear.gather [hbm4b:s13+s3], $0x80, $0x38;
	[tilespmem:$0xE200] =	vst v63  }
0x316: {  	(v2sf) =	vpush v3, $0x9;
	s24 =	sshll.u32 s23, $0x8;
	s13 =	sshll.u32 s23, $0x7  }
0x317: {  	s14 =	sand.u32 $0xFFFFF800, s24;
	s13 =	sand.u32 $0x380, s13  }
0x318: {  	s25 =	sld [smem:$0x7AC];
	s13 =	sor.u32 s13, s14  }
0x319: {  	s13 =	sshrl.u32 s13, $0x3  }
0x31a: {  	s26 =	sld [smem:$0x7AD];
	s13 =	sadd.s32 s1, s13  }
0x31b: {  	[tilespmem:s25], [sflag:$0x2] =	stream.linear.gather [hbm4b:s13+s3], $0x80, $0x38;
	[tilespmem:$0xE200] =	vst v63  }
0x31c: {  	s13 =	sadd.s32 $0x80, s13  }
0x31d: {  	[tilespmem:s26], [sflag:$0x2] =	stream.linear.gather [hbm4b:s13+s3], $0x80, $0x38;
	[tilespmem:$0xE200] =	vst v63  }
0x31e: {  	s28 =	spop (v2sf)  }
0x31f: {  	s29 =	sshll.u32 s28, $0x8;
	s13 =	sshll.u32 s28, $0x7  }
0x320: {  	(v2sf) =	vpush v3, $0xA;
	s14 =	sand.u32 $0xFFFFF800, s29;
	s13 =	sand.u32 $0x380, s13  }
0x321: {  	s30 =	sld [smem:$0x7AE];
	s13 =	sor.u32 s13, s14  }
0x322: {  	s13 =	sshrl.u32 s13, $0x3  }
0x323: {  	s31 =	sld [smem:$0x7AF];
	s13 =	sadd.s32 s1, s13  }
0x324: {  	[tilespmem:s30], [sflag:$0x2] =	stream.linear.gather [hbm4b:s13+s3], $0x80, $0x38;
	[tilespmem:$0xE200] =	vst v63  }
0x325: {  	s15 =	spop (v2sf);
	s13 =	sadd.s32 $0x80, s13  }
0x326: {  	[tilespmem:s31], [sflag:$0x2] =	stream.linear.gather [hbm4b:s13+s3], $0x80, $0x38;
	[tilespmem:$0xE200] =	vst v63  }
0x327: {  	(v2sf) =	vpush v3, $0xB;
	s16 =	sshll.u32 s15, $0x8;
	s13 =	sshll.u32 s15, $0x7  }
0x328: {  	s14 =	sand.u32 $0xFFFFF800, s16;
	s13 =	sand.u32 $0x380, s13  }
0x329: {  	s17 =	sld [smem:$0x7B0];
	s13 =	sor.u32 s13, s14  }
0x32a: {  	s13 =	sshrl.u32 s13, $0x3  }
0x32b: {  	s18 =	sld [smem:$0x7B1];
	s13 =	sadd.s32 s1, s13  }
0x32c: {  	[tilespmem:s17], [sflag:$0x2] =	stream.linear.gather [hbm4b:s13+s3], $0x80, $0x38;
	[tilespmem:$0xE200] =	vst v63  }
0x32d: {  	s13 =	sadd.s32 $0x80, s13  }
0x32e: {  	[tilespmem:s18], [sflag:$0x2] =	stream.linear.gather [hbm4b:s13+s3], $0x80, $0x38;
	[tilespmem:$0xE200] =	vst v63  }
0x32f: {  	s19 =	spop (v2sf)  }
0x330: {  	s20 =	sshll.u32 s19, $0x8;
	s13 =	sshll.u32 s19, $0x7  }
0x331: {  	(v2sf) =	vpush v3, $0xC;
	s14 =	sand.u32 $0xFFFFF800, s20;
	s13 =	sand.u32 $0x380, s13  }
0x332: {  	s21 =	sld [smem:$0x7B2];
	s13 =	sor.u32 s13, s14  }
0x333: {  	s13 =	sshrl.u32 s13, $0x3  }
0x334: {  	s22 =	sld [smem:$0x7B3];
	s13 =	sadd.s32 s1, s13  }
0x335: {  	[tilespmem:s21], [sflag:$0x2] =	stream.linear.gather [hbm4b:s13+s3], $0x80, $0x38;
	[tilespmem:$0xE200] =	vst v63  }
0x336: {  	s23 =	spop (v2sf);
	s13 =	sadd.s32 $0x80, s13  }
0x337: {  	[tilespmem:s22], [sflag:$0x2] =	stream.linear.gather [hbm4b:s13+s3], $0x80, $0x38;
	[tilespmem:$0xE200] =	vst v63  }
0x338: {  	(v2sf) =	vpush v3, $0xD;
	s24 =	sshll.u32 s23, $0x8;
	s13 =	sshll.u32 s23, $0x7  }
0x339: {  	s14 =	sand.u32 $0xFFFFF800, s24;
	s13 =	sand.u32 $0x380, s13  }
0x33a: {  	s25 =	sld [smem:$0x7B4];
	s13 =	sor.u32 s13, s14  }
0x33b: {  	s13 =	sshrl.u32 s13, $0x3  }
0x33c: {  	s26 =	sld [smem:$0x7B5];
	s13 =	sadd.s32 s1, s13  }
0x33d: {  	[tilespmem:s25], [sflag:$0x2] =	stream.linear.gather [hbm4b:s13+s3], $0x80, $0x38;
	[tilespmem:$0xE200] =	vst v63  }
0x33e: {  	s13 =	sadd.s32 $0x80, s13  }
0x33f: {  	[tilespmem:s26], [sflag:$0x2] =	stream.linear.gather [hbm4b:s13+s3], $0x80, $0x38;
	[tilespmem:$0xE200] =	vst v63  }
0x340: {  	s28 =	spop (v2sf)  }
0x341: {  	s29 =	sshll.u32 s28, $0x8;
	s13 =	sshll.u32 s28, $0x7  }
0x342: {  	(v2sf) =	vpush v3, $0xE;
	s14 =	sand.u32 $0xFFFFF800, s29;
	s13 =	sand.u32 $0x380, s13  }
0x343: {  	s30 =	sld [smem:$0x7B6];
	s13 =	sor.u32 s13, s14  }
0x344: {  	s13 =	sshrl.u32 s13, $0x3  }
0x345: {  	s31 =	sld [smem:$0x7B7];
	s13 =	sadd.s32 s1, s13  }
0x346: {  	[tilespmem:s30], [sflag:$0x2] =	stream.linear.gather [hbm4b:s13+s3], $0x80, $0x38;
	[tilespmem:$0xE200] =	vst v63  }
0x347: {  	s15 =	spop (v2sf);
	s13 =	sadd.s32 $0x80, s13  }
0x348: {  	[tilespmem:s31], [sflag:$0x2] =	stream.linear.gather [hbm4b:s13+s3], $0x80, $0x38;
	[tilespmem:$0xE200] =	vst v63  }
0x349: {  	(v2sf) =	vpush v3, $0xF;
	s16 =	sshll.u32 s15, $0x8;
	s13 =	sshll.u32 s15, $0x7  }
0x34a: {  	s14 =	sand.u32 $0xFFFFF800, s16;
	s13 =	sand.u32 $0x380, s13  }
0x34b: {  	s17 =	sld [smem:$0x7B8];
	s13 =	sor.u32 s13, s14  }
0x34c: {  	s13 =	sshrl.u32 s13, $0x3  }
0x34d: {  	s18 =	sld [smem:$0x7B9];
	s13 =	sadd.s32 s1, s13  }
0x34e: {  	[tilespmem:s17], [sflag:$0x2] =	stream.linear.gather [hbm4b:s13+s3], $0x80, $0x38;
	[tilespmem:$0xE200] =	vst v63  }
0x34f: {  	s13 =	sadd.s32 $0x80, s13  }
0x350: {  	[tilespmem:s18], [sflag:$0x2] =	stream.linear.gather [hbm4b:s13+s3], $0x80, $0x38;
	[tilespmem:$0xE200] =	vst v63  }
0x351: {  	s19 =	spop (v2sf)  }
0x352: {  	s20 =	sshll.u32 s19, $0x8;
	s13 =	sshll.u32 s19, $0x7  }
0x353: {  	s14 =	sand.u32 $0xFFFFF800, s20;
	s13 =	sand.u32 $0x380, s13  }
0x354: {  	s21 =	sld [smem:$0x7BA];
	s13 =	sor.u32 s13, s14  }
0x355: {  	s13 =	sshrl.u32 s13, $0x3  }
0x356: {  	s22 =	sld [smem:$0x7BB];
	s13 =	sadd.s32 s1, s13  }
0x357: {  	[tilespmem:s21], [sflag:$0x2] =	stream.linear.gather [hbm4b:s13+s3], $0x80, $0x38;
	[tilespmem:$0xE200] =	vst v63  }
0x358: {  	s23 =	spop (v2sf);
	s13 =	sadd.s32 $0x80, s13  }
0x359: {  	[tilespmem:s22], [sflag:$0x2] =	stream.linear.gather [hbm4b:s13+s3], $0x80, $0x38;
	[tilespmem:$0xE200] =	vst v63  }
0x35a: {  	s24 =	sshll.u32 s23, $0x8;
	s13 =	sshll.u32 s23, $0x7  }
0x35b: {  	s14 =	sand.u32 $0xFFFFF800, s24;
	s13 =	sand.u32 $0x380, s13  }
0x35c: {  	s25 =	sld [smem:$0x7BC];
	s13 =	sor.u32 s13, s14  }
0x35d: {  	s13 =	sshrl.u32 s13, $0x3  }
0x35e: {  	s26 =	sld [smem:$0x7BD];
	s13 =	sadd.s32 s1, s13  }
0x35f: {  	[tilespmem:s25], [sflag:$0x2] =	stream.linear.gather [hbm4b:s13+s3], $0x80, $0x38;
	[tilespmem:$0xE200] =	vst v63  }
0x360: {  	s13 =	sadd.s32 $0x80, s13  }
0x361: {  	[tilespmem:s26], [sflag:$0x2] =	stream.linear.gather [hbm4b:s13+s3], $0x80, $0x38;
	[tilespmem:$0xE200] =	vst v63  }
0x362: {  	v3 =	vld [tilespmem:$0x130];
	_ =	sdelay $0x4  }
0x363: {  	(v2sf) =	vpush v3, $0x0;
	_ =	sdelay $0x6  }
0x364: {  	(v2sf) =	vpush v3, $0x1;
	_ =	sdelay $0x7  }
0x365: {  	s28 =	spop (v2sf)  }
0x366: {  	s29 =	sshll.u32 s28, $0x8;
	s13 =	sshll.u32 s28, $0x7  }
0x367: {  	(v2sf) =	vpush v3, $0x2;
	s14 =	sand.u32 $0xFFFFF800, s29;
	s13 =	sand.u32 $0x380, s13  }
0x368: {  	s30 =	sld [smem:$0x7BE];
	s13 =	sor.u32 s13, s14  }
0x369: {  	s13 =	sshrl.u32 s13, $0x3  }
0x36a: {  	s31 =	sld [smem:$0x7BF];
	s13 =	sadd.s32 s1, s13  }
0x36b: {  	[tilespmem:s30], [sflag:$0x2] =	stream.linear.gather [hbm4b:s13+s3], $0x80, $0x38;
	[tilespmem:$0xE200] =	vst v63  }
0x36c: {  	s15 =	spop (v2sf);
	s13 =	sadd.s32 $0x80, s13  }
0x36d: {  	[tilespmem:s31], [sflag:$0x2] =	stream.linear.gather [hbm4b:s13+s3], $0x80, $0x38;
	[tilespmem:$0xE200] =	vst v63  }
0x36e: {  	(v2sf) =	vpush v3, $0x3;
	s16 =	sshll.u32 s15, $0x8;
	s13 =	sshll.u32 s15, $0x7  }
0x36f: {  	s14 =	sand.u32 $0xFFFFF800, s16;
	s13 =	sand.u32 $0x380, s13  }
0x370: {  	s17 =	sld [smem:$0x7C0];
	s13 =	sor.u32 s13, s14  }
0x371: {  	s13 =	sshrl.u32 s13, $0x3  }
0x372: {  	s18 =	sld [smem:$0x7C1];
	s13 =	sadd.s32 s1, s13  }
0x373: {  	[tilespmem:s17], [sflag:$0x2] =	stream.linear.gather [hbm4b:s13+s3], $0x80, $0x38;
	[tilespmem:$0xE200] =	vst v63  }
0x374: {  	s13 =	sadd.s32 $0x80, s13  }
0x375: {  	[tilespmem:s18], [sflag:$0x2] =	stream.linear.gather [hbm4b:s13+s3], $0x80, $0x38;
	[tilespmem:$0xE200] =	vst v63  }
0x376: {  	s19 =	spop (v2sf)  }
0x377: {  	s20 =	sshll.u32 s19, $0x8;
	s13 =	sshll.u32 s19, $0x7  }
0x378: {  	(v2sf) =	vpush v3, $0x4;
	s14 =	sand.u32 $0xFFFFF800, s20;
	s13 =	sand.u32 $0x380, s13  }
0x379: {  	s21 =	sld [smem:$0x7C2];
	s13 =	sor.u32 s13, s14  }
0x37a: {  	s13 =	sshrl.u32 s13, $0x3  }
0x37b: {  	s22 =	sld [smem:$0x7C3];
	s13 =	sadd.s32 s1, s13  }
0x37c: {  	[tilespmem:s21], [sflag:$0x2] =	stream.linear.gather [hbm4b:s13+s3], $0x80, $0x38;
	[tilespmem:$0xE200] =	vst v63  }
0x37d: {  	s23 =	spop (v2sf);
	s13 =	sadd.s32 $0x80, s13  }
0x37e: {  	[tilespmem:s22], [sflag:$0x2] =	stream.linear.gather [hbm4b:s13+s3], $0x80, $0x38;
	[tilespmem:$0xE200] =	vst v63  }
0x37f: {  	(v2sf) =	vpush v3, $0x5;
	s24 =	sshll.u32 s23, $0x8;
	s13 =	sshll.u32 s23, $0x7  }
0x380: {  	s14 =	sand.u32 $0xFFFFF800, s24;
	s13 =	sand.u32 $0x380, s13  }
0x381: {  	s25 =	sld [smem:$0x7C4];
	s13 =	sor.u32 s13, s14  }
0x382: {  	s13 =	sshrl.u32 s13, $0x3  }
0x383: {  	s26 =	sld [smem:$0x7C5];
	s13 =	sadd.s32 s1, s13  }
0x384: {  	[tilespmem:s25], [sflag:$0x2] =	stream.linear.gather [hbm4b:s13+s3], $0x80, $0x38;
	[tilespmem:$0xE200] =	vst v63  }
0x385: {  	s13 =	sadd.s32 $0x80, s13  }
0x386: {  	[tilespmem:s26], [sflag:$0x2] =	stream.linear.gather [hbm4b:s13+s3], $0x80, $0x38;
	[tilespmem:$0xE200] =	vst v63  }
0x387: {  	s28 =	spop (v2sf)  }
0x388: {  	s29 =	sshll.u32 s28, $0x8;
	s13 =	sshll.u32 s28, $0x7  }
0x389: {  	(v2sf) =	vpush v3, $0x6;
	s14 =	sand.u32 $0xFFFFF800, s29;
	s13 =	sand.u32 $0x380, s13  }
0x38a: {  	s30 =	sld [smem:$0x7C6];
	s13 =	sor.u32 s13, s14  }
0x38b: {  	s13 =	sshrl.u32 s13, $0x3  }
0x38c: {  	s31 =	sld [smem:$0x7C7];
	s13 =	sadd.s32 s1, s13  }
0x38d: {  	[tilespmem:s30], [sflag:$0x2] =	stream.linear.gather [hbm4b:s13+s3], $0x80, $0x38;
	[tilespmem:$0xE200] =	vst v63  }
0x38e: {  	s15 =	spop (v2sf);
	s13 =	sadd.s32 $0x80, s13  }
0x38f: {  	[tilespmem:s31], [sflag:$0x2] =	stream.linear.gather [hbm4b:s13+s3], $0x80, $0x38;
	[tilespmem:$0xE200] =	vst v63  }
0x390: {  	(v2sf) =	vpush v3, $0x7;
	s16 =	sshll.u32 s15, $0x8;
	s13 =	sshll.u32 s15, $0x7  }
0x391: {  	s14 =	sand.u32 $0xFFFFF800, s16;
	s13 =	sand.u32 $0x380, s13  }
0x392: {  	s17 =	sld [smem:$0x7C8];
	s13 =	sor.u32 s13, s14  }
0x393: {  	s13 =	sshrl.u32 s13, $0x3  }
0x394: {  	s18 =	sld [smem:$0x7C9];
	s13 =	sadd.s32 s1, s13  }
0x395: {  	[tilespmem:s17], [sflag:$0x2] =	stream.linear.gather [hbm4b:s13+s3], $0x80, $0x38;
	[tilespmem:$0xE200] =	vst v63  }
0x396: {  	s13 =	sadd.s32 $0x80, s13  }
0x397: {  	[tilespmem:s18], [sflag:$0x2] =	stream.linear.gather [hbm4b:s13+s3], $0x80, $0x38;
	[tilespmem:$0xE200] =	vst v63  }
0x398: {  	s19 =	spop (v2sf)  }
0x399: {  	s20 =	sshll.u32 s19, $0x8;
	s13 =	sshll.u32 s19, $0x7  }
0x39a: {  	s14 =	sand.u32 $0xFFFFF800, s20;
	s13 =	sand.u32 $0x380, s13  }
0x39b: {  	s21 =	sld [smem:$0x7CA];
	s13 =	sor.u32 s13, s14  }
0x39c: {  	s13 =	sshrl.u32 s13, $0x3  }
0x39d: {  	s22 =	sld [smem:$0x7CB];
	s13 =	sadd.s32 s1, s13  }
0x39e: {  	[tilespmem:s21], [sflag:$0x2] =	stream.linear.gather [hbm4b:s13+s3], $0x80, $0x38;
	[tilespmem:$0xE200] =	vst v63  }
0x39f: {  	s23 =	spop (v2sf);
	s13 =	sadd.s32 $0x80, s13  }
0x3a0: {  	[tilespmem:s22], [sflag:$0x2] =	stream.linear.gather [hbm4b:s13+s3], $0x80, $0x38;
	[tilespmem:$0xE200] =	vst v63  }
0x3a1: {  	s24 =	sshll.u32 s23, $0x8;
	s13 =	sshll.u32 s23, $0x7  }
0x3a2: {  	s14 =	sand.u32 $0xFFFFF800, s24;
	s13 =	sand.u32 $0x380, s13  }
0x3a3: {  	s25 =	sld [smem:$0x7CC];
	s13 =	sor.u32 s13, s14  }
0x3a4: {  	s13 =	sshrl.u32 s13, $0x3  }
0x3a5: {  	s26 =	sld [smem:$0x7CD];
	s13 =	sadd.s32 s1, s13  }
0x3a6: {  	[tilespmem:s25], [sflag:$0x2] =	stream.linear.gather [hbm4b:s13+s3], $0x80, $0x38;
	[tilespmem:$0xE200] =	vst v63  }
0x3a7: {  	s13 =	sadd.s32 $0x80, s13  }
0x3a8: {  	[tilespmem:s26], [sflag:$0x2] =	stream.linear.gather [hbm4b:s13+s3], $0x80, $0x38;
	[tilespmem:$0xE200] =	vst v63  }
0x3a9: {  	v3 =	vld [tilespmem:$0x1A0];
	_ =	sdelay $0x4  }
0x3aa: {  	(v2sf) =	vpush v3, $0x0;
	_ =	sdelay $0x6  }
0x3ab: {  	(v2sf) =	vpush v3, $0x1;
	_ =	sdelay $0x7  }
0x3ac: {  	s28 =	spop (v2sf)  }
0x3ad: {  	s29 =	sshll.u32 s28, $0x8;
	s13 =	sshll.u32 s28, $0x7  }
0x3ae: {  	(v2sf) =	vpush v3, $0x2;
	s14 =	sand.u32 $0xFFFFF800, s29;
	s13 =	sand.u32 $0x380, s13  }
0x3af: {  	s30 =	sld [smem:$0x7CE];
	s13 =	sor.u32 s13, s14  }
0x3b0: {  	s13 =	sshrl.u32 s13, $0x3  }
0x3b1: {  	s31 =	sld [smem:$0x7CF];
	s13 =	sadd.s32 s1, s13  }
0x3b2: {  	[tilespmem:s30], [sflag:$0x2] =	stream.linear.gather [hbm4b:s13+s3], $0x80, $0x38;
	[tilespmem:$0xE200] =	vst v63  }
0x3b3: {  	s15 =	spop (v2sf);
	s13 =	sadd.s32 $0x80, s13  }
0x3b4: {  	[tilespmem:s31], [sflag:$0x2] =	stream.linear.gather [hbm4b:s13+s3], $0x80, $0x38;
	[tilespmem:$0xE200] =	vst v63  }
0x3b5: {  	(v2sf) =	vpush v3, $0x3;
	s16 =	sshll.u32 s15, $0x8;
	s13 =	sshll.u32 s15, $0x7  }
0x3b6: {  	s14 =	sand.u32 $0xFFFFF800, s16;
	s13 =	sand.u32 $0x380, s13  }
0x3b7: {  	s17 =	sld [smem:$0x7D0];
	s13 =	sor.u32 s13, s14  }
0x3b8: {  	s13 =	sshrl.u32 s13, $0x3  }
0x3b9: {  	s18 =	sld [smem:$0x7D1];
	s13 =	sadd.s32 s1, s13  }
0x3ba: {  	[tilespmem:s17], [sflag:$0x2] =	stream.linear.gather [hbm4b:s13+s3], $0x80, $0x38;
	[tilespmem:$0xE200] =	vst v63  }
0x3bb: {  	s13 =	sadd.s32 $0x80, s13  }
0x3bc: {  	[tilespmem:s18], [sflag:$0x2] =	stream.linear.gather [hbm4b:s13+s3], $0x80, $0x38;
	[tilespmem:$0xE200] =	vst v63  }
0x3bd: {  	s19 =	spop (v2sf)  }
0x3be: {  	s20 =	sshll.u32 s19, $0x8;
	s13 =	sshll.u32 s19, $0x7  }
0x3bf: {  	(v2sf) =	vpush v3, $0x4;
	s14 =	sand.u32 $0xFFFFF800, s20;
	s13 =	sand.u32 $0x380, s13  }
0x3c0: {  	s21 =	sld [smem:$0x7D2];
	s13 =	sor.u32 s13, s14  }
0x3c1: {  	s13 =	sshrl.u32 s13, $0x3  }
0x3c2: {  	s22 =	sld [smem:$0x7D3];
	s13 =	sadd.s32 s1, s13  }
0x3c3: {  	[tilespmem:s21], [sflag:$0x2] =	stream.linear.gather [hbm4b:s13+s3], $0x80, $0x38;
	[tilespmem:$0xE200] =	vst v63  }
0x3c4: {  	s23 =	spop (v2sf);
	s13 =	sadd.s32 $0x80, s13  }
0x3c5: {  	[tilespmem:s22], [sflag:$0x2] =	stream.linear.gather [hbm4b:s13+s3], $0x80, $0x38;
	[tilespmem:$0xE200] =	vst v63  }
0x3c6: {  	(v2sf) =	vpush v3, $0x5;
	s24 =	sshll.u32 s23, $0x8;
	s13 =	sshll.u32 s23, $0x7  }
0x3c7: {  	s14 =	sand.u32 $0xFFFFF800, s24;
	s13 =	sand.u32 $0x380, s13  }
0x3c8: {  	s25 =	sld [smem:$0x7D4];
	s13 =	sor.u32 s13, s14  }
0x3c9: {  	s13 =	sshrl.u32 s13, $0x3  }
0x3ca: {  	s26 =	sld [smem:$0x7D5];
	s13 =	sadd.s32 s1, s13  }
0x3cb: {  	[tilespmem:s25], [sflag:$0x2] =	stream.linear.gather [hbm4b:s13+s3], $0x80, $0x38;
	[tilespmem:$0xE200] =	vst v63  }
0x3cc: {  	s13 =	sadd.s32 $0x80, s13  }
0x3cd: {  	[tilespmem:s26], [sflag:$0x2] =	stream.linear.gather [hbm4b:s13+s3], $0x80, $0x38;
	[tilespmem:$0xE200] =	vst v63  }
0x3ce: {  	s28 =	spop (v2sf)  }
0x3cf: {  	s29 =	sshll.u32 s28, $0x8;
	s13 =	sshll.u32 s28, $0x7  }
0x3d0: {  	(v2sf) =	vpush v3, $0x6;
	s14 =	sand.u32 $0xFFFFF800, s29;
	s13 =	sand.u32 $0x380, s13  }
0x3d1: {  	s30 =	sld [smem:$0x7D6];
	s13 =	sor.u32 s13, s14  }
0x3d2: {  	s13 =	sshrl.u32 s13, $0x3  }
0x3d3: {  	s31 =	sld [smem:$0x7D7];
	s13 =	sadd.s32 s1, s13  }
0x3d4: {  	[tilespmem:s30], [sflag:$0x2] =	stream.linear.gather [hbm4b:s13+s3], $0x80, $0x38;
	[tilespmem:$0xE200] =	vst v63  }
0x3d5: {  	s15 =	spop (v2sf);
	s13 =	sadd.s32 $0x80, s13  }
0x3d6: {  	[tilespmem:s31], [sflag:$0x2] =	stream.linear.gather [hbm4b:s13+s3], $0x80, $0x38;
	[tilespmem:$0xE200] =	vst v63  }
0x3d7: {  	(v2sf) =	vpush v3, $0x7;
	s16 =	sshll.u32 s15, $0x8;
	s13 =	sshll.u32 s15, $0x7  }
0x3d8: {  	s14 =	sand.u32 $0xFFFFF800, s16;
	s13 =	sand.u32 $0x380, s13  }
0x3d9: {  	s17 =	sld [smem:$0x7D8];
	s13 =	sor.u32 s13, s14  }
0x3da: {  	s13 =	sshrl.u32 s13, $0x3  }
0x3db: {  	s18 =	sld [smem:$0x7D9];
	s13 =	sadd.s32 s1, s13  }
0x3dc: {  	[tilespmem:s17], [sflag:$0x2] =	stream.linear.gather [hbm4b:s13+s3], $0x80, $0x38;
	[tilespmem:$0xE200] =	vst v63  }
0x3dd: {  	s13 =	sadd.s32 $0x80, s13  }
0x3de: {  	[tilespmem:s18], [sflag:$0x2] =	stream.linear.gather [hbm4b:s13+s3], $0x80, $0x38;
	[tilespmem:$0xE200] =	vst v63  }
0x3df: {  	s19 =	spop (v2sf)  }
0x3e0: {  	s20 =	sshll.u32 s19, $0x8;
	s13 =	sshll.u32 s19, $0x7  }
0x3e1: {  	(v2sf) =	vpush v3, $0x8;
	s14 =	sand.u32 $0xFFFFF800, s20;
	s13 =	sand.u32 $0x380, s13  }
0x3e2: {  	s21 =	sld [smem:$0x7DA];
	s13 =	sor.u32 s13, s14  }
0x3e3: {  	s13 =	sshrl.u32 s13, $0x3  }
0x3e4: {  	s22 =	sld [smem:$0x7DB];
	s13 =	sadd.s32 s1, s13  }
0x3e5: {  	[tilespmem:s21], [sflag:$0x2] =	stream.linear.gather [hbm4b:s13+s3], $0x80, $0x38;
	[tilespmem:$0xE200] =	vst v63  }
0x3e6: {  	s23 =	spop (v2sf);
	s13 =	sadd.s32 $0x80, s13  }
0x3e7: {  	[tilespmem:s22], [sflag:$0x2] =	stream.linear.gather [hbm4b:s13+s3], $0x80, $0x38;
	[tilespmem:$0xE200] =	vst v63  }
0x3e8: {  	(v2sf) =	vpush v3, $0x9;
	s24 =	sshll.u32 s23, $0x8;
	s13 =	sshll.u32 s23, $0x7  }
0x3e9: {  	s14 =	sand.u32 $0xFFFFF800, s24;
	s13 =	sand.u32 $0x380, s13  }
0x3ea: {  	s25 =	sld [smem:$0x7DC];
	s13 =	sor.u32 s13, s14  }
0x3eb: {  	s13 =	sshrl.u32 s13, $0x3  }
0x3ec: {  	s26 =	sld [smem:$0x7DD];
	s13 =	sadd.s32 s1, s13  }
0x3ed: {  	[tilespmem:s25], [sflag:$0x2] =	stream.linear.gather [hbm4b:s13+s3], $0x80, $0x38;
	[tilespmem:$0xE200] =	vst v63  }
0x3ee: {  	s13 =	sadd.s32 $0x80, s13  }
0x3ef: {  	[tilespmem:s26], [sflag:$0x2] =	stream.linear.gather [hbm4b:s13+s3], $0x80, $0x38;
	[tilespmem:$0xE200] =	vst v63  }
0x3f0: {  	s28 =	spop (v2sf)  }
0x3f1: {  	s29 =	sshll.u32 s28, $0x8;
	s13 =	sshll.u32 s28, $0x7  }
0x3f2: {  	(v2sf) =	vpush v3, $0xA;
	s14 =	sand.u32 $0xFFFFF800, s29;
	s13 =	sand.u32 $0x380, s13  }
0x3f3: {  	s30 =	sld [smem:$0x7DE];
	s13 =	sor.u32 s13, s14  }
0x3f4: {  	s13 =	sshrl.u32 s13, $0x3  }
0x3f5: {  	s31 =	sld [smem:$0x7DF];
	s13 =	sadd.s32 s1, s13  }
0x3f6: {  	[tilespmem:s30], [sflag:$0x2] =	stream.linear.gather [hbm4b:s13+s3], $0x80, $0x38;
	[tilespmem:$0xE200] =	vst v63  }
0x3f7: {  	s15 =	spop (v2sf);
	s13 =	sadd.s32 $0x80, s13  }
0x3f8: {  	[tilespmem:s31], [sflag:$0x2] =	stream.linear.gather [hbm4b:s13+s3], $0x80, $0x38;
	[tilespmem:$0xE200] =	vst v63  }
0x3f9: {  	(v2sf) =	vpush v3, $0xB;
	s16 =	sshll.u32 s15, $0x8;
	s13 =	sshll.u32 s15, $0x7  }
0x3fa: {  	s14 =	sand.u32 $0xFFFFF800, s16;
	s13 =	sand.u32 $0x380, s13  }
0x3fb: {  	s17 =	sld [smem:$0x7E0];
	s13 =	sor.u32 s13, s14  }
0x3fc: {  	s13 =	sshrl.u32 s13, $0x3  }
0x3fd: {  	s18 =	sld [smem:$0x7E1];
	s13 =	sadd.s32 s1, s13  }
0x3fe: {  	[tilespmem:s17], [sflag:$0x2] =	stream.linear.gather [hbm4b:s13+s3], $0x80, $0x38;
	[tilespmem:$0xE200] =	vst v63  }
0x3ff: {  	s13 =	sadd.s32 $0x80, s13  }
0x400: {  	[tilespmem:s18], [sflag:$0x2] =	stream.linear.gather [hbm4b:s13+s3], $0x80, $0x38;
	[tilespmem:$0xE200] =	vst v63  }
0x401: {  	s19 =	spop (v2sf)  }
0x402: {  	s20 =	sshll.u32 s19, $0x8;
	s13 =	sshll.u32 s19, $0x7  }
0x403: {  	(v2sf) =	vpush v3, $0xC;
	s14 =	sand.u32 $0xFFFFF800, s20;
	s13 =	sand.u32 $0x380, s13  }
0x404: {  	s21 =	sld [smem:$0x7E2];
	s13 =	sor.u32 s13, s14  }
0x405: {  	s13 =	sshrl.u32 s13, $0x3  }
0x406: {  	s22 =	sld [smem:$0x7E3];
	s13 =	sadd.s32 s1, s13  }
0x407: {  	[tilespmem:s21], [sflag:$0x2] =	stream.linear.gather [hbm4b:s13+s3], $0x80, $0x38;
	[tilespmem:$0xE200] =	vst v63  }
0x408: {  	s23 =	spop (v2sf);
	s13 =	sadd.s32 $0x80, s13  }
0x409: {  	[tilespmem:s22], [sflag:$0x2] =	stream.linear.gather [hbm4b:s13+s3], $0x80, $0x38;
	[tilespmem:$0xE200] =	vst v63  }
0x40a: {  	(v2sf) =	vpush v3, $0xD;
	s24 =	sshll.u32 s23, $0x8;
	s13 =	sshll.u32 s23, $0x7  }
0x40b: {  	s14 =	sand.u32 $0xFFFFF800, s24;
	s13 =	sand.u32 $0x380, s13  }
0x40c: {  	s25 =	sld [smem:$0x7E4];
	s13 =	sor.u32 s13, s14  }
0x40d: {  	s13 =	sshrl.u32 s13, $0x3  }
0x40e: {  	s26 =	sld [smem:$0x7E5];
	s13 =	sadd.s32 s1, s13  }
0x40f: {  	[tilespmem:s25], [sflag:$0x2] =	stream.linear.gather [hbm4b:s13+s3], $0x80, $0x38;
	[tilespmem:$0xE200] =	vst v63  }
0x410: {  	s13 =	sadd.s32 $0x80, s13  }
0x411: {  	[tilespmem:s26], [sflag:$0x2] =	stream.linear.gather [hbm4b:s13+s3], $0x80, $0x38;
	[tilespmem:$0xE200] =	vst v63  }
0x412: {  	s28 =	spop (v2sf)  }
0x413: {  	s29 =	sshll.u32 s28, $0x8;
	s13 =	sshll.u32 s28, $0x7  }
0x414: {  	(v2sf) =	vpush v3, $0xE;
	s14 =	sand.u32 $0xFFFFF800, s29;
	s13 =	sand.u32 $0x380, s13  }
0x415: {  	s30 =	sld [smem:$0x7E6];
	s13 =	sor.u32 s13, s14  }
0x416: {  	s13 =	sshrl.u32 s13, $0x3  }
0x417: {  	s31 =	sld [smem:$0x7E7];
	s13 =	sadd.s32 s1, s13  }
0x418: {  	[tilespmem:s30], [sflag:$0x2] =	stream.linear.gather [hbm4b:s13+s3], $0x80, $0x38;
	[tilespmem:$0xE200] =	vst v63  }
0x419: {  	s15 =	spop (v2sf);
	s13 =	sadd.s32 $0x80, s13  }
0x41a: {  	[tilespmem:s31], [sflag:$0x2] =	stream.linear.gather [hbm4b:s13+s3], $0x80, $0x38;
	[tilespmem:$0xE200] =	vst v63  }
0x41b: {  	(v2sf) =	vpush v3, $0xF;
	s16 =	sshll.u32 s15, $0x8;
	s13 =	sshll.u32 s15, $0x7  }
0x41c: {  	s14 =	sand.u32 $0xFFFFF800, s16;
	s13 =	sand.u32 $0x380, s13  }
0x41d: {  	s17 =	sld [smem:$0x7E8];
	s13 =	sor.u32 s13, s14  }
0x41e: {  	s13 =	sshrl.u32 s13, $0x3  }
0x41f: {  	s18 =	sld [smem:$0x7E9];
	s13 =	sadd.s32 s1, s13  }
0x420: {  	[tilespmem:s17], [sflag:$0x2] =	stream.linear.gather [hbm4b:s13+s3], $0x80, $0x38;
	[tilespmem:$0xE200] =	vst v63  }
0x421: {  	s13 =	sadd.s32 $0x80, s13  }
0x422: {  	[tilespmem:s18], [sflag:$0x2] =	stream.linear.gather [hbm4b:s13+s3], $0x80, $0x38;
	[tilespmem:$0xE200] =	vst v63  }
0x423: {  	s19 =	spop (v2sf)  }
0x424: {  	s20 =	sshll.u32 s19, $0x8;
	s13 =	sshll.u32 s19, $0x7  }
0x425: {  	s14 =	sand.u32 $0xFFFFF800, s20;
	s13 =	sand.u32 $0x380, s13  }
0x426: {  	s21 =	sld [smem:$0x7EA];
	s13 =	sor.u32 s13, s14  }
0x427: {  	s13 =	sshrl.u32 s13, $0x3  }
0x428: {  	s22 =	sld [smem:$0x7EB];
	s13 =	sadd.s32 s1, s13  }
0x429: {  	[tilespmem:s21], [sflag:$0x2] =	stream.linear.gather [hbm4b:s13+s3], $0x80, $0x38;
	[tilespmem:$0xE200] =	vst v63  }
0x42a: {  	s23 =	spop (v2sf);
	s13 =	sadd.s32 $0x80, s13  }
0x42b: {  	[tilespmem:s22], [sflag:$0x2] =	stream.linear.gather [hbm4b:s13+s3], $0x80, $0x38;
	[tilespmem:$0xE200] =	vst v63  }
0x42c: {  	s24 =	sshll.u32 s23, $0x8;
	s13 =	sshll.u32 s23, $0x7  }
0x42d: {  	s14 =	sand.u32 $0xFFFFF800, s24;
	s13 =	sand.u32 $0x380, s13  }
0x42e: {  	s25 =	sld [smem:$0x7EC];
	s13 =	sor.u32 s13, s14  }
0x42f: {  	s13 =	sshrl.u32 s13, $0x3  }
0x430: {  	s26 =	sld [smem:$0x7ED];
	s13 =	sadd.s32 s1, s13  }
0x431: {  	[tilespmem:s25], [sflag:$0x2] =	stream.linear.gather [hbm4b:s13+s3], $0x80, $0x38;
	[tilespmem:$0xE200] =	vst v63  }
0x432: {  	s13 =	sadd.s32 $0x80, s13  }
0x433: {  	[tilespmem:s26], [sflag:$0x2] =	stream.linear.gather [hbm4b:s13+s3], $0x80, $0x38;
	[tilespmem:$0xE200] =	vst v63  }
0x434: {  	v3 =	vld [tilespmem:$0x1B0];
	_ =	sdelay $0x4  }
0x435: {  	(v2sf) =	vpush v3, $0x0;
	_ =	sdelay $0x6  }
0x436: {  	(v2sf) =	vpush v3, $0x1;
	_ =	sdelay $0x7  }
0x437: {  	s28 =	spop (v2sf)  }
0x438: {  	s29 =	sshll.u32 s28, $0x8;
	s13 =	sshll.u32 s28, $0x7  }
0x439: {  	(v2sf) =	vpush v3, $0x2;
	s14 =	sand.u32 $0xFFFFF800, s29;
	s13 =	sand.u32 $0x380, s13  }
0x43a: {  	s30 =	sld [smem:$0x7EE];
	s13 =	sor.u32 s13, s14  }
0x43b: {  	s13 =	sshrl.u32 s13, $0x3  }
0x43c: {  	s31 =	sld [smem:$0x7EF];
	s13 =	sadd.s32 s1, s13  }
0x43d: {  	[tilespmem:s30], [sflag:$0x2] =	stream.linear.gather [hbm4b:s13+s3], $0x80, $0x38;
	[tilespmem:$0xE200] =	vst v63  }
0x43e: {  	s15 =	spop (v2sf);
	s13 =	sadd.s32 $0x80, s13  }
0x43f: {  	[tilespmem:s31], [sflag:$0x2] =	stream.linear.gather [hbm4b:s13+s3], $0x80, $0x38;
	[tilespmem:$0xE200] =	vst v63  }
0x440: {  	(v2sf) =	vpush v3, $0x3;
	s16 =	sshll.u32 s15, $0x8;
	s13 =	sshll.u32 s15, $0x7  }
0x441: {  	s14 =	sand.u32 $0xFFFFF800, s16;
	s13 =	sand.u32 $0x380, s13  }
0x442: {  	s17 =	sld [smem:$0x7F0];
	s13 =	sor.u32 s13, s14  }
0x443: {  	s13 =	sshrl.u32 s13, $0x3  }
0x444: {  	s18 =	sld [smem:$0x7F1];
	s13 =	sadd.s32 s1, s13  }
0x445: {  	[tilespmem:s17], [sflag:$0x2] =	stream.linear.gather [hbm4b:s13+s3], $0x80, $0x38;
	[tilespmem:$0xE200] =	vst v63  }
0x446: {  	s13 =	sadd.s32 $0x80, s13  }
0x447: {  	[tilespmem:s18], [sflag:$0x2] =	stream.linear.gather [hbm4b:s13+s3], $0x80, $0x38;
	[tilespmem:$0xE200] =	vst v63  }
0x448: {  	s19 =	spop (v2sf)  }
0x449: {  	s20 =	sshll.u32 s19, $0x8;
	s13 =	sshll.u32 s19, $0x7  }
0x44a: {  	(v2sf) =	vpush v3, $0x4;
	s14 =	sand.u32 $0xFFFFF800, s20;
	s13 =	sand.u32 $0x380, s13  }
0x44b: {  	s21 =	sld [smem:$0x7F2];
	s13 =	sor.u32 s13, s14  }
0x44c: {  	s13 =	sshrl.u32 s13, $0x3  }
0x44d: {  	s22 =	sld [smem:$0x7F3];
	s13 =	sadd.s32 s1, s13  }
0x44e: {  	[tilespmem:s21], [sflag:$0x2] =	stream.linear.gather [hbm4b:s13+s3], $0x80, $0x38;
	[tilespmem:$0xE200] =	vst v63  }
0x44f: {  	s23 =	spop (v2sf);
	s13 =	sadd.s32 $0x80, s13  }
0x450: {  	[tilespmem:s22], [sflag:$0x2] =	stream.linear.gather [hbm4b:s13+s3], $0x80, $0x38;
	[tilespmem:$0xE200] =	vst v63  }
0x451: {  	(v2sf) =	vpush v3, $0x5;
	s24 =	sshll.u32 s23, $0x8;
	s13 =	sshll.u32 s23, $0x7  }
0x452: {  	s14 =	sand.u32 $0xFFFFF800, s24;
	s13 =	sand.u32 $0x380, s13  }
0x453: {  	s25 =	sld [smem:$0x7F4];
	s13 =	sor.u32 s13, s14  }
0x454: {  	s13 =	sshrl.u32 s13, $0x3  }
0x455: {  	s26 =	sld [smem:$0x7F5];
	s13 =	sadd.s32 s1, s13  }
0x456: {  	[tilespmem:s25], [sflag:$0x2] =	stream.linear.gather [hbm4b:s13+s3], $0x80, $0x38;
	[tilespmem:$0xE200] =	vst v63  }
0x457: {  	s13 =	sadd.s32 $0x80, s13  }
0x458: {  	[tilespmem:s26], [sflag:$0x2] =	stream.linear.gather [hbm4b:s13+s3], $0x80, $0x38;
	[tilespmem:$0xE200] =	vst v63  }
0x459: {  	s28 =	spop (v2sf);
	(v2sf) =	vpush v3, $0x6  }
0x45a: {  	s29 =	sshll.u32 s28, $0x8;
	s13 =	sshll.u32 s28, $0x7  }
0x45b: {  	s14 =	sand.u32 $0xFFFFF800, s29;
	s13 =	sand.u32 $0x380, s13  }
0x45c: {  	s30 =	sld [smem:$0x7F6];
	s13 =	sor.u32 s13, s14  }
0x45d: {  	s13 =	sshrl.u32 s13, $0x3  }
0x45e: {  	s31 =	sld [smem:$0x7F7];
	s13 =	sadd.s32 s1, s13  }
0x45f: {  	[tilespmem:s30], [sflag:$0x2] =	stream.linear.gather [hbm4b:s13+s3], $0x80, $0x38;
	[tilespmem:$0xE200] =	vst v63  }
0x460: {  	s15 =	spop (v2sf);
	s13 =	sadd.s32 $0x80, s13  }
0x461: {  	(v2sf) =	vpush v3, $0x7;
	[tilespmem:s31], [sflag:$0x2] =	stream.linear.gather [hbm4b:s13+s3], $0x80, $0x38;
	[tilespmem:$0xE200] =	vst v63  }
0x462: {  	s16 =	sshll.u32 s15, $0x8;
	s13 =	sshll.u32 s15, $0x7  }
0x463: {  	s14 =	sand.u32 $0xFFFFF800, s16;
	s13 =	sand.u32 $0x380, s13  }
0x464: {  	s17 =	sld [smem:$0x7F8];
	s13 =	sor.u32 s13, s14  }
0x465: {  	s13 =	sshrl.u32 s13, $0x3  }
0x466: {  	s18 =	sld [smem:$0x7F9];
	s13 =	sadd.s32 s1, s13  }
0x467: {  	[tilespmem:s17], [sflag:$0x2] =	stream.linear.gather [hbm4b:s13+s3], $0x80, $0x38;
	[tilespmem:$0xE200] =	vst v63  }
0x468: {  	s13 =	sadd.s32 $0x80, s13;
	s19 =	spop (v2sf)  }
0x469: {  	[tilespmem:s18], [sflag:$0x2] =	stream.linear.gather [hbm4b:s13+s3], $0x80, $0x38;
	[tilespmem:$0xE200] =	vst v63  }
0x46a: {  	s20 =	sshll.u32 s19, $0x8;
	s14 =	sshll.u32 s19, $0x7  }
0x46b: {  	s13 =	sand.u32 $0xFFFFF800, s20;
	s14 =	sand.u32 $0x380, s14  }
0x46c: {  	s21 =	sld [smem:$0x7FA];
	s13 =	sor.u32 s14, s13  }
0x46d: {  	s13 =	sshrl.u32 s13, $0x3  }
0x46e: {  	s22 =	sld [smem:$0x7FB];
	s13 =	sadd.s32 s1, s13  }
0x46f: {  	[tilespmem:s21], [sflag:$0x2] =	stream.linear.gather [hbm4b:s13+s3], $0x80, $0x38;
	[tilespmem:$0xE200] =	vst v63  }
0x470: {  	s23 =	spop (v2sf);
	s13 =	sadd.s32 $0x80, s13  }
0x471: {  	[tilespmem:s22], [sflag:$0x2] =	stream.linear.gather [hbm4b:s13+s3], $0x80, $0x38;
	[tilespmem:$0xE200] =	vst v63  }
0x472: {  	s24 =	sshll.u32 s23, $0x8;
	s13 =	sshll.u32 s23, $0x7  }
0x473: {  	s14 =	sand.u32 $0xFFFFF800, s24;
	s13 =	sand.u32 $0x380, s13  }
0x474: {  	s25 =	sld [smem:$0x7FC];
	s13 =	sor.u32 s13, s14  }
0x475: {  	s13 =	sshrl.u32 s13, $0x3  }
0x476: {  	s26 =	sld [smem:$0x7FD];
	s13 =	sadd.s32 s1, s13  }
0x477: {  	[tilespmem:s25], [sflag:$0x2] =	stream.linear.gather [hbm4b:s13+s3], $0x80, $0x38;
	[tilespmem:$0xE200] =	vst v63  }
0x478: {  	s13 =	sadd.s32 $0x80, s13  }
0x479: {  	[tilespmem:s26], [sflag:$0x2] =	stream.linear.gather [hbm4b:s13+s3], $0x80, $0x38;
	[tilespmem:$0xE200] =	vst v63  }
0x47a: {  	_ =	swait.ge [sflag:s10], $0x100  }
0x47b: {  	[sflag:s10] =	ssyncset.done $0x0  }
0x47c: {  	[sflag:s10] =	ssyncadd.s32 $0xFFFFFF00  }
0x47d: {  	_ =	swait.ge [sflag:s10], $0x100  }
0x47e: {  	[sflag:s10] =	ssyncset.done $0x0  }
0x47f: {  	[sflag:s10] =	ssyncadd.s32 $0xFFFFFF00  }
0x480: {  	_ =	swait.ge [sflag:s10], $0x100  }
0x481: {  	[sflag:s10] =	ssyncset.done $0x0  }
0x482: {  	[sflag:s10] =	ssyncadd.s32 $0xFFFFFF00  }
0x483: {  	_ =	swait.ge [sflag:s10], $0x100  }
0x484: {  	[sflag:s10] =	ssyncset.done $0x0  }
0x485: {  	[sflag:s10] =	ssyncadd.s32 $0xFFFFFF00  }
0x486: {  	_ =	swait.ge [sflag:s10], $0x100  }
0x487: {  	[sflag:s10] =	ssyncset.done $0x0  }
0x488: {  	[sflag:s10] =	ssyncadd.s32 $0xFFFFFF00  }
0x489: {  	_ =	swait.ge [sflag:s10], $0x100  }
0x48a: {  	[sflag:s10] =	ssyncset.done $0x0  }
0x48b: {  	[sflag:s10] =	ssyncadd.s32 $0xFFFFFF00  }
0x48c: {  	_ =	swait.ge [sflag:s10], $0x100  }
0x48d: {  	[sflag:s10] =	ssyncset.done $0x0  }
0x48e: {  	[sflag:s10] =	ssyncadd.s32 $0xFFFFFF00  }
0x48f: {  	_ =	swait.ge [sflag:s10], $0x100  }
0x490: {  	[sflag:s10] =	ssyncset.done $0x0  }
0x491: {  	[sflag:s10] =	ssyncadd.s32 $0xFFFFFF00  }
0x492: {  	_ =	swait.ge [sflag:s10], $0x100  }
0x493: {  	[sflag:s10] =	ssyncset.done $0x0  }
0x494: {  	[sflag:s10] =	ssyncadd.s32 $0xFFFFFF00  }
0x495: {  	_ =	swait.ge [sflag:s10], $0x100  }
0x496: {  	[sflag:s10] =	ssyncset.done $0x0  }
0x497: {  	[sflag:s10] =	ssyncadd.s32 $0xFFFFFF00  }
0x498: {  	_ =	swait.ge [sflag:s10], $0x100  }
0x499: {  	[sflag:s10] =	ssyncset.done $0x0  }
0x49a: {  	[sflag:s10] =	ssyncadd.s32 $0xFFFFFF00  }
0x49b: {  	_ =	swait.ge [sflag:s10], $0x100  }
0x49c: {  	[sflag:s10] =	ssyncset.done $0x0  }
0x49d: {  	[sflag:s10] =	ssyncadd.s32 $0xFFFFFF00  }
0x49e: {  	_ =	swait.ge [sflag:s10], $0x100  }
0x49f: {  	[sflag:s10] =	ssyncset.done $0x0  }
0x4a0: {  	[sflag:s10] =	ssyncadd.s32 $0xFFFFFF00  }
0x4a1: {  	_ =	swait.ge [sflag:s10], $0x100  }
0x4a2: {  	[sflag:s10] =	ssyncset.done $0x0  }
0x4a3: {  	[sflag:s10] =	ssyncadd.s32 $0xFFFFFF00  }
0x4a4: {  	_ =	swait.ge [sflag:s10], $0x100  }
0x4a5: {  	[sflag:s10] =	ssyncset.done $0x0  }
0x4a6: {  	[sflag:s10] =	ssyncadd.s32 $0xFFFFFF00  }
0x4a7: {  	_ =	swait.ge [sflag:s10], $0x100  }
0x4a8: {  	[sflag:s10] =	ssyncset.done $0x0  }
0x4a9: {  	[sflag:s10] =	ssyncadd.s32 $0xFFFFFF00  }
0x4aa: {  	_ =	swait.ge [sflag:s10], $0x100  }
0x4ab: {  	[sflag:s10] =	ssyncset.done $0x0  }
0x4ac: {  	[sflag:s10] =	ssyncadd.s32 $0xFFFFFF00  }
0x4ad: {  	_ =	swait.ge [sflag:s10], $0x100  }
0x4ae: {  	[sflag:s10] =	ssyncset.done $0x0  }
0x4af: {  	[sflag:s10] =	ssyncadd.s32 $0xFFFFFF00  }
0x4b0: {  	_ =	swait.ge [sflag:s10], $0x100  }
0x4b1: {  	[sflag:s10] =	ssyncset.done $0x0  }
0x4b2: {  	[sflag:s10] =	ssyncadd.s32 $0xFFFFFF00  }
0x4b3: {  	_ =	swait.ge [sflag:s10], $0x100  }
0x4b4: {  	[sflag:s10] =	ssyncset.done $0x0  }
0x4b5: {  	[sflag:s10] =	ssyncadd.s32 $0xFFFFFF00  }
0x4b6: {  	_ =	swait.ge [sflag:s10], $0x100  }
0x4b7: {  	[sflag:s10] =	ssyncset.done $0x0  }
0x4b8: {  	[sflag:s10] =	ssyncadd.s32 $0xFFFFFF00  }
0x4b9: {  	_ =	swait.ge [sflag:s10], $0x100  }
0x4ba: {  	[sflag:s10] =	ssyncset.done $0x0  }
0x4bb: {  	[sflag:s10] =	ssyncadd.s32 $0xFFFFFF00  }
0x4bc: {  	_ =	swait.ge [sflag:s10], $0x100  }
0x4bd: {  	[sflag:s10] =	ssyncset.done $0x0  }
0x4be: {  	[sflag:s10] =	ssyncadd.s32 $0xFFFFFF00  }
0x4bf: {  	_ =	swait.ge [sflag:s10], $0x100  }
0x4c0: {  	[sflag:s10] =	ssyncset.done $0x0  }
0x4c1: {  	[sflag:s10] =	ssyncadd.s32 $0xFFFFFF00  }
0x4c2: {  	_ =	swait.ge [sflag:s10], $0x100  }
0x4c3: {  	[sflag:s10] =	ssyncset.done $0x0  }
0x4c4: {  	[sflag:s10] =	ssyncadd.s32 $0xFFFFFF00  }
0x4c5: {  	_ =	swait.ge [sflag:s10], $0x100  }
0x4c6: {  	[sflag:s10] =	ssyncset.done $0x0  }
0x4c7: {  	[sflag:s10] =	ssyncadd.s32 $0xFFFFFF00  }
0x4c8: {  	_ =	swait.ge [sflag:s10], $0x100  }
0x4c9: {  	[sflag:s10] =	ssyncset.done $0x0  }
0x4ca: {  	[sflag:s10] =	ssyncadd.s32 $0xFFFFFF00  }
0x4cb: {  	_ =	swait.ge [sflag:s10], $0x100  }
0x4cc: {  	[sflag:s10] =	ssyncset.done $0x0  }
0x4cd: {  	[sflag:s10] =	ssyncadd.s32 $0xFFFFFF00  }
0x4ce: {  	_ =	swait.ge [sflag:s10], $0x100  }
0x4cf: {  	[sflag:s10] =	ssyncset.done $0x0  }
0x4d0: {  	[sflag:s10] =	ssyncadd.s32 $0xFFFFFF00  }
0x4d1: {  	_ =	swait.ge [sflag:s10], $0x100  }
0x4d2: {  	[sflag:s10] =	ssyncset.done $0x0  }
0x4d3: {  	[sflag:s10] =	ssyncadd.s32 $0xFFFFFF00  }
0x4d4: {  	_ =	swait.ge [sflag:s10], $0x100  }
0x4d5: {  	[sflag:s10] =	ssyncset.done $0x0  }
0x4d6: {  	[sflag:s10] =	ssyncadd.s32 $0xFFFFFF00  }
0x4d7: {  	_ =	swait.ge [sflag:s10], $0x100  }
0x4d8: {  	[sflag:s10] =	ssyncset.done $0x0  }
0x4d9: {  	[sflag:s10] =	ssyncadd.s32 $0xFFFFFF00  }
0x4da: {  	_ =	swait.ge [sflag:s10], $0x100  }
0x4db: {  	[sflag:s10] =	ssyncset.done $0x0  }
0x4dc: {  	[sflag:s10] =	ssyncadd.s32 $0xFFFFFF00  }
0x4dd: {  	_ =	swait.ge [sflag:s10], $0x100  }
0x4de: {  	[sflag:s10] =	ssyncset.done $0x0  }
0x4df: {  	[sflag:s10] =	ssyncadd.s32 $0xFFFFFF00  }
0x4e0: {  	_ =	swait.ge [sflag:s10], $0x100  }
0x4e1: {  	[sflag:s10] =	ssyncset.done $0x0  }
0x4e2: {  	[sflag:s10] =	ssyncadd.s32 $0xFFFFFF00  }
0x4e3: {  	_ =	swait.ge [sflag:s10], $0x100  }
0x4e4: {  	[sflag:s10] =	ssyncset.done $0x0  }
0x4e5: {  	[sflag:s10] =	ssyncadd.s32 $0xFFFFFF00  }
0x4e6: {  	_ =	swait.ge [sflag:s10], $0x100  }
0x4e7: {  	[sflag:s10] =	ssyncset.done $0x0  }
0x4e8: {  	[sflag:s10] =	ssyncadd.s32 $0xFFFFFF00  }
0x4e9: {  	_ =	swait.ge [sflag:s10], $0x100  }
0x4ea: {  	[sflag:s10] =	ssyncset.done $0x0  }
0x4eb: {  	[sflag:s10] =	ssyncadd.s32 $0xFFFFFF00  }
0x4ec: {  	_ =	swait.ge [sflag:s10], $0x100  }
0x4ed: {  	[sflag:s10] =	ssyncset.done $0x0  }
0x4ee: {  	[sflag:s10] =	ssyncadd.s32 $0xFFFFFF00  }
0x4ef: {  	_ =	swait.ge [sflag:s10], $0x100  }
0x4f0: {  	[sflag:s10] =	ssyncset.done $0x0  }
0x4f1: {  	[sflag:s10] =	ssyncadd.s32 $0xFFFFFF00  }
0x4f2: {  	_ =	swait.ge [sflag:s10], $0x100  }
0x4f3: {  	[sflag:s10] =	ssyncset.done $0x0  }
0x4f4: {  	[sflag:s10] =	ssyncadd.s32 $0xFFFFFF00  }
0x4f5: {  	_ =	swait.ge [sflag:s10], $0x100  }
0x4f6: {  	[sflag:s10] =	ssyncset.done $0x0  }
0x4f7: {  	[sflag:s10] =	ssyncadd.s32 $0xFFFFFF00  }
0x4f8: {  	_ =	swait.ge [sflag:s10], $0x100  }
0x4f9: {  	[sflag:s10] =	ssyncset.done $0x0  }
0x4fa: {  	[sflag:s10] =	ssyncadd.s32 $0xFFFFFF00  }
0x4fb: {  	_ =	swait.ge [sflag:s10], $0x100  }
0x4fc: {  	[sflag:s10] =	ssyncset.done $0x0  }
0x4fd: {  	[sflag:s10] =	ssyncadd.s32 $0xFFFFFF00  }
0x4fe: {  	_ =	swait.ge [sflag:s10], $0x100  }
0x4ff: {  	[sflag:s10] =	ssyncset.done $0x0  }
0x500: {  	[sflag:s10] =	ssyncadd.s32 $0xFFFFFF00  }
0x501: {  	_ =	swait.ge [sflag:s10], $0x100  }
0x502: {  	[sflag:s10] =	ssyncset.done $0x0  }
0x503: {  	[sflag:s10] =	ssyncadd.s32 $0xFFFFFF00  }
0x504: {  	_ =	swait.ge [sflag:s10], $0x100  }
0x505: {  	[sflag:s10] =	ssyncset.done $0x0  }
0x506: {  	[sflag:s10] =	ssyncadd.s32 $0xFFFFFF00  }
0x507: {  	_ =	swait.ge [sflag:s10], $0x100  }
0x508: {  	[sflag:s10] =	ssyncset.done $0x0  }
0x509: {  	[sflag:s10] =	ssyncadd.s32 $0xFFFFFF00  }
0x50a: {  	_ =	swait.ge [sflag:s10], $0x100  }
0x50b: {  	[sflag:s10] =	ssyncset.done $0x0  }
0x50c: {  	[sflag:s10] =	ssyncadd.s32 $0xFFFFFF00  }
0x50d: {  	_ =	swait.ge [sflag:s10], $0x100  }
0x50e: {  	[sflag:s10] =	ssyncset.done $0x0  }
0x50f: {  	[sflag:s10] =	ssyncadd.s32 $0xFFFFFF00  }
0x510: {  	_ =	swait.ge [sflag:s10], $0x100  }
0x511: {  	[sflag:s10] =	ssyncset.done $0x0  }
0x512: {  	[sflag:s10] =	ssyncadd.s32 $0xFFFFFF00  }
0x513: {  	_ =	swait.ge [sflag:s10], $0x100  }
0x514: {  	[sflag:s10] =	ssyncset.done $0x0  }
0x515: {  	[sflag:s10] =	ssyncadd.s32 $0xFFFFFF00  }
0x516: {  	_ =	swait.ge [sflag:s10], $0x100  }
0x517: {  	[sflag:s10] =	ssyncset.done $0x0  }
0x518: {  	[sflag:s10] =	ssyncadd.s32 $0xFFFFFF00  }
0x519: {  	_ =	swait.ge [sflag:s10], $0x100  }
0x51a: {  	[sflag:s10] =	ssyncset.done $0x0  }
0x51b: {  	[sflag:s10] =	ssyncadd.s32 $0xFFFFFF00  }
0x51c: {  	_ =	swait.ge [sflag:s10], $0x100  }
0x51d: {  	[sflag:s10] =	ssyncset.done $0x0  }
0x51e: {  	[sflag:s10] =	ssyncadd.s32 $0xFFFFFF00  }
0x51f: {  	_ =	swait.ge [sflag:s10], $0x100  }
0x520: {  	[sflag:s10] =	ssyncset.done $0x0  }
0x521: {  	[sflag:s10] =	ssyncadd.s32 $0xFFFFFF00  }
0x522: {  	_ =	swait.ge [sflag:s10], $0x100  }
0x523: {  	[sflag:s10] =	ssyncset.done $0x0  }
0x524: {  	[sflag:s10] =	ssyncadd.s32 $0xFFFFFF00  }
0x525: {  	_ =	swait.ge [sflag:s10], $0x100  }
0x526: {  	[sflag:s10] =	ssyncset.done $0x0  }
0x527: {  	[sflag:s10] =	ssyncadd.s32 $0xFFFFFF00  }
0x528: {  	_ =	swait.ge [sflag:s10], $0x100  }
0x529: {  	[sflag:s10] =	ssyncset.done $0x0  }
0x52a: {  	[sflag:s10] =	ssyncadd.s32 $0xFFFFFF00  }
0x52b: {  	_ =	swait.ge [sflag:s10], $0x100  }
0x52c: {  	[sflag:s10] =	ssyncset.done $0x0  }
0x52d: {  	[sflag:s10] =	ssyncadd.s32 $0xFFFFFF00  }
0x52e: {  	_ =	swait.ge [sflag:s10], $0x100  }
0x52f: {  	[sflag:s10] =	ssyncset.done $0x0  }
0x530: {  	[sflag:s10] =	ssyncadd.s32 $0xFFFFFF00  }
0x531: {  	_ =	swait.ge [sflag:s10], $0x100  }
0x532: {  	[sflag:s10] =	ssyncset.done $0x0  }
0x533: {  	[sflag:s10] =	ssyncadd.s32 $0xFFFFFF00  }
0x534: {  	_ =	swait.ge [sflag:s10], $0x100  }
0x535: {  	[sflag:s10] =	ssyncset.done $0x0  }
0x536: {  	[sflag:s10] =	ssyncadd.s32 $0xFFFFFF00  }
0x537: {  	_ =	swait.ge [sflag:s10], $0x100  }
0x538: {  	[sflag:s10] =	ssyncset.done $0x0  }
0x539: {  	[sflag:s10] =	ssyncadd.s32 $0xFFFFFF00  }
0x53a: {  	_ =	swait.ge [sflag:s10], $0x100  }
0x53b: {  	[sflag:s10] =	ssyncset.done $0x0  }
0x53c: {  	[sflag:s10] =	ssyncadd.s32 $0xFFFFFF00  }
0x53d: {  	_ =	swait.ge [sflag:s10], $0x100  }
0x53e: {  	[sflag:s10] =	ssyncset.done $0x0  }
0x53f: {  	[sflag:s10] =	ssyncadd.s32 $0xFFFFFF00  }
0x540: {  	_ =	swait.ge [sflag:s10], $0x100  }
0x541: {  	[sflag:s10] =	ssyncset.done $0x0  }
0x542: {  	[sflag:s10] =	ssyncadd.s32 $0xFFFFFF00  }
0x543: {  	_ =	swait.ge [sflag:s10], $0x100  }
0x544: {  	[sflag:s10] =	ssyncset.done $0x0  }
0x545: {  	[sflag:s10] =	ssyncadd.s32 $0xFFFFFF00  }
0x546: {  	_ =	swait.ge [sflag:s10], $0x100  }
0x547: {  	[sflag:s10] =	ssyncset.done $0x0  }
0x548: {  	[sflag:s10] =	ssyncadd.s32 $0xFFFFFF00  }
0x549: {  	_ =	swait.ge [sflag:s10], $0x100  }
0x54a: {  	[sflag:s10] =	ssyncset.done $0x0  }
0x54b: {  	[sflag:s10] =	ssyncadd.s32 $0xFFFFFF00  }
0x54c: {  	_ =	swait.ge [sflag:s10], $0x100  }
0x54d: {  	[sflag:s10] =	ssyncset.done $0x0  }
0x54e: {  	[sflag:s10] =	ssyncadd.s32 $0xFFFFFF00  }
0x54f: {  	_ =	swait.ge [sflag:s10], $0x100  }
0x550: {  	[sflag:s10] =	ssyncset.done $0x0  }
0x551: {  	[sflag:s10] =	ssyncadd.s32 $0xFFFFFF00  }
0x552: {  	_ =	swait.ge [sflag:s10], $0x100  }
0x553: {  	[sflag:s10] =	ssyncset.done $0x0  }
0x554: {  	[sflag:s10] =	ssyncadd.s32 $0xFFFFFF00  }
0x555: {  	_ =	swait.ge [sflag:s10], $0x100  }
0x556: {  	[sflag:s10] =	ssyncset.done $0x0  }
0x557: {  	[sflag:s10] =	ssyncadd.s32 $0xFFFFFF00  }
0x558: {  	_ =	swait.ge [sflag:s10], $0x100  }
0x559: {  	[sflag:s10] =	ssyncset.done $0x0  }
0x55a: {  	[sflag:s10] =	ssyncadd.s32 $0xFFFFFF00  }
0x55b: {  	_ =	swait.ge [sflag:s10], $0x100  }
0x55c: {  	[sflag:s10] =	ssyncset.done $0x0  }
0x55d: {  	[sflag:s10] =	ssyncadd.s32 $0xFFFFFF00  }
0x55e: {  	_ =	swait.ge [sflag:s10], $0x100  }
0x55f: {  	[sflag:s10] =	ssyncset.done $0x0  }
0x560: {  	[sflag:s10] =	ssyncadd.s32 $0xFFFFFF00  }
0x561: {  	_ =	swait.ge [sflag:s10], $0x100  }
0x562: {  	[sflag:s10] =	ssyncset.done $0x0  }
0x563: {  	[sflag:s10] =	ssyncadd.s32 $0xFFFFFF00  }
0x564: {  	_ =	swait.ge [sflag:s10], $0x100  }
0x565: {  	[sflag:s10] =	ssyncset.done $0x0  }
0x566: {  	[sflag:s10] =	ssyncadd.s32 $0xFFFFFF00  }
0x567: {  	_ =	swait.ge [sflag:s10], $0x100  }
0x568: {  	[sflag:s10] =	ssyncset.done $0x0  }
0x569: {  	[sflag:s10] =	ssyncadd.s32 $0xFFFFFF00  }
0x56a: {  	_ =	swait.ge [sflag:s10], $0x100  }
0x56b: {  	[sflag:s10] =	ssyncset.done $0x0  }
0x56c: {  	[sflag:s10] =	ssyncadd.s32 $0xFFFFFF00  }
0x56d: {  	_ =	swait.ge [sflag:s10], $0x100  }
0x56e: {  	[sflag:s10] =	ssyncset.done $0x0  }
0x56f: {  	[sflag:s10] =	ssyncadd.s32 $0xFFFFFF00  }
0x570: {  	_ =	swait.ge [sflag:s10], $0x100  }
0x571: {  	[sflag:s10] =	ssyncset.done $0x0  }
0x572: {  	[sflag:s10] =	ssyncadd.s32 $0xFFFFFF00  }
0x573: {  	_ =	swait.ge [sflag:s10], $0x100  }
0x574: {  	[sflag:s10] =	ssyncset.done $0x0  }
0x575: {  	[sflag:s10] =	ssyncadd.s32 $0xFFFFFF00  }
0x576: {  	_ =	swait.ge [sflag:s10], $0x100  }
0x577: {  	[sflag:s10] =	ssyncset.done $0x0  }
0x578: {  	[sflag:s10] =	ssyncadd.s32 $0xFFFFFF00  }
0x579: {  	_ =	swait.ge [sflag:s10], $0x100  }
0x57a: {  	[sflag:s10] =	ssyncset.done $0x0  }
0x57b: {  	[sflag:s10] =	ssyncadd.s32 $0xFFFFFF00  }
0x57c: {  	_ =	swait.ge [sflag:s10], $0x100  }
0x57d: {  	[sflag:s10] =	ssyncset.done $0x0  }
0x57e: {  	[sflag:s10] =	ssyncadd.s32 $0xFFFFFF00  }
0x57f: {  	_ =	swait.ge [sflag:s10], $0x100  }
0x580: {  	[sflag:s10] =	ssyncset.done $0x0  }
0x581: {  	[sflag:s10] =	ssyncadd.s32 $0xFFFFFF00  }
0x582: {  	_ =	swait.ge [sflag:s10], $0x100  }
0x583: {  	[sflag:s10] =	ssyncset.done $0x0  }
0x584: {  	[sflag:s10] =	ssyncadd.s32 $0xFFFFFF00  }
0x585: {  	_ =	swait.ge [sflag:s10], $0x100  }
0x586: {  	[sflag:s10] =	ssyncset.done $0x0  }
0x587: {  	[sflag:s10] =	ssyncadd.s32 $0xFFFFFF00  }
0x588: {  	_ =	swait.ge [sflag:s10], $0x100  }
0x589: {  	[sflag:s10] =	ssyncset.done $0x0  }
0x58a: {  	[sflag:s10] =	ssyncadd.s32 $0xFFFFFF00  }
0x58b: {  	_ =	swait.ge [sflag:s10], $0x100  }
0x58c: {  	[sflag:s10] =	ssyncset.done $0x0  }
0x58d: {  	[sflag:s10] =	ssyncadd.s32 $0xFFFFFF00  }
0x58e: {  	_ =	swait.ge [sflag:s10], $0x100  }
0x58f: {  	[sflag:s10] =	ssyncset.done $0x0  }
0x590: {  	[sflag:s10] =	ssyncadd.s32 $0xFFFFFF00  }
0x591: {  	_ =	swait.ge [sflag:s10], $0x100  }
0x592: {  	[sflag:s10] =	ssyncset.done $0x0  }
0x593: {  	[sflag:s10] =	ssyncadd.s32 $0xFFFFFF00  }
0x594: {  	_ =	swait.ge [sflag:s10], $0x100  }
0x595: {  	[sflag:s10] =	ssyncset.done $0x0  }
0x596: {  	[sflag:s10] =	ssyncadd.s32 $0xFFFFFF00  }
0x597: {  	_ =	swait.ge [sflag:s10], $0x100  }
0x598: {  	[sflag:s10] =	ssyncset.done $0x0  }
0x599: {  	[sflag:s10] =	ssyncadd.s32 $0xFFFFFF00  }
0x59a: {  	_ =	swait.ge [sflag:s11], $0x2000  }
0x59b: {  	[sflag:s11] =	ssyncset.done $0x0  }
0x59c: {  	s28 =	rddreg [dreg:$0x5];
	[sflag:s11] =	ssyncadd.s32 $0xFFFFE000  }
0x59d: {  	[hbm4b:s28+s3] =	stream.linear.scatter [tilespmem:s6], [sflag:$0x3], $0x3800, $0x38;
	[tilespmem:$0xE200] =	vst v63  }
0x59e: {  	_ =	swait.ge [sflag:s11], $0x2000  }
0x59f: {  	[sflag:s11] =	ssyncset.done $0x0  }
0x5a0: {  	s29 =	rddreg [dreg:$0x6];
	[sflag:s11] =	ssyncadd.s32 $0xFFFFE000  }
0x5a1: {  	[hbm4b:s29+s3] =	stream.linear.scatter [tilespmem:s7], [sflag:$0x3], $0x3800, $0x38;
	[tilespmem:$0xE200] =	vst v63  }
0x5a2: {  	_ =	swait.ge [sflag:s11], $0x2000  }
0x5a3: {  	[sflag:s11] =	ssyncset.done $0x0  }
0x5a4: {  	s30 =	rddreg [dreg:$0x7];
	[sflag:s11] =	ssyncadd.s32 $0xFFFFE000  }
0x5a5: {  	[hbm4b:s30+s3] =	stream.linear.scatter [tilespmem:s8], [sflag:$0x3], $0x3800, $0x38;
	[tilespmem:$0xE200] =	vst v63  }
0x5a6: {  	_ =	swait.ge [sflag:s11], $0x2000  }
0x5a7: {  	[sflag:s11] =	ssyncset.done $0x0  }
0x5a8: {  	s31 =	rddreg [dreg:$0x8];
	[sflag:s11] =	ssyncadd.s32 $0xFFFFE000  }
0x5a9: {  	[hbm4b:s31+s3] =	stream.linear.scatter [tilespmem:s9], [sflag:$0x3], $0x3800, $0x38;
	[tilespmem:$0xE200] =	vst v63  }
0x5aa: {  	_ =	swait.ge [sflag:s12], $0x3800  }
0x5ab: {  	[sflag:s12] =	ssyncset.done $0x0  }
0x5ac: {  	[sflag:s12] =	ssyncadd.s32 $0xFFFFC800  }
0x5ad: {  	_ =	swait.ge [sflag:s12], $0x3800  }
0x5ae: {  	[sflag:s12] =	ssyncset.done $0x0  }
0x5af: {  	[sflag:s12] =	ssyncadd.s32 $0xFFFFC800  }
0x5b0: {  	p0 =	sne.s32 s4, $0x1;
	_ =	swait.ge [sflag:s12], $0x3800  }
.Ltmp0:
0x5b1: {  	[sflag:s12] =	ssyncset.done $0x0;
	(pc) =	sbr.rel @p0 .LBB2_1-.Ltmp0, $4  }
0x5b2: {  	[sflag:s12] =	ssyncadd.s32 $0xFFFFC800  }
0x5b3: {  	_ =	swait.ge [sflag:s12], $0x3800  }
0x5b4: {  	[sflag:s12] =	ssyncset.done $0x0  }
0x5b5: {  	s4 =	sadd.s32 $0xFFFFFFFF, s4;
	[sflag:s12] =	ssyncadd.s32 $0xFFFFC800  }
0x5b6: {  	_ =	sfence.sel $0x180000  }
0x5b7: {  	[bflag:$0x0] =	sbarrier.arrive $0xFFFF  }
0x5b8: {  	p0 =	sne.s32 s2, $0x0;
	_ =	strace $0x90000047  }
0x5b9: {  	s0 =	sadd.s32 @!p0 $0x100000, s0;
	[bflag:$0x2] =	sbarrier.arrive $0xFFFF  }
0x5ba: {  	[sflag:s0] =	ssyncadd.tile.s32 @!p0 $0x1;
	_ =	shalt  }
.Lfunc_end2:
_tile_overlayer_lowered:
.L_overlay_start_2:
0x5bb: {  	(tag) =	ssettag $0x2  }
0x5bc: {  	s0 =	rddreg [dreg:$0x0];
	s2 =	stileid.u32  }
0x5bd: {  	s1 =	rddreg [dreg:$0x1];
	p0 =	sne.s32 s2, $0x0  }
0x5be: {  	s3 =	rddreg [dreg:$0x2];
	[bflag:$0x3] =	sbarrier.arrive $0xFFFF;
	s2 =	simm.s32 @!p0 $0x1C04  }
0x5bf: {  	[timem:s3], [sflag:s2] =	dma.local @!p0 [hbm:s0], s1  }
0x5c0: {  	s0 =	simm.s32 @!p0 $0x4  }
0x5c1: {  	_ =	swait.ge @!p0 [sflag:s0], s1  }
0x5c2: {  	s1 =	ssub.s32 @!p0 $0x0, s1;
	[sflag:s0] =	ssyncset.done @!p0 $0x0  }
0x5c3: {  	[sflag:s0] =	ssyncadd.s32 @!p0 s1  }
0x5c4: {  	[bflag:$0x3] =	sbarrier.arrive $0xFFFF  }
0x5c5: {  	_ =	shalt  }

</sc_bundles>
